<compile_context>
chip_gen: v7x
topology: tpu7x:2x2x1
jax: 0.10.2.dev20260603
libtpu: 0.0.44.dev20260713+nightly
codegen_flags: <defaults>
</compile_context>

<pallas_src>
import functools

import jax
import jax.numpy as jnp
from jax import lax
from jax.experimental import pallas as pl
from jax.experimental.pallas import tpu as pltpu
from jax.experimental.pallas import tpu_sc as plsc

N = 10000
E = 320000
D = 128
NC = 2
NS = 16
NW = NC * NS
DH = D // NC
EPT = E // NW
BB = 125
NB = EPT // BB
EPS = E // NS
NB2 = EPS // BB
NPAD = 10240
RPT = NPAD // NS
RCH = 80
DPT = NPAD // NS

def _sc_degree(dst_hbm, out_hbm, dstv, ones, stage, acc):
    cid = lax.axis_index("c")
    sid = lax.axis_index("s")
    wid = sid * NC + cid
    pltpu.sync_copy(dst_hbm.at[wid], dstv)
    for k in range(128 // 16):
        ones[pl.ds(k * 16, 16)] = jnp.ones((16,), jnp.float32)
    for k in range(DPT // 16):
        stage[pl.ds(k * 16, 16)] = jnp.zeros((16,), jnp.float32)
    pltpu.sync_copy(stage, acc.at[pl.ds(sid * DPT, DPT)])
    plsc.subcore_barrier()

    def body(j, carry):
        pltpu.sync_copy(ones.at[pl.ds(0, BB)], acc.at[dstv.at[j]], add=True)
        return carry

    lax.fori_loop(0, NB, body, 0)
    plsc.subcore_barrier()
    pltpu.sync_copy(acc.at[pl.ds(sid * DPT, DPT)], stage)
    pltpu.sync_copy(stage, out_hbm.at[cid, pl.ds(sid * DPT, DPT)])


NBUF = 4


def _sc_gather_scatter(hp_hbm, src_hbm, dst_hbm, out_hbm,
                       srcv, dstv, rows0, rows1, rows2, rows3, acc,
                       sem0, sem1, sem2, sem3,
                       ssem0, ssem1, ssem2, ssem3):
    cid = lax.axis_index("c")
    sid = lax.axis_index("s")
    hpc = hp_hbm.at[cid]
    rows = (rows0, rows1, rows2, rows3)
    sems = (sem0, sem1, sem2, sem3)
    ssems = (ssem0, ssem1, ssem2, ssem3)
    pltpu.sync_copy(src_hbm.at[sid], srcv)
    pltpu.sync_copy(dst_hbm.at[sid], dstv)

    def zrow(i, carry):
        for k in range(DH // 16):
            rows0[i, pl.ds(k * 16, 16)] = jnp.zeros((16,), jnp.float32)
        return carry

    lax.fori_loop(0, RCH, zrow, 0)
    zslice = rows0.at[pl.ds(0, RCH)]
    for k in range(RPT // RCH):
        pltpu.sync_copy(zslice, acc.at[pl.ds(sid * RPT + k * RCH, RCH)])
    plsc.subcore_barrier()

    for b in range(NBUF - 1):
        pltpu.async_copy(hpc.at[srcv.at[b]], rows[b], sems[b])

    def step(j, b, prefetch, first=False):
        pltpu.make_async_copy(hpc.at[srcv.at[j]], rows[b], sems[b]).wait()
        bp = (b + NBUF - 1) % NBUF

        def _wait_prev():
            pltpu.make_async_copy(
                rows[bp], acc.at[dstv.at[j - 1]], ssems[bp]).wait()

        if first:
            pl.when(j >= 1)(_wait_prev)
        else:
            _wait_prev()
        if prefetch:
            pltpu.async_copy(
                hpc.at[srcv.at[j + NBUF - 1]], rows[bp], sems[bp])
        pltpu.async_copy(rows[b], acc.at[dstv.at[j]], ssems[b], add=True)

    def body(j4, carry):
        for b in range(NBUF):
            step(j4 * NBUF + b, b, True, first=(b == 0))
        return carry

    lax.fori_loop(0, NB2 // NBUF - 1, body, 0)
    for b in range(NBUF):
        step(NB2 - NBUF + b, b, b == 0)
    pltpu.make_async_copy(
        rows[NBUF - 1], acc.at[dstv.at[NB2 - 1]], ssems[NBUF - 1]).wait()
    plsc.subcore_barrier()
    for k in range(RPT // RCH):
        off = sid * RPT + k * RCH
        pltpu.sync_copy(acc.at[pl.ds(off, RCH)], zslice)
        pltpu.sync_copy(zslice, out_hbm.at[cid, pl.ds(off, RCH)])


@functools.lru_cache(maxsize=None)
def _sc_kernels(interpret=False):
    mesh = plsc.VectorSubcoreMesh(
        core_axis_name="c", subcore_axis_name="s",
        num_cores=NC, num_subcores=NS)
    params = pltpu.CompilerParams(use_tc_tiling_on_sc=False)
    deg = pl.kernel(
        _sc_degree,
        out_type=jax.ShapeDtypeStruct((NC, NPAD), jnp.float32),
        mesh=mesh,
        compiler_params=params,
        interpret=interpret,
        scratch_types=[
            pltpu.VMEM((NB, BB), jnp.int32),
            pltpu.VMEM((128,), jnp.float32),
            pltpu.VMEM((DPT,), jnp.float32),
            pltpu.VMEM_SHARED((NPAD,), jnp.float32),
        ],
    )
    gs = pl.kernel(
        _sc_gather_scatter,
        out_type=jax.ShapeDtypeStruct((NC, NPAD, DH), jnp.float32),
        mesh=mesh,
        compiler_params=params,
        interpret=interpret,
        scratch_types=[
            pltpu.VMEM((NB2, BB), jnp.int32),
            pltpu.VMEM((NB2, BB), jnp.int32),
            pltpu.VMEM((BB, DH), jnp.float32),
            pltpu.VMEM((BB, DH), jnp.float32),
            pltpu.VMEM((BB, DH), jnp.float32),
            pltpu.VMEM((BB, DH), jnp.float32),
            pltpu.VMEM_SHARED((NPAD, DH), jnp.float32),
            pltpu.SemaphoreType.DMA,
            pltpu.SemaphoreType.DMA,
            pltpu.SemaphoreType.DMA,
            pltpu.SemaphoreType.DMA,
            pltpu.SemaphoreType.DMA,
            pltpu.SemaphoreType.DMA,
            pltpu.SemaphoreType.DMA,
            pltpu.SemaphoreType.DMA,
        ],
    )
    return deg, gs


def _dis(degp_ref):
    deg = degp_ref[:, 0:1] + degp_ref[:, 1:2] + 1.0
    return lax.rsqrt(deg)


def _tc_pre_body(x_ref, w_ref, degp_ref, out_ref):
    h = jnp.dot(x_ref[...], w_ref[...],
                preferred_element_type=jnp.float32) * _dis(degp_ref)
    out_ref[0] = h[:, 0:DH]
    out_ref[1] = h[:, DH:D]


def _tc_mid_body(agg_ref, hp_ref, degp_ref, w_ref, b_ref, out_ref):
    dis = _dis(degp_ref)
    z = jnp.concatenate(
        [agg_ref[0, 0:N] + hp_ref[0], agg_ref[1, 0:N] + hp_ref[1]], axis=1)
    z = z * dis + b_ref[...]
    z = jnp.where(z >= 0.0, z, 0.2 * z)
    h = jnp.dot(z, w_ref[...], preferred_element_type=jnp.float32) * dis
    out_ref[0] = h[:, 0:DH]
    out_ref[1] = h[:, DH:D]


def _tc_post_body(agg_ref, hp_ref, degp_ref, b_ref, out_ref):
    z = jnp.concatenate(
        [agg_ref[0, 0:N] + hp_ref[0], agg_ref[1, 0:N] + hp_ref[1]], axis=1)
    z = z * _dis(degp_ref) + b_ref[...]
    out_ref[...] = jnp.where(z >= 0.0, z, 0.2 * z)


_HP_T = jax.ShapeDtypeStruct((NC, N, DH), jnp.float32)


def kernel(X, Adj, W1, b1, W2, b2):
    adj = Adj.astype(jnp.int32)
    dst_deg = adj[1].reshape(NW, NB, BB)
    src3 = adj[0].reshape(NS, NB2, BB)
    dst3 = adj[1].reshape(NS, NB2, BB)
    sc_degree, sc_gather_scatter = _sc_kernels()
    degp = sc_degree(dst_deg)
    degp = jnp.transpose(degp)[:N]
    h1p = pl.pallas_call(_tc_pre_body, out_shape=_HP_T)(X, W1, degp)
    agg1 = sc_gather_scatter(h1p, src3, dst3)
    h2p = pl.pallas_call(_tc_mid_body, out_shape=_HP_T)(
        agg1, h1p, degp, W2, b1.reshape(1, D))
    agg2 = sc_gather_scatter(h2p, src3, dst3)
    return pl.pallas_call(
        _tc_post_body, out_shape=jax.ShapeDtypeStruct((N, D), jnp.float32))(
        agg2, h2p, degp, b2.reshape(1, D))

# --- scband reference (transcript-rebuilt; emitter-appended) ---
"""Pipeline reference for scband-encoder-75333726371971 (READ-ONLY COPY).

The authoritative reference and input builder live on the scoring server;
editing this copy changes nothing except your own understanding.
"""

import jax, jax.numpy as jnp
import numpy as np

N_NODES = 10000
N_EDGES = 320000
D_IN = 128
D_H1 = 128
D_H2 = 128


def setup_inputs(seed: int = 0) -> dict:
    key = jax.random.key(seed)
    k1, k2, k3, k4, k5, k6 = jax.random.split(key, 6)
    X = jax.random.normal(k1, (N_NODES, D_IN), dtype=jnp.float32)
    edge_index = jax.random.randint(k2, (2, N_EDGES), 0, N_NODES, dtype=jnp.int64)
    W1 = jax.random.normal(k3, (D_IN, D_H1), dtype=jnp.float32) * (1.0 / np.sqrt(D_IN))
    b1 = jnp.zeros((D_H1,), dtype=jnp.float32)
    W2 = jax.random.normal(k4, (D_H1, D_H2), dtype=jnp.float32) * (1.0 / np.sqrt(D_H1))
    b2 = jnp.zeros((D_H2,), dtype=jnp.float32)
    return {"X": X, "Adj": edge_index, "W1": W1, "b1": b1, "W2": W2, "b2": b2}


def _gcn_conv(x, edge_index, W, b):
    # PyG GCNConv: add self-loops, symmetric normalization D^-1/2 A D^-1/2,
    # linear transform, scatter-add aggregation, bias.
    N = x.shape[0]
    loop = jnp.arange(N, dtype=edge_index.dtype)
    src = jnp.concatenate([edge_index[0], loop])
    dst = jnp.concatenate([edge_index[1], loop])
    deg = jnp.zeros((N,), dtype=x.dtype).at[dst].add(1.0)
    deg_inv_sqrt = jnp.where(deg > 0, jax.lax.rsqrt(jnp.maximum(deg, 1e-12)), 0.0)
    norm = deg_inv_sqrt[src] * deg_inv_sqrt[dst]
    h = x @ W
    msg = h[src] * norm[:, None]
    out = jnp.zeros((N, W.shape[1]), dtype=x.dtype).at[dst].add(msg)
    return out + b


def _leaky_relu(z, slope=0.2):
    return jnp.where(z >= 0, z, slope * z)


def reference(X, Adj, W1, b1, W2, b2):
    Z = _gcn_conv(X, Adj, W1, b1)
    Z = _leaky_relu(Z, 0.2)
    Z = _gcn_conv(Z, Adj, W2, b2)
    Z = _leaky_relu(Z, 0.2)
    return Z

if __name__ == "__main__":
    import jax
    _d = setup_inputs()
    print(jax.jit(kernel)(*tuple(_d.values())))

</pallas_src>

<mosaic_0001>
#map = affine_map<(d0, d1) -> (0, 0, 0)>
#map1 = affine_map<(d0, d1) -> (0, 0)>
module attributes {stable_mosaic.version = 14 : i64} {
  func.func @_sc_degree(%arg0: i32, %arg1: i32, %arg2: memref<32x80x125xi32, #tpu.memory_space<hbm>>, %arg3: memref<2x10240xf32, #tpu.memory_space<hbm>>, %arg4: memref<80x125xi32, #tpu.memory_space<vmem>>, %arg5: memref<128xf32, #tpu.memory_space<vmem>>, %arg6: memref<640xf32, #tpu.memory_space<vmem>>, %arg7: memref<10240xf32, #tpu.memory_space<vmem_shared>>) attributes {dimension_semantics = [#tpu.dimension_semantics<core_parallel>, #tpu.dimension_semantics<subcore_parallel>], iteration_bounds = array<i64: 2, 16>, scalar_prefetch = 0 : i64, scratch_operands = 4 : i64, tpu.core_type = #tpu.core_type<sc_vector_subcore>, window_params = [{transform_indices = #map}, {transform_indices = #map1}]} {
    %mul3A = arith.constant 2 : i32
    %mul3A_0 = arith.muli %arg1, %mul3A : i32
    %add3A = arith.addi %mul3A_0, %arg0 : i32
    "tpu.region"() ({
      %run_scoped3A = tpu.sem_alloc : memref<!tpu.dma_semaphore, #tpu.memory_space<semaphore_mem>>
      %dma_start3A = arith.constant 0 : i32
      %dma_start3A_299 = arith.constant 0 : i32
      %dma_start3A_300 = tpu.memref_slice %arg2[%add3A, %dma_start3A, %dma_start3A_299] : memref<32x80x125xi32, #tpu.memory_space<hbm>> -> memref<1x80x125xi32, #tpu.memory_space<hbm>>
      %dma_start3A_301 = tpu.memref_squeeze %dma_start3A_300 : memref<1x80x125xi32, #tpu.memory_space<hbm>> -> memref<80x125xi32, #tpu.memory_space<hbm>>
      %dma_start3A_302 = arith.constant 0 : i32
      %dma_start3A_303 = arith.constant 0 : i32
      %dma_start3A_304 = tpu.memref_slice %arg2[%add3A, %dma_start3A_302, %dma_start3A_303] : memref<32x80x125xi32, #tpu.memory_space<hbm>> -> memref<1x80x125xi32, #tpu.memory_space<hbm>>
      %dma_start3A_305 = tpu.memref_squeeze %dma_start3A_304 : memref<1x80x125xi32, #tpu.memory_space<hbm>> -> memref<80x125xi32, #tpu.memory_space<hbm>>
      tpu.enqueue_dma source(%dma_start3A_305 : memref<80x125xi32, #tpu.memory_space<hbm>>) target(%arg4 : memref<80x125xi32, #tpu.memory_space<vmem>>) target_semaphore(%run_scoped3A : memref<!tpu.dma_semaphore, #tpu.memory_space<semaphore_mem>>)
      %dma_wait3A = arith.constant 0 : i32
      %dma_wait3A_306 = arith.constant 0 : i32
      %dma_wait3A_307 = tpu.memref_slice %arg2[%add3A, %dma_wait3A, %dma_wait3A_306] : memref<32x80x125xi32, #tpu.memory_space<hbm>> -> memref<1x80x125xi32, #tpu.memory_space<hbm>>
      %dma_wait3A_308 = tpu.memref_squeeze %dma_wait3A_307 : memref<1x80x125xi32, #tpu.memory_space<hbm>> -> memref<80x125xi32, #tpu.memory_space<hbm>>
      %dma_wait3A_309 = arith.constant 0 : i32
      %dma_wait3A_310 = arith.constant 0 : i32
      %dma_wait3A_311 = tpu.memref_slice %arg2[%add3A, %dma_wait3A_309, %dma_wait3A_310] : memref<32x80x125xi32, #tpu.memory_space<hbm>> -> memref<1x80x125xi32, #tpu.memory_space<hbm>>
      %dma_wait3A_312 = tpu.memref_squeeze %dma_wait3A_311 : memref<1x80x125xi32, #tpu.memory_space<hbm>> -> memref<80x125xi32, #tpu.memory_space<hbm>>
      tpu.wait_dma2 semaphore(%run_scoped3A : memref<!tpu.dma_semaphore, #tpu.memory_space<semaphore_mem>>) src(%dma_wait3A_312 : memref<80x125xi32, #tpu.memory_space<hbm>>) dst(%arg4 : memref<80x125xi32, #tpu.memory_space<vmem>>)
      tpu.yield
    }) : () -> ()
    %broadcast_in_dim3A = arith.constant 1.000000e+00 : f32
    %broadcast_in_dim3A_1 = vector.broadcast %broadcast_in_dim3A : f32 to vector<16xf32>
    %swap3A = arith.constant 0 : index
    %swap3A_2 = tpu.vector_load %arg5[%swap3A] {strides = array<i32>} : memref<128xf32, #tpu.memory_space<vmem>>, vector<16xf32>,
    %swap3A_3 = vector.shape_cast %swap3A_2 : vector<16xf32> to vector<16xf32>
    %swap3A_4 = vector.shape_cast %broadcast_in_dim3A_1 : vector<16xf32> to vector<16xf32>
    tpu.vector_store %arg5[%swap3A], %swap3A_4 {strides = array<i32>} : memref<128xf32, #tpu.memory_space<vmem>>, vector<16xf32>,
    %broadcast_in_dim3A_5 = arith.constant 1.000000e+00 : f32
    %broadcast_in_dim3A_6 = vector.broadcast %broadcast_in_dim3A_5 : f32 to vector<16xf32>
    %swap3A_7 = arith.constant 16 : index
    %swap3A_8 = tpu.vector_load %arg5[%swap3A_7] {strides = array<i32>} : memref<128xf32, #tpu.memory_space<vmem>>, vector<16xf32>,
    %swap3A_9 = vector.shape_cast %swap3A_8 : vector<16xf32> to vector<16xf32>
    %swap3A_10 = vector.shape_cast %broadcast_in_dim3A_6 : vector<16xf32> to vector<16xf32>
    tpu.vector_store %arg5[%swap3A_7], %swap3A_10 {strides = array<i32>} : memref<128xf32, #tpu.memory_space<vmem>>, vector<16xf32>,
    %broadcast_in_dim3A_11 = arith.constant 1.000000e+00 : f32
    %broadcast_in_dim3A_12 = vector.broadcast %broadcast_in_dim3A_11 : f32 to vector<16xf32>
    %swap3A_13 = arith.constant 32 : index
    %swap3A_14 = tpu.vector_load %arg5[%swap3A_13] {strides = array<i32>} : memref<128xf32, #tpu.memory_space<vmem>>, vector<16xf32>,
    %swap3A_15 = vector.shape_cast %swap3A_14 : vector<16xf32> to vector<16xf32>
    %swap3A_16 = vector.shape_cast %broadcast_in_dim3A_12 : vector<16xf32> to vector<16xf32>
    tpu.vector_store %arg5[%swap3A_13], %swap3A_16 {strides = array<i32>} : memref<128xf32, #tpu.memory_space<vmem>>, vector<16xf32>,
    %broadcast_in_dim3A_17 = arith.constant 1.000000e+00 : f32
    %broadcast_in_dim3A_18 = vector.broadcast %broadcast_in_dim3A_17 : f32 to vector<16xf32>
    %swap3A_19 = arith.constant 48 : index
    %swap3A_20 = tpu.vector_load %arg5[%swap3A_19] {strides = array<i32>} : memref<128xf32, #tpu.memory_space<vmem>>, vector<16xf32>,
    %swap3A_21 = vector.shape_cast %swap3A_20 : vector<16xf32> to vector<16xf32>
    %swap3A_22 = vector.shape_cast %broadcast_in_dim3A_18 : vector<16xf32> to vector<16xf32>
    tpu.vector_store %arg5[%swap3A_19], %swap3A_22 {strides = array<i32>} : memref<128xf32, #tpu.memory_space<vmem>>, vector<16xf32>,
    %broadcast_in_dim3A_23 = arith.constant 1.000000e+00 : f32
    %broadcast_in_dim3A_24 = vector.broadcast %broadcast_in_dim3A_23 : f32 to vector<16xf32>
    %swap3A_25 = arith.constant 64 : index
    %swap3A_26 = tpu.vector_load %arg5[%swap3A_25] {strides = array<i32>} : memref<128xf32, #tpu.memory_space<vmem>>, vector<16xf32>,
    %swap3A_27 = vector.shape_cast %swap3A_26 : vector<16xf32> to vector<16xf32>
    %swap3A_28 = vector.shape_cast %broadcast_in_dim3A_24 : vector<16xf32> to vector<16xf32>
    tpu.vector_store %arg5[%swap3A_25], %swap3A_28 {strides = array<i32>} : memref<128xf32, #tpu.memory_space<vmem>>, vector<16xf32>,
    %broadcast_in_dim3A_29 = arith.constant 1.000000e+00 : f32
    %broadcast_in_dim3A_30 = vector.broadcast %broadcast_in_dim3A_29 : f32 to vector<16xf32>
    %swap3A_31 = arith.constant 80 : index
    %swap3A_32 = tpu.vector_load %arg5[%swap3A_31] {strides = array<i32>} : memref<128xf32, #tpu.memory_space<vmem>>, vector<16xf32>,
    %swap3A_33 = vector.shape_cast %swap3A_32 : vector<16xf32> to vector<16xf32>
    %swap3A_34 = vector.shape_cast %broadcast_in_dim3A_30 : vector<16xf32> to vector<16xf32>
    tpu.vector_store %arg5[%swap3A_31], %swap3A_34 {strides = array<i32>} : memref<128xf32, #tpu.memory_space<vmem>>, vector<16xf32>,
    %broadcast_in_dim3A_35 = arith.constant 1.000000e+00 : f32
    %broadcast_in_dim3A_36 = vector.broadcast %broadcast_in_dim3A_35 : f32 to vector<16xf32>
    %swap3A_37 = arith.constant 96 : index
    %swap3A_38 = tpu.vector_load %arg5[%swap3A_37] {strides = array<i32>} : memref<128xf32, #tpu.memory_space<vmem>>, vector<16xf32>,
    %swap3A_39 = vector.shape_cast %swap3A_38 : vector<16xf32> to vector<16xf32>
    %swap3A_40 = vector.shape_cast %broadcast_in_dim3A_36 : vector<16xf32> to vector<16xf32>
    tpu.vector_store %arg5[%swap3A_37], %swap3A_40 {strides = array<i32>} : memref<128xf32, #tpu.memory_space<vmem>>, vector<16xf32>,
    %broadcast_in_dim3A_41 = arith.constant 1.000000e+00 : f32
    %broadcast_in_dim3A_42 = vector.broadcast %broadcast_in_dim3A_41 : f32 to vector<16xf32>
    %swap3A_43 = arith.constant 112 : index
    %swap3A_44 = tpu.vector_load %arg5[%swap3A_43] {strides = array<i32>} : memref<128xf32, #tpu.memory_space<vmem>>, vector<16xf32>,
    %swap3A_45 = vector.shape_cast %swap3A_44 : vector<16xf32> to vector<16xf32>
    %swap3A_46 = vector.shape_cast %broadcast_in_dim3A_42 : vector<16xf32> to vector<16xf32>
    tpu.vector_store %arg5[%swap3A_43], %swap3A_46 {strides = array<i32>} : memref<128xf32, #tpu.memory_space<vmem>>, vector<16xf32>,
    %broadcast_in_dim3A_47 = arith.constant 0.000000e+00 : f32
    %broadcast_in_dim3A_48 = vector.broadcast %broadcast_in_dim3A_47 : f32 to vector<16xf32>
    %swap3A_49 = arith.constant 0 : index
    %swap3A_50 = tpu.vector_load %arg6[%swap3A_49] {strides = array<i32>} : memref<640xf32, #tpu.memory_space<vmem>>, vector<16xf32>,
    %swap3A_51 = vector.shape_cast %swap3A_50 : vector<16xf32> to vector<16xf32>
    %swap3A_52 = vector.shape_cast %broadcast_in_dim3A_48 : vector<16xf32> to vector<16xf32>
    tpu.vector_store %arg6[%swap3A_49], %swap3A_52 {strides = array<i32>} : memref<640xf32, #tpu.memory_space<vmem>>, vector<16xf32>,
    %broadcast_in_dim3A_53 = arith.constant 0.000000e+00 : f32
    %broadcast_in_dim3A_54 = vector.broadcast %broadcast_in_dim3A_53 : f32 to vector<16xf32>
    %swap3A_55 = arith.constant 16 : index
    %swap3A_56 = tpu.vector_load %arg6[%swap3A_55] {strides = array<i32>} : memref<640xf32, #tpu.memory_space<vmem>>, vector<16xf32>,
    %swap3A_57 = vector.shape_cast %swap3A_56 : vector<16xf32> to vector<16xf32>
    %swap3A_58 = vector.shape_cast %broadcast_in_dim3A_54 : vector<16xf32> to vector<16xf32>
    tpu.vector_store %arg6[%swap3A_55], %swap3A_58 {strides = array<i32>} : memref<640xf32, #tpu.memory_space<vmem>>, vector<16xf32>,
    %broadcast_in_dim3A_59 = arith.constant 0.000000e+00 : f32
    %broadcast_in_dim3A_60 = vector.broadcast %broadcast_in_dim3A_59 : f32 to vector<16xf32>
    %swap3A_61 = arith.constant 32 : index
    %swap3A_62 = tpu.vector_load %arg6[%swap3A_61] {strides = array<i32>} : memref<640xf32, #tpu.memory_space<vmem>>, vector<16xf32>,
    %swap3A_63 = vector.shape_cast %swap3A_62 : vector<16xf32> to vector<16xf32>
    %swap3A_64 = vector.shape_cast %broadcast_in_dim3A_60 : vector<16xf32> to vector<16xf32>
    tpu.vector_store %arg6[%swap3A_61], %swap3A_64 {strides = array<i32>} : memref<640xf32, #tpu.memory_space<vmem>>, vector<16xf32>,
    %broadcast_in_dim3A_65 = arith.constant 0.000000e+00 : f32
    %broadcast_in_dim3A_66 = vector.broadcast %broadcast_in_dim3A_65 : f32 to vector<16xf32>
    %swap3A_67 = arith.constant 48 : index
    %swap3A_68 = tpu.vector_load %arg6[%swap3A_67] {strides = array<i32>} : memref<640xf32, #tpu.memory_space<vmem>>, vector<16xf32>,
    %swap3A_69 = vector.shape_cast %swap3A_68 : vector<16xf32> to vector<16xf32>
    %swap3A_70 = vector.shape_cast %broadcast_in_dim3A_66 : vector<16xf32> to vector<16xf32>
    tpu.vector_store %arg6[%swap3A_67], %swap3A_70 {strides = array<i32>} : memref<640xf32, #tpu.memory_space<vmem>>, vector<16xf32>,
    %broadcast_in_dim3A_71 = arith.constant 0.000000e+00 : f32
    %broadcast_in_dim3A_72 = vector.broadcast %broadcast_in_dim3A_71 : f32 to vector<16xf32>
    %swap3A_73 = arith.constant 64 : index
    %swap3A_74 = tpu.vector_load %arg6[%swap3A_73] {strides = array<i32>} : memref<640xf32, #tpu.memory_space<vmem>>, vector<16xf32>,
    %swap3A_75 = vector.shape_cast %swap3A_74 : vector<16xf32> to vector<16xf32>
    %swap3A_76 = vector.shape_cast %broadcast_in_dim3A_72 : vector<16xf32> to vector<16xf32>
    tpu.vector_store %arg6[%swap3A_73], %swap3A_76 {strides = array<i32>} : memref<640xf32, #tpu.memory_space<vmem>>, vector<16xf32>,
    %broadcast_in_dim3A_77 = arith.constant 0.000000e+00 : f32
    %broadcast_in_dim3A_78 = vector.broadcast %broadcast_in_dim3A_77 : f32 to vector<16xf32>
    %swap3A_79 = arith.constant 80 : index
    %swap3A_80 = tpu.vector_load %arg6[%swap3A_79] {strides = array<i32>} : memref<640xf32, #tpu.memory_space<vmem>>, vector<16xf32>,
    %swap3A_81 = vector.shape_cast %swap3A_80 : vector<16xf32> to vector<16xf32>
    %swap3A_82 = vector.shape_cast %broadcast_in_dim3A_78 : vector<16xf32> to vector<16xf32>
    tpu.vector_store %arg6[%swap3A_79], %swap3A_82 {strides = array<i32>} : memref<640xf32, #tpu.memory_space<vmem>>, vector<16xf32>,
    %broadcast_in_dim3A_83 = arith.constant 0.000000e+00 : f32
    %broadcast_in_dim3A_84 = vector.broadcast %broadcast_in_dim3A_83 : f32 to vector<16xf32>
    %swap3A_85 = arith.constant 96 : index
    %swap3A_86 = tpu.vector_load %arg6[%swap3A_85] {strides = array<i32>} : memref<640xf32, #tpu.memory_space<vmem>>, vector<16xf32>,
    %swap3A_87 = vector.shape_cast %swap3A_86 : vector<16xf32> to vector<16xf32>
    %swap3A_88 = vector.shape_cast %broadcast_in_dim3A_84 : vector<16xf32> to vector<16xf32>
    tpu.vector_store %arg6[%swap3A_85], %swap3A_88 {strides = array<i32>} : memref<640xf32, #tpu.memory_space<vmem>>, vector<16xf32>,
    %broadcast_in_dim3A_89 = arith.constant 0.000000e+00 : f32
    %broadcast_in_dim3A_90 = vector.broadcast %broadcast_in_dim3A_89 : f32 to vector<16xf32>
    %swap3A_91 = arith.constant 112 : index
    %swap3A_92 = tpu.vector_load %arg6[%swap3A_91] {strides = array<i32>} : memref<640xf32, #tpu.memory_space<vmem>>, vector<16xf32>,
    %swap3A_93 = vector.shape_cast %swap3A_92 : vector<16xf32> to vector<16xf32>
    %swap3A_94 = vector.shape_cast %broadcast_in_dim3A_90 : vector<16xf32> to vector<16xf32>
    tpu.vector_store %arg6[%swap3A_91], %swap3A_94 {strides = array<i32>} : memref<640xf32, #tpu.memory_space<vmem>>, vector<16xf32>,
    %broadcast_in_dim3A_95 = arith.constant 0.000000e+00 : f32
    %broadcast_in_dim3A_96 = vector.broadcast %broadcast_in_dim3A_95 : f32 to vector<16xf32>
    %swap3A_97 = arith.constant 128 : index
    %swap3A_98 = tpu.vector_load %arg6[%swap3A_97] {strides = array<i32>} : memref<640xf32, #tpu.memory_space<vmem>>, vector<16xf32>,
    %swap3A_99 = vector.shape_cast %swap3A_98 : vector<16xf32> to vector<16xf32>
    %swap3A_100 = vector.shape_cast %broadcast_in_dim3A_96 : vector<16xf32> to vector<16xf32>
    tpu.vector_store %arg6[%swap3A_97], %swap3A_100 {strides = array<i32>} : memref<640xf32, #tpu.memory_space<vmem>>, vector<16xf32>,
    %broadcast_in_dim3A_101 = arith.constant 0.000000e+00 : f32
    %broadcast_in_dim3A_102 = vector.broadcast %broadcast_in_dim3A_101 : f32 to vector<16xf32>
    %swap3A_103 = arith.constant 144 : index
    %swap3A_104 = tpu.vector_load %arg6[%swap3A_103] {strides = array<i32>} : memref<640xf32, #tpu.memory_space<vmem>>, vector<16xf32>,
    %swap3A_105 = vector.shape_cast %swap3A_104 : vector<16xf32> to vector<16xf32>
    %swap3A_106 = vector.shape_cast %broadcast_in_dim3A_102 : vector<16xf32> to vector<16xf32>
    tpu.vector_store %arg6[%swap3A_103], %swap3A_106 {strides = array<i32>} : memref<640xf32, #tpu.memory_space<vmem>>, vector<16xf32>,
    %broadcast_in_dim3A_107 = arith.constant 0.000000e+00 : f32
    %broadcast_in_dim3A_108 = vector.broadcast %broadcast_in_dim3A_107 : f32 to vector<16xf32>
    %swap3A_109 = arith.constant 160 : index
    %swap3A_110 = tpu.vector_load %arg6[%swap3A_109] {strides = array<i32>} : memref<640xf32, #tpu.memory_space<vmem>>, vector<16xf32>,
    %swap3A_111 = vector.shape_cast %swap3A_110 : vector<16xf32> to vector<16xf32>
    %swap3A_112 = vector.shape_cast %broadcast_in_dim3A_108 : vector<16xf32> to vector<16xf32>
    tpu.vector_store %arg6[%swap3A_109], %swap3A_112 {strides = array<i32>} : memref<640xf32, #tpu.memory_space<vmem>>, vector<16xf32>,
    %broadcast_in_dim3A_113 = arith.constant 0.000000e+00 : f32
    %broadcast_in_dim3A_114 = vector.broadcast %broadcast_in_dim3A_113 : f32 to vector<16xf32>
    %swap3A_115 = arith.constant 176 : index
    %swap3A_116 = tpu.vector_load %arg6[%swap3A_115] {strides = array<i32>} : memref<640xf32, #tpu.memory_space<vmem>>, vector<16xf32>,
    %swap3A_117 = vector.shape_cast %swap3A_116 : vector<16xf32> to vector<16xf32>
    %swap3A_118 = vector.shape_cast %broadcast_in_dim3A_114 : vector<16xf32> to vector<16xf32>
    tpu.vector_store %arg6[%swap3A_115], %swap3A_118 {strides = array<i32>} : memref<640xf32, #tpu.memory_space<vmem>>, vector<16xf32>,
    %broadcast_in_dim3A_119 = arith.constant 0.000000e+00 : f32
    %broadcast_in_dim3A_120 = vector.broadcast %broadcast_in_dim3A_119 : f32 to vector<16xf32>
    %swap3A_121 = arith.constant 192 : index
    %swap3A_122 = tpu.vector_load %arg6[%swap3A_121] {strides = array<i32>} : memref<640xf32, #tpu.memory_space<vmem>>, vector<16xf32>,
    %swap3A_123 = vector.shape_cast %swap3A_122 : vector<16xf32> to vector<16xf32>
    %swap3A_124 = vector.shape_cast %broadcast_in_dim3A_120 : vector<16xf32> to vector<16xf32>
    tpu.vector_store %arg6[%swap3A_121], %swap3A_124 {strides = array<i32>} : memref<640xf32, #tpu.memory_space<vmem>>, vector<16xf32>,
    %broadcast_in_dim3A_125 = arith.constant 0.000000e+00 : f32
    %broadcast_in_dim3A_126 = vector.broadcast %broadcast_in_dim3A_125 : f32 to vector<16xf32>
    %swap3A_127 = arith.constant 208 : index
    %swap3A_128 = tpu.vector_load %arg6[%swap3A_127] {strides = array<i32>} : memref<640xf32, #tpu.memory_space<vmem>>, vector<16xf32>,
    %swap3A_129 = vector.shape_cast %swap3A_128 : vector<16xf32> to vector<16xf32>
    %swap3A_130 = vector.shape_cast %broadcast_in_dim3A_126 : vector<16xf32> to vector<16xf32>
    tpu.vector_store %arg6[%swap3A_127], %swap3A_130 {strides = array<i32>} : memref<640xf32, #tpu.memory_space<vmem>>, vector<16xf32>,
    %broadcast_in_dim3A_131 = arith.constant 0.000000e+00 : f32
    %broadcast_in_dim3A_132 = vector.broadcast %broadcast_in_dim3A_131 : f32 to vector<16xf32>
    %swap3A_133 = arith.constant 224 : index
    %swap3A_134 = tpu.vector_load %arg6[%swap3A_133] {strides = array<i32>} : memref<640xf32, #tpu.memory_space<vmem>>, vector<16xf32>,
    %swap3A_135 = vector.shape_cast %swap3A_134 : vector<16xf32> to vector<16xf32>
    %swap3A_136 = vector.shape_cast %broadcast_in_dim3A_132 : vector<16xf32> to vector<16xf32>
    tpu.vector_store %arg6[%swap3A_133], %swap3A_136 {strides = array<i32>} : memref<640xf32, #tpu.memory_space<vmem>>, vector<16xf32>,
    %broadcast_in_dim3A_137 = arith.constant 0.000000e+00 : f32
    %broadcast_in_dim3A_138 = vector.broadcast %broadcast_in_dim3A_137 : f32 to vector<16xf32>
    %swap3A_139 = arith.constant 240 : index
    %swap3A_140 = tpu.vector_load %arg6[%swap3A_139] {strides = array<i32>} : memref<640xf32, #tpu.memory_space<vmem>>, vector<16xf32>,
    %swap3A_141 = vector.shape_cast %swap3A_140 : vector<16xf32> to vector<16xf32>
    %swap3A_142 = vector.shape_cast %broadcast_in_dim3A_138 : vector<16xf32> to vector<16xf32>
    tpu.vector_store %arg6[%swap3A_139], %swap3A_142 {strides = array<i32>} : memref<640xf32, #tpu.memory_space<vmem>>, vector<16xf32>,
    %broadcast_in_dim3A_143 = arith.constant 0.000000e+00 : f32
    %broadcast_in_dim3A_144 = vector.broadcast %broadcast_in_dim3A_143 : f32 to vector<16xf32>
    %swap3A_145 = arith.constant 256 : index
    %swap3A_146 = tpu.vector_load %arg6[%swap3A_145] {strides = array<i32>} : memref<640xf32, #tpu.memory_space<vmem>>, vector<16xf32>,
    %swap3A_147 = vector.shape_cast %swap3A_146 : vector<16xf32> to vector<16xf32>
    %swap3A_148 = vector.shape_cast %broadcast_in_dim3A_144 : vector<16xf32> to vector<16xf32>
    tpu.vector_store %arg6[%swap3A_145], %swap3A_148 {strides = array<i32>} : memref<640xf32, #tpu.memory_space<vmem>>, vector<16xf32>,
    %broadcast_in_dim3A_149 = arith.constant 0.000000e+00 : f32
    %broadcast_in_dim3A_150 = vector.broadcast %broadcast_in_dim3A_149 : f32 to vector<16xf32>
    %swap3A_151 = arith.constant 272 : index
    %swap3A_152 = tpu.vector_load %arg6[%swap3A_151] {strides = array<i32>} : memref<640xf32, #tpu.memory_space<vmem>>, vector<16xf32>,
    %swap3A_153 = vector.shape_cast %swap3A_152 : vector<16xf32> to vector<16xf32>
    %swap3A_154 = vector.shape_cast %broadcast_in_dim3A_150 : vector<16xf32> to vector<16xf32>
    tpu.vector_store %arg6[%swap3A_151], %swap3A_154 {strides = array<i32>} : memref<640xf32, #tpu.memory_space<vmem>>, vector<16xf32>,
    %broadcast_in_dim3A_155 = arith.constant 0.000000e+00 : f32
    %broadcast_in_dim3A_156 = vector.broadcast %broadcast_in_dim3A_155 : f32 to vector<16xf32>
    %swap3A_157 = arith.constant 288 : index
    %swap3A_158 = tpu.vector_load %arg6[%swap3A_157] {strides = array<i32>} : memref<640xf32, #tpu.memory_space<vmem>>, vector<16xf32>,
    %swap3A_159 = vector.shape_cast %swap3A_158 : vector<16xf32> to vector<16xf32>
    %swap3A_160 = vector.shape_cast %broadcast_in_dim3A_156 : vector<16xf32> to vector<16xf32>
    tpu.vector_store %arg6[%swap3A_157], %swap3A_160 {strides = array<i32>} : memref<640xf32, #tpu.memory_space<vmem>>, vector<16xf32>,
    %broadcast_in_dim3A_161 = arith.constant 0.000000e+00 : f32
    %broadcast_in_dim3A_162 = vector.broadcast %broadcast_in_dim3A_161 : f32 to vector<16xf32>
    %swap3A_163 = arith.constant 304 : index
    %swap3A_164 = tpu.vector_load %arg6[%swap3A_163] {strides = array<i32>} : memref<640xf32, #tpu.memory_space<vmem>>, vector<16xf32>,
    %swap3A_165 = vector.shape_cast %swap3A_164 : vector<16xf32> to vector<16xf32>
    %swap3A_166 = vector.shape_cast %broadcast_in_dim3A_162 : vector<16xf32> to vector<16xf32>
    tpu.vector_store %arg6[%swap3A_163], %swap3A_166 {strides = array<i32>} : memref<640xf32, #tpu.memory_space<vmem>>, vector<16xf32>,
    %broadcast_in_dim3A_167 = arith.constant 0.000000e+00 : f32
    %broadcast_in_dim3A_168 = vector.broadcast %broadcast_in_dim3A_167 : f32 to vector<16xf32>
    %swap3A_169 = arith.constant 320 : index
    %swap3A_170 = tpu.vector_load %arg6[%swap3A_169] {strides = array<i32>} : memref<640xf32, #tpu.memory_space<vmem>>, vector<16xf32>,
    %swap3A_171 = vector.shape_cast %swap3A_170 : vector<16xf32> to vector<16xf32>
    %swap3A_172 = vector.shape_cast %broadcast_in_dim3A_168 : vector<16xf32> to vector<16xf32>
    tpu.vector_store %arg6[%swap3A_169], %swap3A_172 {strides = array<i32>} : memref<640xf32, #tpu.memory_space<vmem>>, vector<16xf32>,
    %broadcast_in_dim3A_173 = arith.constant 0.000000e+00 : f32
    %broadcast_in_dim3A_174 = vector.broadcast %broadcast_in_dim3A_173 : f32 to vector<16xf32>
    %swap3A_175 = arith.constant 336 : index
    %swap3A_176 = tpu.vector_load %arg6[%swap3A_175] {strides = array<i32>} : memref<640xf32, #tpu.memory_space<vmem>>, vector<16xf32>,
    %swap3A_177 = vector.shape_cast %swap3A_176 : vector<16xf32> to vector<16xf32>
    %swap3A_178 = vector.shape_cast %broadcast_in_dim3A_174 : vector<16xf32> to vector<16xf32>
    tpu.vector_store %arg6[%swap3A_175], %swap3A_178 {strides = array<i32>} : memref<640xf32, #tpu.memory_space<vmem>>, vector<16xf32>,
    %broadcast_in_dim3A_179 = arith.constant 0.000000e+00 : f32
    %broadcast_in_dim3A_180 = vector.broadcast %broadcast_in_dim3A_179 : f32 to vector<16xf32>
    %swap3A_181 = arith.constant 352 : index
    %swap3A_182 = tpu.vector_load %arg6[%swap3A_181] {strides = array<i32>} : memref<640xf32, #tpu.memory_space<vmem>>, vector<16xf32>,
    %swap3A_183 = vector.shape_cast %swap3A_182 : vector<16xf32> to vector<16xf32>
    %swap3A_184 = vector.shape_cast %broadcast_in_dim3A_180 : vector<16xf32> to vector<16xf32>
    tpu.vector_store %arg6[%swap3A_181], %swap3A_184 {strides = array<i32>} : memref<640xf32, #tpu.memory_space<vmem>>, vector<16xf32>,
    %broadcast_in_dim3A_185 = arith.constant 0.000000e+00 : f32
    %broadcast_in_dim3A_186 = vector.broadcast %broadcast_in_dim3A_185 : f32 to vector<16xf32>
    %swap3A_187 = arith.constant 368 : index
    %swap3A_188 = tpu.vector_load %arg6[%swap3A_187] {strides = array<i32>} : memref<640xf32, #tpu.memory_space<vmem>>, vector<16xf32>,
    %swap3A_189 = vector.shape_cast %swap3A_188 : vector<16xf32> to vector<16xf32>
    %swap3A_190 = vector.shape_cast %broadcast_in_dim3A_186 : vector<16xf32> to vector<16xf32>
    tpu.vector_store %arg6[%swap3A_187], %swap3A_190 {strides = array<i32>} : memref<640xf32, #tpu.memory_space<vmem>>, vector<16xf32>,
    %broadcast_in_dim3A_191 = arith.constant 0.000000e+00 : f32
    %broadcast_in_dim3A_192 = vector.broadcast %broadcast_in_dim3A_191 : f32 to vector<16xf32>
    %swap3A_193 = arith.constant 384 : index
    %swap3A_194 = tpu.vector_load %arg6[%swap3A_193] {strides = array<i32>} : memref<640xf32, #tpu.memory_space<vmem>>, vector<16xf32>,
    %swap3A_195 = vector.shape_cast %swap3A_194 : vector<16xf32> to vector<16xf32>
    %swap3A_196 = vector.shape_cast %broadcast_in_dim3A_192 : vector<16xf32> to vector<16xf32>
    tpu.vector_store %arg6[%swap3A_193], %swap3A_196 {strides = array<i32>} : memref<640xf32, #tpu.memory_space<vmem>>, vector<16xf32>,
    %broadcast_in_dim3A_197 = arith.constant 0.000000e+00 : f32
    %broadcast_in_dim3A_198 = vector.broadcast %broadcast_in_dim3A_197 : f32 to vector<16xf32>
    %swap3A_199 = arith.constant 400 : index
    %swap3A_200 = tpu.vector_load %arg6[%swap3A_199] {strides = array<i32>} : memref<640xf32, #tpu.memory_space<vmem>>, vector<16xf32>,
    %swap3A_201 = vector.shape_cast %swap3A_200 : vector<16xf32> to vector<16xf32>
    %swap3A_202 = vector.shape_cast %broadcast_in_dim3A_198 : vector<16xf32> to vector<16xf32>
    tpu.vector_store %arg6[%swap3A_199], %swap3A_202 {strides = array<i32>} : memref<640xf32, #tpu.memory_space<vmem>>, vector<16xf32>,
    %broadcast_in_dim3A_203 = arith.constant 0.000000e+00 : f32
    %broadcast_in_dim3A_204 = vector.broadcast %broadcast_in_dim3A_203 : f32 to vector<16xf32>
    %swap3A_205 = arith.constant 416 : index
    %swap3A_206 = tpu.vector_load %arg6[%swap3A_205] {strides = array<i32>} : memref<640xf32, #tpu.memory_space<vmem>>, vector<16xf32>,
    %swap3A_207 = vector.shape_cast %swap3A_206 : vector<16xf32> to vector<16xf32>
    %swap3A_208 = vector.shape_cast %broadcast_in_dim3A_204 : vector<16xf32> to vector<16xf32>
    tpu.vector_store %arg6[%swap3A_205], %swap3A_208 {strides = array<i32>} : memref<640xf32, #tpu.memory_space<vmem>>, vector<16xf32>,
    %broadcast_in_dim3A_209 = arith.constant 0.000000e+00 : f32
    %broadcast_in_dim3A_210 = vector.broadcast %broadcast_in_dim3A_209 : f32 to vector<16xf32>
    %swap3A_211 = arith.constant 432 : index
    %swap3A_212 = tpu.vector_load %arg6[%swap3A_211] {strides = array<i32>} : memref<640xf32, #tpu.memory_space<vmem>>, vector<16xf32>,
    %swap3A_213 = vector.shape_cast %swap3A_212 : vector<16xf32> to vector<16xf32>
    %swap3A_214 = vector.shape_cast %broadcast_in_dim3A_210 : vector<16xf32> to vector<16xf32>
    tpu.vector_store %arg6[%swap3A_211], %swap3A_214 {strides = array<i32>} : memref<640xf32, #tpu.memory_space<vmem>>, vector<16xf32>,
    %broadcast_in_dim3A_215 = arith.constant 0.000000e+00 : f32
    %broadcast_in_dim3A_216 = vector.broadcast %broadcast_in_dim3A_215 : f32 to vector<16xf32>
    %swap3A_217 = arith.constant 448 : index
    %swap3A_218 = tpu.vector_load %arg6[%swap3A_217] {strides = array<i32>} : memref<640xf32, #tpu.memory_space<vmem>>, vector<16xf32>,
    %swap3A_219 = vector.shape_cast %swap3A_218 : vector<16xf32> to vector<16xf32>
    %swap3A_220 = vector.shape_cast %broadcast_in_dim3A_216 : vector<16xf32> to vector<16xf32>
    tpu.vector_store %arg6[%swap3A_217], %swap3A_220 {strides = array<i32>} : memref<640xf32, #tpu.memory_space<vmem>>, vector<16xf32>,
    %broadcast_in_dim3A_221 = arith.constant 0.000000e+00 : f32
    %broadcast_in_dim3A_222 = vector.broadcast %broadcast_in_dim3A_221 : f32 to vector<16xf32>
    %swap3A_223 = arith.constant 464 : index
    %swap3A_224 = tpu.vector_load %arg6[%swap3A_223] {strides = array<i32>} : memref<640xf32, #tpu.memory_space<vmem>>, vector<16xf32>,
    %swap3A_225 = vector.shape_cast %swap3A_224 : vector<16xf32> to vector<16xf32>
    %swap3A_226 = vector.shape_cast %broadcast_in_dim3A_222 : vector<16xf32> to vector<16xf32>
    tpu.vector_store %arg6[%swap3A_223], %swap3A_226 {strides = array<i32>} : memref<640xf32, #tpu.memory_space<vmem>>, vector<16xf32>,
    %broadcast_in_dim3A_227 = arith.constant 0.000000e+00 : f32
    %broadcast_in_dim3A_228 = vector.broadcast %broadcast_in_dim3A_227 : f32 to vector<16xf32>
    %swap3A_229 = arith.constant 480 : index
    %swap3A_230 = tpu.vector_load %arg6[%swap3A_229] {strides = array<i32>} : memref<640xf32, #tpu.memory_space<vmem>>, vector<16xf32>,
    %swap3A_231 = vector.shape_cast %swap3A_230 : vector<16xf32> to vector<16xf32>
    %swap3A_232 = vector.shape_cast %broadcast_in_dim3A_228 : vector<16xf32> to vector<16xf32>
    tpu.vector_store %arg6[%swap3A_229], %swap3A_232 {strides = array<i32>} : memref<640xf32, #tpu.memory_space<vmem>>, vector<16xf32>,
    %broadcast_in_dim3A_233 = arith.constant 0.000000e+00 : f32
    %broadcast_in_dim3A_234 = vector.broadcast %broadcast_in_dim3A_233 : f32 to vector<16xf32>
    %swap3A_235 = arith.constant 496 : index
    %swap3A_236 = tpu.vector_load %arg6[%swap3A_235] {strides = array<i32>} : memref<640xf32, #tpu.memory_space<vmem>>, vector<16xf32>,
    %swap3A_237 = vector.shape_cast %swap3A_236 : vector<16xf32> to vector<16xf32>
    %swap3A_238 = vector.shape_cast %broadcast_in_dim3A_234 : vector<16xf32> to vector<16xf32>
    tpu.vector_store %arg6[%swap3A_235], %swap3A_238 {strides = array<i32>} : memref<640xf32, #tpu.memory_space<vmem>>, vector<16xf32>,
    %broadcast_in_dim3A_239 = arith.constant 0.000000e+00 : f32
    %broadcast_in_dim3A_240 = vector.broadcast %broadcast_in_dim3A_239 : f32 to vector<16xf32>
    %swap3A_241 = arith.constant 512 : index
    %swap3A_242 = tpu.vector_load %arg6[%swap3A_241] {strides = array<i32>} : memref<640xf32, #tpu.memory_space<vmem>>, vector<16xf32>,
    %swap3A_243 = vector.shape_cast %swap3A_242 : vector<16xf32> to vector<16xf32>
    %swap3A_244 = vector.shape_cast %broadcast_in_dim3A_240 : vector<16xf32> to vector<16xf32>
    tpu.vector_store %arg6[%swap3A_241], %swap3A_244 {strides = array<i32>} : memref<640xf32, #tpu.memory_space<vmem>>, vector<16xf32>,
    %broadcast_in_dim3A_245 = arith.constant 0.000000e+00 : f32
    %broadcast_in_dim3A_246 = vector.broadcast %broadcast_in_dim3A_245 : f32 to vector<16xf32>
    %swap3A_247 = arith.constant 528 : index
    %swap3A_248 = tpu.vector_load %arg6[%swap3A_247] {strides = array<i32>} : memref<640xf32, #tpu.memory_space<vmem>>, vector<16xf32>,
    %swap3A_249 = vector.shape_cast %swap3A_248 : vector<16xf32> to vector<16xf32>
    %swap3A_250 = vector.shape_cast %broadcast_in_dim3A_246 : vector<16xf32> to vector<16xf32>
    tpu.vector_store %arg6[%swap3A_247], %swap3A_250 {strides = array<i32>} : memref<640xf32, #tpu.memory_space<vmem>>, vector<16xf32>,
    %broadcast_in_dim3A_251 = arith.constant 0.000000e+00 : f32
    %broadcast_in_dim3A_252 = vector.broadcast %broadcast_in_dim3A_251 : f32 to vector<16xf32>
    %swap3A_253 = arith.constant 544 : index
    %swap3A_254 = tpu.vector_load %arg6[%swap3A_253] {strides = array<i32>} : memref<640xf32, #tpu.memory_space<vmem>>, vector<16xf32>,
    %swap3A_255 = vector.shape_cast %swap3A_254 : vector<16xf32> to vector<16xf32>
    %swap3A_256 = vector.shape_cast %broadcast_in_dim3A_252 : vector<16xf32> to vector<16xf32>
    tpu.vector_store %arg6[%swap3A_253], %swap3A_256 {strides = array<i32>} : memref<640xf32, #tpu.memory_space<vmem>>, vector<16xf32>,
    %broadcast_in_dim3A_257 = arith.constant 0.000000e+00 : f32
    %broadcast_in_dim3A_258 = vector.broadcast %broadcast_in_dim3A_257 : f32 to vector<16xf32>
    %swap3A_259 = arith.constant 560 : index
    %swap3A_260 = tpu.vector_load %arg6[%swap3A_259] {strides = array<i32>} : memref<640xf32, #tpu.memory_space<vmem>>, vector<16xf32>,
    %swap3A_261 = vector.shape_cast %swap3A_260 : vector<16xf32> to vector<16xf32>
    %swap3A_262 = vector.shape_cast %broadcast_in_dim3A_258 : vector<16xf32> to vector<16xf32>
    tpu.vector_store %arg6[%swap3A_259], %swap3A_262 {strides = array<i32>} : memref<640xf32, #tpu.memory_space<vmem>>, vector<16xf32>,
    %broadcast_in_dim3A_263 = arith.constant 0.000000e+00 : f32
    %broadcast_in_dim3A_264 = vector.broadcast %broadcast_in_dim3A_263 : f32 to vector<16xf32>
    %swap3A_265 = arith.constant 576 : index
    %swap3A_266 = tpu.vector_load %arg6[%swap3A_265] {strides = array<i32>} : memref<640xf32, #tpu.memory_space<vmem>>, vector<16xf32>,
    %swap3A_267 = vector.shape_cast %swap3A_266 : vector<16xf32> to vector<16xf32>
    %swap3A_268 = vector.shape_cast %broadcast_in_dim3A_264 : vector<16xf32> to vector<16xf32>
    tpu.vector_store %arg6[%swap3A_265], %swap3A_268 {strides = array<i32>} : memref<640xf32, #tpu.memory_space<vmem>>, vector<16xf32>,
    %broadcast_in_dim3A_269 = arith.constant 0.000000e+00 : f32
    %broadcast_in_dim3A_270 = vector.broadcast %broadcast_in_dim3A_269 : f32 to vector<16xf32>
    %swap3A_271 = arith.constant 592 : index
    %swap3A_272 = tpu.vector_load %arg6[%swap3A_271] {strides = array<i32>} : memref<640xf32, #tpu.memory_space<vmem>>, vector<16xf32>,
    %swap3A_273 = vector.shape_cast %swap3A_272 : vector<16xf32> to vector<16xf32>
    %swap3A_274 = vector.shape_cast %broadcast_in_dim3A_270 : vector<16xf32> to vector<16xf32>
    tpu.vector_store %arg6[%swap3A_271], %swap3A_274 {strides = array<i32>} : memref<640xf32, #tpu.memory_space<vmem>>, vector<16xf32>,
    %broadcast_in_dim3A_275 = arith.constant 0.000000e+00 : f32
    %broadcast_in_dim3A_276 = vector.broadcast %broadcast_in_dim3A_275 : f32 to vector<16xf32>
    %swap3A_277 = arith.constant 608 : index
    %swap3A_278 = tpu.vector_load %arg6[%swap3A_277] {strides = array<i32>} : memref<640xf32, #tpu.memory_space<vmem>>, vector<16xf32>,
    %swap3A_279 = vector.shape_cast %swap3A_278 : vector<16xf32> to vector<16xf32>
    %swap3A_280 = vector.shape_cast %broadcast_in_dim3A_276 : vector<16xf32> to vector<16xf32>
    tpu.vector_store %arg6[%swap3A_277], %swap3A_280 {strides = array<i32>} : memref<640xf32, #tpu.memory_space<vmem>>, vector<16xf32>,
    %broadcast_in_dim3A_281 = arith.constant 0.000000e+00 : f32
    %broadcast_in_dim3A_282 = vector.broadcast %broadcast_in_dim3A_281 : f32 to vector<16xf32>
    %swap3A_283 = arith.constant 624 : index
    %swap3A_284 = tpu.vector_load %arg6[%swap3A_283] {strides = array<i32>} : memref<640xf32, #tpu.memory_space<vmem>>, vector<16xf32>,
    %swap3A_285 = vector.shape_cast %swap3A_284 : vector<16xf32> to vector<16xf32>
    %swap3A_286 = vector.shape_cast %broadcast_in_dim3A_282 : vector<16xf32> to vector<16xf32>
    tpu.vector_store %arg6[%swap3A_283], %swap3A_286 {strides = array<i32>} : memref<640xf32, #tpu.memory_space<vmem>>, vector<16xf32>,
    %mul3A_287 = arith.constant 640 : i32
    %mul3A_288 = arith.muli %arg1, %mul3A_287 : i32
    "tpu.region"() ({
      %run_scoped3A = tpu.sem_alloc : memref<!tpu.dma_semaphore, #tpu.memory_space<semaphore_mem>>
      %dma_start3A = tpu.memref_slice %arg7[%mul3A_288] : memref<10240xf32, #tpu.memory_space<vmem_shared>> -> memref<640xf32, #tpu.memory_space<vmem_shared>>
      %dma_start3A_299 = tpu.memref_slice %arg7[%mul3A_288] : memref<10240xf32, #tpu.memory_space<vmem_shared>> -> memref<640xf32, #tpu.memory_space<vmem_shared>>
      tpu.enqueue_dma source(%arg6 : memref<640xf32, #tpu.memory_space<vmem>>) target(%dma_start3A_299 : memref<640xf32, #tpu.memory_space<vmem_shared>>) target_semaphore(%run_scoped3A : memref<!tpu.dma_semaphore, #tpu.memory_space<semaphore_mem>>)
      %dma_wait3A = tpu.memref_slice %arg7[%mul3A_288] : memref<10240xf32, #tpu.memory_space<vmem_shared>> -> memref<640xf32, #tpu.memory_space<vmem_shared>>
      %dma_wait3A_300 = tpu.memref_slice %arg7[%mul3A_288] : memref<10240xf32, #tpu.memory_space<vmem_shared>> -> memref<640xf32, #tpu.memory_space<vmem_shared>>
      tpu.wait_dma2 semaphore(%run_scoped3A : memref<!tpu.dma_semaphore, #tpu.memory_space<semaphore_mem>>) src(%arg6 : memref<640xf32, #tpu.memory_space<vmem>>) dst(%dma_wait3A_300 : memref<640xf32, #tpu.memory_space<vmem_shared>>)
      tpu.yield
    }) : () -> ()
    %barrier3A = arith.constant 0 : index
    tpu.barrier barrier_id(%barrier3A)
    %scan3A = arith.constant 0 : i32
    %scan3A_289 = arith.constant 0 : i32
    %scan3A_290 = arith.constant 80 : i32
    %scan3A_291 = arith.addi %scan3A_289, %scan3A_290 : i32
    %scan3A_292 = arith.constant 1 : i32
    scf.for %scan3A_299 = %scan3A_289 to %scan3A_291 step %scan3A_292  : i32 {
      "tpu.region"() ({
        %run_scoped3A = tpu.sem_alloc : memref<!tpu.dma_semaphore, #tpu.memory_space<semaphore_mem>>
        %dma_start3A = arith.constant 0 : i32
        %dma_start3A_300 = tpu.memref_slice %arg5[%dma_start3A] : memref<128xf32, #tpu.memory_space<vmem>> -> memref<125xf32, #tpu.memory_space<vmem>>
        %dma_start3A_301 = arith.constant 0 : i32
        %dma_start3A_302 = tpu.memref_slice %arg4[%scan3A_299, %dma_start3A_301] : memref<80x125xi32, #tpu.memory_space<vmem>> -> memref<1x125xi32, #tpu.memory_space<vmem>>
        %dma_start3A_303 = tpu.memref_squeeze %dma_start3A_302 : memref<1x125xi32, #tpu.memory_space<vmem>> -> memref<125xi32, #tpu.memory_space<vmem>>
        %dma_start3A_304 = arith.constant 0 : i32
        %dma_start3A_305 = tpu.memref_slice %arg7[%dma_start3A_304] : memref<10240xf32, #tpu.memory_space<vmem_shared>> -> memref<10240xf32, #tpu.memory_space<vmem_shared>>
        tpu.enqueue_indirect_dma source(%dma_start3A_300 : memref<125xf32, #tpu.memory_space<vmem>>) target(%dma_start3A_305 : memref<10240xf32, #tpu.memory_space<vmem_shared>>) offsets(%dma_start3A_303 : memref<125xi32, #tpu.memory_space<vmem>>) semaphore(%run_scoped3A : memref<!tpu.dma_semaphore, #tpu.memory_space<semaphore_mem>>) {add = true}
        %dma_wait3A = arith.constant 0 : i32
        %dma_wait3A_306 = tpu.memref_slice %arg5[%dma_wait3A] : memref<128xf32, #tpu.memory_space<vmem>> -> memref<125xf32, #tpu.memory_space<vmem>>
        %dma_wait3A_307 = arith.constant 0 : i32
        %dma_wait3A_308 = tpu.memref_slice %arg4[%scan3A_299, %dma_wait3A_307] : memref<80x125xi32, #tpu.memory_space<vmem>> -> memref<1x125xi32, #tpu.memory_space<vmem>>
        %dma_wait3A_309 = tpu.memref_squeeze %dma_wait3A_308 : memref<1x125xi32, #tpu.memory_space<vmem>> -> memref<125xi32, #tpu.memory_space<vmem>>
        %dma_wait3A_310 = arith.constant 0 : i32
        %dma_wait3A_311 = tpu.memref_slice %arg7[%dma_wait3A_310] : memref<10240xf32, #tpu.memory_space<vmem_shared>> -> memref<10240xf32, #tpu.memory_space<vmem_shared>>
        tpu.wait_indirect_dma semaphore(%run_scoped3A : memref<!tpu.dma_semaphore, #tpu.memory_space<semaphore_mem>>) src(%dma_wait3A_306 : memref<125xf32, #tpu.memory_space<vmem>>) dst(%dma_wait3A_311 : memref<10240xf32, #tpu.memory_space<vmem_shared>>)
        tpu.yield
      }) : () -> ()
    }
    %scan3A_293 = arith.constant 80 : i32
    %barrier3A_294 = arith.constant 0 : index
    tpu.barrier barrier_id(%barrier3A_294)
    %mul3A_295 = arith.constant 640 : i32
    %mul3A_296 = arith.muli %arg1, %mul3A_295 : i32
    "tpu.region"() ({
      %run_scoped3A = tpu.sem_alloc : memref<!tpu.dma_semaphore, #tpu.memory_space<semaphore_mem>>
      %dma_start3A = tpu.memref_slice %arg7[%mul3A_296] : memref<10240xf32, #tpu.memory_space<vmem_shared>> -> memref<640xf32, #tpu.memory_space<vmem_shared>>
      %dma_start3A_299 = tpu.memref_slice %arg7[%mul3A_296] : memref<10240xf32, #tpu.memory_space<vmem_shared>> -> memref<640xf32, #tpu.memory_space<vmem_shared>>
      tpu.enqueue_dma source(%dma_start3A_299 : memref<640xf32, #tpu.memory_space<vmem_shared>>) target(%arg6 : memref<640xf32, #tpu.memory_space<vmem>>) target_semaphore(%run_scoped3A : memref<!tpu.dma_semaphore, #tpu.memory_space<semaphore_mem>>)
      %dma_wait3A = tpu.memref_slice %arg7[%mul3A_296] : memref<10240xf32, #tpu.memory_space<vmem_shared>> -> memref<640xf32, #tpu.memory_space<vmem_shared>>
      %dma_wait3A_300 = tpu.memref_slice %arg7[%mul3A_296] : memref<10240xf32, #tpu.memory_space<vmem_shared>> -> memref<640xf32, #tpu.memory_space<vmem_shared>>
      tpu.wait_dma2 semaphore(%run_scoped3A : memref<!tpu.dma_semaphore, #tpu.memory_space<semaphore_mem>>) src(%dma_wait3A_300 : memref<640xf32, #tpu.memory_space<vmem_shared>>) dst(%arg6 : memref<640xf32, #tpu.memory_space<vmem>>)
      tpu.yield
    }) : () -> ()
    %mul3A_297 = arith.constant 640 : i32
    %mul3A_298 = arith.muli %arg1, %mul3A_297 : i32
    "tpu.region"() ({
      %run_scoped3A = tpu.sem_alloc : memref<!tpu.dma_semaphore, #tpu.memory_space<semaphore_mem>>
      %dma_start3A = tpu.memref_slice %arg3[%arg0, %mul3A_298] : memref<2x10240xf32, #tpu.memory_space<hbm>> -> memref<1x640xf32, #tpu.memory_space<hbm>>
      %dma_start3A_299 = tpu.memref_squeeze %dma_start3A : memref<1x640xf32, #tpu.memory_space<hbm>> -> memref<640xf32, #tpu.memory_space<hbm>>
      %dma_start3A_300 = tpu.memref_slice %arg3[%arg0, %mul3A_298] : memref<2x10240xf32, #tpu.memory_space<hbm>> -> memref<1x640xf32, #tpu.memory_space<hbm>>
      %dma_start3A_301 = tpu.memref_squeeze %dma_start3A_300 : memref<1x640xf32, #tpu.memory_space<hbm>> -> memref<640xf32, #tpu.memory_space<hbm>>
      tpu.enqueue_dma source(%arg6 : memref<640xf32, #tpu.memory_space<vmem>>) target(%dma_start3A_301 : memref<640xf32, #tpu.memory_space<hbm>>) target_semaphore(%run_scoped3A : memref<!tpu.dma_semaphore, #tpu.memory_space<semaphore_mem>>)
      %dma_wait3A = tpu.memref_slice %arg3[%arg0, %mul3A_298] : memref<2x10240xf32, #tpu.memory_space<hbm>> -> memref<1x640xf32, #tpu.memory_space<hbm>>
      %dma_wait3A_302 = tpu.memref_squeeze %dma_wait3A : memref<1x640xf32, #tpu.memory_space<hbm>> -> memref<640xf32, #tpu.memory_space<hbm>>
      %dma_wait3A_303 = tpu.memref_slice %arg3[%arg0, %mul3A_298] : memref<2x10240xf32, #tpu.memory_space<hbm>> -> memref<1x640xf32, #tpu.memory_space<hbm>>
      %dma_wait3A_304 = tpu.memref_squeeze %dma_wait3A_303 : memref<1x640xf32, #tpu.memory_space<hbm>> -> memref<640xf32, #tpu.memory_space<hbm>>
      tpu.wait_dma2 semaphore(%run_scoped3A : memref<!tpu.dma_semaphore, #tpu.memory_space<semaphore_mem>>) src(%arg6 : memref<640xf32, #tpu.memory_space<vmem>>) dst(%dma_wait3A_304 : memref<640xf32, #tpu.memory_space<hbm>>)
      tpu.yield
    }) : () -> ()
    return
  }
}

#map = affine_map<(d0, d1) -> (0, 0, 0)>
module attributes {stable_mosaic.version = 14 : i64} {
  func.func @_sc_gather_scatter(%arg0: i32, %arg1: i32, %arg2: memref<2x10000x64xf32, #tpu.memory_space<hbm>>, %arg3: memref<16x160x125xi32, #tpu.memory_space<hbm>>, %arg4: memref<16x160x125xi32, #tpu.memory_space<hbm>>, %arg5: memref<2x10240x64xf32, #tpu.memory_space<hbm>>, %arg6: memref<160x125xi32, #tpu.memory_space<vmem>>, %arg7: memref<160x125xi32, #tpu.memory_space<vmem>>, %arg8: memref<125x64xf32, #tpu.memory_space<vmem>>, %arg9: memref<125x64xf32, #tpu.memory_space<vmem>>, %arg10: memref<125x64xf32, #tpu.memory_space<vmem>>, %arg11: memref<125x64xf32, #tpu.memory_space<vmem>>, %arg12: memref<10240x64xf32, #tpu.memory_space<vmem_shared>>, %arg13: memref<!tpu.dma_semaphore, #tpu.memory_space<semaphore_mem>>, %arg14: memref<!tpu.dma_semaphore, #tpu.memory_space<semaphore_mem>>, %arg15: memref<!tpu.dma_semaphore, #tpu.memory_space<semaphore_mem>>, %arg16: memref<!tpu.dma_semaphore, #tpu.memory_space<semaphore_mem>>, %arg17: memref<!tpu.dma_semaphore, #tpu.memory_space<semaphore_mem>>, %arg18: memref<!tpu.dma_semaphore, #tpu.memory_space<semaphore_mem>>, %arg19: memref<!tpu.dma_semaphore, #tpu.memory_space<semaphore_mem>>, %arg20: memref<!tpu.dma_semaphore, #tpu.memory_space<semaphore_mem>>) attributes {dimension_semantics = [#tpu.dimension_semantics<core_parallel>, #tpu.dimension_semantics<subcore_parallel>], iteration_bounds = array<i64: 2, 16>, scalar_prefetch = 0 : i64, scratch_operands = 15 : i64, tpu.core_type = #tpu.core_type<sc_vector_subcore>, window_params = [{transform_indices = #map}, {transform_indices = #map}, {transform_indices = #map}, {transform_indices = #map}]} {
    "tpu.region"() ({
      %run_scoped3A = tpu.sem_alloc : memref<!tpu.dma_semaphore, #tpu.memory_space<semaphore_mem>>
      %dma_start3A_223 = arith.constant 0 : i32
      %dma_start3A_224 = arith.constant 0 : i32
      %dma_start3A_225 = tpu.memref_slice %arg3[%arg1, %dma_start3A_223, %dma_start3A_224] : memref<16x160x125xi32, #tpu.memory_space<hbm>> -> memref<1x160x125xi32, #tpu.memory_space<hbm>>
      %dma_start3A_226 = tpu.memref_squeeze %dma_start3A_225 : memref<1x160x125xi32, #tpu.memory_space<hbm>> -> memref<160x125xi32, #tpu.memory_space<hbm>>
      %dma_start3A_227 = arith.constant 0 : i32
      %dma_start3A_228 = arith.constant 0 : i32
      %dma_start3A_229 = tpu.memref_slice %arg3[%arg1, %dma_start3A_227, %dma_start3A_228] : memref<16x160x125xi32, #tpu.memory_space<hbm>> -> memref<1x160x125xi32, #tpu.memory_space<hbm>>
      %dma_start3A_230 = tpu.memref_squeeze %dma_start3A_229 : memref<1x160x125xi32, #tpu.memory_space<hbm>> -> memref<160x125xi32, #tpu.memory_space<hbm>>
      tpu.enqueue_dma source(%dma_start3A_230 : memref<160x125xi32, #tpu.memory_space<hbm>>) target(%arg6 : memref<160x125xi32, #tpu.memory_space<vmem>>) target_semaphore(%run_scoped3A : memref<!tpu.dma_semaphore, #tpu.memory_space<semaphore_mem>>)
      %dma_wait3A_231 = arith.constant 0 : i32
      %dma_wait3A_232 = arith.constant 0 : i32
      %dma_wait3A_233 = tpu.memref_slice %arg3[%arg1, %dma_wait3A_231, %dma_wait3A_232] : memref<16x160x125xi32, #tpu.memory_space<hbm>> -> memref<1x160x125xi32, #tpu.memory_space<hbm>>
      %dma_wait3A_234 = tpu.memref_squeeze %dma_wait3A_233 : memref<1x160x125xi32, #tpu.memory_space<hbm>> -> memref<160x125xi32, #tpu.memory_space<hbm>>
      %dma_wait3A_235 = arith.constant 0 : i32
      %dma_wait3A_236 = arith.constant 0 : i32
      %dma_wait3A_237 = tpu.memref_slice %arg3[%arg1, %dma_wait3A_235, %dma_wait3A_236] : memref<16x160x125xi32, #tpu.memory_space<hbm>> -> memref<1x160x125xi32, #tpu.memory_space<hbm>>
      %dma_wait3A_238 = tpu.memref_squeeze %dma_wait3A_237 : memref<1x160x125xi32, #tpu.memory_space<hbm>> -> memref<160x125xi32, #tpu.memory_space<hbm>>
      tpu.wait_dma2 semaphore(%run_scoped3A : memref<!tpu.dma_semaphore, #tpu.memory_space<semaphore_mem>>) src(%dma_wait3A_238 : memref<160x125xi32, #tpu.memory_space<hbm>>) dst(%arg6 : memref<160x125xi32, #tpu.memory_space<vmem>>)
      tpu.yield
    }) : () -> ()
    "tpu.region"() ({
      %run_scoped3A = tpu.sem_alloc : memref<!tpu.dma_semaphore, #tpu.memory_space<semaphore_mem>>
      %dma_start3A_223 = arith.constant 0 : i32
      %dma_start3A_224 = arith.constant 0 : i32
      %dma_start3A_225 = tpu.memref_slice %arg4[%arg1, %dma_start3A_223, %dma_start3A_224] : memref<16x160x125xi32, #tpu.memory_space<hbm>> -> memref<1x160x125xi32, #tpu.memory_space<hbm>>
      %dma_start3A_226 = tpu.memref_squeeze %dma_start3A_225 : memref<1x160x125xi32, #tpu.memory_space<hbm>> -> memref<160x125xi32, #tpu.memory_space<hbm>>
      %dma_start3A_227 = arith.constant 0 : i32
      %dma_start3A_228 = arith.constant 0 : i32
      %dma_start3A_229 = tpu.memref_slice %arg4[%arg1, %dma_start3A_227, %dma_start3A_228] : memref<16x160x125xi32, #tpu.memory_space<hbm>> -> memref<1x160x125xi32, #tpu.memory_space<hbm>>
      %dma_start3A_230 = tpu.memref_squeeze %dma_start3A_229 : memref<1x160x125xi32, #tpu.memory_space<hbm>> -> memref<160x125xi32, #tpu.memory_space<hbm>>
      tpu.enqueue_dma source(%dma_start3A_230 : memref<160x125xi32, #tpu.memory_space<hbm>>) target(%arg7 : memref<160x125xi32, #tpu.memory_space<vmem>>) target_semaphore(%run_scoped3A : memref<!tpu.dma_semaphore, #tpu.memory_space<semaphore_mem>>)
      %dma_wait3A_231 = arith.constant 0 : i32
      %dma_wait3A_232 = arith.constant 0 : i32
      %dma_wait3A_233 = tpu.memref_slice %arg4[%arg1, %dma_wait3A_231, %dma_wait3A_232] : memref<16x160x125xi32, #tpu.memory_space<hbm>> -> memref<1x160x125xi32, #tpu.memory_space<hbm>>
      %dma_wait3A_234 = tpu.memref_squeeze %dma_wait3A_233 : memref<1x160x125xi32, #tpu.memory_space<hbm>> -> memref<160x125xi32, #tpu.memory_space<hbm>>
      %dma_wait3A_235 = arith.constant 0 : i32
      %dma_wait3A_236 = arith.constant 0 : i32
      %dma_wait3A_237 = tpu.memref_slice %arg4[%arg1, %dma_wait3A_235, %dma_wait3A_236] : memref<16x160x125xi32, #tpu.memory_space<hbm>> -> memref<1x160x125xi32, #tpu.memory_space<hbm>>
      %dma_wait3A_238 = tpu.memref_squeeze %dma_wait3A_237 : memref<1x160x125xi32, #tpu.memory_space<hbm>> -> memref<160x125xi32, #tpu.memory_space<hbm>>
      tpu.wait_dma2 semaphore(%run_scoped3A : memref<!tpu.dma_semaphore, #tpu.memory_space<semaphore_mem>>) src(%dma_wait3A_238 : memref<160x125xi32, #tpu.memory_space<hbm>>) dst(%arg7 : memref<160x125xi32, #tpu.memory_space<vmem>>)
      tpu.yield
    }) : () -> ()
    %scan3A = arith.constant 0 : i32
    %scan3A_0 = arith.constant 0 : i32
    %scan3A_1 = arith.constant 80 : i32
    %scan3A_2 = arith.addi %scan3A_0, %scan3A_1 : i32
    %scan3A_3 = arith.constant 1 : i32
    scf.for %scan3A_223 = %scan3A_0 to %scan3A_2 step %scan3A_3  : i32 {
      %broadcast_in_dim3A = arith.constant 0.000000e+00 : f32
      %broadcast_in_dim3A_224 = vector.broadcast %broadcast_in_dim3A : f32 to vector<16xf32>
      %swap3A = arith.index_cast %scan3A_223 : i32 to index
      %swap3A_225 = arith.constant 0 : index
      %swap3A_226 = tpu.vector_load %arg8[%swap3A, %swap3A_225] {strides = array<i32>} : memref<125x64xf32, #tpu.memory_space<vmem>>, vector<1x16xf32>,
      %swap3A_227 = vector.shape_cast %swap3A_226 : vector<1x16xf32> to vector<16xf32>
      %swap3A_228 = vector.shape_cast %broadcast_in_dim3A_224 : vector<16xf32> to vector<1x16xf32>
      tpu.vector_store %arg8[%swap3A, %swap3A_225], %swap3A_228 {strides = array<i32>} : memref<125x64xf32, #tpu.memory_space<vmem>>, vector<1x16xf32>,
      %broadcast_in_dim3A_229 = arith.constant 0.000000e+00 : f32
      %broadcast_in_dim3A_230 = vector.broadcast %broadcast_in_dim3A_229 : f32 to vector<16xf32>
      %swap3A_231 = arith.index_cast %scan3A_223 : i32 to index
      %swap3A_232 = arith.constant 16 : index
      %swap3A_233 = tpu.vector_load %arg8[%swap3A_231, %swap3A_232] {strides = array<i32>} : memref<125x64xf32, #tpu.memory_space<vmem>>, vector<1x16xf32>,
      %swap3A_234 = vector.shape_cast %swap3A_233 : vector<1x16xf32> to vector<16xf32>
      %swap3A_235 = vector.shape_cast %broadcast_in_dim3A_230 : vector<16xf32> to vector<1x16xf32>
      tpu.vector_store %arg8[%swap3A_231, %swap3A_232], %swap3A_235 {strides = array<i32>} : memref<125x64xf32, #tpu.memory_space<vmem>>, vector<1x16xf32>,
      %broadcast_in_dim3A_236 = arith.constant 0.000000e+00 : f32
      %broadcast_in_dim3A_237 = vector.broadcast %broadcast_in_dim3A_236 : f32 to vector<16xf32>
      %swap3A_238 = arith.index_cast %scan3A_223 : i32 to index
      %swap3A_239 = arith.constant 32 : index
      %swap3A_240 = tpu.vector_load %arg8[%swap3A_238, %swap3A_239] {strides = array<i32>} : memref<125x64xf32, #tpu.memory_space<vmem>>, vector<1x16xf32>,
      %swap3A_241 = vector.shape_cast %swap3A_240 : vector<1x16xf32> to vector<16xf32>
      %swap3A_242 = vector.shape_cast %broadcast_in_dim3A_237 : vector<16xf32> to vector<1x16xf32>
      tpu.vector_store %arg8[%swap3A_238, %swap3A_239], %swap3A_242 {strides = array<i32>} : memref<125x64xf32, #tpu.memory_space<vmem>>, vector<1x16xf32>,
      %broadcast_in_dim3A_243 = arith.constant 0.000000e+00 : f32
      %broadcast_in_dim3A_244 = vector.broadcast %broadcast_in_dim3A_243 : f32 to vector<16xf32>
      %swap3A_245 = arith.index_cast %scan3A_223 : i32 to index
      %swap3A_246 = arith.constant 48 : index
      %swap3A_247 = tpu.vector_load %arg8[%swap3A_245, %swap3A_246] {strides = array<i32>} : memref<125x64xf32, #tpu.memory_space<vmem>>, vector<1x16xf32>,
      %swap3A_248 = vector.shape_cast %swap3A_247 : vector<1x16xf32> to vector<16xf32>
      %swap3A_249 = vector.shape_cast %broadcast_in_dim3A_244 : vector<16xf32> to vector<1x16xf32>
      tpu.vector_store %arg8[%swap3A_245, %swap3A_246], %swap3A_249 {strides = array<i32>} : memref<125x64xf32, #tpu.memory_space<vmem>>, vector<1x16xf32>,
    }
    %scan3A_4 = arith.constant 80 : i32
    %mul3A = arith.constant 640 : i32
    %mul3A_5 = arith.muli %arg1, %mul3A : i32
    %add3A = arith.constant 0 : i32
    %add3A_6 = arith.addi %mul3A_5, %add3A : i32
    "tpu.region"() ({
      %run_scoped3A = tpu.sem_alloc : memref<!tpu.dma_semaphore, #tpu.memory_space<semaphore_mem>>
      %dma_start3A_223 = arith.constant 0 : i32
      %dma_start3A_224 = arith.constant 0 : i32
      %dma_start3A_225 = tpu.memref_slice %arg8[%dma_start3A_223, %dma_start3A_224] : memref<125x64xf32, #tpu.memory_space<vmem>> -> memref<80x64xf32, #tpu.memory_space<vmem>>
      %dma_start3A_226 = arith.constant 0 : i32
      %dma_start3A_227 = tpu.memref_slice %arg12[%add3A_6, %dma_start3A_226] : memref<10240x64xf32, #tpu.memory_space<vmem_shared>> -> memref<80x64xf32, #tpu.memory_space<vmem_shared>>
      %dma_start3A_228 = arith.constant 0 : i32
      %dma_start3A_229 = tpu.memref_slice %arg12[%add3A_6, %dma_start3A_228] : memref<10240x64xf32, #tpu.memory_space<vmem_shared>> -> memref<80x64xf32, #tpu.memory_space<vmem_shared>>
      %dma_start3A_230 = arith.constant 0 : i32
      %dma_start3A_231 = arith.constant 0 : i32
      %dma_start3A_232 = tpu.memref_slice %arg8[%dma_start3A_230, %dma_start3A_231] : memref<125x64xf32, #tpu.memory_space<vmem>> -> memref<80x64xf32, #tpu.memory_space<vmem>>
      tpu.enqueue_dma source(%dma_start3A_232 : memref<80x64xf32, #tpu.memory_space<vmem>>) target(%dma_start3A_229 : memref<80x64xf32, #tpu.memory_space<vmem_shared>>) target_semaphore(%run_scoped3A : memref<!tpu.dma_semaphore, #tpu.memory_space<semaphore_mem>>)
      %dma_wait3A_233 = arith.constant 0 : i32
      %dma_wait3A_234 = arith.constant 0 : i32
      %dma_wait3A_235 = tpu.memref_slice %arg8[%dma_wait3A_233, %dma_wait3A_234] : memref<125x64xf32, #tpu.memory_space<vmem>> -> memref<80x64xf32, #tpu.memory_space<vmem>>
      %dma_wait3A_236 = arith.constant 0 : i32
      %dma_wait3A_237 = tpu.memref_slice %arg12[%add3A_6, %dma_wait3A_236] : memref<10240x64xf32, #tpu.memory_space<vmem_shared>> -> memref<80x64xf32, #tpu.memory_space<vmem_shared>>
      %dma_wait3A_238 = arith.constant 0 : i32
      %dma_wait3A_239 = tpu.memref_slice %arg12[%add3A_6, %dma_wait3A_238] : memref<10240x64xf32, #tpu.memory_space<vmem_shared>> -> memref<80x64xf32, #tpu.memory_space<vmem_shared>>
      %dma_wait3A_240 = arith.constant 0 : i32
      %dma_wait3A_241 = arith.constant 0 : i32
      %dma_wait3A_242 = tpu.memref_slice %arg8[%dma_wait3A_240, %dma_wait3A_241] : memref<125x64xf32, #tpu.memory_space<vmem>> -> memref<80x64xf32, #tpu.memory_space<vmem>>
      tpu.wait_dma2 semaphore(%run_scoped3A : memref<!tpu.dma_semaphore, #tpu.memory_space<semaphore_mem>>) src(%dma_wait3A_242 : memref<80x64xf32, #tpu.memory_space<vmem>>) dst(%dma_wait3A_239 : memref<80x64xf32, #tpu.memory_space<vmem_shared>>)
      tpu.yield
    }) : () -> ()
    %mul3A_7 = arith.constant 640 : i32
    %mul3A_8 = arith.muli %arg1, %mul3A_7 : i32
    %add3A_9 = arith.constant 80 : i32
    %add3A_10 = arith.addi %mul3A_8, %add3A_9 : i32
    "tpu.region"() ({
      %run_scoped3A = tpu.sem_alloc : memref<!tpu.dma_semaphore, #tpu.memory_space<semaphore_mem>>
      %dma_start3A_223 = arith.constant 0 : i32
      %dma_start3A_224 = arith.constant 0 : i32
      %dma_start3A_225 = tpu.memref_slice %arg8[%dma_start3A_223, %dma_start3A_224] : memref<125x64xf32, #tpu.memory_space<vmem>> -> memref<80x64xf32, #tpu.memory_space<vmem>>
      %dma_start3A_226 = arith.constant 0 : i32
      %dma_start3A_227 = tpu.memref_slice %arg12[%add3A_10, %dma_start3A_226] : memref<10240x64xf32, #tpu.memory_space<vmem_shared>> -> memref<80x64xf32, #tpu.memory_space<vmem_shared>>
      %dma_start3A_228 = arith.constant 0 : i32
      %dma_start3A_229 = tpu.memref_slice %arg12[%add3A_10, %dma_start3A_228] : memref<10240x64xf32, #tpu.memory_space<vmem_shared>> -> memref<80x64xf32, #tpu.memory_space<vmem_shared>>
      %dma_start3A_230 = arith.constant 0 : i32
      %dma_start3A_231 = arith.constant 0 : i32
      %dma_start3A_232 = tpu.memref_slice %arg8[%dma_start3A_230, %dma_start3A_231] : memref<125x64xf32, #tpu.memory_space<vmem>> -> memref<80x64xf32, #tpu.memory_space<vmem>>
      tpu.enqueue_dma source(%dma_start3A_232 : memref<80x64xf32, #tpu.memory_space<vmem>>) target(%dma_start3A_229 : memref<80x64xf32, #tpu.memory_space<vmem_shared>>) target_semaphore(%run_scoped3A : memref<!tpu.dma_semaphore, #tpu.memory_space<semaphore_mem>>)
      %dma_wait3A_233 = arith.constant 0 : i32
      %dma_wait3A_234 = arith.constant 0 : i32
      %dma_wait3A_235 = tpu.memref_slice %arg8[%dma_wait3A_233, %dma_wait3A_234] : memref<125x64xf32, #tpu.memory_space<vmem>> -> memref<80x64xf32, #tpu.memory_space<vmem>>
      %dma_wait3A_236 = arith.constant 0 : i32
      %dma_wait3A_237 = tpu.memref_slice %arg12[%add3A_10, %dma_wait3A_236] : memref<10240x64xf32, #tpu.memory_space<vmem_shared>> -> memref<80x64xf32, #tpu.memory_space<vmem_shared>>
      %dma_wait3A_238 = arith.constant 0 : i32
      %dma_wait3A_239 = tpu.memref_slice %arg12[%add3A_10, %dma_wait3A_238] : memref<10240x64xf32, #tpu.memory_space<vmem_shared>> -> memref<80x64xf32, #tpu.memory_space<vmem_shared>>
      %dma_wait3A_240 = arith.constant 0 : i32
      %dma_wait3A_241 = arith.constant 0 : i32
      %dma_wait3A_242 = tpu.memref_slice %arg8[%dma_wait3A_240, %dma_wait3A_241] : memref<125x64xf32, #tpu.memory_space<vmem>> -> memref<80x64xf32, #tpu.memory_space<vmem>>
      tpu.wait_dma2 semaphore(%run_scoped3A : memref<!tpu.dma_semaphore, #tpu.memory_space<semaphore_mem>>) src(%dma_wait3A_242 : memref<80x64xf32, #tpu.memory_space<vmem>>) dst(%dma_wait3A_239 : memref<80x64xf32, #tpu.memory_space<vmem_shared>>)
      tpu.yield
    }) : () -> ()
    %mul3A_11 = arith.constant 640 : i32
    %mul3A_12 = arith.muli %arg1, %mul3A_11 : i32
    %add3A_13 = arith.constant 160 : i32
    %add3A_14 = arith.addi %mul3A_12, %add3A_13 : i32
    "tpu.region"() ({
      %run_scoped3A = tpu.sem_alloc : memref<!tpu.dma_semaphore, #tpu.memory_space<semaphore_mem>>
      %dma_start3A_223 = arith.constant 0 : i32
      %dma_start3A_224 = arith.constant 0 : i32
      %dma_start3A_225 = tpu.memref_slice %arg8[%dma_start3A_223, %dma_start3A_224] : memref<125x64xf32, #tpu.memory_space<vmem>> -> memref<80x64xf32, #tpu.memory_space<vmem>>
      %dma_start3A_226 = arith.constant 0 : i32
      %dma_start3A_227 = tpu.memref_slice %arg12[%add3A_14, %dma_start3A_226] : memref<10240x64xf32, #tpu.memory_space<vmem_shared>> -> memref<80x64xf32, #tpu.memory_space<vmem_shared>>
      %dma_start3A_228 = arith.constant 0 : i32
      %dma_start3A_229 = tpu.memref_slice %arg12[%add3A_14, %dma_start3A_228] : memref<10240x64xf32, #tpu.memory_space<vmem_shared>> -> memref<80x64xf32, #tpu.memory_space<vmem_shared>>
      %dma_start3A_230 = arith.constant 0 : i32
      %dma_start3A_231 = arith.constant 0 : i32
      %dma_start3A_232 = tpu.memref_slice %arg8[%dma_start3A_230, %dma_start3A_231] : memref<125x64xf32, #tpu.memory_space<vmem>> -> memref<80x64xf32, #tpu.memory_space<vmem>>
      tpu.enqueue_dma source(%dma_start3A_232 : memref<80x64xf32, #tpu.memory_space<vmem>>) target(%dma_start3A_229 : memref<80x64xf32, #tpu.memory_space<vmem_shared>>) target_semaphore(%run_scoped3A : memref<!tpu.dma_semaphore, #tpu.memory_space<semaphore_mem>>)
      %dma_wait3A_233 = arith.constant 0 : i32
      %dma_wait3A_234 = arith.constant 0 : i32
      %dma_wait3A_235 = tpu.memref_slice %arg8[%dma_wait3A_233, %dma_wait3A_234] : memref<125x64xf32, #tpu.memory_space<vmem>> -> memref<80x64xf32, #tpu.memory_space<vmem>>
      %dma_wait3A_236 = arith.constant 0 : i32
      %dma_wait3A_237 = tpu.memref_slice %arg12[%add3A_14, %dma_wait3A_236] : memref<10240x64xf32, #tpu.memory_space<vmem_shared>> -> memref<80x64xf32, #tpu.memory_space<vmem_shared>>
      %dma_wait3A_238 = arith.constant 0 : i32
      %dma_wait3A_239 = tpu.memref_slice %arg12[%add3A_14, %dma_wait3A_238] : memref<10240x64xf32, #tpu.memory_space<vmem_shared>> -> memref<80x64xf32, #tpu.memory_space<vmem_shared>>
      %dma_wait3A_240 = arith.constant 0 : i32
      %dma_wait3A_241 = arith.constant 0 : i32
      %dma_wait3A_242 = tpu.memref_slice %arg8[%dma_wait3A_240, %dma_wait3A_241] : memref<125x64xf32, #tpu.memory_space<vmem>> -> memref<80x64xf32, #tpu.memory_space<vmem>>
      tpu.wait_dma2 semaphore(%run_scoped3A : memref<!tpu.dma_semaphore, #tpu.memory_space<semaphore_mem>>) src(%dma_wait3A_242 : memref<80x64xf32, #tpu.memory_space<vmem>>) dst(%dma_wait3A_239 : memref<80x64xf32, #tpu.memory_space<vmem_shared>>)
      tpu.yield
    }) : () -> ()
    %mul3A_15 = arith.constant 640 : i32
    %mul3A_16 = arith.muli %arg1, %mul3A_15 : i32
    %add3A_17 = arith.constant 240 : i32
    %add3A_18 = arith.addi %mul3A_16, %add3A_17 : i32
    "tpu.region"() ({
      %run_scoped3A = tpu.sem_alloc : memref<!tpu.dma_semaphore, #tpu.memory_space<semaphore_mem>>
      %dma_start3A_223 = arith.constant 0 : i32
      %dma_start3A_224 = arith.constant 0 : i32
      %dma_start3A_225 = tpu.memref_slice %arg8[%dma_start3A_223, %dma_start3A_224] : memref<125x64xf32, #tpu.memory_space<vmem>> -> memref<80x64xf32, #tpu.memory_space<vmem>>
      %dma_start3A_226 = arith.constant 0 : i32
      %dma_start3A_227 = tpu.memref_slice %arg12[%add3A_18, %dma_start3A_226] : memref<10240x64xf32, #tpu.memory_space<vmem_shared>> -> memref<80x64xf32, #tpu.memory_space<vmem_shared>>
      %dma_start3A_228 = arith.constant 0 : i32
      %dma_start3A_229 = tpu.memref_slice %arg12[%add3A_18, %dma_start3A_228] : memref<10240x64xf32, #tpu.memory_space<vmem_shared>> -> memref<80x64xf32, #tpu.memory_space<vmem_shared>>
      %dma_start3A_230 = arith.constant 0 : i32
      %dma_start3A_231 = arith.constant 0 : i32
      %dma_start3A_232 = tpu.memref_slice %arg8[%dma_start3A_230, %dma_start3A_231] : memref<125x64xf32, #tpu.memory_space<vmem>> -> memref<80x64xf32, #tpu.memory_space<vmem>>
      tpu.enqueue_dma source(%dma_start3A_232 : memref<80x64xf32, #tpu.memory_space<vmem>>) target(%dma_start3A_229 : memref<80x64xf32, #tpu.memory_space<vmem_shared>>) target_semaphore(%run_scoped3A : memref<!tpu.dma_semaphore, #tpu.memory_space<semaphore_mem>>)
      %dma_wait3A_233 = arith.constant 0 : i32
      %dma_wait3A_234 = arith.constant 0 : i32
      %dma_wait3A_235 = tpu.memref_slice %arg8[%dma_wait3A_233, %dma_wait3A_234] : memref<125x64xf32, #tpu.memory_space<vmem>> -> memref<80x64xf32, #tpu.memory_space<vmem>>
      %dma_wait3A_236 = arith.constant 0 : i32
      %dma_wait3A_237 = tpu.memref_slice %arg12[%add3A_18, %dma_wait3A_236] : memref<10240x64xf32, #tpu.memory_space<vmem_shared>> -> memref<80x64xf32, #tpu.memory_space<vmem_shared>>
      %dma_wait3A_238 = arith.constant 0 : i32
      %dma_wait3A_239 = tpu.memref_slice %arg12[%add3A_18, %dma_wait3A_238] : memref<10240x64xf32, #tpu.memory_space<vmem_shared>> -> memref<80x64xf32, #tpu.memory_space<vmem_shared>>
      %dma_wait3A_240 = arith.constant 0 : i32
      %dma_wait3A_241 = arith.constant 0 : i32
      %dma_wait3A_242 = tpu.memref_slice %arg8[%dma_wait3A_240, %dma_wait3A_241] : memref<125x64xf32, #tpu.memory_space<vmem>> -> memref<80x64xf32, #tpu.memory_space<vmem>>
      tpu.wait_dma2 semaphore(%run_scoped3A : memref<!tpu.dma_semaphore, #tpu.memory_space<semaphore_mem>>) src(%dma_wait3A_242 : memref<80x64xf32, #tpu.memory_space<vmem>>) dst(%dma_wait3A_239 : memref<80x64xf32, #tpu.memory_space<vmem_shared>>)
      tpu.yield
    }) : () -> ()
    %mul3A_19 = arith.constant 640 : i32
    %mul3A_20 = arith.muli %arg1, %mul3A_19 : i32
    %add3A_21 = arith.constant 320 : i32
    %add3A_22 = arith.addi %mul3A_20, %add3A_21 : i32
    "tpu.region"() ({
      %run_scoped3A = tpu.sem_alloc : memref<!tpu.dma_semaphore, #tpu.memory_space<semaphore_mem>>
      %dma_start3A_223 = arith.constant 0 : i32
      %dma_start3A_224 = arith.constant 0 : i32
      %dma_start3A_225 = tpu.memref_slice %arg8[%dma_start3A_223, %dma_start3A_224] : memref<125x64xf32, #tpu.memory_space<vmem>> -> memref<80x64xf32, #tpu.memory_space<vmem>>
      %dma_start3A_226 = arith.constant 0 : i32
      %dma_start3A_227 = tpu.memref_slice %arg12[%add3A_22, %dma_start3A_226] : memref<10240x64xf32, #tpu.memory_space<vmem_shared>> -> memref<80x64xf32, #tpu.memory_space<vmem_shared>>
      %dma_start3A_228 = arith.constant 0 : i32
      %dma_start3A_229 = tpu.memref_slice %arg12[%add3A_22, %dma_start3A_228] : memref<10240x64xf32, #tpu.memory_space<vmem_shared>> -> memref<80x64xf32, #tpu.memory_space<vmem_shared>>
      %dma_start3A_230 = arith.constant 0 : i32
      %dma_start3A_231 = arith.constant 0 : i32
      %dma_start3A_232 = tpu.memref_slice %arg8[%dma_start3A_230, %dma_start3A_231] : memref<125x64xf32, #tpu.memory_space<vmem>> -> memref<80x64xf32, #tpu.memory_space<vmem>>
      tpu.enqueue_dma source(%dma_start3A_232 : memref<80x64xf32, #tpu.memory_space<vmem>>) target(%dma_start3A_229 : memref<80x64xf32, #tpu.memory_space<vmem_shared>>) target_semaphore(%run_scoped3A : memref<!tpu.dma_semaphore, #tpu.memory_space<semaphore_mem>>)
      %dma_wait3A_233 = arith.constant 0 : i32
      %dma_wait3A_234 = arith.constant 0 : i32
      %dma_wait3A_235 = tpu.memref_slice %arg8[%dma_wait3A_233, %dma_wait3A_234] : memref<125x64xf32, #tpu.memory_space<vmem>> -> memref<80x64xf32, #tpu.memory_space<vmem>>
      %dma_wait3A_236 = arith.constant 0 : i32
      %dma_wait3A_237 = tpu.memref_slice %arg12[%add3A_22, %dma_wait3A_236] : memref<10240x64xf32, #tpu.memory_space<vmem_shared>> -> memref<80x64xf32, #tpu.memory_space<vmem_shared>>
      %dma_wait3A_238 = arith.constant 0 : i32
      %dma_wait3A_239 = tpu.memref_slice %arg12[%add3A_22, %dma_wait3A_238] : memref<10240x64xf32, #tpu.memory_space<vmem_shared>> -> memref<80x64xf32, #tpu.memory_space<vmem_shared>>
      %dma_wait3A_240 = arith.constant 0 : i32
      %dma_wait3A_241 = arith.constant 0 : i32
      %dma_wait3A_242 = tpu.memref_slice %arg8[%dma_wait3A_240, %dma_wait3A_241] : memref<125x64xf32, #tpu.memory_space<vmem>> -> memref<80x64xf32, #tpu.memory_space<vmem>>
      tpu.wait_dma2 semaphore(%run_scoped3A : memref<!tpu.dma_semaphore, #tpu.memory_space<semaphore_mem>>) src(%dma_wait3A_242 : memref<80x64xf32, #tpu.memory_space<vmem>>) dst(%dma_wait3A_239 : memref<80x64xf32, #tpu.memory_space<vmem_shared>>)
      tpu.yield
    }) : () -> ()
    %mul3A_23 = arith.constant 640 : i32
    %mul3A_24 = arith.muli %arg1, %mul3A_23 : i32
    %add3A_25 = arith.constant 400 : i32
    %add3A_26 = arith.addi %mul3A_24, %add3A_25 : i32
    "tpu.region"() ({
      %run_scoped3A = tpu.sem_alloc : memref<!tpu.dma_semaphore, #tpu.memory_space<semaphore_mem>>
      %dma_start3A_223 = arith.constant 0 : i32
      %dma_start3A_224 = arith.constant 0 : i32
      %dma_start3A_225 = tpu.memref_slice %arg8[%dma_start3A_223, %dma_start3A_224] : memref<125x64xf32, #tpu.memory_space<vmem>> -> memref<80x64xf32, #tpu.memory_space<vmem>>
      %dma_start3A_226 = arith.constant 0 : i32
      %dma_start3A_227 = tpu.memref_slice %arg12[%add3A_26, %dma_start3A_226] : memref<10240x64xf32, #tpu.memory_space<vmem_shared>> -> memref<80x64xf32, #tpu.memory_space<vmem_shared>>
      %dma_start3A_228 = arith.constant 0 : i32
      %dma_start3A_229 = tpu.memref_slice %arg12[%add3A_26, %dma_start3A_228] : memref<10240x64xf32, #tpu.memory_space<vmem_shared>> -> memref<80x64xf32, #tpu.memory_space<vmem_shared>>
      %dma_start3A_230 = arith.constant 0 : i32
      %dma_start3A_231 = arith.constant 0 : i32
      %dma_start3A_232 = tpu.memref_slice %arg8[%dma_start3A_230, %dma_start3A_231] : memref<125x64xf32, #tpu.memory_space<vmem>> -> memref<80x64xf32, #tpu.memory_space<vmem>>
      tpu.enqueue_dma source(%dma_start3A_232 : memref<80x64xf32, #tpu.memory_space<vmem>>) target(%dma_start3A_229 : memref<80x64xf32, #tpu.memory_space<vmem_shared>>) target_semaphore(%run_scoped3A : memref<!tpu.dma_semaphore, #tpu.memory_space<semaphore_mem>>)
      %dma_wait3A_233 = arith.constant 0 : i32
      %dma_wait3A_234 = arith.constant 0 : i32
      %dma_wait3A_235 = tpu.memref_slice %arg8[%dma_wait3A_233, %dma_wait3A_234] : memref<125x64xf32, #tpu.memory_space<vmem>> -> memref<80x64xf32, #tpu.memory_space<vmem>>
      %dma_wait3A_236 = arith.constant 0 : i32
      %dma_wait3A_237 = tpu.memref_slice %arg12[%add3A_26, %dma_wait3A_236] : memref<10240x64xf32, #tpu.memory_space<vmem_shared>> -> memref<80x64xf32, #tpu.memory_space<vmem_shared>>
      %dma_wait3A_238 = arith.constant 0 : i32
      %dma_wait3A_239 = tpu.memref_slice %arg12[%add3A_26, %dma_wait3A_238] : memref<10240x64xf32, #tpu.memory_space<vmem_shared>> -> memref<80x64xf32, #tpu.memory_space<vmem_shared>>
      %dma_wait3A_240 = arith.constant 0 : i32
      %dma_wait3A_241 = arith.constant 0 : i32
      %dma_wait3A_242 = tpu.memref_slice %arg8[%dma_wait3A_240, %dma_wait3A_241] : memref<125x64xf32, #tpu.memory_space<vmem>> -> memref<80x64xf32, #tpu.memory_space<vmem>>
      tpu.wait_dma2 semaphore(%run_scoped3A : memref<!tpu.dma_semaphore, #tpu.memory_space<semaphore_mem>>) src(%dma_wait3A_242 : memref<80x64xf32, #tpu.memory_space<vmem>>) dst(%dma_wait3A_239 : memref<80x64xf32, #tpu.memory_space<vmem_shared>>)
      tpu.yield
    }) : () -> ()
    %mul3A_27 = arith.constant 640 : i32
    %mul3A_28 = arith.muli %arg1, %mul3A_27 : i32
    %add3A_29 = arith.constant 480 : i32
    %add3A_30 = arith.addi %mul3A_28, %add3A_29 : i32
    "tpu.region"() ({
      %run_scoped3A = tpu.sem_alloc : memref<!tpu.dma_semaphore, #tpu.memory_space<semaphore_mem>>
      %dma_start3A_223 = arith.constant 0 : i32
      %dma_start3A_224 = arith.constant 0 : i32
      %dma_start3A_225 = tpu.memref_slice %arg8[%dma_start3A_223, %dma_start3A_224] : memref<125x64xf32, #tpu.memory_space<vmem>> -> memref<80x64xf32, #tpu.memory_space<vmem>>
      %dma_start3A_226 = arith.constant 0 : i32
      %dma_start3A_227 = tpu.memref_slice %arg12[%add3A_30, %dma_start3A_226] : memref<10240x64xf32, #tpu.memory_space<vmem_shared>> -> memref<80x64xf32, #tpu.memory_space<vmem_shared>>
      %dma_start3A_228 = arith.constant 0 : i32
      %dma_start3A_229 = tpu.memref_slice %arg12[%add3A_30, %dma_start3A_228] : memref<10240x64xf32, #tpu.memory_space<vmem_shared>> -> memref<80x64xf32, #tpu.memory_space<vmem_shared>>
      %dma_start3A_230 = arith.constant 0 : i32
      %dma_start3A_231 = arith.constant 0 : i32
      %dma_start3A_232 = tpu.memref_slice %arg8[%dma_start3A_230, %dma_start3A_231] : memref<125x64xf32, #tpu.memory_space<vmem>> -> memref<80x64xf32, #tpu.memory_space<vmem>>
      tpu.enqueue_dma source(%dma_start3A_232 : memref<80x64xf32, #tpu.memory_space<vmem>>) target(%dma_start3A_229 : memref<80x64xf32, #tpu.memory_space<vmem_shared>>) target_semaphore(%run_scoped3A : memref<!tpu.dma_semaphore, #tpu.memory_space<semaphore_mem>>)
      %dma_wait3A_233 = arith.constant 0 : i32
      %dma_wait3A_234 = arith.constant 0 : i32
      %dma_wait3A_235 = tpu.memref_slice %arg8[%dma_wait3A_233, %dma_wait3A_234] : memref<125x64xf32, #tpu.memory_space<vmem>> -> memref<80x64xf32, #tpu.memory_space<vmem>>
      %dma_wait3A_236 = arith.constant 0 : i32
      %dma_wait3A_237 = tpu.memref_slice %arg12[%add3A_30, %dma_wait3A_236] : memref<10240x64xf32, #tpu.memory_space<vmem_shared>> -> memref<80x64xf32, #tpu.memory_space<vmem_shared>>
      %dma_wait3A_238 = arith.constant 0 : i32
      %dma_wait3A_239 = tpu.memref_slice %arg12[%add3A_30, %dma_wait3A_238] : memref<10240x64xf32, #tpu.memory_space<vmem_shared>> -> memref<80x64xf32, #tpu.memory_space<vmem_shared>>
      %dma_wait3A_240 = arith.constant 0 : i32
      %dma_wait3A_241 = arith.constant 0 : i32
      %dma_wait3A_242 = tpu.memref_slice %arg8[%dma_wait3A_240, %dma_wait3A_241] : memref<125x64xf32, #tpu.memory_space<vmem>> -> memref<80x64xf32, #tpu.memory_space<vmem>>
      tpu.wait_dma2 semaphore(%run_scoped3A : memref<!tpu.dma_semaphore, #tpu.memory_space<semaphore_mem>>) src(%dma_wait3A_242 : memref<80x64xf32, #tpu.memory_space<vmem>>) dst(%dma_wait3A_239 : memref<80x64xf32, #tpu.memory_space<vmem_shared>>)
      tpu.yield
    }) : () -> ()
    %mul3A_31 = arith.constant 640 : i32
    %mul3A_32 = arith.muli %arg1, %mul3A_31 : i32
    %add3A_33 = arith.constant 560 : i32
    %add3A_34 = arith.addi %mul3A_32, %add3A_33 : i32
    "tpu.region"() ({
      %run_scoped3A = tpu.sem_alloc : memref<!tpu.dma_semaphore, #tpu.memory_space<semaphore_mem>>
      %dma_start3A_223 = arith.constant 0 : i32
      %dma_start3A_224 = arith.constant 0 : i32
      %dma_start3A_225 = tpu.memref_slice %arg8[%dma_start3A_223, %dma_start3A_224] : memref<125x64xf32, #tpu.memory_space<vmem>> -> memref<80x64xf32, #tpu.memory_space<vmem>>
      %dma_start3A_226 = arith.constant 0 : i32
      %dma_start3A_227 = tpu.memref_slice %arg12[%add3A_34, %dma_start3A_226] : memref<10240x64xf32, #tpu.memory_space<vmem_shared>> -> memref<80x64xf32, #tpu.memory_space<vmem_shared>>
      %dma_start3A_228 = arith.constant 0 : i32
      %dma_start3A_229 = tpu.memref_slice %arg12[%add3A_34, %dma_start3A_228] : memref<10240x64xf32, #tpu.memory_space<vmem_shared>> -> memref<80x64xf32, #tpu.memory_space<vmem_shared>>
      %dma_start3A_230 = arith.constant 0 : i32
      %dma_start3A_231 = arith.constant 0 : i32
      %dma_start3A_232 = tpu.memref_slice %arg8[%dma_start3A_230, %dma_start3A_231] : memref<125x64xf32, #tpu.memory_space<vmem>> -> memref<80x64xf32, #tpu.memory_space<vmem>>
      tpu.enqueue_dma source(%dma_start3A_232 : memref<80x64xf32, #tpu.memory_space<vmem>>) target(%dma_start3A_229 : memref<80x64xf32, #tpu.memory_space<vmem_shared>>) target_semaphore(%run_scoped3A : memref<!tpu.dma_semaphore, #tpu.memory_space<semaphore_mem>>)
      %dma_wait3A_233 = arith.constant 0 : i32
      %dma_wait3A_234 = arith.constant 0 : i32
      %dma_wait3A_235 = tpu.memref_slice %arg8[%dma_wait3A_233, %dma_wait3A_234] : memref<125x64xf32, #tpu.memory_space<vmem>> -> memref<80x64xf32, #tpu.memory_space<vmem>>
      %dma_wait3A_236 = arith.constant 0 : i32
      %dma_wait3A_237 = tpu.memref_slice %arg12[%add3A_34, %dma_wait3A_236] : memref<10240x64xf32, #tpu.memory_space<vmem_shared>> -> memref<80x64xf32, #tpu.memory_space<vmem_shared>>
      %dma_wait3A_238 = arith.constant 0 : i32
      %dma_wait3A_239 = tpu.memref_slice %arg12[%add3A_34, %dma_wait3A_238] : memref<10240x64xf32, #tpu.memory_space<vmem_shared>> -> memref<80x64xf32, #tpu.memory_space<vmem_shared>>
      %dma_wait3A_240 = arith.constant 0 : i32
      %dma_wait3A_241 = arith.constant 0 : i32
      %dma_wait3A_242 = tpu.memref_slice %arg8[%dma_wait3A_240, %dma_wait3A_241] : memref<125x64xf32, #tpu.memory_space<vmem>> -> memref<80x64xf32, #tpu.memory_space<vmem>>
      tpu.wait_dma2 semaphore(%run_scoped3A : memref<!tpu.dma_semaphore, #tpu.memory_space<semaphore_mem>>) src(%dma_wait3A_242 : memref<80x64xf32, #tpu.memory_space<vmem>>) dst(%dma_wait3A_239 : memref<80x64xf32, #tpu.memory_space<vmem_shared>>)
      tpu.yield
    }) : () -> ()
    %barrier3A = arith.constant 0 : index
    tpu.barrier barrier_id(%barrier3A)
    %dma_start3A = arith.constant 0 : i32
    %dma_start3A_35 = arith.constant 0 : i32
    %dma_start3A_36 = tpu.memref_slice %arg6[%dma_start3A, %dma_start3A_35] : memref<160x125xi32, #tpu.memory_space<vmem>> -> memref<1x125xi32, #tpu.memory_space<vmem>>
    %dma_start3A_37 = tpu.memref_squeeze %dma_start3A_36 : memref<1x125xi32, #tpu.memory_space<vmem>> -> memref<125xi32, #tpu.memory_space<vmem>>
    %dma_start3A_38 = arith.constant 0 : i32
    %dma_start3A_39 = arith.constant 0 : i32
    %dma_start3A_40 = tpu.memref_slice %arg2[%arg0, %dma_start3A_38, %dma_start3A_39] : memref<2x10000x64xf32, #tpu.memory_space<hbm>> -> memref<1x10000x64xf32, #tpu.memory_space<hbm>>
    %dma_start3A_41 = tpu.memref_squeeze %dma_start3A_40 : memref<1x10000x64xf32, #tpu.memory_space<hbm>> -> memref<10000x64xf32, #tpu.memory_space<hbm>>
    %dma_start3A_42 = arith.constant 0 : i32
    %dma_start3A_43 = arith.constant 0 : i32
    %dma_start3A_44 = tpu.memref_slice %dma_start3A_41[%dma_start3A_42, %dma_start3A_43] : memref<10000x64xf32, #tpu.memory_space<hbm>> -> memref<10000x64xf32, #tpu.memory_space<hbm>>
    tpu.enqueue_indirect_dma source(%dma_start3A_44 : memref<10000x64xf32, #tpu.memory_space<hbm>>) target(%arg8 : memref<125x64xf32, #tpu.memory_space<vmem>>) offsets(%dma_start3A_37 : memref<125xi32, #tpu.memory_space<vmem>>) semaphore(%arg13 : memref<!tpu.dma_semaphore, #tpu.memory_space<semaphore_mem>>)
    %dma_start3A_45 = arith.constant 1 : i32
    %dma_start3A_46 = arith.constant 0 : i32
    %dma_start3A_47 = tpu.memref_slice %arg6[%dma_start3A_45, %dma_start3A_46] : memref<160x125xi32, #tpu.memory_space<vmem>> -> memref<1x125xi32, #tpu.memory_space<vmem>>
    %dma_start3A_48 = tpu.memref_squeeze %dma_start3A_47 : memref<1x125xi32, #tpu.memory_space<vmem>> -> memref<125xi32, #tpu.memory_space<vmem>>
    %dma_start3A_49 = arith.constant 0 : i32
    %dma_start3A_50 = arith.constant 0 : i32
    %dma_start3A_51 = tpu.memref_slice %arg2[%arg0, %dma_start3A_49, %dma_start3A_50] : memref<2x10000x64xf32, #tpu.memory_space<hbm>> -> memref<1x10000x64xf32, #tpu.memory_space<hbm>>
    %dma_start3A_52 = tpu.memref_squeeze %dma_start3A_51 : memref<1x10000x64xf32, #tpu.memory_space<hbm>> -> memref<10000x64xf32, #tpu.memory_space<hbm>>
    %dma_start3A_53 = arith.constant 0 : i32
    %dma_start3A_54 = arith.constant 0 : i32
    %dma_start3A_55 = tpu.memref_slice %dma_start3A_52[%dma_start3A_53, %dma_start3A_54] : memref<10000x64xf32, #tpu.memory_space<hbm>> -> memref<10000x64xf32, #tpu.memory_space<hbm>>
    tpu.enqueue_indirect_dma source(%dma_start3A_55 : memref<10000x64xf32, #tpu.memory_space<hbm>>) target(%arg9 : memref<125x64xf32, #tpu.memory_space<vmem>>) offsets(%dma_start3A_48 : memref<125xi32, #tpu.memory_space<vmem>>) semaphore(%arg14 : memref<!tpu.dma_semaphore, #tpu.memory_space<semaphore_mem>>)
    %dma_start3A_56 = arith.constant 2 : i32
    %dma_start3A_57 = arith.constant 0 : i32
    %dma_start3A_58 = tpu.memref_slice %arg6[%dma_start3A_56, %dma_start3A_57] : memref<160x125xi32, #tpu.memory_space<vmem>> -> memref<1x125xi32, #tpu.memory_space<vmem>>
    %dma_start3A_59 = tpu.memref_squeeze %dma_start3A_58 : memref<1x125xi32, #tpu.memory_space<vmem>> -> memref<125xi32, #tpu.memory_space<vmem>>
    %dma_start3A_60 = arith.constant 0 : i32
    %dma_start3A_61 = arith.constant 0 : i32
    %dma_start3A_62 = tpu.memref_slice %arg2[%arg0, %dma_start3A_60, %dma_start3A_61] : memref<2x10000x64xf32, #tpu.memory_space<hbm>> -> memref<1x10000x64xf32, #tpu.memory_space<hbm>>
    %dma_start3A_63 = tpu.memref_squeeze %dma_start3A_62 : memref<1x10000x64xf32, #tpu.memory_space<hbm>> -> memref<10000x64xf32, #tpu.memory_space<hbm>>
    %dma_start3A_64 = arith.constant 0 : i32
    %dma_start3A_65 = arith.constant 0 : i32
    %dma_start3A_66 = tpu.memref_slice %dma_start3A_63[%dma_start3A_64, %dma_start3A_65] : memref<10000x64xf32, #tpu.memory_space<hbm>> -> memref<10000x64xf32, #tpu.memory_space<hbm>>
    tpu.enqueue_indirect_dma source(%dma_start3A_66 : memref<10000x64xf32, #tpu.memory_space<hbm>>) target(%arg10 : memref<125x64xf32, #tpu.memory_space<vmem>>) offsets(%dma_start3A_59 : memref<125xi32, #tpu.memory_space<vmem>>) semaphore(%arg15 : memref<!tpu.dma_semaphore, #tpu.memory_space<semaphore_mem>>)
    %scan3A_67 = arith.constant 0 : i32
    %scan3A_68 = arith.constant 0 : i32
    %scan3A_69 = arith.constant 39 : i32
    %scan3A_70 = arith.addi %scan3A_68, %scan3A_69 : i32
    %scan3A_71 = arith.constant 1 : i32
    scf.for %scan3A_223 = %scan3A_68 to %scan3A_70 step %scan3A_71  : i32 {
      %mul3A_224 = arith.constant 4 : i32
      %mul3A_225 = arith.muli %scan3A_223, %mul3A_224 : i32
      %add3A_226 = arith.constant 0 : i32
      %add3A_227 = arith.addi %mul3A_225, %add3A_226 : i32
      %dma_wait3A_228 = arith.constant 0 : i32
      %dma_wait3A_229 = tpu.memref_slice %arg6[%add3A_227, %dma_wait3A_228] : memref<160x125xi32, #tpu.memory_space<vmem>> -> memref<1x125xi32, #tpu.memory_space<vmem>>
      %dma_wait3A_230 = tpu.memref_squeeze %dma_wait3A_229 : memref<1x125xi32, #tpu.memory_space<vmem>> -> memref<125xi32, #tpu.memory_space<vmem>>
      %dma_wait3A_231 = arith.constant 0 : i32
      %dma_wait3A_232 = arith.constant 0 : i32
      %dma_wait3A_233 = tpu.memref_slice %arg2[%arg0, %dma_wait3A_231, %dma_wait3A_232] : memref<2x10000x64xf32, #tpu.memory_space<hbm>> -> memref<1x10000x64xf32, #tpu.memory_space<hbm>>
      %dma_wait3A_234 = tpu.memref_squeeze %dma_wait3A_233 : memref<1x10000x64xf32, #tpu.memory_space<hbm>> -> memref<10000x64xf32, #tpu.memory_space<hbm>>
      %dma_wait3A_235 = arith.constant 0 : i32
      %dma_wait3A_236 = arith.constant 0 : i32
      %dma_wait3A_237 = tpu.memref_slice %dma_wait3A_234[%dma_wait3A_235, %dma_wait3A_236] : memref<10000x64xf32, #tpu.memory_space<hbm>> -> memref<10000x64xf32, #tpu.memory_space<hbm>>
      tpu.wait_indirect_dma semaphore(%arg13 : memref<!tpu.dma_semaphore, #tpu.memory_space<semaphore_mem>>) src(%dma_wait3A_237 : memref<10000x64xf32, #tpu.memory_space<hbm>>) dst(%arg8 : memref<125x64xf32, #tpu.memory_space<vmem>>)
      %ge3A = arith.constant 1 : i32
      %ge3A_238 = arith.cmpi sge, %add3A_227, %ge3A : i32
      %convert_element_type3A = arith.extui %ge3A_238 : i1 to i32
      %cond3A = arith.constant 0 : i32
      %cond3A_239 = arith.cmpi ne, %convert_element_type3A, %cond3A : i32
      scf.if %cond3A_239 {
        %sub3A_385 = arith.constant 1 : i32
        %sub3A_386 = arith.subi %add3A_227, %sub3A_385 : i32
        %dma_wait3A_387 = arith.constant 0 : i32
        %dma_wait3A_388 = tpu.memref_slice %arg7[%sub3A_386, %dma_wait3A_387] : memref<160x125xi32, #tpu.memory_space<vmem>> -> memref<1x125xi32, #tpu.memory_space<vmem>>
        %dma_wait3A_389 = tpu.memref_squeeze %dma_wait3A_388 : memref<1x125xi32, #tpu.memory_space<vmem>> -> memref<125xi32, #tpu.memory_space<vmem>>
        %dma_wait3A_390 = arith.constant 0 : i32
        %dma_wait3A_391 = arith.constant 0 : i32
        %dma_wait3A_392 = tpu.memref_slice %arg12[%dma_wait3A_390, %dma_wait3A_391] : memref<10240x64xf32, #tpu.memory_space<vmem_shared>> -> memref<10240x64xf32, #tpu.memory_space<vmem_shared>>
        tpu.wait_indirect_dma semaphore(%arg20 : memref<!tpu.dma_semaphore, #tpu.memory_space<semaphore_mem>>) src(%arg11 : memref<125x64xf32, #tpu.memory_space<vmem>>) dst(%dma_wait3A_392 : memref<10240x64xf32, #tpu.memory_space<vmem_shared>>)
      } else {
      }
      %add3A_240 = arith.constant 4 : i32
      %add3A_241 = arith.addi %add3A_227, %add3A_240 : i32
      %sub3A = arith.constant 1 : i32
      %sub3A_242 = arith.subi %add3A_241, %sub3A : i32
      %dma_start3A_243 = arith.constant 0 : i32
      %dma_start3A_244 = tpu.memref_slice %arg6[%sub3A_242, %dma_start3A_243] : memref<160x125xi32, #tpu.memory_space<vmem>> -> memref<1x125xi32, #tpu.memory_space<vmem>>
      %dma_start3A_245 = tpu.memref_squeeze %dma_start3A_244 : memref<1x125xi32, #tpu.memory_space<vmem>> -> memref<125xi32, #tpu.memory_space<vmem>>
      %dma_start3A_246 = arith.constant 0 : i32
      %dma_start3A_247 = arith.constant 0 : i32
      %dma_start3A_248 = tpu.memref_slice %arg2[%arg0, %dma_start3A_246, %dma_start3A_247] : memref<2x10000x64xf32, #tpu.memory_space<hbm>> -> memref<1x10000x64xf32, #tpu.memory_space<hbm>>
      %dma_start3A_249 = tpu.memref_squeeze %dma_start3A_248 : memref<1x10000x64xf32, #tpu.memory_space<hbm>> -> memref<10000x64xf32, #tpu.memory_space<hbm>>
      %dma_start3A_250 = arith.constant 0 : i32
      %dma_start3A_251 = arith.constant 0 : i32
      %dma_start3A_252 = tpu.memref_slice %dma_start3A_249[%dma_start3A_250, %dma_start3A_251] : memref<10000x64xf32, #tpu.memory_space<hbm>> -> memref<10000x64xf32, #tpu.memory_space<hbm>>
      tpu.enqueue_indirect_dma source(%dma_start3A_252 : memref<10000x64xf32, #tpu.memory_space<hbm>>) target(%arg11 : memref<125x64xf32, #tpu.memory_space<vmem>>) offsets(%dma_start3A_245 : memref<125xi32, #tpu.memory_space<vmem>>) semaphore(%arg16 : memref<!tpu.dma_semaphore, #tpu.memory_space<semaphore_mem>>)
      %dma_start3A_253 = arith.constant 0 : i32
      %dma_start3A_254 = tpu.memref_slice %arg7[%add3A_227, %dma_start3A_253] : memref<160x125xi32, #tpu.memory_space<vmem>> -> memref<1x125xi32, #tpu.memory_space<vmem>>
      %dma_start3A_255 = tpu.memref_squeeze %dma_start3A_254 : memref<1x125xi32, #tpu.memory_space<vmem>> -> memref<125xi32, #tpu.memory_space<vmem>>
      %dma_start3A_256 = arith.constant 0 : i32
      %dma_start3A_257 = arith.constant 0 : i32
      %dma_start3A_258 = tpu.memref_slice %arg12[%dma_start3A_256, %dma_start3A_257] : memref<10240x64xf32, #tpu.memory_space<vmem_shared>> -> memref<10240x64xf32, #tpu.memory_space<vmem_shared>>
      tpu.enqueue_indirect_dma source(%arg8 : memref<125x64xf32, #tpu.memory_space<vmem>>) target(%dma_start3A_258 : memref<10240x64xf32, #tpu.memory_space<vmem_shared>>) offsets(%dma_start3A_255 : memref<125xi32, #tpu.memory_space<vmem>>) semaphore(%arg17 : memref<!tpu.dma_semaphore, #tpu.memory_space<semaphore_mem>>) {add = true}
      %mul3A_259 = arith.constant 4 : i32
      %mul3A_260 = arith.muli %scan3A_223, %mul3A_259 : i32
      %add3A_261 = arith.constant 1 : i32
      %add3A_262 = arith.addi %mul3A_260, %add3A_261 : i32
      %dma_wait3A_263 = arith.constant 0 : i32
      %dma_wait3A_264 = tpu.memref_slice %arg6[%add3A_262, %dma_wait3A_263] : memref<160x125xi32, #tpu.memory_space<vmem>> -> memref<1x125xi32, #tpu.memory_space<vmem>>
      %dma_wait3A_265 = tpu.memref_squeeze %dma_wait3A_264 : memref<1x125xi32, #tpu.memory_space<vmem>> -> memref<125xi32, #tpu.memory_space<vmem>>
      %dma_wait3A_266 = arith.constant 0 : i32
      %dma_wait3A_267 = arith.constant 0 : i32
      %dma_wait3A_268 = tpu.memref_slice %arg2[%arg0, %dma_wait3A_266, %dma_wait3A_267] : memref<2x10000x64xf32, #tpu.memory_space<hbm>> -> memref<1x10000x64xf32, #tpu.memory_space<hbm>>
      %dma_wait3A_269 = tpu.memref_squeeze %dma_wait3A_268 : memref<1x10000x64xf32, #tpu.memory_space<hbm>> -> memref<10000x64xf32, #tpu.memory_space<hbm>>
      %dma_wait3A_270 = arith.constant 0 : i32
      %dma_wait3A_271 = arith.constant 0 : i32
      %dma_wait3A_272 = tpu.memref_slice %dma_wait3A_269[%dma_wait3A_270, %dma_wait3A_271] : memref<10000x64xf32, #tpu.memory_space<hbm>> -> memref<10000x64xf32, #tpu.memory_space<hbm>>
      tpu.wait_indirect_dma semaphore(%arg14 : memref<!tpu.dma_semaphore, #tpu.memory_space<semaphore_mem>>) src(%dma_wait3A_272 : memref<10000x64xf32, #tpu.memory_space<hbm>>) dst(%arg9 : memref<125x64xf32, #tpu.memory_space<vmem>>)
      %sub3A_273 = arith.constant 1 : i32
      %sub3A_274 = arith.subi %add3A_262, %sub3A_273 : i32
      %dma_wait3A_275 = arith.constant 0 : i32
      %dma_wait3A_276 = tpu.memref_slice %arg7[%sub3A_274, %dma_wait3A_275] : memref<160x125xi32, #tpu.memory_space<vmem>> -> memref<1x125xi32, #tpu.memory_space<vmem>>
      %dma_wait3A_277 = tpu.memref_squeeze %dma_wait3A_276 : memref<1x125xi32, #tpu.memory_space<vmem>> -> memref<125xi32, #tpu.memory_space<vmem>>
      %dma_wait3A_278 = arith.constant 0 : i32
      %dma_wait3A_279 = arith.constant 0 : i32
      %dma_wait3A_280 = tpu.memref_slice %arg12[%dma_wait3A_278, %dma_wait3A_279] : memref<10240x64xf32, #tpu.memory_space<vmem_shared>> -> memref<10240x64xf32, #tpu.memory_space<vmem_shared>>
      tpu.wait_indirect_dma semaphore(%arg17 : memref<!tpu.dma_semaphore, #tpu.memory_space<semaphore_mem>>) src(%arg8 : memref<125x64xf32, #tpu.memory_space<vmem>>) dst(%dma_wait3A_280 : memref<10240x64xf32, #tpu.memory_space<vmem_shared>>)
      %add3A_281 = arith.constant 4 : i32
      %add3A_282 = arith.addi %add3A_262, %add3A_281 : i32
      %sub3A_283 = arith.constant 1 : i32
      %sub3A_284 = arith.subi %add3A_282, %sub3A_283 : i32
      %dma_start3A_285 = arith.constant 0 : i32
      %dma_start3A_286 = tpu.memref_slice %arg6[%sub3A_284, %dma_start3A_285] : memref<160x125xi32, #tpu.memory_space<vmem>> -> memref<1x125xi32, #tpu.memory_space<vmem>>
      %dma_start3A_287 = tpu.memref_squeeze %dma_start3A_286 : memref<1x125xi32, #tpu.memory_space<vmem>> -> memref<125xi32, #tpu.memory_space<vmem>>
      %dma_start3A_288 = arith.constant 0 : i32
      %dma_start3A_289 = arith.constant 0 : i32
      %dma_start3A_290 = tpu.memref_slice %arg2[%arg0, %dma_start3A_288, %dma_start3A_289] : memref<2x10000x64xf32, #tpu.memory_space<hbm>> -> memref<1x10000x64xf32, #tpu.memory_space<hbm>>
      %dma_start3A_291 = tpu.memref_squeeze %dma_start3A_290 : memref<1x10000x64xf32, #tpu.memory_space<hbm>> -> memref<10000x64xf32, #tpu.memory_space<hbm>>
      %dma_start3A_292 = arith.constant 0 : i32
      %dma_start3A_293 = arith.constant 0 : i32
      %dma_start3A_294 = tpu.memref_slice %dma_start3A_291[%dma_start3A_292, %dma_start3A_293] : memref<10000x64xf32, #tpu.memory_space<hbm>> -> memref<10000x64xf32, #tpu.memory_space<hbm>>
      tpu.enqueue_indirect_dma source(%dma_start3A_294 : memref<10000x64xf32, #tpu.memory_space<hbm>>) target(%arg8 : memref<125x64xf32, #tpu.memory_space<vmem>>) offsets(%dma_start3A_287 : memref<125xi32, #tpu.memory_space<vmem>>) semaphore(%arg13 : memref<!tpu.dma_semaphore, #tpu.memory_space<semaphore_mem>>)
      %dma_start3A_295 = arith.constant 0 : i32
      %dma_start3A_296 = tpu.memref_slice %arg7[%add3A_262, %dma_start3A_295] : memref<160x125xi32, #tpu.memory_space<vmem>> -> memref<1x125xi32, #tpu.memory_space<vmem>>
      %dma_start3A_297 = tpu.memref_squeeze %dma_start3A_296 : memref<1x125xi32, #tpu.memory_space<vmem>> -> memref<125xi32, #tpu.memory_space<vmem>>
      %dma_start3A_298 = arith.constant 0 : i32
      %dma_start3A_299 = arith.constant 0 : i32
      %dma_start3A_300 = tpu.memref_slice %arg12[%dma_start3A_298, %dma_start3A_299] : memref<10240x64xf32, #tpu.memory_space<vmem_shared>> -> memref<10240x64xf32, #tpu.memory_space<vmem_shared>>
      tpu.enqueue_indirect_dma source(%arg9 : memref<125x64xf32, #tpu.memory_space<vmem>>) target(%dma_start3A_300 : memref<10240x64xf32, #tpu.memory_space<vmem_shared>>) offsets(%dma_start3A_297 : memref<125xi32, #tpu.memory_space<vmem>>) semaphore(%arg18 : memref<!tpu.dma_semaphore, #tpu.memory_space<semaphore_mem>>) {add = true}
      %mul3A_301 = arith.constant 4 : i32
      %mul3A_302 = arith.muli %scan3A_223, %mul3A_301 : i32
      %add3A_303 = arith.constant 2 : i32
      %add3A_304 = arith.addi %mul3A_302, %add3A_303 : i32
      %dma_wait3A_305 = arith.constant 0 : i32
      %dma_wait3A_306 = tpu.memref_slice %arg6[%add3A_304, %dma_wait3A_305] : memref<160x125xi32, #tpu.memory_space<vmem>> -> memref<1x125xi32, #tpu.memory_space<vmem>>
      %dma_wait3A_307 = tpu.memref_squeeze %dma_wait3A_306 : memref<1x125xi32, #tpu.memory_space<vmem>> -> memref<125xi32, #tpu.memory_space<vmem>>
      %dma_wait3A_308 = arith.constant 0 : i32
      %dma_wait3A_309 = arith.constant 0 : i32
      %dma_wait3A_310 = tpu.memref_slice %arg2[%arg0, %dma_wait3A_308, %dma_wait3A_309] : memref<2x10000x64xf32, #tpu.memory_space<hbm>> -> memref<1x10000x64xf32, #tpu.memory_space<hbm>>
      %dma_wait3A_311 = tpu.memref_squeeze %dma_wait3A_310 : memref<1x10000x64xf32, #tpu.memory_space<hbm>> -> memref<10000x64xf32, #tpu.memory_space<hbm>>
      %dma_wait3A_312 = arith.constant 0 : i32
      %dma_wait3A_313 = arith.constant 0 : i32
      %dma_wait3A_314 = tpu.memref_slice %dma_wait3A_311[%dma_wait3A_312, %dma_wait3A_313] : memref<10000x64xf32, #tpu.memory_space<hbm>> -> memref<10000x64xf32, #tpu.memory_space<hbm>>
      tpu.wait_indirect_dma semaphore(%arg15 : memref<!tpu.dma_semaphore, #tpu.memory_space<semaphore_mem>>) src(%dma_wait3A_314 : memref<10000x64xf32, #tpu.memory_space<hbm>>) dst(%arg10 : memref<125x64xf32, #tpu.memory_space<vmem>>)
      %sub3A_315 = arith.constant 1 : i32
      %sub3A_316 = arith.subi %add3A_304, %sub3A_315 : i32
      %dma_wait3A_317 = arith.constant 0 : i32
      %dma_wait3A_318 = tpu.memref_slice %arg7[%sub3A_316, %dma_wait3A_317] : memref<160x125xi32, #tpu.memory_space<vmem>> -> memref<1x125xi32, #tpu.memory_space<vmem>>
      %dma_wait3A_319 = tpu.memref_squeeze %dma_wait3A_318 : memref<1x125xi32, #tpu.memory_space<vmem>> -> memref<125xi32, #tpu.memory_space<vmem>>
      %dma_wait3A_320 = arith.constant 0 : i32
      %dma_wait3A_321 = arith.constant 0 : i32
      %dma_wait3A_322 = tpu.memref_slice %arg12[%dma_wait3A_320, %dma_wait3A_321] : memref<10240x64xf32, #tpu.memory_space<vmem_shared>> -> memref<10240x64xf32, #tpu.memory_space<vmem_shared>>
      tpu.wait_indirect_dma semaphore(%arg18 : memref<!tpu.dma_semaphore, #tpu.memory_space<semaphore_mem>>) src(%arg9 : memref<125x64xf32, #tpu.memory_space<vmem>>) dst(%dma_wait3A_322 : memref<10240x64xf32, #tpu.memory_space<vmem_shared>>)
      %add3A_323 = arith.constant 4 : i32
      %add3A_324 = arith.addi %add3A_304, %add3A_323 : i32
      %sub3A_325 = arith.constant 1 : i32
      %sub3A_326 = arith.subi %add3A_324, %sub3A_325 : i32
      %dma_start3A_327 = arith.constant 0 : i32
      %dma_start3A_328 = tpu.memref_slice %arg6[%sub3A_326, %dma_start3A_327] : memref<160x125xi32, #tpu.memory_space<vmem>> -> memref<1x125xi32, #tpu.memory_space<vmem>>
      %dma_start3A_329 = tpu.memref_squeeze %dma_start3A_328 : memref<1x125xi32, #tpu.memory_space<vmem>> -> memref<125xi32, #tpu.memory_space<vmem>>
      %dma_start3A_330 = arith.constant 0 : i32
      %dma_start3A_331 = arith.constant 0 : i32
      %dma_start3A_332 = tpu.memref_slice %arg2[%arg0, %dma_start3A_330, %dma_start3A_331] : memref<2x10000x64xf32, #tpu.memory_space<hbm>> -> memref<1x10000x64xf32, #tpu.memory_space<hbm>>
      %dma_start3A_333 = tpu.memref_squeeze %dma_start3A_332 : memref<1x10000x64xf32, #tpu.memory_space<hbm>> -> memref<10000x64xf32, #tpu.memory_space<hbm>>
      %dma_start3A_334 = arith.constant 0 : i32
      %dma_start3A_335 = arith.constant 0 : i32
      %dma_start3A_336 = tpu.memref_slice %dma_start3A_333[%dma_start3A_334, %dma_start3A_335] : memref<10000x64xf32, #tpu.memory_space<hbm>> -> memref<10000x64xf32, #tpu.memory_space<hbm>>
      tpu.enqueue_indirect_dma source(%dma_start3A_336 : memref<10000x64xf32, #tpu.memory_space<hbm>>) target(%arg9 : memref<125x64xf32, #tpu.memory_space<vmem>>) offsets(%dma_start3A_329 : memref<125xi32, #tpu.memory_space<vmem>>) semaphore(%arg14 : memref<!tpu.dma_semaphore, #tpu.memory_space<semaphore_mem>>)
      %dma_start3A_337 = arith.constant 0 : i32
      %dma_start3A_338 = tpu.memref_slice %arg7[%add3A_304, %dma_start3A_337] : memref<160x125xi32, #tpu.memory_space<vmem>> -> memref<1x125xi32, #tpu.memory_space<vmem>>
      %dma_start3A_339 = tpu.memref_squeeze %dma_start3A_338 : memref<1x125xi32, #tpu.memory_space<vmem>> -> memref<125xi32, #tpu.memory_space<vmem>>
      %dma_start3A_340 = arith.constant 0 : i32
      %dma_start3A_341 = arith.constant 0 : i32
      %dma_start3A_342 = tpu.memref_slice %arg12[%dma_start3A_340, %dma_start3A_341] : memref<10240x64xf32, #tpu.memory_space<vmem_shared>> -> memref<10240x64xf32, #tpu.memory_space<vmem_shared>>
      tpu.enqueue_indirect_dma source(%arg10 : memref<125x64xf32, #tpu.memory_space<vmem>>) target(%dma_start3A_342 : memref<10240x64xf32, #tpu.memory_space<vmem_shared>>) offsets(%dma_start3A_339 : memref<125xi32, #tpu.memory_space<vmem>>) semaphore(%arg19 : memref<!tpu.dma_semaphore, #tpu.memory_space<semaphore_mem>>) {add = true}
      %mul3A_343 = arith.constant 4 : i32
      %mul3A_344 = arith.muli %scan3A_223, %mul3A_343 : i32
      %add3A_345 = arith.constant 3 : i32
      %add3A_346 = arith.addi %mul3A_344, %add3A_345 : i32
      %dma_wait3A_347 = arith.constant 0 : i32
      %dma_wait3A_348 = tpu.memref_slice %arg6[%add3A_346, %dma_wait3A_347] : memref<160x125xi32, #tpu.memory_space<vmem>> -> memref<1x125xi32, #tpu.memory_space<vmem>>
      %dma_wait3A_349 = tpu.memref_squeeze %dma_wait3A_348 : memref<1x125xi32, #tpu.memory_space<vmem>> -> memref<125xi32, #tpu.memory_space<vmem>>
      %dma_wait3A_350 = arith.constant 0 : i32
      %dma_wait3A_351 = arith.constant 0 : i32
      %dma_wait3A_352 = tpu.memref_slice %arg2[%arg0, %dma_wait3A_350, %dma_wait3A_351] : memref<2x10000x64xf32, #tpu.memory_space<hbm>> -> memref<1x10000x64xf32, #tpu.memory_space<hbm>>
      %dma_wait3A_353 = tpu.memref_squeeze %dma_wait3A_352 : memref<1x10000x64xf32, #tpu.memory_space<hbm>> -> memref<10000x64xf32, #tpu.memory_space<hbm>>
      %dma_wait3A_354 = arith.constant 0 : i32
      %dma_wait3A_355 = arith.constant 0 : i32
      %dma_wait3A_356 = tpu.memref_slice %dma_wait3A_353[%dma_wait3A_354, %dma_wait3A_355] : memref<10000x64xf32, #tpu.memory_space<hbm>> -> memref<10000x64xf32, #tpu.memory_space<hbm>>
      tpu.wait_indirect_dma semaphore(%arg16 : memref<!tpu.dma_semaphore, #tpu.memory_space<semaphore_mem>>) src(%dma_wait3A_356 : memref<10000x64xf32, #tpu.memory_space<hbm>>) dst(%arg11 : memref<125x64xf32, #tpu.memory_space<vmem>>)
      %sub3A_357 = arith.constant 1 : i32
      %sub3A_358 = arith.subi %add3A_346, %sub3A_357 : i32
      %dma_wait3A_359 = arith.constant 0 : i32
      %dma_wait3A_360 = tpu.memref_slice %arg7[%sub3A_358, %dma_wait3A_359] : memref<160x125xi32, #tpu.memory_space<vmem>> -> memref<1x125xi32, #tpu.memory_space<vmem>>
      %dma_wait3A_361 = tpu.memref_squeeze %dma_wait3A_360 : memref<1x125xi32, #tpu.memory_space<vmem>> -> memref<125xi32, #tpu.memory_space<vmem>>
      %dma_wait3A_362 = arith.constant 0 : i32
      %dma_wait3A_363 = arith.constant 0 : i32
      %dma_wait3A_364 = tpu.memref_slice %arg12[%dma_wait3A_362, %dma_wait3A_363] : memref<10240x64xf32, #tpu.memory_space<vmem_shared>> -> memref<10240x64xf32, #tpu.memory_space<vmem_shared>>
      tpu.wait_indirect_dma semaphore(%arg19 : memref<!tpu.dma_semaphore, #tpu.memory_space<semaphore_mem>>) src(%arg10 : memref<125x64xf32, #tpu.memory_space<vmem>>) dst(%dma_wait3A_364 : memref<10240x64xf32, #tpu.memory_space<vmem_shared>>)
      %add3A_365 = arith.constant 4 : i32
      %add3A_366 = arith.addi %add3A_346, %add3A_365 : i32
      %sub3A_367 = arith.constant 1 : i32
      %sub3A_368 = arith.subi %add3A_366, %sub3A_367 : i32
      %dma_start3A_369 = arith.constant 0 : i32
      %dma_start3A_370 = tpu.memref_slice %arg6[%sub3A_368, %dma_start3A_369] : memref<160x125xi32, #tpu.memory_space<vmem>> -> memref<1x125xi32, #tpu.memory_space<vmem>>
      %dma_start3A_371 = tpu.memref_squeeze %dma_start3A_370 : memref<1x125xi32, #tpu.memory_space<vmem>> -> memref<125xi32, #tpu.memory_space<vmem>>
      %dma_start3A_372 = arith.constant 0 : i32
      %dma_start3A_373 = arith.constant 0 : i32
      %dma_start3A_374 = tpu.memref_slice %arg2[%arg0, %dma_start3A_372, %dma_start3A_373] : memref<2x10000x64xf32, #tpu.memory_space<hbm>> -> memref<1x10000x64xf32, #tpu.memory_space<hbm>>
      %dma_start3A_375 = tpu.memref_squeeze %dma_start3A_374 : memref<1x10000x64xf32, #tpu.memory_space<hbm>> -> memref<10000x64xf32, #tpu.memory_space<hbm>>
      %dma_start3A_376 = arith.constant 0 : i32
      %dma_start3A_377 = arith.constant 0 : i32
      %dma_start3A_378 = tpu.memref_slice %dma_start3A_375[%dma_start3A_376, %dma_start3A_377] : memref<10000x64xf32, #tpu.memory_space<hbm>> -> memref<10000x64xf32, #tpu.memory_space<hbm>>
      tpu.enqueue_indirect_dma source(%dma_start3A_378 : memref<10000x64xf32, #tpu.memory_space<hbm>>) target(%arg10 : memref<125x64xf32, #tpu.memory_space<vmem>>) offsets(%dma_start3A_371 : memref<125xi32, #tpu.memory_space<vmem>>) semaphore(%arg15 : memref<!tpu.dma_semaphore, #tpu.memory_space<semaphore_mem>>)
      %dma_start3A_379 = arith.constant 0 : i32
      %dma_start3A_380 = tpu.memref_slice %arg7[%add3A_346, %dma_start3A_379] : memref<160x125xi32, #tpu.memory_space<vmem>> -> memref<1x125xi32, #tpu.memory_space<vmem>>
      %dma_start3A_381 = tpu.memref_squeeze %dma_start3A_380 : memref<1x125xi32, #tpu.memory_space<vmem>> -> memref<125xi32, #tpu.memory_space<vmem>>
      %dma_start3A_382 = arith.constant 0 : i32
      %dma_start3A_383 = arith.constant 0 : i32
      %dma_start3A_384 = tpu.memref_slice %arg12[%dma_start3A_382, %dma_start3A_383] : memref<10240x64xf32, #tpu.memory_space<vmem_shared>> -> memref<10240x64xf32, #tpu.memory_space<vmem_shared>>
      tpu.enqueue_indirect_dma source(%arg11 : memref<125x64xf32, #tpu.memory_space<vmem>>) target(%dma_start3A_384 : memref<10240x64xf32, #tpu.memory_space<vmem_shared>>) offsets(%dma_start3A_381 : memref<125xi32, #tpu.memory_space<vmem>>) semaphore(%arg20 : memref<!tpu.dma_semaphore, #tpu.memory_space<semaphore_mem>>) {add = true}
    }
    %scan3A_72 = arith.constant 39 : i32
    %dma_wait3A = arith.constant 156 : i32
    %dma_wait3A_73 = arith.constant 0 : i32
    %dma_wait3A_74 = tpu.memref_slice %arg6[%dma_wait3A, %dma_wait3A_73] : memref<160x125xi32, #tpu.memory_space<vmem>> -> memref<1x125xi32, #tpu.memory_space<vmem>>
    %dma_wait3A_75 = tpu.memref_squeeze %dma_wait3A_74 : memref<1x125xi32, #tpu.memory_space<vmem>> -> memref<125xi32, #tpu.memory_space<vmem>>
    %dma_wait3A_76 = arith.constant 0 : i32
    %dma_wait3A_77 = arith.constant 0 : i32
    %dma_wait3A_78 = tpu.memref_slice %arg2[%arg0, %dma_wait3A_76, %dma_wait3A_77] : memref<2x10000x64xf32, #tpu.memory_space<hbm>> -> memref<1x10000x64xf32, #tpu.memory_space<hbm>>
    %dma_wait3A_79 = tpu.memref_squeeze %dma_wait3A_78 : memref<1x10000x64xf32, #tpu.memory_space<hbm>> -> memref<10000x64xf32, #tpu.memory_space<hbm>>
    %dma_wait3A_80 = arith.constant 0 : i32
    %dma_wait3A_81 = arith.constant 0 : i32
    %dma_wait3A_82 = tpu.memref_slice %dma_wait3A_79[%dma_wait3A_80, %dma_wait3A_81] : memref<10000x64xf32, #tpu.memory_space<hbm>> -> memref<10000x64xf32, #tpu.memory_space<hbm>>
    tpu.wait_indirect_dma semaphore(%arg13 : memref<!tpu.dma_semaphore, #tpu.memory_space<semaphore_mem>>) src(%dma_wait3A_82 : memref<10000x64xf32, #tpu.memory_space<hbm>>) dst(%arg8 : memref<125x64xf32, #tpu.memory_space<vmem>>)
    %dma_wait3A_83 = arith.constant 155 : i32
    %dma_wait3A_84 = arith.constant 0 : i32
    %dma_wait3A_85 = tpu.memref_slice %arg7[%dma_wait3A_83, %dma_wait3A_84] : memref<160x125xi32, #tpu.memory_space<vmem>> -> memref<1x125xi32, #tpu.memory_space<vmem>>
    %dma_wait3A_86 = tpu.memref_squeeze %dma_wait3A_85 : memref<1x125xi32, #tpu.memory_space<vmem>> -> memref<125xi32, #tpu.memory_space<vmem>>
    %dma_wait3A_87 = arith.constant 0 : i32
    %dma_wait3A_88 = arith.constant 0 : i32
    %dma_wait3A_89 = tpu.memref_slice %arg12[%dma_wait3A_87, %dma_wait3A_88] : memref<10240x64xf32, #tpu.memory_space<vmem_shared>> -> memref<10240x64xf32, #tpu.memory_space<vmem_shared>>
    tpu.wait_indirect_dma semaphore(%arg20 : memref<!tpu.dma_semaphore, #tpu.memory_space<semaphore_mem>>) src(%arg11 : memref<125x64xf32, #tpu.memory_space<vmem>>) dst(%dma_wait3A_89 : memref<10240x64xf32, #tpu.memory_space<vmem_shared>>)
    %dma_start3A_90 = arith.constant 159 : i32
    %dma_start3A_91 = arith.constant 0 : i32
    %dma_start3A_92 = tpu.memref_slice %arg6[%dma_start3A_90, %dma_start3A_91] : memref<160x125xi32, #tpu.memory_space<vmem>> -> memref<1x125xi32, #tpu.memory_space<vmem>>
    %dma_start3A_93 = tpu.memref_squeeze %dma_start3A_92 : memref<1x125xi32, #tpu.memory_space<vmem>> -> memref<125xi32, #tpu.memory_space<vmem>>
    %dma_start3A_94 = arith.constant 0 : i32
    %dma_start3A_95 = arith.constant 0 : i32
    %dma_start3A_96 = tpu.memref_slice %arg2[%arg0, %dma_start3A_94, %dma_start3A_95] : memref<2x10000x64xf32, #tpu.memory_space<hbm>> -> memref<1x10000x64xf32, #tpu.memory_space<hbm>>
    %dma_start3A_97 = tpu.memref_squeeze %dma_start3A_96 : memref<1x10000x64xf32, #tpu.memory_space<hbm>> -> memref<10000x64xf32, #tpu.memory_space<hbm>>
    %dma_start3A_98 = arith.constant 0 : i32
    %dma_start3A_99 = arith.constant 0 : i32
    %dma_start3A_100 = tpu.memref_slice %dma_start3A_97[%dma_start3A_98, %dma_start3A_99] : memref<10000x64xf32, #tpu.memory_space<hbm>> -> memref<10000x64xf32, #tpu.memory_space<hbm>>
    tpu.enqueue_indirect_dma source(%dma_start3A_100 : memref<10000x64xf32, #tpu.memory_space<hbm>>) target(%arg11 : memref<125x64xf32, #tpu.memory_space<vmem>>) offsets(%dma_start3A_93 : memref<125xi32, #tpu.memory_space<vmem>>) semaphore(%arg16 : memref<!tpu.dma_semaphore, #tpu.memory_space<semaphore_mem>>)
    %dma_start3A_101 = arith.constant 156 : i32
    %dma_start3A_102 = arith.constant 0 : i32
    %dma_start3A_103 = tpu.memref_slice %arg7[%dma_start3A_101, %dma_start3A_102] : memref<160x125xi32, #tpu.memory_space<vmem>> -> memref<1x125xi32, #tpu.memory_space<vmem>>
    %dma_start3A_104 = tpu.memref_squeeze %dma_start3A_103 : memref<1x125xi32, #tpu.memory_space<vmem>> -> memref<125xi32, #tpu.memory_space<vmem>>
    %dma_start3A_105 = arith.constant 0 : i32
    %dma_start3A_106 = arith.constant 0 : i32
    %dma_start3A_107 = tpu.memref_slice %arg12[%dma_start3A_105, %dma_start3A_106] : memref<10240x64xf32, #tpu.memory_space<vmem_shared>> -> memref<10240x64xf32, #tpu.memory_space<vmem_shared>>
    tpu.enqueue_indirect_dma source(%arg8 : memref<125x64xf32, #tpu.memory_space<vmem>>) target(%dma_start3A_107 : memref<10240x64xf32, #tpu.memory_space<vmem_shared>>) offsets(%dma_start3A_104 : memref<125xi32, #tpu.memory_space<vmem>>) semaphore(%arg17 : memref<!tpu.dma_semaphore, #tpu.memory_space<semaphore_mem>>) {add = true}
    %dma_wait3A_108 = arith.constant 157 : i32
    %dma_wait3A_109 = arith.constant 0 : i32
    %dma_wait3A_110 = tpu.memref_slice %arg6[%dma_wait3A_108, %dma_wait3A_109] : memref<160x125xi32, #tpu.memory_space<vmem>> -> memref<1x125xi32, #tpu.memory_space<vmem>>
    %dma_wait3A_111 = tpu.memref_squeeze %dma_wait3A_110 : memref<1x125xi32, #tpu.memory_space<vmem>> -> memref<125xi32, #tpu.memory_space<vmem>>
    %dma_wait3A_112 = arith.constant 0 : i32
    %dma_wait3A_113 = arith.constant 0 : i32
    %dma_wait3A_114 = tpu.memref_slice %arg2[%arg0, %dma_wait3A_112, %dma_wait3A_113] : memref<2x10000x64xf32, #tpu.memory_space<hbm>> -> memref<1x10000x64xf32, #tpu.memory_space<hbm>>
    %dma_wait3A_115 = tpu.memref_squeeze %dma_wait3A_114 : memref<1x10000x64xf32, #tpu.memory_space<hbm>> -> memref<10000x64xf32, #tpu.memory_space<hbm>>
    %dma_wait3A_116 = arith.constant 0 : i32
    %dma_wait3A_117 = arith.constant 0 : i32
    %dma_wait3A_118 = tpu.memref_slice %dma_wait3A_115[%dma_wait3A_116, %dma_wait3A_117] : memref<10000x64xf32, #tpu.memory_space<hbm>> -> memref<10000x64xf32, #tpu.memory_space<hbm>>
    tpu.wait_indirect_dma semaphore(%arg14 : memref<!tpu.dma_semaphore, #tpu.memory_space<semaphore_mem>>) src(%dma_wait3A_118 : memref<10000x64xf32, #tpu.memory_space<hbm>>) dst(%arg9 : memref<125x64xf32, #tpu.memory_space<vmem>>)
    %dma_wait3A_119 = arith.constant 156 : i32
    %dma_wait3A_120 = arith.constant 0 : i32
    %dma_wait3A_121 = tpu.memref_slice %arg7[%dma_wait3A_119, %dma_wait3A_120] : memref<160x125xi32, #tpu.memory_space<vmem>> -> memref<1x125xi32, #tpu.memory_space<vmem>>
    %dma_wait3A_122 = tpu.memref_squeeze %dma_wait3A_121 : memref<1x125xi32, #tpu.memory_space<vmem>> -> memref<125xi32, #tpu.memory_space<vmem>>
    %dma_wait3A_123 = arith.constant 0 : i32
    %dma_wait3A_124 = arith.constant 0 : i32
    %dma_wait3A_125 = tpu.memref_slice %arg12[%dma_wait3A_123, %dma_wait3A_124] : memref<10240x64xf32, #tpu.memory_space<vmem_shared>> -> memref<10240x64xf32, #tpu.memory_space<vmem_shared>>
    tpu.wait_indirect_dma semaphore(%arg17 : memref<!tpu.dma_semaphore, #tpu.memory_space<semaphore_mem>>) src(%arg8 : memref<125x64xf32, #tpu.memory_space<vmem>>) dst(%dma_wait3A_125 : memref<10240x64xf32, #tpu.memory_space<vmem_shared>>)
    %dma_start3A_126 = arith.constant 157 : i32
    %dma_start3A_127 = arith.constant 0 : i32
    %dma_start3A_128 = tpu.memref_slice %arg7[%dma_start3A_126, %dma_start3A_127] : memref<160x125xi32, #tpu.memory_space<vmem>> -> memref<1x125xi32, #tpu.memory_space<vmem>>
    %dma_start3A_129 = tpu.memref_squeeze %dma_start3A_128 : memref<1x125xi32, #tpu.memory_space<vmem>> -> memref<125xi32, #tpu.memory_space<vmem>>
    %dma_start3A_130 = arith.constant 0 : i32
    %dma_start3A_131 = arith.constant 0 : i32
    %dma_start3A_132 = tpu.memref_slice %arg12[%dma_start3A_130, %dma_start3A_131] : memref<10240x64xf32, #tpu.memory_space<vmem_shared>> -> memref<10240x64xf32, #tpu.memory_space<vmem_shared>>
    tpu.enqueue_indirect_dma source(%arg9 : memref<125x64xf32, #tpu.memory_space<vmem>>) target(%dma_start3A_132 : memref<10240x64xf32, #tpu.memory_space<vmem_shared>>) offsets(%dma_start3A_129 : memref<125xi32, #tpu.memory_space<vmem>>) semaphore(%arg18 : memref<!tpu.dma_semaphore, #tpu.memory_space<semaphore_mem>>) {add = true}
    %dma_wait3A_133 = arith.constant 158 : i32
    %dma_wait3A_134 = arith.constant 0 : i32
    %dma_wait3A_135 = tpu.memref_slice %arg6[%dma_wait3A_133, %dma_wait3A_134] : memref<160x125xi32, #tpu.memory_space<vmem>> -> memref<1x125xi32, #tpu.memory_space<vmem>>
    %dma_wait3A_136 = tpu.memref_squeeze %dma_wait3A_135 : memref<1x125xi32, #tpu.memory_space<vmem>> -> memref<125xi32, #tpu.memory_space<vmem>>
    %dma_wait3A_137 = arith.constant 0 : i32
    %dma_wait3A_138 = arith.constant 0 : i32
    %dma_wait3A_139 = tpu.memref_slice %arg2[%arg0, %dma_wait3A_137, %dma_wait3A_138] : memref<2x10000x64xf32, #tpu.memory_space<hbm>> -> memref<1x10000x64xf32, #tpu.memory_space<hbm>>
    %dma_wait3A_140 = tpu.memref_squeeze %dma_wait3A_139 : memref<1x10000x64xf32, #tpu.memory_space<hbm>> -> memref<10000x64xf32, #tpu.memory_space<hbm>>
    %dma_wait3A_141 = arith.constant 0 : i32
    %dma_wait3A_142 = arith.constant 0 : i32
    %dma_wait3A_143 = tpu.memref_slice %dma_wait3A_140[%dma_wait3A_141, %dma_wait3A_142] : memref<10000x64xf32, #tpu.memory_space<hbm>> -> memref<10000x64xf32, #tpu.memory_space<hbm>>
    tpu.wait_indirect_dma semaphore(%arg15 : memref<!tpu.dma_semaphore, #tpu.memory_space<semaphore_mem>>) src(%dma_wait3A_143 : memref<10000x64xf32, #tpu.memory_space<hbm>>) dst(%arg10 : memref<125x64xf32, #tpu.memory_space<vmem>>)
    %dma_wait3A_144 = arith.constant 157 : i32
    %dma_wait3A_145 = arith.constant 0 : i32
    %dma_wait3A_146 = tpu.memref_slice %arg7[%dma_wait3A_144, %dma_wait3A_145] : memref<160x125xi32, #tpu.memory_space<vmem>> -> memref<1x125xi32, #tpu.memory_space<vmem>>
    %dma_wait3A_147 = tpu.memref_squeeze %dma_wait3A_146 : memref<1x125xi32, #tpu.memory_space<vmem>> -> memref<125xi32, #tpu.memory_space<vmem>>
    %dma_wait3A_148 = arith.constant 0 : i32
    %dma_wait3A_149 = arith.constant 0 : i32
    %dma_wait3A_150 = tpu.memref_slice %arg12[%dma_wait3A_148, %dma_wait3A_149] : memref<10240x64xf32, #tpu.memory_space<vmem_shared>> -> memref<10240x64xf32, #tpu.memory_space<vmem_shared>>
    tpu.wait_indirect_dma semaphore(%arg18 : memref<!tpu.dma_semaphore, #tpu.memory_space<semaphore_mem>>) src(%arg9 : memref<125x64xf32, #tpu.memory_space<vmem>>) dst(%dma_wait3A_150 : memref<10240x64xf32, #tpu.memory_space<vmem_shared>>)
    %dma_start3A_151 = arith.constant 158 : i32
    %dma_start3A_152 = arith.constant 0 : i32
    %dma_start3A_153 = tpu.memref_slice %arg7[%dma_start3A_151, %dma_start3A_152] : memref<160x125xi32, #tpu.memory_space<vmem>> -> memref<1x125xi32, #tpu.memory_space<vmem>>
    %dma_start3A_154 = tpu.memref_squeeze %dma_start3A_153 : memref<1x125xi32, #tpu.memory_space<vmem>> -> memref<125xi32, #tpu.memory_space<vmem>>
    %dma_start3A_155 = arith.constant 0 : i32
    %dma_start3A_156 = arith.constant 0 : i32
    %dma_start3A_157 = tpu.memref_slice %arg12[%dma_start3A_155, %dma_start3A_156] : memref<10240x64xf32, #tpu.memory_space<vmem_shared>> -> memref<10240x64xf32, #tpu.memory_space<vmem_shared>>
    tpu.enqueue_indirect_dma source(%arg10 : memref<125x64xf32, #tpu.memory_space<vmem>>) target(%dma_start3A_157 : memref<10240x64xf32, #tpu.memory_space<vmem_shared>>) offsets(%dma_start3A_154 : memref<125xi32, #tpu.memory_space<vmem>>) semaphore(%arg19 : memref<!tpu.dma_semaphore, #tpu.memory_space<semaphore_mem>>) {add = true}
    %dma_wait3A_158 = arith.constant 159 : i32
    %dma_wait3A_159 = arith.constant 0 : i32
    %dma_wait3A_160 = tpu.memref_slice %arg6[%dma_wait3A_158, %dma_wait3A_159] : memref<160x125xi32, #tpu.memory_space<vmem>> -> memref<1x125xi32, #tpu.memory_space<vmem>>
    %dma_wait3A_161 = tpu.memref_squeeze %dma_wait3A_160 : memref<1x125xi32, #tpu.memory_space<vmem>> -> memref<125xi32, #tpu.memory_space<vmem>>
    %dma_wait3A_162 = arith.constant 0 : i32
    %dma_wait3A_163 = arith.constant 0 : i32
    %dma_wait3A_164 = tpu.memref_slice %arg2[%arg0, %dma_wait3A_162, %dma_wait3A_163] : memref<2x10000x64xf32, #tpu.memory_space<hbm>> -> memref<1x10000x64xf32, #tpu.memory_space<hbm>>
    %dma_wait3A_165 = tpu.memref_squeeze %dma_wait3A_164 : memref<1x10000x64xf32, #tpu.memory_space<hbm>> -> memref<10000x64xf32, #tpu.memory_space<hbm>>
    %dma_wait3A_166 = arith.constant 0 : i32
    %dma_wait3A_167 = arith.constant 0 : i32
    %dma_wait3A_168 = tpu.memref_slice %dma_wait3A_165[%dma_wait3A_166, %dma_wait3A_167] : memref<10000x64xf32, #tpu.memory_space<hbm>> -> memref<10000x64xf32, #tpu.memory_space<hbm>>
    tpu.wait_indirect_dma semaphore(%arg16 : memref<!tpu.dma_semaphore, #tpu.memory_space<semaphore_mem>>) src(%dma_wait3A_168 : memref<10000x64xf32, #tpu.memory_space<hbm>>) dst(%arg11 : memref<125x64xf32, #tpu.memory_space<vmem>>)
    %dma_wait3A_169 = arith.constant 158 : i32
    %dma_wait3A_170 = arith.constant 0 : i32
    %dma_wait3A_171 = tpu.memref_slice %arg7[%dma_wait3A_169, %dma_wait3A_170] : memref<160x125xi32, #tpu.memory_space<vmem>> -> memref<1x125xi32, #tpu.memory_space<vmem>>
    %dma_wait3A_172 = tpu.memref_squeeze %dma_wait3A_171 : memref<1x125xi32, #tpu.memory_space<vmem>> -> memref<125xi32, #tpu.memory_space<vmem>>
    %dma_wait3A_173 = arith.constant 0 : i32
    %dma_wait3A_174 = arith.constant 0 : i32
    %dma_wait3A_175 = tpu.memref_slice %arg12[%dma_wait3A_173, %dma_wait3A_174] : memref<10240x64xf32, #tpu.memory_space<vmem_shared>> -> memref<10240x64xf32, #tpu.memory_space<vmem_shared>>
    tpu.wait_indirect_dma semaphore(%arg19 : memref<!tpu.dma_semaphore, #tpu.memory_space<semaphore_mem>>) src(%arg10 : memref<125x64xf32, #tpu.memory_space<vmem>>) dst(%dma_wait3A_175 : memref<10240x64xf32, #tpu.memory_space<vmem_shared>>)
    %dma_start3A_176 = arith.constant 159 : i32
    %dma_start3A_177 = arith.constant 0 : i32
    %dma_start3A_178 = tpu.memref_slice %arg7[%dma_start3A_176, %dma_start3A_177] : memref<160x125xi32, #tpu.memory_space<vmem>> -> memref<1x125xi32, #tpu.memory_space<vmem>>
    %dma_start3A_179 = tpu.memref_squeeze %dma_start3A_178 : memref<1x125xi32, #tpu.memory_space<vmem>> -> memref<125xi32, #tpu.memory_space<vmem>>
    %dma_start3A_180 = arith.constant 0 : i32
    %dma_start3A_181 = arith.constant 0 : i32
    %dma_start3A_182 = tpu.memref_slice %arg12[%dma_start3A_180, %dma_start3A_181] : memref<10240x64xf32, #tpu.memory_space<vmem_shared>> -> memref<10240x64xf32, #tpu.memory_space<vmem_shared>>
    tpu.enqueue_indirect_dma source(%arg11 : memref<125x64xf32, #tpu.memory_space<vmem>>) target(%dma_start3A_182 : memref<10240x64xf32, #tpu.memory_space<vmem_shared>>) offsets(%dma_start3A_179 : memref<125xi32, #tpu.memory_space<vmem>>) semaphore(%arg20 : memref<!tpu.dma_semaphore, #tpu.memory_space<semaphore_mem>>) {add = true}
    %dma_wait3A_183 = arith.constant 159 : i32
    %dma_wait3A_184 = arith.constant 0 : i32
    %dma_wait3A_185 = tpu.memref_slice %arg7[%dma_wait3A_183, %dma_wait3A_184] : memref<160x125xi32, #tpu.memory_space<vmem>> -> memref<1x125xi32, #tpu.memory_space<vmem>>
    %dma_wait3A_186 = tpu.memref_squeeze %dma_wait3A_185 : memref<1x125xi32, #tpu.memory_space<vmem>> -> memref<125xi32, #tpu.memory_space<vmem>>
    %dma_wait3A_187 = arith.constant 0 : i32
    %dma_wait3A_188 = arith.constant 0 : i32
    %dma_wait3A_189 = tpu.memref_slice %arg12[%dma_wait3A_187, %dma_wait3A_188] : memref<10240x64xf32, #tpu.memory_space<vmem_shared>> -> memref<10240x64xf32, #tpu.memory_space<vmem_shared>>
    tpu.wait_indirect_dma semaphore(%arg20 : memref<!tpu.dma_semaphore, #tpu.memory_space<semaphore_mem>>) src(%arg11 : memref<125x64xf32, #tpu.memory_space<vmem>>) dst(%dma_wait3A_189 : memref<10240x64xf32, #tpu.memory_space<vmem_shared>>)
    %barrier3A_190 = arith.constant 0 : index
    tpu.barrier barrier_id(%barrier3A_190)
    %mul3A_191 = arith.constant 640 : i32
    %mul3A_192 = arith.muli %arg1, %mul3A_191 : i32
    %add3A_193 = arith.constant 0 : i32
    %add3A_194 = arith.addi %mul3A_192, %add3A_193 : i32
    "tpu.region"() ({
      %run_scoped3A = tpu.sem_alloc : memref<!tpu.dma_semaphore, #tpu.memory_space<semaphore_mem>>
      %dma_start3A_223 = arith.constant 0 : i32
      %dma_start3A_224 = arith.constant 0 : i32
      %dma_start3A_225 = tpu.memref_slice %arg8[%dma_start3A_223, %dma_start3A_224] : memref<125x64xf32, #tpu.memory_space<vmem>> -> memref<80x64xf32, #tpu.memory_space<vmem>>
      %dma_start3A_226 = arith.constant 0 : i32
      %dma_start3A_227 = tpu.memref_slice %arg12[%add3A_194, %dma_start3A_226] : memref<10240x64xf32, #tpu.memory_space<vmem_shared>> -> memref<80x64xf32, #tpu.memory_space<vmem_shared>>
      %dma_start3A_228 = arith.constant 0 : i32
      %dma_start3A_229 = arith.constant 0 : i32
      %dma_start3A_230 = tpu.memref_slice %arg8[%dma_start3A_228, %dma_start3A_229] : memref<125x64xf32, #tpu.memory_space<vmem>> -> memref<80x64xf32, #tpu.memory_space<vmem>>
      %dma_start3A_231 = arith.constant 0 : i32
      %dma_start3A_232 = tpu.memref_slice %arg12[%add3A_194, %dma_start3A_231] : memref<10240x64xf32, #tpu.memory_space<vmem_shared>> -> memref<80x64xf32, #tpu.memory_space<vmem_shared>>
      tpu.enqueue_dma source(%dma_start3A_232 : memref<80x64xf32, #tpu.memory_space<vmem_shared>>) target(%dma_start3A_230 : memref<80x64xf32, #tpu.memory_space<vmem>>) target_semaphore(%run_scoped3A : memref<!tpu.dma_semaphore, #tpu.memory_space<semaphore_mem>>)
      %dma_wait3A_233 = arith.constant 0 : i32
      %dma_wait3A_234 = arith.constant 0 : i32
      %dma_wait3A_235 = tpu.memref_slice %arg8[%dma_wait3A_233, %dma_wait3A_234] : memref<125x64xf32, #tpu.memory_space<vmem>> -> memref<80x64xf32, #tpu.memory_space<vmem>>
      %dma_wait3A_236 = arith.constant 0 : i32
      %dma_wait3A_237 = tpu.memref_slice %arg12[%add3A_194, %dma_wait3A_236] : memref<10240x64xf32, #tpu.memory_space<vmem_shared>> -> memref<80x64xf32, #tpu.memory_space<vmem_shared>>
      %dma_wait3A_238 = arith.constant 0 : i32
      %dma_wait3A_239 = arith.constant 0 : i32
      %dma_wait3A_240 = tpu.memref_slice %arg8[%dma_wait3A_238, %dma_wait3A_239] : memref<125x64xf32, #tpu.memory_space<vmem>> -> memref<80x64xf32, #tpu.memory_space<vmem>>
      %dma_wait3A_241 = arith.constant 0 : i32
      %dma_wait3A_242 = tpu.memref_slice %arg12[%add3A_194, %dma_wait3A_241] : memref<10240x64xf32, #tpu.memory_space<vmem_shared>> -> memref<80x64xf32, #tpu.memory_space<vmem_shared>>
      tpu.wait_dma2 semaphore(%run_scoped3A : memref<!tpu.dma_semaphore, #tpu.memory_space<semaphore_mem>>) src(%dma_wait3A_242 : memref<80x64xf32, #tpu.memory_space<vmem_shared>>) dst(%dma_wait3A_240 : memref<80x64xf32, #tpu.memory_space<vmem>>)
      tpu.yield
    }) : () -> ()
    "tpu.region"() ({
      %run_scoped3A = tpu.sem_alloc : memref<!tpu.dma_semaphore, #tpu.memory_space<semaphore_mem>>
      %dma_start3A_223 = arith.constant 0 : i32
      %dma_start3A_224 = arith.constant 0 : i32
      %dma_start3A_225 = tpu.memref_slice %arg8[%dma_start3A_223, %dma_start3A_224] : memref<125x64xf32, #tpu.memory_space<vmem>> -> memref<80x64xf32, #tpu.memory_space<vmem>>
      %dma_start3A_226 = arith.constant 0 : i32
      %dma_start3A_227 = tpu.memref_slice %arg5[%arg0, %add3A_194, %dma_start3A_226] : memref<2x10240x64xf32, #tpu.memory_space<hbm>> -> memref<1x80x64xf32, #tpu.memory_space<hbm>>
      %dma_start3A_228 = tpu.memref_squeeze %dma_start3A_227 : memref<1x80x64xf32, #tpu.memory_space<hbm>> -> memref<80x64xf32, #tpu.memory_space<hbm>>
      %dma_start3A_229 = arith.constant 0 : i32
      %dma_start3A_230 = tpu.memref_slice %arg5[%arg0, %add3A_194, %dma_start3A_229] : memref<2x10240x64xf32, #tpu.memory_space<hbm>> -> memref<1x80x64xf32, #tpu.memory_space<hbm>>
      %dma_start3A_231 = tpu.memref_squeeze %dma_start3A_230 : memref<1x80x64xf32, #tpu.memory_space<hbm>> -> memref<80x64xf32, #tpu.memory_space<hbm>>
      %dma_start3A_232 = arith.constant 0 : i32
      %dma_start3A_233 = arith.constant 0 : i32
      %dma_start3A_234 = tpu.memref_slice %arg8[%dma_start3A_232, %dma_start3A_233] : memref<125x64xf32, #tpu.memory_space<vmem>> -> memref<80x64xf32, #tpu.memory_space<vmem>>
      tpu.enqueue_dma source(%dma_start3A_234 : memref<80x64xf32, #tpu.memory_space<vmem>>) target(%dma_start3A_231 : memref<80x64xf32, #tpu.memory_space<hbm>>) target_semaphore(%run_scoped3A : memref<!tpu.dma_semaphore, #tpu.memory_space<semaphore_mem>>)
      %dma_wait3A_235 = arith.constant 0 : i32
      %dma_wait3A_236 = arith.constant 0 : i32
      %dma_wait3A_237 = tpu.memref_slice %arg8[%dma_wait3A_235, %dma_wait3A_236] : memref<125x64xf32, #tpu.memory_space<vmem>> -> memref<80x64xf32, #tpu.memory_space<vmem>>
      %dma_wait3A_238 = arith.constant 0 : i32
      %dma_wait3A_239 = tpu.memref_slice %arg5[%arg0, %add3A_194, %dma_wait3A_238] : memref<2x10240x64xf32, #tpu.memory_space<hbm>> -> memref<1x80x64xf32, #tpu.memory_space<hbm>>
      %dma_wait3A_240 = tpu.memref_squeeze %dma_wait3A_239 : memref<1x80x64xf32, #tpu.memory_space<hbm>> -> memref<80x64xf32, #tpu.memory_space<hbm>>
      %dma_wait3A_241 = arith.constant 0 : i32
      %dma_wait3A_242 = tpu.memref_slice %arg5[%arg0, %add3A_194, %dma_wait3A_241] : memref<2x10240x64xf32, #tpu.memory_space<hbm>> -> memref<1x80x64xf32, #tpu.memory_space<hbm>>
      %dma_wait3A_243 = tpu.memref_squeeze %dma_wait3A_242 : memref<1x80x64xf32, #tpu.memory_space<hbm>> -> memref<80x64xf32, #tpu.memory_space<hbm>>
      %dma_wait3A_244 = arith.constant 0 : i32
      %dma_wait3A_245 = arith.constant 0 : i32
      %dma_wait3A_246 = tpu.memref_slice %arg8[%dma_wait3A_244, %dma_wait3A_245] : memref<125x64xf32, #tpu.memory_space<vmem>> -> memref<80x64xf32, #tpu.memory_space<vmem>>
      tpu.wait_dma2 semaphore(%run_scoped3A : memref<!tpu.dma_semaphore, #tpu.memory_space<semaphore_mem>>) src(%dma_wait3A_246 : memref<80x64xf32, #tpu.memory_space<vmem>>) dst(%dma_wait3A_243 : memref<80x64xf32, #tpu.memory_space<hbm>>)
      tpu.yield
    }) : () -> ()
    %mul3A_195 = arith.constant 640 : i32
    %mul3A_196 = arith.muli %arg1, %mul3A_195 : i32
    %add3A_197 = arith.constant 80 : i32
    %add3A_198 = arith.addi %mul3A_196, %add3A_197 : i32
    "tpu.region"() ({
      %run_scoped3A = tpu.sem_alloc : memref<!tpu.dma_semaphore, #tpu.memory_space<semaphore_mem>>
      %dma_start3A_223 = arith.constant 0 : i32
      %dma_start3A_224 = arith.constant 0 : i32
      %dma_start3A_225 = tpu.memref_slice %arg8[%dma_start3A_223, %dma_start3A_224] : memref<125x64xf32, #tpu.memory_space<vmem>> -> memref<80x64xf32, #tpu.memory_space<vmem>>
      %dma_start3A_226 = arith.constant 0 : i32
      %dma_start3A_227 = tpu.memref_slice %arg12[%add3A_198, %dma_start3A_226] : memref<10240x64xf32, #tpu.memory_space<vmem_shared>> -> memref<80x64xf32, #tpu.memory_space<vmem_shared>>
      %dma_start3A_228 = arith.constant 0 : i32
      %dma_start3A_229 = arith.constant 0 : i32
      %dma_start3A_230 = tpu.memref_slice %arg8[%dma_start3A_228, %dma_start3A_229] : memref<125x64xf32, #tpu.memory_space<vmem>> -> memref<80x64xf32, #tpu.memory_space<vmem>>
      %dma_start3A_231 = arith.constant 0 : i32
      %dma_start3A_232 = tpu.memref_slice %arg12[%add3A_198, %dma_start3A_231] : memref<10240x64xf32, #tpu.memory_space<vmem_shared>> -> memref<80x64xf32, #tpu.memory_space<vmem_shared>>
      tpu.enqueue_dma source(%dma_start3A_232 : memref<80x64xf32, #tpu.memory_space<vmem_shared>>) target(%dma_start3A_230 : memref<80x64xf32, #tpu.memory_space<vmem>>) target_semaphore(%run_scoped3A : memref<!tpu.dma_semaphore, #tpu.memory_space<semaphore_mem>>)
      %dma_wait3A_233 = arith.constant 0 : i32
      %dma_wait3A_234 = arith.constant 0 : i32
      %dma_wait3A_235 = tpu.memref_slice %arg8[%dma_wait3A_233, %dma_wait3A_234] : memref<125x64xf32, #tpu.memory_space<vmem>> -> memref<80x64xf32, #tpu.memory_space<vmem>>
      %dma_wait3A_236 = arith.constant 0 : i32
      %dma_wait3A_237 = tpu.memref_slice %arg12[%add3A_198, %dma_wait3A_236] : memref<10240x64xf32, #tpu.memory_space<vmem_shared>> -> memref<80x64xf32, #tpu.memory_space<vmem_shared>>
      %dma_wait3A_238 = arith.constant 0 : i32
      %dma_wait3A_239 = arith.constant 0 : i32
      %dma_wait3A_240 = tpu.memref_slice %arg8[%dma_wait3A_238, %dma_wait3A_239] : memref<125x64xf32, #tpu.memory_space<vmem>> -> memref<80x64xf32, #tpu.memory_space<vmem>>
      %dma_wait3A_241 = arith.constant 0 : i32
      %dma_wait3A_242 = tpu.memref_slice %arg12[%add3A_198, %dma_wait3A_241] : memref<10240x64xf32, #tpu.memory_space<vmem_shared>> -> memref<80x64xf32, #tpu.memory_space<vmem_shared>>
      tpu.wait_dma2 semaphore(%run_scoped3A : memref<!tpu.dma_semaphore, #tpu.memory_space<semaphore_mem>>) src(%dma_wait3A_242 : memref<80x64xf32, #tpu.memory_space<vmem_shared>>) dst(%dma_wait3A_240 : memref<80x64xf32, #tpu.memory_space<vmem>>)
      tpu.yield
    }) : () -> ()
    "tpu.region"() ({
      %run_scoped3A = tpu.sem_alloc : memref<!tpu.dma_semaphore, #tpu.memory_space<semaphore_mem>>
      %dma_start3A_223 = arith.constant 0 : i32
      %dma_start3A_224 = arith.constant 0 : i32
      %dma_start3A_225 = tpu.memref_slice %arg8[%dma_start3A_223, %dma_start3A_224] : memref<125x64xf32, #tpu.memory_space<vmem>> -> memref<80x64xf32, #tpu.memory_space<vmem>>
      %dma_start3A_226 = arith.constant 0 : i32
      %dma_start3A_227 = tpu.memref_slice %arg5[%arg0, %add3A_198, %dma_start3A_226] : memref<2x10240x64xf32, #tpu.memory_space<hbm>> -> memref<1x80x64xf32, #tpu.memory_space<hbm>>
      %dma_start3A_228 = tpu.memref_squeeze %dma_start3A_227 : memref<1x80x64xf32, #tpu.memory_space<hbm>> -> memref<80x64xf32, #tpu.memory_space<hbm>>
      %dma_start3A_229 = arith.constant 0 : i32
      %dma_start3A_230 = tpu.memref_slice %arg5[%arg0, %add3A_198, %dma_start3A_229] : memref<2x10240x64xf32, #tpu.memory_space<hbm>> -> memref<1x80x64xf32, #tpu.memory_space<hbm>>
      %dma_start3A_231 = tpu.memref_squeeze %dma_start3A_230 : memref<1x80x64xf32, #tpu.memory_space<hbm>> -> memref<80x64xf32, #tpu.memory_space<hbm>>
      %dma_start3A_232 = arith.constant 0 : i32
      %dma_start3A_233 = arith.constant 0 : i32
      %dma_start3A_234 = tpu.memref_slice %arg8[%dma_start3A_232, %dma_start3A_233] : memref<125x64xf32, #tpu.memory_space<vmem>> -> memref<80x64xf32, #tpu.memory_space<vmem>>
      tpu.enqueue_dma source(%dma_start3A_234 : memref<80x64xf32, #tpu.memory_space<vmem>>) target(%dma_start3A_231 : memref<80x64xf32, #tpu.memory_space<hbm>>) target_semaphore(%run_scoped3A : memref<!tpu.dma_semaphore, #tpu.memory_space<semaphore_mem>>)
      %dma_wait3A_235 = arith.constant 0 : i32
      %dma_wait3A_236 = arith.constant 0 : i32
      %dma_wait3A_237 = tpu.memref_slice %arg8[%dma_wait3A_235, %dma_wait3A_236] : memref<125x64xf32, #tpu.memory_space<vmem>> -> memref<80x64xf32, #tpu.memory_space<vmem>>
      %dma_wait3A_238 = arith.constant 0 : i32
      %dma_wait3A_239 = tpu.memref_slice %arg5[%arg0, %add3A_198, %dma_wait3A_238] : memref<2x10240x64xf32, #tpu.memory_space<hbm>> -> memref<1x80x64xf32, #tpu.memory_space<hbm>>
      %dma_wait3A_240 = tpu.memref_squeeze %dma_wait3A_239 : memref<1x80x64xf32, #tpu.memory_space<hbm>> -> memref<80x64xf32, #tpu.memory_space<hbm>>
      %dma_wait3A_241 = arith.constant 0 : i32
      %dma_wait3A_242 = tpu.memref_slice %arg5[%arg0, %add3A_198, %dma_wait3A_241] : memref<2x10240x64xf32, #tpu.memory_space<hbm>> -> memref<1x80x64xf32, #tpu.memory_space<hbm>>
      %dma_wait3A_243 = tpu.memref_squeeze %dma_wait3A_242 : memref<1x80x64xf32, #tpu.memory_space<hbm>> -> memref<80x64xf32, #tpu.memory_space<hbm>>
      %dma_wait3A_244 = arith.constant 0 : i32
      %dma_wait3A_245 = arith.constant 0 : i32
      %dma_wait3A_246 = tpu.memref_slice %arg8[%dma_wait3A_244, %dma_wait3A_245] : memref<125x64xf32, #tpu.memory_space<vmem>> -> memref<80x64xf32, #tpu.memory_space<vmem>>
      tpu.wait_dma2 semaphore(%run_scoped3A : memref<!tpu.dma_semaphore, #tpu.memory_space<semaphore_mem>>) src(%dma_wait3A_246 : memref<80x64xf32, #tpu.memory_space<vmem>>) dst(%dma_wait3A_243 : memref<80x64xf32, #tpu.memory_space<hbm>>)
      tpu.yield
    }) : () -> ()
    %mul3A_199 = arith.constant 640 : i32
    %mul3A_200 = arith.muli %arg1, %mul3A_199 : i32
    %add3A_201 = arith.constant 160 : i32
    %add3A_202 = arith.addi %mul3A_200, %add3A_201 : i32
    "tpu.region"() ({
      %run_scoped3A = tpu.sem_alloc : memref<!tpu.dma_semaphore, #tpu.memory_space<semaphore_mem>>
      %dma_start3A_223 = arith.constant 0 : i32
      %dma_start3A_224 = arith.constant 0 : i32
      %dma_start3A_225 = tpu.memref_slice %arg8[%dma_start3A_223, %dma_start3A_224] : memref<125x64xf32, #tpu.memory_space<vmem>> -> memref<80x64xf32, #tpu.memory_space<vmem>>
      %dma_start3A_226 = arith.constant 0 : i32
      %dma_start3A_227 = tpu.memref_slice %arg12[%add3A_202, %dma_start3A_226] : memref<10240x64xf32, #tpu.memory_space<vmem_shared>> -> memref<80x64xf32, #tpu.memory_space<vmem_shared>>
      %dma_start3A_228 = arith.constant 0 : i32
      %dma_start3A_229 = arith.constant 0 : i32
      %dma_start3A_230 = tpu.memref_slice %arg8[%dma_start3A_228, %dma_start3A_229] : memref<125x64xf32, #tpu.memory_space<vmem>> -> memref<80x64xf32, #tpu.memory_space<vmem>>
      %dma_start3A_231 = arith.constant 0 : i32
      %dma_start3A_232 = tpu.memref_slice %arg12[%add3A_202, %dma_start3A_231] : memref<10240x64xf32, #tpu.memory_space<vmem_shared>> -> memref<80x64xf32, #tpu.memory_space<vmem_shared>>
      tpu.enqueue_dma source(%dma_start3A_232 : memref<80x64xf32, #tpu.memory_space<vmem_shared>>) target(%dma_start3A_230 : memref<80x64xf32, #tpu.memory_space<vmem>>) target_semaphore(%run_scoped3A : memref<!tpu.dma_semaphore, #tpu.memory_space<semaphore_mem>>)
      %dma_wait3A_233 = arith.constant 0 : i32
      %dma_wait3A_234 = arith.constant 0 : i32
      %dma_wait3A_235 = tpu.memref_slice %arg8[%dma_wait3A_233, %dma_wait3A_234] : memref<125x64xf32, #tpu.memory_space<vmem>> -> memref<80x64xf32, #tpu.memory_space<vmem>>
      %dma_wait3A_236 = arith.constant 0 : i32
      %dma_wait3A_237 = tpu.memref_slice %arg12[%add3A_202, %dma_wait3A_236] : memref<10240x64xf32, #tpu.memory_space<vmem_shared>> -> memref<80x64xf32, #tpu.memory_space<vmem_shared>>
      %dma_wait3A_238 = arith.constant 0 : i32
      %dma_wait3A_239 = arith.constant 0 : i32
      %dma_wait3A_240 = tpu.memref_slice %arg8[%dma_wait3A_238, %dma_wait3A_239] : memref<125x64xf32, #tpu.memory_space<vmem>> -> memref<80x64xf32, #tpu.memory_space<vmem>>
      %dma_wait3A_241 = arith.constant 0 : i32
      %dma_wait3A_242 = tpu.memref_slice %arg12[%add3A_202, %dma_wait3A_241] : memref<10240x64xf32, #tpu.memory_space<vmem_shared>> -> memref<80x64xf32, #tpu.memory_space<vmem_shared>>
      tpu.wait_dma2 semaphore(%run_scoped3A : memref<!tpu.dma_semaphore, #tpu.memory_space<semaphore_mem>>) src(%dma_wait3A_242 : memref<80x64xf32, #tpu.memory_space<vmem_shared>>) dst(%dma_wait3A_240 : memref<80x64xf32, #tpu.memory_space<vmem>>)
      tpu.yield
    }) : () -> ()
    "tpu.region"() ({
      %run_scoped3A = tpu.sem_alloc : memref<!tpu.dma_semaphore, #tpu.memory_space<semaphore_mem>>
      %dma_start3A_223 = arith.constant 0 : i32
      %dma_start3A_224 = arith.constant 0 : i32
      %dma_start3A_225 = tpu.memref_slice %arg8[%dma_start3A_223, %dma_start3A_224] : memref<125x64xf32, #tpu.memory_space<vmem>> -> memref<80x64xf32, #tpu.memory_space<vmem>>
      %dma_start3A_226 = arith.constant 0 : i32
      %dma_start3A_227 = tpu.memref_slice %arg5[%arg0, %add3A_202, %dma_start3A_226] : memref<2x10240x64xf32, #tpu.memory_space<hbm>> -> memref<1x80x64xf32, #tpu.memory_space<hbm>>
      %dma_start3A_228 = tpu.memref_squeeze %dma_start3A_227 : memref<1x80x64xf32, #tpu.memory_space<hbm>> -> memref<80x64xf32, #tpu.memory_space<hbm>>
      %dma_start3A_229 = arith.constant 0 : i32
      %dma_start3A_230 = tpu.memref_slice %arg5[%arg0, %add3A_202, %dma_start3A_229] : memref<2x10240x64xf32, #tpu.memory_space<hbm>> -> memref<1x80x64xf32, #tpu.memory_space<hbm>>
      %dma_start3A_231 = tpu.memref_squeeze %dma_start3A_230 : memref<1x80x64xf32, #tpu.memory_space<hbm>> -> memref<80x64xf32, #tpu.memory_space<hbm>>
      %dma_start3A_232 = arith.constant 0 : i32
      %dma_start3A_233 = arith.constant 0 : i32
      %dma_start3A_234 = tpu.memref_slice %arg8[%dma_start3A_232, %dma_start3A_233] : memref<125x64xf32, #tpu.memory_space<vmem>> -> memref<80x64xf32, #tpu.memory_space<vmem>>
      tpu.enqueue_dma source(%dma_start3A_234 : memref<80x64xf32, #tpu.memory_space<vmem>>) target(%dma_start3A_231 : memref<80x64xf32, #tpu.memory_space<hbm>>) target_semaphore(%run_scoped3A : memref<!tpu.dma_semaphore, #tpu.memory_space<semaphore_mem>>)
      %dma_wait3A_235 = arith.constant 0 : i32
      %dma_wait3A_236 = arith.constant 0 : i32
      %dma_wait3A_237 = tpu.memref_slice %arg8[%dma_wait3A_235, %dma_wait3A_236] : memref<125x64xf32, #tpu.memory_space<vmem>> -> memref<80x64xf32, #tpu.memory_space<vmem>>
      %dma_wait3A_238 = arith.constant 0 : i32
      %dma_wait3A_239 = tpu.memref_slice %arg5[%arg0, %add3A_202, %dma_wait3A_238] : memref<2x10240x64xf32, #tpu.memory_space<hbm>> -> memref<1x80x64xf32, #tpu.memory_space<hbm>>
      %dma_wait3A_240 = tpu.memref_squeeze %dma_wait3A_239 : memref<1x80x64xf32, #tpu.memory_space<hbm>> -> memref<80x64xf32, #tpu.memory_space<hbm>>
      %dma_wait3A_241 = arith.constant 0 : i32
      %dma_wait3A_242 = tpu.memref_slice %arg5[%arg0, %add3A_202, %dma_wait3A_241] : memref<2x10240x64xf32, #tpu.memory_space<hbm>> -> memref<1x80x64xf32, #tpu.memory_space<hbm>>
      %dma_wait3A_243 = tpu.memref_squeeze %dma_wait3A_242 : memref<1x80x64xf32, #tpu.memory_space<hbm>> -> memref<80x64xf32, #tpu.memory_space<hbm>>
      %dma_wait3A_244 = arith.constant 0 : i32
      %dma_wait3A_245 = arith.constant 0 : i32
      %dma_wait3A_246 = tpu.memref_slice %arg8[%dma_wait3A_244, %dma_wait3A_245] : memref<125x64xf32, #tpu.memory_space<vmem>> -> memref<80x64xf32, #tpu.memory_space<vmem>>
      tpu.wait_dma2 semaphore(%run_scoped3A : memref<!tpu.dma_semaphore, #tpu.memory_space<semaphore_mem>>) src(%dma_wait3A_246 : memref<80x64xf32, #tpu.memory_space<vmem>>) dst(%dma_wait3A_243 : memref<80x64xf32, #tpu.memory_space<hbm>>)
      tpu.yield
    }) : () -> ()
    %mul3A_203 = arith.constant 640 : i32
    %mul3A_204 = arith.muli %arg1, %mul3A_203 : i32
    %add3A_205 = arith.constant 240 : i32
    %add3A_206 = arith.addi %mul3A_204, %add3A_205 : i32
    "tpu.region"() ({
      %run_scoped3A = tpu.sem_alloc : memref<!tpu.dma_semaphore, #tpu.memory_space<semaphore_mem>>
      %dma_start3A_223 = arith.constant 0 : i32
      %dma_start3A_224 = arith.constant 0 : i32
      %dma_start3A_225 = tpu.memref_slice %arg8[%dma_start3A_223, %dma_start3A_224] : memref<125x64xf32, #tpu.memory_space<vmem>> -> memref<80x64xf32, #tpu.memory_space<vmem>>
      %dma_start3A_226 = arith.constant 0 : i32
      %dma_start3A_227 = tpu.memref_slice %arg12[%add3A_206, %dma_start3A_226] : memref<10240x64xf32, #tpu.memory_space<vmem_shared>> -> memref<80x64xf32, #tpu.memory_space<vmem_shared>>
      %dma_start3A_228 = arith.constant 0 : i32
      %dma_start3A_229 = arith.constant 0 : i32
      %dma_start3A_230 = tpu.memref_slice %arg8[%dma_start3A_228, %dma_start3A_229] : memref<125x64xf32, #tpu.memory_space<vmem>> -> memref<80x64xf32, #tpu.memory_space<vmem>>
      %dma_start3A_231 = arith.constant 0 : i32
      %dma_start3A_232 = tpu.memref_slice %arg12[%add3A_206, %dma_start3A_231] : memref<10240x64xf32, #tpu.memory_space<vmem_shared>> -> memref<80x64xf32, #tpu.memory_space<vmem_shared>>
      tpu.enqueue_dma source(%dma_start3A_232 : memref<80x64xf32, #tpu.memory_space<vmem_shared>>) target(%dma_start3A_230 : memref<80x64xf32, #tpu.memory_space<vmem>>) target_semaphore(%run_scoped3A : memref<!tpu.dma_semaphore, #tpu.memory_space<semaphore_mem>>)
      %dma_wait3A_233 = arith.constant 0 : i32
      %dma_wait3A_234 = arith.constant 0 : i32
      %dma_wait3A_235 = tpu.memref_slice %arg8[%dma_wait3A_233, %dma_wait3A_234] : memref<125x64xf32, #tpu.memory_space<vmem>> -> memref<80x64xf32, #tpu.memory_space<vmem>>
      %dma_wait3A_236 = arith.constant 0 : i32
      %dma_wait3A_237 = tpu.memref_slice %arg12[%add3A_206, %dma_wait3A_236] : memref<10240x64xf32, #tpu.memory_space<vmem_shared>> -> memref<80x64xf32, #tpu.memory_space<vmem_shared>>
      %dma_wait3A_238 = arith.constant 0 : i32
      %dma_wait3A_239 = arith.constant 0 : i32
      %dma_wait3A_240 = tpu.memref_slice %arg8[%dma_wait3A_238, %dma_wait3A_239] : memref<125x64xf32, #tpu.memory_space<vmem>> -> memref<80x64xf32, #tpu.memory_space<vmem>>
      %dma_wait3A_241 = arith.constant 0 : i32
      %dma_wait3A_242 = tpu.memref_slice %arg12[%add3A_206, %dma_wait3A_241] : memref<10240x64xf32, #tpu.memory_space<vmem_shared>> -> memref<80x64xf32, #tpu.memory_space<vmem_shared>>
      tpu.wait_dma2 semaphore(%run_scoped3A : memref<!tpu.dma_semaphore, #tpu.memory_space<semaphore_mem>>) src(%dma_wait3A_242 : memref<80x64xf32, #tpu.memory_space<vmem_shared>>) dst(%dma_wait3A_240 : memref<80x64xf32, #tpu.memory_space<vmem>>)
      tpu.yield
    }) : () -> ()
    "tpu.region"() ({
      %run_scoped3A = tpu.sem_alloc : memref<!tpu.dma_semaphore, #tpu.memory_space<semaphore_mem>>
      %dma_start3A_223 = arith.constant 0 : i32
      %dma_start3A_224 = arith.constant 0 : i32
      %dma_start3A_225 = tpu.memref_slice %arg8[%dma_start3A_223, %dma_start3A_224] : memref<125x64xf32, #tpu.memory_space<vmem>> -> memref<80x64xf32, #tpu.memory_space<vmem>>
      %dma_start3A_226 = arith.constant 0 : i32
      %dma_start3A_227 = tpu.memref_slice %arg5[%arg0, %add3A_206, %dma_start3A_226] : memref<2x10240x64xf32, #tpu.memory_space<hbm>> -> memref<1x80x64xf32, #tpu.memory_space<hbm>>
      %dma_start3A_228 = tpu.memref_squeeze %dma_start3A_227 : memref<1x80x64xf32, #tpu.memory_space<hbm>> -> memref<80x64xf32, #tpu.memory_space<hbm>>
      %dma_start3A_229 = arith.constant 0 : i32
      %dma_start3A_230 = tpu.memref_slice %arg5[%arg0, %add3A_206, %dma_start3A_229] : memref<2x10240x64xf32, #tpu.memory_space<hbm>> -> memref<1x80x64xf32, #tpu.memory_space<hbm>>
      %dma_start3A_231 = tpu.memref_squeeze %dma_start3A_230 : memref<1x80x64xf32, #tpu.memory_space<hbm>> -> memref<80x64xf32, #tpu.memory_space<hbm>>
      %dma_start3A_232 = arith.constant 0 : i32
      %dma_start3A_233 = arith.constant 0 : i32
      %dma_start3A_234 = tpu.memref_slice %arg8[%dma_start3A_232, %dma_start3A_233] : memref<125x64xf32, #tpu.memory_space<vmem>> -> memref<80x64xf32, #tpu.memory_space<vmem>>
      tpu.enqueue_dma source(%dma_start3A_234 : memref<80x64xf32, #tpu.memory_space<vmem>>) target(%dma_start3A_231 : memref<80x64xf32, #tpu.memory_space<hbm>>) target_semaphore(%run_scoped3A : memref<!tpu.dma_semaphore, #tpu.memory_space<semaphore_mem>>)
      %dma_wait3A_235 = arith.constant 0 : i32
      %dma_wait3A_236 = arith.constant 0 : i32
      %dma_wait3A_237 = tpu.memref_slice %arg8[%dma_wait3A_235, %dma_wait3A_236] : memref<125x64xf32, #tpu.memory_space<vmem>> -> memref<80x64xf32, #tpu.memory_space<vmem>>
      %dma_wait3A_238 = arith.constant 0 : i32
      %dma_wait3A_239 = tpu.memref_slice %arg5[%arg0, %add3A_206, %dma_wait3A_238] : memref<2x10240x64xf32, #tpu.memory_space<hbm>> -> memref<1x80x64xf32, #tpu.memory_space<hbm>>
      %dma_wait3A_240 = tpu.memref_squeeze %dma_wait3A_239 : memref<1x80x64xf32, #tpu.memory_space<hbm>> -> memref<80x64xf32, #tpu.memory_space<hbm>>
      %dma_wait3A_241 = arith.constant 0 : i32
      %dma_wait3A_242 = tpu.memref_slice %arg5[%arg0, %add3A_206, %dma_wait3A_241] : memref<2x10240x64xf32, #tpu.memory_space<hbm>> -> memref<1x80x64xf32, #tpu.memory_space<hbm>>
      %dma_wait3A_243 = tpu.memref_squeeze %dma_wait3A_242 : memref<1x80x64xf32, #tpu.memory_space<hbm>> -> memref<80x64xf32, #tpu.memory_space<hbm>>
      %dma_wait3A_244 = arith.constant 0 : i32
      %dma_wait3A_245 = arith.constant 0 : i32
      %dma_wait3A_246 = tpu.memref_slice %arg8[%dma_wait3A_244, %dma_wait3A_245] : memref<125x64xf32, #tpu.memory_space<vmem>> -> memref<80x64xf32, #tpu.memory_space<vmem>>
      tpu.wait_dma2 semaphore(%run_scoped3A : memref<!tpu.dma_semaphore, #tpu.memory_space<semaphore_mem>>) src(%dma_wait3A_246 : memref<80x64xf32, #tpu.memory_space<vmem>>) dst(%dma_wait3A_243 : memref<80x64xf32, #tpu.memory_space<hbm>>)
      tpu.yield
    }) : () -> ()
    %mul3A_207 = arith.constant 640 : i32
    %mul3A_208 = arith.muli %arg1, %mul3A_207 : i32
    %add3A_209 = arith.constant 320 : i32
    %add3A_210 = arith.addi %mul3A_208, %add3A_209 : i32
    "tpu.region"() ({
      %run_scoped3A = tpu.sem_alloc : memref<!tpu.dma_semaphore, #tpu.memory_space<semaphore_mem>>
      %dma_start3A_223 = arith.constant 0 : i32
      %dma_start3A_224 = arith.constant 0 : i32
      %dma_start3A_225 = tpu.memref_slice %arg8[%dma_start3A_223, %dma_start3A_224] : memref<125x64xf32, #tpu.memory_space<vmem>> -> memref<80x64xf32, #tpu.memory_space<vmem>>
      %dma_start3A_226 = arith.constant 0 : i32
      %dma_start3A_227 = tpu.memref_slice %arg12[%add3A_210, %dma_start3A_226] : memref<10240x64xf32, #tpu.memory_space<vmem_shared>> -> memref<80x64xf32, #tpu.memory_space<vmem_shared>>
      %dma_start3A_228 = arith.constant 0 : i32
      %dma_start3A_229 = arith.constant 0 : i32
      %dma_start3A_230 = tpu.memref_slice %arg8[%dma_start3A_228, %dma_start3A_229] : memref<125x64xf32, #tpu.memory_space<vmem>> -> memref<80x64xf32, #tpu.memory_space<vmem>>
      %dma_start3A_231 = arith.constant 0 : i32
      %dma_start3A_232 = tpu.memref_slice %arg12[%add3A_210, %dma_start3A_231] : memref<10240x64xf32, #tpu.memory_space<vmem_shared>> -> memref<80x64xf32, #tpu.memory_space<vmem_shared>>
      tpu.enqueue_dma source(%dma_start3A_232 : memref<80x64xf32, #tpu.memory_space<vmem_shared>>) target(%dma_start3A_230 : memref<80x64xf32, #tpu.memory_space<vmem>>) target_semaphore(%run_scoped3A : memref<!tpu.dma_semaphore, #tpu.memory_space<semaphore_mem>>)
      %dma_wait3A_233 = arith.constant 0 : i32
      %dma_wait3A_234 = arith.constant 0 : i32
      %dma_wait3A_235 = tpu.memref_slice %arg8[%dma_wait3A_233, %dma_wait3A_234] : memref<125x64xf32, #tpu.memory_space<vmem>> -> memref<80x64xf32, #tpu.memory_space<vmem>>
      %dma_wait3A_236 = arith.constant 0 : i32
      %dma_wait3A_237 = tpu.memref_slice %arg12[%add3A_210, %dma_wait3A_236] : memref<10240x64xf32, #tpu.memory_space<vmem_shared>> -> memref<80x64xf32, #tpu.memory_space<vmem_shared>>
      %dma_wait3A_238 = arith.constant 0 : i32
      %dma_wait3A_239 = arith.constant 0 : i32
      %dma_wait3A_240 = tpu.memref_slice %arg8[%dma_wait3A_238, %dma_wait3A_239] : memref<125x64xf32, #tpu.memory_space<vmem>> -> memref<80x64xf32, #tpu.memory_space<vmem>>
      %dma_wait3A_241 = arith.constant 0 : i32
      %dma_wait3A_242 = tpu.memref_slice %arg12[%add3A_210, %dma_wait3A_241] : memref<10240x64xf32, #tpu.memory_space<vmem_shared>> -> memref<80x64xf32, #tpu.memory_space<vmem_shared>>
      tpu.wait_dma2 semaphore(%run_scoped3A : memref<!tpu.dma_semaphore, #tpu.memory_space<semaphore_mem>>) src(%dma_wait3A_242 : memref<80x64xf32, #tpu.memory_space<vmem_shared>>) dst(%dma_wait3A_240 : memref<80x64xf32, #tpu.memory_space<vmem>>)
      tpu.yield
    }) : () -> ()
    "tpu.region"() ({
      %run_scoped3A = tpu.sem_alloc : memref<!tpu.dma_semaphore, #tpu.memory_space<semaphore_mem>>
      %dma_start3A_223 = arith.constant 0 : i32
      %dma_start3A_224 = arith.constant 0 : i32
      %dma_start3A_225 = tpu.memref_slice %arg8[%dma_start3A_223, %dma_start3A_224] : memref<125x64xf32, #tpu.memory_space<vmem>> -> memref<80x64xf32, #tpu.memory_space<vmem>>
      %dma_start3A_226 = arith.constant 0 : i32
      %dma_start3A_227 = tpu.memref_slice %arg5[%arg0, %add3A_210, %dma_start3A_226] : memref<2x10240x64xf32, #tpu.memory_space<hbm>> -> memref<1x80x64xf32, #tpu.memory_space<hbm>>
      %dma_start3A_228 = tpu.memref_squeeze %dma_start3A_227 : memref<1x80x64xf32, #tpu.memory_space<hbm>> -> memref<80x64xf32, #tpu.memory_space<hbm>>
      %dma_start3A_229 = arith.constant 0 : i32
      %dma_start3A_230 = tpu.memref_slice %arg5[%arg0, %add3A_210, %dma_start3A_229] : memref<2x10240x64xf32, #tpu.memory_space<hbm>> -> memref<1x80x64xf32, #tpu.memory_space<hbm>>
      %dma_start3A_231 = tpu.memref_squeeze %dma_start3A_230 : memref<1x80x64xf32, #tpu.memory_space<hbm>> -> memref<80x64xf32, #tpu.memory_space<hbm>>
      %dma_start3A_232 = arith.constant 0 : i32
      %dma_start3A_233 = arith.constant 0 : i32
      %dma_start3A_234 = tpu.memref_slice %arg8[%dma_start3A_232, %dma_start3A_233] : memref<125x64xf32, #tpu.memory_space<vmem>> -> memref<80x64xf32, #tpu.memory_space<vmem>>
      tpu.enqueue_dma source(%dma_start3A_234 : memref<80x64xf32, #tpu.memory_space<vmem>>) target(%dma_start3A_231 : memref<80x64xf32, #tpu.memory_space<hbm>>) target_semaphore(%run_scoped3A : memref<!tpu.dma_semaphore, #tpu.memory_space<semaphore_mem>>)
      %dma_wait3A_235 = arith.constant 0 : i32
      %dma_wait3A_236 = arith.constant 0 : i32
      %dma_wait3A_237 = tpu.memref_slice %arg8[%dma_wait3A_235, %dma_wait3A_236] : memref<125x64xf32, #tpu.memory_space<vmem>> -> memref<80x64xf32, #tpu.memory_space<vmem>>
      %dma_wait3A_238 = arith.constant 0 : i32
      %dma_wait3A_239 = tpu.memref_slice %arg5[%arg0, %add3A_210, %dma_wait3A_238] : memref<2x10240x64xf32, #tpu.memory_space<hbm>> -> memref<1x80x64xf32, #tpu.memory_space<hbm>>
      %dma_wait3A_240 = tpu.memref_squeeze %dma_wait3A_239 : memref<1x80x64xf32, #tpu.memory_space<hbm>> -> memref<80x64xf32, #tpu.memory_space<hbm>>
      %dma_wait3A_241 = arith.constant 0 : i32
      %dma_wait3A_242 = tpu.memref_slice %arg5[%arg0, %add3A_210, %dma_wait3A_241] : memref<2x10240x64xf32, #tpu.memory_space<hbm>> -> memref<1x80x64xf32, #tpu.memory_space<hbm>>
      %dma_wait3A_243 = tpu.memref_squeeze %dma_wait3A_242 : memref<1x80x64xf32, #tpu.memory_space<hbm>> -> memref<80x64xf32, #tpu.memory_space<hbm>>
      %dma_wait3A_244 = arith.constant 0 : i32
      %dma_wait3A_245 = arith.constant 0 : i32
      %dma_wait3A_246 = tpu.memref_slice %arg8[%dma_wait3A_244, %dma_wait3A_245] : memref<125x64xf32, #tpu.memory_space<vmem>> -> memref<80x64xf32, #tpu.memory_space<vmem>>
      tpu.wait_dma2 semaphore(%run_scoped3A : memref<!tpu.dma_semaphore, #tpu.memory_space<semaphore_mem>>) src(%dma_wait3A_246 : memref<80x64xf32, #tpu.memory_space<vmem>>) dst(%dma_wait3A_243 : memref<80x64xf32, #tpu.memory_space<hbm>>)
      tpu.yield
    }) : () -> ()
    %mul3A_211 = arith.constant 640 : i32
    %mul3A_212 = arith.muli %arg1, %mul3A_211 : i32
    %add3A_213 = arith.constant 400 : i32
    %add3A_214 = arith.addi %mul3A_212, %add3A_213 : i32
    "tpu.region"() ({
      %run_scoped3A = tpu.sem_alloc : memref<!tpu.dma_semaphore, #tpu.memory_space<semaphore_mem>>
      %dma_start3A_223 = arith.constant 0 : i32
      %dma_start3A_224 = arith.constant 0 : i32
      %dma_start3A_225 = tpu.memref_slice %arg8[%dma_start3A_223, %dma_start3A_224] : memref<125x64xf32, #tpu.memory_space<vmem>> -> memref<80x64xf32, #tpu.memory_space<vmem>>
      %dma_start3A_226 = arith.constant 0 : i32
      %dma_start3A_227 = tpu.memref_slice %arg12[%add3A_214, %dma_start3A_226] : memref<10240x64xf32, #tpu.memory_space<vmem_shared>> -> memref<80x64xf32, #tpu.memory_space<vmem_shared>>
      %dma_start3A_228 = arith.constant 0 : i32
      %dma_start3A_229 = arith.constant 0 : i32
      %dma_start3A_230 = tpu.memref_slice %arg8[%dma_start3A_228, %dma_start3A_229] : memref<125x64xf32, #tpu.memory_space<vmem>> -> memref<80x64xf32, #tpu.memory_space<vmem>>
      %dma_start3A_231 = arith.constant 0 : i32
      %dma_start3A_232 = tpu.memref_slice %arg12[%add3A_214, %dma_start3A_231] : memref<10240x64xf32, #tpu.memory_space<vmem_shared>> -> memref<80x64xf32, #tpu.memory_space<vmem_shared>>
      tpu.enqueue_dma source(%dma_start3A_232 : memref<80x64xf32, #tpu.memory_space<vmem_shared>>) target(%dma_start3A_230 : memref<80x64xf32, #tpu.memory_space<vmem>>) target_semaphore(%run_scoped3A : memref<!tpu.dma_semaphore, #tpu.memory_space<semaphore_mem>>)
      %dma_wait3A_233 = arith.constant 0 : i32
      %dma_wait3A_234 = arith.constant 0 : i32
      %dma_wait3A_235 = tpu.memref_slice %arg8[%dma_wait3A_233, %dma_wait3A_234] : memref<125x64xf32, #tpu.memory_space<vmem>> -> memref<80x64xf32, #tpu.memory_space<vmem>>
      %dma_wait3A_236 = arith.constant 0 : i32
      %dma_wait3A_237 = tpu.memref_slice %arg12[%add3A_214, %dma_wait3A_236] : memref<10240x64xf32, #tpu.memory_space<vmem_shared>> -> memref<80x64xf32, #tpu.memory_space<vmem_shared>>
      %dma_wait3A_238 = arith.constant 0 : i32
      %dma_wait3A_239 = arith.constant 0 : i32
      %dma_wait3A_240 = tpu.memref_slice %arg8[%dma_wait3A_238, %dma_wait3A_239] : memref<125x64xf32, #tpu.memory_space<vmem>> -> memref<80x64xf32, #tpu.memory_space<vmem>>
      %dma_wait3A_241 = arith.constant 0 : i32
      %dma_wait3A_242 = tpu.memref_slice %arg12[%add3A_214, %dma_wait3A_241] : memref<10240x64xf32, #tpu.memory_space<vmem_shared>> -> memref<80x64xf32, #tpu.memory_space<vmem_shared>>
      tpu.wait_dma2 semaphore(%run_scoped3A : memref<!tpu.dma_semaphore, #tpu.memory_space<semaphore_mem>>) src(%dma_wait3A_242 : memref<80x64xf32, #tpu.memory_space<vmem_shared>>) dst(%dma_wait3A_240 : memref<80x64xf32, #tpu.memory_space<vmem>>)
      tpu.yield
    }) : () -> ()
    "tpu.region"() ({
      %run_scoped3A = tpu.sem_alloc : memref<!tpu.dma_semaphore, #tpu.memory_space<semaphore_mem>>
      %dma_start3A_223 = arith.constant 0 : i32
      %dma_start3A_224 = arith.constant 0 : i32
      %dma_start3A_225 = tpu.memref_slice %arg8[%dma_start3A_223, %dma_start3A_224] : memref<125x64xf32, #tpu.memory_space<vmem>> -> memref<80x64xf32, #tpu.memory_space<vmem>>
      %dma_start3A_226 = arith.constant 0 : i32
      %dma_start3A_227 = tpu.memref_slice %arg5[%arg0, %add3A_214, %dma_start3A_226] : memref<2x10240x64xf32, #tpu.memory_space<hbm>> -> memref<1x80x64xf32, #tpu.memory_space<hbm>>
      %dma_start3A_228 = tpu.memref_squeeze %dma_start3A_227 : memref<1x80x64xf32, #tpu.memory_space<hbm>> -> memref<80x64xf32, #tpu.memory_space<hbm>>
      %dma_start3A_229 = arith.constant 0 : i32
      %dma_start3A_230 = tpu.memref_slice %arg5[%arg0, %add3A_214, %dma_start3A_229] : memref<2x10240x64xf32, #tpu.memory_space<hbm>> -> memref<1x80x64xf32, #tpu.memory_space<hbm>>
      %dma_start3A_231 = tpu.memref_squeeze %dma_start3A_230 : memref<1x80x64xf32, #tpu.memory_space<hbm>> -> memref<80x64xf32, #tpu.memory_space<hbm>>
      %dma_start3A_232 = arith.constant 0 : i32
      %dma_start3A_233 = arith.constant 0 : i32
      %dma_start3A_234 = tpu.memref_slice %arg8[%dma_start3A_232, %dma_start3A_233] : memref<125x64xf32, #tpu.memory_space<vmem>> -> memref<80x64xf32, #tpu.memory_space<vmem>>
      tpu.enqueue_dma source(%dma_start3A_234 : memref<80x64xf32, #tpu.memory_space<vmem>>) target(%dma_start3A_231 : memref<80x64xf32, #tpu.memory_space<hbm>>) target_semaphore(%run_scoped3A : memref<!tpu.dma_semaphore, #tpu.memory_space<semaphore_mem>>)
      %dma_wait3A_235 = arith.constant 0 : i32
      %dma_wait3A_236 = arith.constant 0 : i32
      %dma_wait3A_237 = tpu.memref_slice %arg8[%dma_wait3A_235, %dma_wait3A_236] : memref<125x64xf32, #tpu.memory_space<vmem>> -> memref<80x64xf32, #tpu.memory_space<vmem>>
      %dma_wait3A_238 = arith.constant 0 : i32
      %dma_wait3A_239 = tpu.memref_slice %arg5[%arg0, %add3A_214, %dma_wait3A_238] : memref<2x10240x64xf32, #tpu.memory_space<hbm>> -> memref<1x80x64xf32, #tpu.memory_space<hbm>>
      %dma_wait3A_240 = tpu.memref_squeeze %dma_wait3A_239 : memref<1x80x64xf32, #tpu.memory_space<hbm>> -> memref<80x64xf32, #tpu.memory_space<hbm>>
      %dma_wait3A_241 = arith.constant 0 : i32
      %dma_wait3A_242 = tpu.memref_slice %arg5[%arg0, %add3A_214, %dma_wait3A_241] : memref<2x10240x64xf32, #tpu.memory_space<hbm>> -> memref<1x80x64xf32, #tpu.memory_space<hbm>>
      %dma_wait3A_243 = tpu.memref_squeeze %dma_wait3A_242 : memref<1x80x64xf32, #tpu.memory_space<hbm>> -> memref<80x64xf32, #tpu.memory_space<hbm>>
      %dma_wait3A_244 = arith.constant 0 : i32
      %dma_wait3A_245 = arith.constant 0 : i32
      %dma_wait3A_246 = tpu.memref_slice %arg8[%dma_wait3A_244, %dma_wait3A_245] : memref<125x64xf32, #tpu.memory_space<vmem>> -> memref<80x64xf32, #tpu.memory_space<vmem>>
      tpu.wait_dma2 semaphore(%run_scoped3A : memref<!tpu.dma_semaphore, #tpu.memory_space<semaphore_mem>>) src(%dma_wait3A_246 : memref<80x64xf32, #tpu.memory_space<vmem>>) dst(%dma_wait3A_243 : memref<80x64xf32, #tpu.memory_space<hbm>>)
      tpu.yield
    }) : () -> ()
    %mul3A_215 = arith.constant 640 : i32
    %mul3A_216 = arith.muli %arg1, %mul3A_215 : i32
    %add3A_217 = arith.constant 480 : i32
    %add3A_218 = arith.addi %mul3A_216, %add3A_217 : i32
    "tpu.region"() ({
      %run_scoped3A = tpu.sem_alloc : memref<!tpu.dma_semaphore, #tpu.memory_space<semaphore_mem>>
      %dma_start3A_223 = arith.constant 0 : i32
      %dma_start3A_224 = arith.constant 0 : i32
      %dma_start3A_225 = tpu.memref_slice %arg8[%dma_start3A_223, %dma_start3A_224] : memref<125x64xf32, #tpu.memory_space<vmem>> -> memref<80x64xf32, #tpu.memory_space<vmem>>
      %dma_start3A_226 = arith.constant 0 : i32
      %dma_start3A_227 = tpu.memref_slice %arg12[%add3A_218, %dma_start3A_226] : memref<10240x64xf32, #tpu.memory_space<vmem_shared>> -> memref<80x64xf32, #tpu.memory_space<vmem_shared>>
      %dma_start3A_228 = arith.constant 0 : i32
      %dma_start3A_229 = arith.constant 0 : i32
      %dma_start3A_230 = tpu.memref_slice %arg8[%dma_start3A_228, %dma_start3A_229] : memref<125x64xf32, #tpu.memory_space<vmem>> -> memref<80x64xf32, #tpu.memory_space<vmem>>
      %dma_start3A_231 = arith.constant 0 : i32
      %dma_start3A_232 = tpu.memref_slice %arg12[%add3A_218, %dma_start3A_231] : memref<10240x64xf32, #tpu.memory_space<vmem_shared>> -> memref<80x64xf32, #tpu.memory_space<vmem_shared>>
      tpu.enqueue_dma source(%dma_start3A_232 : memref<80x64xf32, #tpu.memory_space<vmem_shared>>) target(%dma_start3A_230 : memref<80x64xf32, #tpu.memory_space<vmem>>) target_semaphore(%run_scoped3A : memref<!tpu.dma_semaphore, #tpu.memory_space<semaphore_mem>>)
      %dma_wait3A_233 = arith.constant 0 : i32
      %dma_wait3A_234 = arith.constant 0 : i32
      %dma_wait3A_235 = tpu.memref_slice %arg8[%dma_wait3A_233, %dma_wait3A_234] : memref<125x64xf32, #tpu.memory_space<vmem>> -> memref<80x64xf32, #tpu.memory_space<vmem>>
      %dma_wait3A_236 = arith.constant 0 : i32
      %dma_wait3A_237 = tpu.memref_slice %arg12[%add3A_218, %dma_wait3A_236] : memref<10240x64xf32, #tpu.memory_space<vmem_shared>> -> memref<80x64xf32, #tpu.memory_space<vmem_shared>>
      %dma_wait3A_238 = arith.constant 0 : i32
      %dma_wait3A_239 = arith.constant 0 : i32
      %dma_wait3A_240 = tpu.memref_slice %arg8[%dma_wait3A_238, %dma_wait3A_239] : memref<125x64xf32, #tpu.memory_space<vmem>> -> memref<80x64xf32, #tpu.memory_space<vmem>>
      %dma_wait3A_241 = arith.constant 0 : i32
      %dma_wait3A_242 = tpu.memref_slice %arg12[%add3A_218, %dma_wait3A_241] : memref<10240x64xf32, #tpu.memory_space<vmem_shared>> -> memref<80x64xf32, #tpu.memory_space<vmem_shared>>
      tpu.wait_dma2 semaphore(%run_scoped3A : memref<!tpu.dma_semaphore, #tpu.memory_space<semaphore_mem>>) src(%dma_wait3A_242 : memref<80x64xf32, #tpu.memory_space<vmem_shared>>) dst(%dma_wait3A_240 : memref<80x64xf32, #tpu.memory_space<vmem>>)
      tpu.yield
    }) : () -> ()
    "tpu.region"() ({
      %run_scoped3A = tpu.sem_alloc : memref<!tpu.dma_semaphore, #tpu.memory_space<semaphore_mem>>
      %dma_start3A_223 = arith.constant 0 : i32
      %dma_start3A_224 = arith.constant 0 : i32
      %dma_start3A_225 = tpu.memref_slice %arg8[%dma_start3A_223, %dma_start3A_224] : memref<125x64xf32, #tpu.memory_space<vmem>> -> memref<80x64xf32, #tpu.memory_space<vmem>>
      %dma_start3A_226 = arith.constant 0 : i32
      %dma_start3A_227 = tpu.memref_slice %arg5[%arg0, %add3A_218, %dma_start3A_226] : memref<2x10240x64xf32, #tpu.memory_space<hbm>> -> memref<1x80x64xf32, #tpu.memory_space<hbm>>
      %dma_start3A_228 = tpu.memref_squeeze %dma_start3A_227 : memref<1x80x64xf32, #tpu.memory_space<hbm>> -> memref<80x64xf32, #tpu.memory_space<hbm>>
      %dma_start3A_229 = arith.constant 0 : i32
      %dma_start3A_230 = tpu.memref_slice %arg5[%arg0, %add3A_218, %dma_start3A_229] : memref<2x10240x64xf32, #tpu.memory_space<hbm>> -> memref<1x80x64xf32, #tpu.memory_space<hbm>>
      %dma_start3A_231 = tpu.memref_squeeze %dma_start3A_230 : memref<1x80x64xf32, #tpu.memory_space<hbm>> -> memref<80x64xf32, #tpu.memory_space<hbm>>
      %dma_start3A_232 = arith.constant 0 : i32
      %dma_start3A_233 = arith.constant 0 : i32
      %dma_start3A_234 = tpu.memref_slice %arg8[%dma_start3A_232, %dma_start3A_233] : memref<125x64xf32, #tpu.memory_space<vmem>> -> memref<80x64xf32, #tpu.memory_space<vmem>>
      tpu.enqueue_dma source(%dma_start3A_234 : memref<80x64xf32, #tpu.memory_space<vmem>>) target(%dma_start3A_231 : memref<80x64xf32, #tpu.memory_space<hbm>>) target_semaphore(%run_scoped3A : memref<!tpu.dma_semaphore, #tpu.memory_space<semaphore_mem>>)
      %dma_wait3A_235 = arith.constant 0 : i32
      %dma_wait3A_236 = arith.constant 0 : i32
      %dma_wait3A_237 = tpu.memref_slice %arg8[%dma_wait3A_235, %dma_wait3A_236] : memref<125x64xf32, #tpu.memory_space<vmem>> -> memref<80x64xf32, #tpu.memory_space<vmem>>
      %dma_wait3A_238 = arith.constant 0 : i32
      %dma_wait3A_239 = tpu.memref_slice %arg5[%arg0, %add3A_218, %dma_wait3A_238] : memref<2x10240x64xf32, #tpu.memory_space<hbm>> -> memref<1x80x64xf32, #tpu.memory_space<hbm>>
      %dma_wait3A_240 = tpu.memref_squeeze %dma_wait3A_239 : memref<1x80x64xf32, #tpu.memory_space<hbm>> -> memref<80x64xf32, #tpu.memory_space<hbm>>
      %dma_wait3A_241 = arith.constant 0 : i32
      %dma_wait3A_242 = tpu.memref_slice %arg5[%arg0, %add3A_218, %dma_wait3A_241] : memref<2x10240x64xf32, #tpu.memory_space<hbm>> -> memref<1x80x64xf32, #tpu.memory_space<hbm>>
      %dma_wait3A_243 = tpu.memref_squeeze %dma_wait3A_242 : memref<1x80x64xf32, #tpu.memory_space<hbm>> -> memref<80x64xf32, #tpu.memory_space<hbm>>
      %dma_wait3A_244 = arith.constant 0 : i32
      %dma_wait3A_245 = arith.constant 0 : i32
      %dma_wait3A_246 = tpu.memref_slice %arg8[%dma_wait3A_244, %dma_wait3A_245] : memref<125x64xf32, #tpu.memory_space<vmem>> -> memref<80x64xf32, #tpu.memory_space<vmem>>
      tpu.wait_dma2 semaphore(%run_scoped3A : memref<!tpu.dma_semaphore, #tpu.memory_space<semaphore_mem>>) src(%dma_wait3A_246 : memref<80x64xf32, #tpu.memory_space<vmem>>) dst(%dma_wait3A_243 : memref<80x64xf32, #tpu.memory_space<hbm>>)
      tpu.yield
    }) : () -> ()
    %mul3A_219 = arith.constant 640 : i32
    %mul3A_220 = arith.muli %arg1, %mul3A_219 : i32
    %add3A_221 = arith.constant 560 : i32
    %add3A_222 = arith.addi %mul3A_220, %add3A_221 : i32
    "tpu.region"() ({
      %run_scoped3A = tpu.sem_alloc : memref<!tpu.dma_semaphore, #tpu.memory_space<semaphore_mem>>
      %dma_start3A_223 = arith.constant 0 : i32
      %dma_start3A_224 = arith.constant 0 : i32
      %dma_start3A_225 = tpu.memref_slice %arg8[%dma_start3A_223, %dma_start3A_224] : memref<125x64xf32, #tpu.memory_space<vmem>> -> memref<80x64xf32, #tpu.memory_space<vmem>>
      %dma_start3A_226 = arith.constant 0 : i32
      %dma_start3A_227 = tpu.memref_slice %arg12[%add3A_222, %dma_start3A_226] : memref<10240x64xf32, #tpu.memory_space<vmem_shared>> -> memref<80x64xf32, #tpu.memory_space<vmem_shared>>
      %dma_start3A_228 = arith.constant 0 : i32
      %dma_start3A_229 = arith.constant 0 : i32
      %dma_start3A_230 = tpu.memref_slice %arg8[%dma_start3A_228, %dma_start3A_229] : memref<125x64xf32, #tpu.memory_space<vmem>> -> memref<80x64xf32, #tpu.memory_space<vmem>>
      %dma_start3A_231 = arith.constant 0 : i32
      %dma_start3A_232 = tpu.memref_slice %arg12[%add3A_222, %dma_start3A_231] : memref<10240x64xf32, #tpu.memory_space<vmem_shared>> -> memref<80x64xf32, #tpu.memory_space<vmem_shared>>
      tpu.enqueue_dma source(%dma_start3A_232 : memref<80x64xf32, #tpu.memory_space<vmem_shared>>) target(%dma_start3A_230 : memref<80x64xf32, #tpu.memory_space<vmem>>) target_semaphore(%run_scoped3A : memref<!tpu.dma_semaphore, #tpu.memory_space<semaphore_mem>>)
      %dma_wait3A_233 = arith.constant 0 : i32
      %dma_wait3A_234 = arith.constant 0 : i32
      %dma_wait3A_235 = tpu.memref_slice %arg8[%dma_wait3A_233, %dma_wait3A_234] : memref<125x64xf32, #tpu.memory_space<vmem>> -> memref<80x64xf32, #tpu.memory_space<vmem>>
      %dma_wait3A_236 = arith.constant 0 : i32
      %dma_wait3A_237 = tpu.memref_slice %arg12[%add3A_222, %dma_wait3A_236] : memref<10240x64xf32, #tpu.memory_space<vmem_shared>> -> memref<80x64xf32, #tpu.memory_space<vmem_shared>>
      %dma_wait3A_238 = arith.constant 0 : i32
      %dma_wait3A_239 = arith.constant 0 : i32
      %dma_wait3A_240 = tpu.memref_slice %arg8[%dma_wait3A_238, %dma_wait3A_239] : memref<125x64xf32, #tpu.memory_space<vmem>> -> memref<80x64xf32, #tpu.memory_space<vmem>>
      %dma_wait3A_241 = arith.constant 0 : i32
      %dma_wait3A_242 = tpu.memref_slice %arg12[%add3A_222, %dma_wait3A_241] : memref<10240x64xf32, #tpu.memory_space<vmem_shared>> -> memref<80x64xf32, #tpu.memory_space<vmem_shared>>
      tpu.wait_dma2 semaphore(%run_scoped3A : memref<!tpu.dma_semaphore, #tpu.memory_space<semaphore_mem>>) src(%dma_wait3A_242 : memref<80x64xf32, #tpu.memory_space<vmem_shared>>) dst(%dma_wait3A_240 : memref<80x64xf32, #tpu.memory_space<vmem>>)
      tpu.yield
    }) : () -> ()
    "tpu.region"() ({
      %run_scoped3A = tpu.sem_alloc : memref<!tpu.dma_semaphore, #tpu.memory_space<semaphore_mem>>
      %dma_start3A_223 = arith.constant 0 : i32
      %dma_start3A_224 = arith.constant 0 : i32
      %dma_start3A_225 = tpu.memref_slice %arg8[%dma_start3A_223, %dma_start3A_224] : memref<125x64xf32, #tpu.memory_space<vmem>> -> memref<80x64xf32, #tpu.memory_space<vmem>>
      %dma_start3A_226 = arith.constant 0 : i32
      %dma_start3A_227 = tpu.memref_slice %arg5[%arg0, %add3A_222, %dma_start3A_226] : memref<2x10240x64xf32, #tpu.memory_space<hbm>> -> memref<1x80x64xf32, #tpu.memory_space<hbm>>
      %dma_start3A_228 = tpu.memref_squeeze %dma_start3A_227 : memref<1x80x64xf32, #tpu.memory_space<hbm>> -> memref<80x64xf32, #tpu.memory_space<hbm>>
      %dma_start3A_229 = arith.constant 0 : i32
      %dma_start3A_230 = tpu.memref_slice %arg5[%arg0, %add3A_222, %dma_start3A_229] : memref<2x10240x64xf32, #tpu.memory_space<hbm>> -> memref<1x80x64xf32, #tpu.memory_space<hbm>>
      %dma_start3A_231 = tpu.memref_squeeze %dma_start3A_230 : memref<1x80x64xf32, #tpu.memory_space<hbm>> -> memref<80x64xf32, #tpu.memory_space<hbm>>
      %dma_start3A_232 = arith.constant 0 : i32
      %dma_start3A_233 = arith.constant 0 : i32
      %dma_start3A_234 = tpu.memref_slice %arg8[%dma_start3A_232, %dma_start3A_233] : memref<125x64xf32, #tpu.memory_space<vmem>> -> memref<80x64xf32, #tpu.memory_space<vmem>>
      tpu.enqueue_dma source(%dma_start3A_234 : memref<80x64xf32, #tpu.memory_space<vmem>>) target(%dma_start3A_231 : memref<80x64xf32, #tpu.memory_space<hbm>>) target_semaphore(%run_scoped3A : memref<!tpu.dma_semaphore, #tpu.memory_space<semaphore_mem>>)
      %dma_wait3A_235 = arith.constant 0 : i32
      %dma_wait3A_236 = arith.constant 0 : i32
      %dma_wait3A_237 = tpu.memref_slice %arg8[%dma_wait3A_235, %dma_wait3A_236] : memref<125x64xf32, #tpu.memory_space<vmem>> -> memref<80x64xf32, #tpu.memory_space<vmem>>
      %dma_wait3A_238 = arith.constant 0 : i32
      %dma_wait3A_239 = tpu.memref_slice %arg5[%arg0, %add3A_222, %dma_wait3A_238] : memref<2x10240x64xf32, #tpu.memory_space<hbm>> -> memref<1x80x64xf32, #tpu.memory_space<hbm>>
      %dma_wait3A_240 = tpu.memref_squeeze %dma_wait3A_239 : memref<1x80x64xf32, #tpu.memory_space<hbm>> -> memref<80x64xf32, #tpu.memory_space<hbm>>
      %dma_wait3A_241 = arith.constant 0 : i32
      %dma_wait3A_242 = tpu.memref_slice %arg5[%arg0, %add3A_222, %dma_wait3A_241] : memref<2x10240x64xf32, #tpu.memory_space<hbm>> -> memref<1x80x64xf32, #tpu.memory_space<hbm>>
      %dma_wait3A_243 = tpu.memref_squeeze %dma_wait3A_242 : memref<1x80x64xf32, #tpu.memory_space<hbm>> -> memref<80x64xf32, #tpu.memory_space<hbm>>
      %dma_wait3A_244 = arith.constant 0 : i32
      %dma_wait3A_245 = arith.constant 0 : i32
      %dma_wait3A_246 = tpu.memref_slice %arg8[%dma_wait3A_244, %dma_wait3A_245] : memref<125x64xf32, #tpu.memory_space<vmem>> -> memref<80x64xf32, #tpu.memory_space<vmem>>
      tpu.wait_dma2 semaphore(%run_scoped3A : memref<!tpu.dma_semaphore, #tpu.memory_space<semaphore_mem>>) src(%dma_wait3A_246 : memref<80x64xf32, #tpu.memory_space<vmem>>) dst(%dma_wait3A_243 : memref<80x64xf32, #tpu.memory_space<hbm>>)
      tpu.yield
    }) : () -> ()
    return
  }
}

#map = affine_map<(d0, d1) -> (0, 0, 0)>
module attributes {stable_mosaic.version = 14 : i64} {
  func.func @_sc_gather_scatter(%arg0: i32, %arg1: i32, %arg2: memref<2x10000x64xf32, #tpu.memory_space<hbm>>, %arg3: memref<16x160x125xi32, #tpu.memory_space<hbm>>, %arg4: memref<16x160x125xi32, #tpu.memory_space<hbm>>, %arg5: memref<2x10240x64xf32, #tpu.memory_space<hbm>>, %arg6: memref<160x125xi32, #tpu.memory_space<vmem>>, %arg7: memref<160x125xi32, #tpu.memory_space<vmem>>, %arg8: memref<125x64xf32, #tpu.memory_space<vmem>>, %arg9: memref<125x64xf32, #tpu.memory_space<vmem>>, %arg10: memref<125x64xf32, #tpu.memory_space<vmem>>, %arg11: memref<125x64xf32, #tpu.memory_space<vmem>>, %arg12: memref<10240x64xf32, #tpu.memory_space<vmem_shared>>, %arg13: memref<!tpu.dma_semaphore, #tpu.memory_space<semaphore_mem>>, %arg14: memref<!tpu.dma_semaphore, #tpu.memory_space<semaphore_mem>>, %arg15: memref<!tpu.dma_semaphore, #tpu.memory_space<semaphore_mem>>, %arg16: memref<!tpu.dma_semaphore, #tpu.memory_space<semaphore_mem>>, %arg17: memref<!tpu.dma_semaphore, #tpu.memory_space<semaphore_mem>>, %arg18: memref<!tpu.dma_semaphore, #tpu.memory_space<semaphore_mem>>, %arg19: memref<!tpu.dma_semaphore, #tpu.memory_space<semaphore_mem>>, %arg20: memref<!tpu.dma_semaphore, #tpu.memory_space<semaphore_mem>>) attributes {dimension_semantics = [#tpu.dimension_semantics<core_parallel>, #tpu.dimension_semantics<subcore_parallel>], iteration_bounds = array<i64: 2, 16>, scalar_prefetch = 0 : i64, scratch_operands = 15 : i64, tpu.core_type = #tpu.core_type<sc_vector_subcore>, window_params = [{transform_indices = #map}, {transform_indices = #map}, {transform_indices = #map}, {transform_indices = #map}]} {
    "tpu.region"() ({
      %run_scoped3A = tpu.sem_alloc : memref<!tpu.dma_semaphore, #tpu.memory_space<semaphore_mem>>
      %dma_start3A_223 = arith.constant 0 : i32
      %dma_start3A_224 = arith.constant 0 : i32
      %dma_start3A_225 = tpu.memref_slice %arg3[%arg1, %dma_start3A_223, %dma_start3A_224] : memref<16x160x125xi32, #tpu.memory_space<hbm>> -> memref<1x160x125xi32, #tpu.memory_space<hbm>>
      %dma_start3A_226 = tpu.memref_squeeze %dma_start3A_225 : memref<1x160x125xi32, #tpu.memory_space<hbm>> -> memref<160x125xi32, #tpu.memory_space<hbm>>
      %dma_start3A_227 = arith.constant 0 : i32
      %dma_start3A_228 = arith.constant 0 : i32
      %dma_start3A_229 = tpu.memref_slice %arg3[%arg1, %dma_start3A_227, %dma_start3A_228] : memref<16x160x125xi32, #tpu.memory_space<hbm>> -> memref<1x160x125xi32, #tpu.memory_space<hbm>>
      %dma_start3A_230 = tpu.memref_squeeze %dma_start3A_229 : memref<1x160x125xi32, #tpu.memory_space<hbm>> -> memref<160x125xi32, #tpu.memory_space<hbm>>
      tpu.enqueue_dma source(%dma_start3A_230 : memref<160x125xi32, #tpu.memory_space<hbm>>) target(%arg6 : memref<160x125xi32, #tpu.memory_space<vmem>>) target_semaphore(%run_scoped3A : memref<!tpu.dma_semaphore, #tpu.memory_space<semaphore_mem>>)
      %dma_wait3A_231 = arith.constant 0 : i32
      %dma_wait3A_232 = arith.constant 0 : i32
      %dma_wait3A_233 = tpu.memref_slice %arg3[%arg1, %dma_wait3A_231, %dma_wait3A_232] : memref<16x160x125xi32, #tpu.memory_space<hbm>> -> memref<1x160x125xi32, #tpu.memory_space<hbm>>
      %dma_wait3A_234 = tpu.memref_squeeze %dma_wait3A_233 : memref<1x160x125xi32, #tpu.memory_space<hbm>> -> memref<160x125xi32, #tpu.memory_space<hbm>>
      %dma_wait3A_235 = arith.constant 0 : i32
      %dma_wait3A_236 = arith.constant 0 : i32
      %dma_wait3A_237 = tpu.memref_slice %arg3[%arg1, %dma_wait3A_235, %dma_wait3A_236] : memref<16x160x125xi32, #tpu.memory_space<hbm>> -> memref<1x160x125xi32, #tpu.memory_space<hbm>>
      %dma_wait3A_238 = tpu.memref_squeeze %dma_wait3A_237 : memref<1x160x125xi32, #tpu.memory_space<hbm>> -> memref<160x125xi32, #tpu.memory_space<hbm>>
      tpu.wait_dma2 semaphore(%run_scoped3A : memref<!tpu.dma_semaphore, #tpu.memory_space<semaphore_mem>>) src(%dma_wait3A_238 : memref<160x125xi32, #tpu.memory_space<hbm>>) dst(%arg6 : memref<160x125xi32, #tpu.memory_space<vmem>>)
      tpu.yield
    }) : () -> ()
    "tpu.region"() ({
      %run_scoped3A = tpu.sem_alloc : memref<!tpu.dma_semaphore, #tpu.memory_space<semaphore_mem>>
      %dma_start3A_223 = arith.constant 0 : i32
      %dma_start3A_224 = arith.constant 0 : i32
      %dma_start3A_225 = tpu.memref_slice %arg4[%arg1, %dma_start3A_223, %dma_start3A_224] : memref<16x160x125xi32, #tpu.memory_space<hbm>> -> memref<1x160x125xi32, #tpu.memory_space<hbm>>
      %dma_start3A_226 = tpu.memref_squeeze %dma_start3A_225 : memref<1x160x125xi32, #tpu.memory_space<hbm>> -> memref<160x125xi32, #tpu.memory_space<hbm>>
      %dma_start3A_227 = arith.constant 0 : i32
      %dma_start3A_228 = arith.constant 0 : i32
      %dma_start3A_229 = tpu.memref_slice %arg4[%arg1, %dma_start3A_227, %dma_start3A_228] : memref<16x160x125xi32, #tpu.memory_space<hbm>> -> memref<1x160x125xi32, #tpu.memory_space<hbm>>
      %dma_start3A_230 = tpu.memref_squeeze %dma_start3A_229 : memref<1x160x125xi32, #tpu.memory_space<hbm>> -> memref<160x125xi32, #tpu.memory_space<hbm>>
      tpu.enqueue_dma source(%dma_start3A_230 : memref<160x125xi32, #tpu.memory_space<hbm>>) target(%arg7 : memref<160x125xi32, #tpu.memory_space<vmem>>) target_semaphore(%run_scoped3A : memref<!tpu.dma_semaphore, #tpu.memory_space<semaphore_mem>>)
      %dma_wait3A_231 = arith.constant 0 : i32
      %dma_wait3A_232 = arith.constant 0 : i32
      %dma_wait3A_233 = tpu.memref_slice %arg4[%arg1, %dma_wait3A_231, %dma_wait3A_232] : memref<16x160x125xi32, #tpu.memory_space<hbm>> -> memref<1x160x125xi32, #tpu.memory_space<hbm>>
      %dma_wait3A_234 = tpu.memref_squeeze %dma_wait3A_233 : memref<1x160x125xi32, #tpu.memory_space<hbm>> -> memref<160x125xi32, #tpu.memory_space<hbm>>
      %dma_wait3A_235 = arith.constant 0 : i32
      %dma_wait3A_236 = arith.constant 0 : i32
      %dma_wait3A_237 = tpu.memref_slice %arg4[%arg1, %dma_wait3A_235, %dma_wait3A_236] : memref<16x160x125xi32, #tpu.memory_space<hbm>> -> memref<1x160x125xi32, #tpu.memory_space<hbm>>
      %dma_wait3A_238 = tpu.memref_squeeze %dma_wait3A_237 : memref<1x160x125xi32, #tpu.memory_space<hbm>> -> memref<160x125xi32, #tpu.memory_space<hbm>>
      tpu.wait_dma2 semaphore(%run_scoped3A : memref<!tpu.dma_semaphore, #tpu.memory_space<semaphore_mem>>) src(%dma_wait3A_238 : memref<160x125xi32, #tpu.memory_space<hbm>>) dst(%arg7 : memref<160x125xi32, #tpu.memory_space<vmem>>)
      tpu.yield
    }) : () -> ()
    %scan3A = arith.constant 0 : i32
    %scan3A_0 = arith.constant 0 : i32
    %scan3A_1 = arith.constant 80 : i32
    %scan3A_2 = arith.addi %scan3A_0, %scan3A_1 : i32
    %scan3A_3 = arith.constant 1 : i32
    scf.for %scan3A_223 = %scan3A_0 to %scan3A_2 step %scan3A_3  : i32 {
      %broadcast_in_dim3A = arith.constant 0.000000e+00 : f32
      %broadcast_in_dim3A_224 = vector.broadcast %broadcast_in_dim3A : f32 to vector<16xf32>
      %swap3A = arith.index_cast %scan3A_223 : i32 to index
      %swap3A_225 = arith.constant 0 : index
      %swap3A_226 = tpu.vector_load %arg8[%swap3A, %swap3A_225] {strides = array<i32>} : memref<125x64xf32, #tpu.memory_space<vmem>>, vector<1x16xf32>,
      %swap3A_227 = vector.shape_cast %swap3A_226 : vector<1x16xf32> to vector<16xf32>
      %swap3A_228 = vector.shape_cast %broadcast_in_dim3A_224 : vector<16xf32> to vector<1x16xf32>
      tpu.vector_store %arg8[%swap3A, %swap3A_225], %swap3A_228 {strides = array<i32>} : memref<125x64xf32, #tpu.memory_space<vmem>>, vector<1x16xf32>,
      %broadcast_in_dim3A_229 = arith.constant 0.000000e+00 : f32
      %broadcast_in_dim3A_230 = vector.broadcast %broadcast_in_dim3A_229 : f32 to vector<16xf32>
      %swap3A_231 = arith.index_cast %scan3A_223 : i32 to index
      %swap3A_232 = arith.constant 16 : index
      %swap3A_233 = tpu.vector_load %arg8[%swap3A_231, %swap3A_232] {strides = array<i32>} : memref<125x64xf32, #tpu.memory_space<vmem>>, vector<1x16xf32>,
      %swap3A_234 = vector.shape_cast %swap3A_233 : vector<1x16xf32> to vector<16xf32>
      %swap3A_235 = vector.shape_cast %broadcast_in_dim3A_230 : vector<16xf32> to vector<1x16xf32>
      tpu.vector_store %arg8[%swap3A_231, %swap3A_232], %swap3A_235 {strides = array<i32>} : memref<125x64xf32, #tpu.memory_space<vmem>>, vector<1x16xf32>,
      %broadcast_in_dim3A_236 = arith.constant 0.000000e+00 : f32
      %broadcast_in_dim3A_237 = vector.broadcast %broadcast_in_dim3A_236 : f32 to vector<16xf32>
      %swap3A_238 = arith.index_cast %scan3A_223 : i32 to index
      %swap3A_239 = arith.constant 32 : index
      %swap3A_240 = tpu.vector_load %arg8[%swap3A_238, %swap3A_239] {strides = array<i32>} : memref<125x64xf32, #tpu.memory_space<vmem>>, vector<1x16xf32>,
      %swap3A_241 = vector.shape_cast %swap3A_240 : vector<1x16xf32> to vector<16xf32>
      %swap3A_242 = vector.shape_cast %broadcast_in_dim3A_237 : vector<16xf32> to vector<1x16xf32>
      tpu.vector_store %arg8[%swap3A_238, %swap3A_239], %swap3A_242 {strides = array<i32>} : memref<125x64xf32, #tpu.memory_space<vmem>>, vector<1x16xf32>,
      %broadcast_in_dim3A_243 = arith.constant 0.000000e+00 : f32
      %broadcast_in_dim3A_244 = vector.broadcast %broadcast_in_dim3A_243 : f32 to vector<16xf32>
      %swap3A_245 = arith.index_cast %scan3A_223 : i32 to index
      %swap3A_246 = arith.constant 48 : index
      %swap3A_247 = tpu.vector_load %arg8[%swap3A_245, %swap3A_246] {strides = array<i32>} : memref<125x64xf32, #tpu.memory_space<vmem>>, vector<1x16xf32>,
      %swap3A_248 = vector.shape_cast %swap3A_247 : vector<1x16xf32> to vector<16xf32>
      %swap3A_249 = vector.shape_cast %broadcast_in_dim3A_244 : vector<16xf32> to vector<1x16xf32>
      tpu.vector_store %arg8[%swap3A_245, %swap3A_246], %swap3A_249 {strides = array<i32>} : memref<125x64xf32, #tpu.memory_space<vmem>>, vector<1x16xf32>,
    }
    %scan3A_4 = arith.constant 80 : i32
    %mul3A = arith.constant 640 : i32
    %mul3A_5 = arith.muli %arg1, %mul3A : i32
    %add3A = arith.constant 0 : i32
    %add3A_6 = arith.addi %mul3A_5, %add3A : i32
    "tpu.region"() ({
      %run_scoped3A = tpu.sem_alloc : memref<!tpu.dma_semaphore, #tpu.memory_space<semaphore_mem>>
      %dma_start3A_223 = arith.constant 0 : i32
      %dma_start3A_224 = arith.constant 0 : i32
      %dma_start3A_225 = tpu.memref_slice %arg8[%dma_start3A_223, %dma_start3A_224] : memref<125x64xf32, #tpu.memory_space<vmem>> -> memref<80x64xf32, #tpu.memory_space<vmem>>
      %dma_start3A_226 = arith.constant 0 : i32
      %dma_start3A_227 = tpu.memref_slice %arg12[%add3A_6, %dma_start3A_226] : memref<10240x64xf32, #tpu.memory_space<vmem_shared>> -> memref<80x64xf32, #tpu.memory_space<vmem_shared>>
      %dma_start3A_228 = arith.constant 0 : i32
      %dma_start3A_229 = tpu.memref_slice %arg12[%add3A_6, %dma_start3A_228] : memref<10240x64xf32, #tpu.memory_space<vmem_shared>> -> memref<80x64xf32, #tpu.memory_space<vmem_shared>>
      %dma_start3A_230 = arith.constant 0 : i32
      %dma_start3A_231 = arith.constant 0 : i32
      %dma_start3A_232 = tpu.memref_slice %arg8[%dma_start3A_230, %dma_start3A_231] : memref<125x64xf32, #tpu.memory_space<vmem>> -> memref<80x64xf32, #tpu.memory_space<vmem>>
      tpu.enqueue_dma source(%dma_start3A_232 : memref<80x64xf32, #tpu.memory_space<vmem>>) target(%dma_start3A_229 : memref<80x64xf32, #tpu.memory_space<vmem_shared>>) target_semaphore(%run_scoped3A : memref<!tpu.dma_semaphore, #tpu.memory_space<semaphore_mem>>)
      %dma_wait3A_233 = arith.constant 0 : i32
      %dma_wait3A_234 = arith.constant 0 : i32
      %dma_wait3A_235 = tpu.memref_slice %arg8[%dma_wait3A_233, %dma_wait3A_234] : memref<125x64xf32, #tpu.memory_space<vmem>> -> memref<80x64xf32, #tpu.memory_space<vmem>>
      %dma_wait3A_236 = arith.constant 0 : i32
      %dma_wait3A_237 = tpu.memref_slice %arg12[%add3A_6, %dma_wait3A_236] : memref<10240x64xf32, #tpu.memory_space<vmem_shared>> -> memref<80x64xf32, #tpu.memory_space<vmem_shared>>
      %dma_wait3A_238 = arith.constant 0 : i32
      %dma_wait3A_239 = tpu.memref_slice %arg12[%add3A_6, %dma_wait3A_238] : memref<10240x64xf32, #tpu.memory_space<vmem_shared>> -> memref<80x64xf32, #tpu.memory_space<vmem_shared>>
      %dma_wait3A_240 = arith.constant 0 : i32
      %dma_wait3A_241 = arith.constant 0 : i32
      %dma_wait3A_242 = tpu.memref_slice %arg8[%dma_wait3A_240, %dma_wait3A_241] : memref<125x64xf32, #tpu.memory_space<vmem>> -> memref<80x64xf32, #tpu.memory_space<vmem>>
      tpu.wait_dma2 semaphore(%run_scoped3A : memref<!tpu.dma_semaphore, #tpu.memory_space<semaphore_mem>>) src(%dma_wait3A_242 : memref<80x64xf32, #tpu.memory_space<vmem>>) dst(%dma_wait3A_239 : memref<80x64xf32, #tpu.memory_space<vmem_shared>>)
      tpu.yield
    }) : () -> ()
    %mul3A_7 = arith.constant 640 : i32
    %mul3A_8 = arith.muli %arg1, %mul3A_7 : i32
    %add3A_9 = arith.constant 80 : i32
    %add3A_10 = arith.addi %mul3A_8, %add3A_9 : i32
    "tpu.region"() ({
      %run_scoped3A = tpu.sem_alloc : memref<!tpu.dma_semaphore, #tpu.memory_space<semaphore_mem>>
      %dma_start3A_223 = arith.constant 0 : i32
      %dma_start3A_224 = arith.constant 0 : i32
      %dma_start3A_225 = tpu.memref_slice %arg8[%dma_start3A_223, %dma_start3A_224] : memref<125x64xf32, #tpu.memory_space<vmem>> -> memref<80x64xf32, #tpu.memory_space<vmem>>
      %dma_start3A_226 = arith.constant 0 : i32
      %dma_start3A_227 = tpu.memref_slice %arg12[%add3A_10, %dma_start3A_226] : memref<10240x64xf32, #tpu.memory_space<vmem_shared>> -> memref<80x64xf32, #tpu.memory_space<vmem_shared>>
      %dma_start3A_228 = arith.constant 0 : i32
      %dma_start3A_229 = tpu.memref_slice %arg12[%add3A_10, %dma_start3A_228] : memref<10240x64xf32, #tpu.memory_space<vmem_shared>> -> memref<80x64xf32, #tpu.memory_space<vmem_shared>>
      %dma_start3A_230 = arith.constant 0 : i32
      %dma_start3A_231 = arith.constant 0 : i32
      %dma_start3A_232 = tpu.memref_slice %arg8[%dma_start3A_230, %dma_start3A_231] : memref<125x64xf32, #tpu.memory_space<vmem>> -> memref<80x64xf32, #tpu.memory_space<vmem>>
      tpu.enqueue_dma source(%dma_start3A_232 : memref<80x64xf32, #tpu.memory_space<vmem>>) target(%dma_start3A_229 : memref<80x64xf32, #tpu.memory_space<vmem_shared>>) target_semaphore(%run_scoped3A : memref<!tpu.dma_semaphore, #tpu.memory_space<semaphore_mem>>)
      %dma_wait3A_233 = arith.constant 0 : i32
      %dma_wait3A_234 = arith.constant 0 : i32
      %dma_wait3A_235 = tpu.memref_slice %arg8[%dma_wait3A_233, %dma_wait3A_234] : memref<125x64xf32, #tpu.memory_space<vmem>> -> memref<80x64xf32, #tpu.memory_space<vmem>>
      %dma_wait3A_236 = arith.constant 0 : i32
      %dma_wait3A_237 = tpu.memref_slice %arg12[%add3A_10, %dma_wait3A_236] : memref<10240x64xf32, #tpu.memory_space<vmem_shared>> -> memref<80x64xf32, #tpu.memory_space<vmem_shared>>
      %dma_wait3A_238 = arith.constant 0 : i32
      %dma_wait3A_239 = tpu.memref_slice %arg12[%add3A_10, %dma_wait3A_238] : memref<10240x64xf32, #tpu.memory_space<vmem_shared>> -> memref<80x64xf32, #tpu.memory_space<vmem_shared>>
      %dma_wait3A_240 = arith.constant 0 : i32
      %dma_wait3A_241 = arith.constant 0 : i32
      %dma_wait3A_242 = tpu.memref_slice %arg8[%dma_wait3A_240, %dma_wait3A_241] : memref<125x64xf32, #tpu.memory_space<vmem>> -> memref<80x64xf32, #tpu.memory_space<vmem>>
      tpu.wait_dma2 semaphore(%run_scoped3A : memref<!tpu.dma_semaphore, #tpu.memory_space<semaphore_mem>>) src(%dma_wait3A_242 : memref<80x64xf32, #tpu.memory_space<vmem>>) dst(%dma_wait3A_239 : memref<80x64xf32, #tpu.memory_space<vmem_shared>>)
      tpu.yield
    }) : () -> ()
    %mul3A_11 = arith.constant 640 : i32
    %mul3A_12 = arith.muli %arg1, %mul3A_11 : i32
    %add3A_13 = arith.constant 160 : i32
    %add3A_14 = arith.addi %mul3A_12, %add3A_13 : i32
    "tpu.region"() ({
      %run_scoped3A = tpu.sem_alloc : memref<!tpu.dma_semaphore, #tpu.memory_space<semaphore_mem>>
      %dma_start3A_223 = arith.constant 0 : i32
      %dma_start3A_224 = arith.constant 0 : i32
      %dma_start3A_225 = tpu.memref_slice %arg8[%dma_start3A_223, %dma_start3A_224] : memref<125x64xf32, #tpu.memory_space<vmem>> -> memref<80x64xf32, #tpu.memory_space<vmem>>
      %dma_start3A_226 = arith.constant 0 : i32
      %dma_start3A_227 = tpu.memref_slice %arg12[%add3A_14, %dma_start3A_226] : memref<10240x64xf32, #tpu.memory_space<vmem_shared>> -> memref<80x64xf32, #tpu.memory_space<vmem_shared>>
      %dma_start3A_228 = arith.constant 0 : i32
      %dma_start3A_229 = tpu.memref_slice %arg12[%add3A_14, %dma_start3A_228] : memref<10240x64xf32, #tpu.memory_space<vmem_shared>> -> memref<80x64xf32, #tpu.memory_space<vmem_shared>>
      %dma_start3A_230 = arith.constant 0 : i32
      %dma_start3A_231 = arith.constant 0 : i32
      %dma_start3A_232 = tpu.memref_slice %arg8[%dma_start3A_230, %dma_start3A_231] : memref<125x64xf32, #tpu.memory_space<vmem>> -> memref<80x64xf32, #tpu.memory_space<vmem>>
      tpu.enqueue_dma source(%dma_start3A_232 : memref<80x64xf32, #tpu.memory_space<vmem>>) target(%dma_start3A_229 : memref<80x64xf32, #tpu.memory_space<vmem_shared>>) target_semaphore(%run_scoped3A : memref<!tpu.dma_semaphore, #tpu.memory_space<semaphore_mem>>)
      %dma_wait3A_233 = arith.constant 0 : i32
      %dma_wait3A_234 = arith.constant 0 : i32
      %dma_wait3A_235 = tpu.memref_slice %arg8[%dma_wait3A_233, %dma_wait3A_234] : memref<125x64xf32, #tpu.memory_space<vmem>> -> memref<80x64xf32, #tpu.memory_space<vmem>>
      %dma_wait3A_236 = arith.constant 0 : i32
      %dma_wait3A_237 = tpu.memref_slice %arg12[%add3A_14, %dma_wait3A_236] : memref<10240x64xf32, #tpu.memory_space<vmem_shared>> -> memref<80x64xf32, #tpu.memory_space<vmem_shared>>
      %dma_wait3A_238 = arith.constant 0 : i32
      %dma_wait3A_239 = tpu.memref_slice %arg12[%add3A_14, %dma_wait3A_238] : memref<10240x64xf32, #tpu.memory_space<vmem_shared>> -> memref<80x64xf32, #tpu.memory_space<vmem_shared>>
      %dma_wait3A_240 = arith.constant 0 : i32
      %dma_wait3A_241 = arith.constant 0 : i32
      %dma_wait3A_242 = tpu.memref_slice %arg8[%dma_wait3A_240, %dma_wait3A_241] : memref<125x64xf32, #tpu.memory_space<vmem>> -> memref<80x64xf32, #tpu.memory_space<vmem>>
      tpu.wait_dma2 semaphore(%run_scoped3A : memref<!tpu.dma_semaphore, #tpu.memory_space<semaphore_mem>>) src(%dma_wait3A_242 : memref<80x64xf32, #tpu.memory_space<vmem>>) dst(%dma_wait3A_239 : memref<80x64xf32, #tpu.memory_space<vmem_shared>>)
      tpu.yield
    }) : () -> ()
    %mul3A_15 = arith.constant 640 : i32
    %mul3A_16 = arith.muli %arg1, %mul3A_15 : i32
    %add3A_17 = arith.constant 240 : i32
    %add3A_18 = arith.addi %mul3A_16, %add3A_17 : i32
    "tpu.region"() ({
      %run_scoped3A = tpu.sem_alloc : memref<!tpu.dma_semaphore, #tpu.memory_space<semaphore_mem>>
      %dma_start3A_223 = arith.constant 0 : i32
      %dma_start3A_224 = arith.constant 0 : i32
      %dma_start3A_225 = tpu.memref_slice %arg8[%dma_start3A_223, %dma_start3A_224] : memref<125x64xf32, #tpu.memory_space<vmem>> -> memref<80x64xf32, #tpu.memory_space<vmem>>
      %dma_start3A_226 = arith.constant 0 : i32
      %dma_start3A_227 = tpu.memref_slice %arg12[%add3A_18, %dma_start3A_226] : memref<10240x64xf32, #tpu.memory_space<vmem_shared>> -> memref<80x64xf32, #tpu.memory_space<vmem_shared>>
      %dma_start3A_228 = arith.constant 0 : i32
      %dma_start3A_229 = tpu.memref_slice %arg12[%add3A_18, %dma_start3A_228] : memref<10240x64xf32, #tpu.memory_space<vmem_shared>> -> memref<80x64xf32, #tpu.memory_space<vmem_shared>>
      %dma_start3A_230 = arith.constant 0 : i32
      %dma_start3A_231 = arith.constant 0 : i32
      %dma_start3A_232 = tpu.memref_slice %arg8[%dma_start3A_230, %dma_start3A_231] : memref<125x64xf32, #tpu.memory_space<vmem>> -> memref<80x64xf32, #tpu.memory_space<vmem>>
      tpu.enqueue_dma source(%dma_start3A_232 : memref<80x64xf32, #tpu.memory_space<vmem>>) target(%dma_start3A_229 : memref<80x64xf32, #tpu.memory_space<vmem_shared>>) target_semaphore(%run_scoped3A : memref<!tpu.dma_semaphore, #tpu.memory_space<semaphore_mem>>)
      %dma_wait3A_233 = arith.constant 0 : i32
      %dma_wait3A_234 = arith.constant 0 : i32
      %dma_wait3A_235 = tpu.memref_slice %arg8[%dma_wait3A_233, %dma_wait3A_234] : memref<125x64xf32, #tpu.memory_space<vmem>> -> memref<80x64xf32, #tpu.memory_space<vmem>>
      %dma_wait3A_236 = arith.constant 0 : i32
      %dma_wait3A_237 = tpu.memref_slice %arg12[%add3A_18, %dma_wait3A_236] : memref<10240x64xf32, #tpu.memory_space<vmem_shared>> -> memref<80x64xf32, #tpu.memory_space<vmem_shared>>
      %dma_wait3A_238 = arith.constant 0 : i32
      %dma_wait3A_239 = tpu.memref_slice %arg12[%add3A_18, %dma_wait3A_238] : memref<10240x64xf32, #tpu.memory_space<vmem_shared>> -> memref<80x64xf32, #tpu.memory_space<vmem_shared>>
      %dma_wait3A_240 = arith.constant 0 : i32
      %dma_wait3A_241 = arith.constant 0 : i32
      %dma_wait3A_242 = tpu.memref_slice %arg8[%dma_wait3A_240, %dma_wait3A_241] : memref<125x64xf32, #tpu.memory_space<vmem>> -> memref<80x64xf32, #tpu.memory_space<vmem>>
      tpu.wait_dma2 semaphore(%run_scoped3A : memref<!tpu.dma_semaphore, #tpu.memory_space<semaphore_mem>>) src(%dma_wait3A_242 : memref<80x64xf32, #tpu.memory_space<vmem>>) dst(%dma_wait3A_239 : memref<80x64xf32, #tpu.memory_space<vmem_shared>>)
      tpu.yield
    }) : () -> ()
    %mul3A_19 = arith.constant 640 : i32
    %mul3A_20 = arith.muli %arg1, %mul3A_19 : i32
    %add3A_21 = arith.constant 320 : i32
    %add3A_22 = arith.addi %mul3A_20, %add3A_21 : i32
    "tpu.region"() ({
      %run_scoped3A = tpu.sem_alloc : memref<!tpu.dma_semaphore, #tpu.memory_space<semaphore_mem>>
      %dma_start3A_223 = arith.constant 0 : i32
      %dma_start3A_224 = arith.constant 0 : i32
      %dma_start3A_225 = tpu.memref_slice %arg8[%dma_start3A_223, %dma_start3A_224] : memref<125x64xf32, #tpu.memory_space<vmem>> -> memref<80x64xf32, #tpu.memory_space<vmem>>
      %dma_start3A_226 = arith.constant 0 : i32
      %dma_start3A_227 = tpu.memref_slice %arg12[%add3A_22, %dma_start3A_226] : memref<10240x64xf32, #tpu.memory_space<vmem_shared>> -> memref<80x64xf32, #tpu.memory_space<vmem_shared>>
      %dma_start3A_228 = arith.constant 0 : i32
      %dma_start3A_229 = tpu.memref_slice %arg12[%add3A_22, %dma_start3A_228] : memref<10240x64xf32, #tpu.memory_space<vmem_shared>> -> memref<80x64xf32, #tpu.memory_space<vmem_shared>>
      %dma_start3A_230 = arith.constant 0 : i32
      %dma_start3A_231 = arith.constant 0 : i32
      %dma_start3A_232 = tpu.memref_slice %arg8[%dma_start3A_230, %dma_start3A_231] : memref<125x64xf32, #tpu.memory_space<vmem>> -> memref<80x64xf32, #tpu.memory_space<vmem>>
      tpu.enqueue_dma source(%dma_start3A_232 : memref<80x64xf32, #tpu.memory_space<vmem>>) target(%dma_start3A_229 : memref<80x64xf32, #tpu.memory_space<vmem_shared>>) target_semaphore(%run_scoped3A : memref<!tpu.dma_semaphore, #tpu.memory_space<semaphore_mem>>)
      %dma_wait3A_233 = arith.constant 0 : i32
      %dma_wait3A_234 = arith.constant 0 : i32
      %dma_wait3A_235 = tpu.memref_slice %arg8[%dma_wait3A_233, %dma_wait3A_234] : memref<125x64xf32, #tpu.memory_space<vmem>> -> memref<80x64xf32, #tpu.memory_space<vmem>>
      %dma_wait3A_236 = arith.constant 0 : i32
      %dma_wait3A_237 = tpu.memref_slice %arg12[%add3A_22, %dma_wait3A_236] : memref<10240x64xf32, #tpu.memory_space<vmem_shared>> -> memref<80x64xf32, #tpu.memory_space<vmem_shared>>
      %dma_wait3A_238 = arith.constant 0 : i32
      %dma_wait3A_239 = tpu.memref_slice %arg12[%add3A_22, %dma_wait3A_238] : memref<10240x64xf32, #tpu.memory_space<vmem_shared>> -> memref<80x64xf32, #tpu.memory_space<vmem_shared>>
      %dma_wait3A_240 = arith.constant 0 : i32
      %dma_wait3A_241 = arith.constant 0 : i32
      %dma_wait3A_242 = tpu.memref_slice %arg8[%dma_wait3A_240, %dma_wait3A_241] : memref<125x64xf32, #tpu.memory_space<vmem>> -> memref<80x64xf32, #tpu.memory_space<vmem>>
      tpu.wait_dma2 semaphore(%run_scoped3A : memref<!tpu.dma_semaphore, #tpu.memory_space<semaphore_mem>>) src(%dma_wait3A_242 : memref<80x64xf32, #tpu.memory_space<vmem>>) dst(%dma_wait3A_239 : memref<80x64xf32, #tpu.memory_space<vmem_shared>>)
      tpu.yield
    }) : () -> ()
    %mul3A_23 = arith.constant 640 : i32
    %mul3A_24 = arith.muli %arg1, %mul3A_23 : i32
    %add3A_25 = arith.constant 400 : i32
    %add3A_26 = arith.addi %mul3A_24, %add3A_25 : i32
    "tpu.region"() ({
      %run_scoped3A = tpu.sem_alloc : memref<!tpu.dma_semaphore, #tpu.memory_space<semaphore_mem>>
      %dma_start3A_223 = arith.constant 0 : i32
      %dma_start3A_224 = arith.constant 0 : i32
      %dma_start3A_225 = tpu.memref_slice %arg8[%dma_start3A_223, %dma_start3A_224] : memref<125x64xf32, #tpu.memory_space<vmem>> -> memref<80x64xf32, #tpu.memory_space<vmem>>
      %dma_start3A_226 = arith.constant 0 : i32
      %dma_start3A_227 = tpu.memref_slice %arg12[%add3A_26, %dma_start3A_226] : memref<10240x64xf32, #tpu.memory_space<vmem_shared>> -> memref<80x64xf32, #tpu.memory_space<vmem_shared>>
      %dma_start3A_228 = arith.constant 0 : i32
      %dma_start3A_229 = tpu.memref_slice %arg12[%add3A_26, %dma_start3A_228] : memref<10240x64xf32, #tpu.memory_space<vmem_shared>> -> memref<80x64xf32, #tpu.memory_space<vmem_shared>>
      %dma_start3A_230 = arith.constant 0 : i32
      %dma_start3A_231 = arith.constant 0 : i32
      %dma_start3A_232 = tpu.memref_slice %arg8[%dma_start3A_230, %dma_start3A_231] : memref<125x64xf32, #tpu.memory_space<vmem>> -> memref<80x64xf32, #tpu.memory_space<vmem>>
      tpu.enqueue_dma source(%dma_start3A_232 : memref<80x64xf32, #tpu.memory_space<vmem>>) target(%dma_start3A_229 : memref<80x64xf32, #tpu.memory_space<vmem_shared>>) target_semaphore(%run_scoped3A : memref<!tpu.dma_semaphore, #tpu.memory_space<semaphore_mem>>)
      %dma_wait3A_233 = arith.constant 0 : i32
      %dma_wait3A_234 = arith.constant 0 : i32
      %dma_wait3A_235 = tpu.memref_slice %arg8[%dma_wait3A_233, %dma_wait3A_234] : memref<125x64xf32, #tpu.memory_space<vmem>> -> memref<80x64xf32, #tpu.memory_space<vmem>>
      %dma_wait3A_236 = arith.constant 0 : i32
      %dma_wait3A_237 = tpu.memref_slice %arg12[%add3A_26, %dma_wait3A_236] : memref<10240x64xf32, #tpu.memory_space<vmem_shared>> -> memref<80x64xf32, #tpu.memory_space<vmem_shared>>
      %dma_wait3A_238 = arith.constant 0 : i32
      %dma_wait3A_239 = tpu.memref_slice %arg12[%add3A_26, %dma_wait3A_238] : memref<10240x64xf32, #tpu.memory_space<vmem_shared>> -> memref<80x64xf32, #tpu.memory_space<vmem_shared>>
      %dma_wait3A_240 = arith.constant 0 : i32
      %dma_wait3A_241 = arith.constant 0 : i32
      %dma_wait3A_242 = tpu.memref_slice %arg8[%dma_wait3A_240, %dma_wait3A_241] : memref<125x64xf32, #tpu.memory_space<vmem>> -> memref<80x64xf32, #tpu.memory_space<vmem>>
      tpu.wait_dma2 semaphore(%run_scoped3A : memref<!tpu.dma_semaphore, #tpu.memory_space<semaphore_mem>>) src(%dma_wait3A_242 : memref<80x64xf32, #tpu.memory_space<vmem>>) dst(%dma_wait3A_239 : memref<80x64xf32, #tpu.memory_space<vmem_shared>>)
      tpu.yield
    }) : () -> ()
    %mul3A_27 = arith.constant 640 : i32
    %mul3A_28 = arith.muli %arg1, %mul3A_27 : i32
    %add3A_29 = arith.constant 480 : i32
    %add3A_30 = arith.addi %mul3A_28, %add3A_29 : i32
    "tpu.region"() ({
      %run_scoped3A = tpu.sem_alloc : memref<!tpu.dma_semaphore, #tpu.memory_space<semaphore_mem>>
      %dma_start3A_223 = arith.constant 0 : i32
      %dma_start3A_224 = arith.constant 0 : i32
      %dma_start3A_225 = tpu.memref_slice %arg8[%dma_start3A_223, %dma_start3A_224] : memref<125x64xf32, #tpu.memory_space<vmem>> -> memref<80x64xf32, #tpu.memory_space<vmem>>
      %dma_start3A_226 = arith.constant 0 : i32
      %dma_start3A_227 = tpu.memref_slice %arg12[%add3A_30, %dma_start3A_226] : memref<10240x64xf32, #tpu.memory_space<vmem_shared>> -> memref<80x64xf32, #tpu.memory_space<vmem_shared>>
      %dma_start3A_228 = arith.constant 0 : i32
      %dma_start3A_229 = tpu.memref_slice %arg12[%add3A_30, %dma_start3A_228] : memref<10240x64xf32, #tpu.memory_space<vmem_shared>> -> memref<80x64xf32, #tpu.memory_space<vmem_shared>>
      %dma_start3A_230 = arith.constant 0 : i32
      %dma_start3A_231 = arith.constant 0 : i32
      %dma_start3A_232 = tpu.memref_slice %arg8[%dma_start3A_230, %dma_start3A_231] : memref<125x64xf32, #tpu.memory_space<vmem>> -> memref<80x64xf32, #tpu.memory_space<vmem>>
      tpu.enqueue_dma source(%dma_start3A_232 : memref<80x64xf32, #tpu.memory_space<vmem>>) target(%dma_start3A_229 : memref<80x64xf32, #tpu.memory_space<vmem_shared>>) target_semaphore(%run_scoped3A : memref<!tpu.dma_semaphore, #tpu.memory_space<semaphore_mem>>)
      %dma_wait3A_233 = arith.constant 0 : i32
      %dma_wait3A_234 = arith.constant 0 : i32
      %dma_wait3A_235 = tpu.memref_slice %arg8[%dma_wait3A_233, %dma_wait3A_234] : memref<125x64xf32, #tpu.memory_space<vmem>> -> memref<80x64xf32, #tpu.memory_space<vmem>>
      %dma_wait3A_236 = arith.constant 0 : i32
      %dma_wait3A_237 = tpu.memref_slice %arg12[%add3A_30, %dma_wait3A_236] : memref<10240x64xf32, #tpu.memory_space<vmem_shared>> -> memref<80x64xf32, #tpu.memory_space<vmem_shared>>
      %dma_wait3A_238 = arith.constant 0 : i32
      %dma_wait3A_239 = tpu.memref_slice %arg12[%add3A_30, %dma_wait3A_238] : memref<10240x64xf32, #tpu.memory_space<vmem_shared>> -> memref<80x64xf32, #tpu.memory_space<vmem_shared>>
      %dma_wait3A_240 = arith.constant 0 : i32
      %dma_wait3A_241 = arith.constant 0 : i32
      %dma_wait3A_242 = tpu.memref_slice %arg8[%dma_wait3A_240, %dma_wait3A_241] : memref<125x64xf32, #tpu.memory_space<vmem>> -> memref<80x64xf32, #tpu.memory_space<vmem>>
      tpu.wait_dma2 semaphore(%run_scoped3A : memref<!tpu.dma_semaphore, #tpu.memory_space<semaphore_mem>>) src(%dma_wait3A_242 : memref<80x64xf32, #tpu.memory_space<vmem>>) dst(%dma_wait3A_239 : memref<80x64xf32, #tpu.memory_space<vmem_shared>>)
      tpu.yield
    }) : () -> ()
    %mul3A_31 = arith.constant 640 : i32
    %mul3A_32 = arith.muli %arg1, %mul3A_31 : i32
    %add3A_33 = arith.constant 560 : i32
    %add3A_34 = arith.addi %mul3A_32, %add3A_33 : i32
    "tpu.region"() ({
      %run_scoped3A = tpu.sem_alloc : memref<!tpu.dma_semaphore, #tpu.memory_space<semaphore_mem>>
      %dma_start3A_223 = arith.constant 0 : i32
      %dma_start3A_224 = arith.constant 0 : i32
      %dma_start3A_225 = tpu.memref_slice %arg8[%dma_start3A_223, %dma_start3A_224] : memref<125x64xf32, #tpu.memory_space<vmem>> -> memref<80x64xf32, #tpu.memory_space<vmem>>
      %dma_start3A_226 = arith.constant 0 : i32
      %dma_start3A_227 = tpu.memref_slice %arg12[%add3A_34, %dma_start3A_226] : memref<10240x64xf32, #tpu.memory_space<vmem_shared>> -> memref<80x64xf32, #tpu.memory_space<vmem_shared>>
      %dma_start3A_228 = arith.constant 0 : i32
      %dma_start3A_229 = tpu.memref_slice %arg12[%add3A_34, %dma_start3A_228] : memref<10240x64xf32, #tpu.memory_space<vmem_shared>> -> memref<80x64xf32, #tpu.memory_space<vmem_shared>>
      %dma_start3A_230 = arith.constant 0 : i32
      %dma_start3A_231 = arith.constant 0 : i32
      %dma_start3A_232 = tpu.memref_slice %arg8[%dma_start3A_230, %dma_start3A_231] : memref<125x64xf32, #tpu.memory_space<vmem>> -> memref<80x64xf32, #tpu.memory_space<vmem>>
      tpu.enqueue_dma source(%dma_start3A_232 : memref<80x64xf32, #tpu.memory_space<vmem>>) target(%dma_start3A_229 : memref<80x64xf32, #tpu.memory_space<vmem_shared>>) target_semaphore(%run_scoped3A : memref<!tpu.dma_semaphore, #tpu.memory_space<semaphore_mem>>)
      %dma_wait3A_233 = arith.constant 0 : i32
      %dma_wait3A_234 = arith.constant 0 : i32
      %dma_wait3A_235 = tpu.memref_slice %arg8[%dma_wait3A_233, %dma_wait3A_234] : memref<125x64xf32, #tpu.memory_space<vmem>> -> memref<80x64xf32, #tpu.memory_space<vmem>>
      %dma_wait3A_236 = arith.constant 0 : i32
      %dma_wait3A_237 = tpu.memref_slice %arg12[%add3A_34, %dma_wait3A_236] : memref<10240x64xf32, #tpu.memory_space<vmem_shared>> -> memref<80x64xf32, #tpu.memory_space<vmem_shared>>
      %dma_wait3A_238 = arith.constant 0 : i32
      %dma_wait3A_239 = tpu.memref_slice %arg12[%add3A_34, %dma_wait3A_238] : memref<10240x64xf32, #tpu.memory_space<vmem_shared>> -> memref<80x64xf32, #tpu.memory_space<vmem_shared>>
      %dma_wait3A_240 = arith.constant 0 : i32
      %dma_wait3A_241 = arith.constant 0 : i32
      %dma_wait3A_242 = tpu.memref_slice %arg8[%dma_wait3A_240, %dma_wait3A_241] : memref<125x64xf32, #tpu.memory_space<vmem>> -> memref<80x64xf32, #tpu.memory_space<vmem>>
      tpu.wait_dma2 semaphore(%run_scoped3A : memref<!tpu.dma_semaphore, #tpu.memory_space<semaphore_mem>>) src(%dma_wait3A_242 : memref<80x64xf32, #tpu.memory_space<vmem>>) dst(%dma_wait3A_239 : memref<80x64xf32, #tpu.memory_space<vmem_shared>>)
      tpu.yield
    }) : () -> ()
    %barrier3A = arith.constant 0 : index
    tpu.barrier barrier_id(%barrier3A)
    %dma_start3A = arith.constant 0 : i32
    %dma_start3A_35 = arith.constant 0 : i32
    %dma_start3A_36 = tpu.memref_slice %arg6[%dma_start3A, %dma_start3A_35] : memref<160x125xi32, #tpu.memory_space<vmem>> -> memref<1x125xi32, #tpu.memory_space<vmem>>
    %dma_start3A_37 = tpu.memref_squeeze %dma_start3A_36 : memref<1x125xi32, #tpu.memory_space<vmem>> -> memref<125xi32, #tpu.memory_space<vmem>>
    %dma_start3A_38 = arith.constant 0 : i32
    %dma_start3A_39 = arith.constant 0 : i32
    %dma_start3A_40 = tpu.memref_slice %arg2[%arg0, %dma_start3A_38, %dma_start3A_39] : memref<2x10000x64xf32, #tpu.memory_space<hbm>> -> memref<1x10000x64xf32, #tpu.memory_space<hbm>>
    %dma_start3A_41 = tpu.memref_squeeze %dma_start3A_40 : memref<1x10000x64xf32, #tpu.memory_space<hbm>> -> memref<10000x64xf32, #tpu.memory_space<hbm>>
    %dma_start3A_42 = arith.constant 0 : i32
    %dma_start3A_43 = arith.constant 0 : i32
    %dma_start3A_44 = tpu.memref_slice %dma_start3A_41[%dma_start3A_42, %dma_start3A_43] : memref<10000x64xf32, #tpu.memory_space<hbm>> -> memref<10000x64xf32, #tpu.memory_space<hbm>>
    tpu.enqueue_indirect_dma source(%dma_start3A_44 : memref<10000x64xf32, #tpu.memory_space<hbm>>) target(%arg8 : memref<125x64xf32, #tpu.memory_space<vmem>>) offsets(%dma_start3A_37 : memref<125xi32, #tpu.memory_space<vmem>>) semaphore(%arg13 : memref<!tpu.dma_semaphore, #tpu.memory_space<semaphore_mem>>)
    %dma_start3A_45 = arith.constant 1 : i32
    %dma_start3A_46 = arith.constant 0 : i32
    %dma_start3A_47 = tpu.memref_slice %arg6[%dma_start3A_45, %dma_start3A_46] : memref<160x125xi32, #tpu.memory_space<vmem>> -> memref<1x125xi32, #tpu.memory_space<vmem>>
    %dma_start3A_48 = tpu.memref_squeeze %dma_start3A_47 : memref<1x125xi32, #tpu.memory_space<vmem>> -> memref<125xi32, #tpu.memory_space<vmem>>
    %dma_start3A_49 = arith.constant 0 : i32
    %dma_start3A_50 = arith.constant 0 : i32
    %dma_start3A_51 = tpu.memref_slice %arg2[%arg0, %dma_start3A_49, %dma_start3A_50] : memref<2x10000x64xf32, #tpu.memory_space<hbm>> -> memref<1x10000x64xf32, #tpu.memory_space<hbm>>
    %dma_start3A_52 = tpu.memref_squeeze %dma_start3A_51 : memref<1x10000x64xf32, #tpu.memory_space<hbm>> -> memref<10000x64xf32, #tpu.memory_space<hbm>>
    %dma_start3A_53 = arith.constant 0 : i32
    %dma_start3A_54 = arith.constant 0 : i32
    %dma_start3A_55 = tpu.memref_slice %dma_start3A_52[%dma_start3A_53, %dma_start3A_54] : memref<10000x64xf32, #tpu.memory_space<hbm>> -> memref<10000x64xf32, #tpu.memory_space<hbm>>
    tpu.enqueue_indirect_dma source(%dma_start3A_55 : memref<10000x64xf32, #tpu.memory_space<hbm>>) target(%arg9 : memref<125x64xf32, #tpu.memory_space<vmem>>) offsets(%dma_start3A_48 : memref<125xi32, #tpu.memory_space<vmem>>) semaphore(%arg14 : memref<!tpu.dma_semaphore, #tpu.memory_space<semaphore_mem>>)
    %dma_start3A_56 = arith.constant 2 : i32
    %dma_start3A_57 = arith.constant 0 : i32
    %dma_start3A_58 = tpu.memref_slice %arg6[%dma_start3A_56, %dma_start3A_57] : memref<160x125xi32, #tpu.memory_space<vmem>> -> memref<1x125xi32, #tpu.memory_space<vmem>>
    %dma_start3A_59 = tpu.memref_squeeze %dma_start3A_58 : memref<1x125xi32, #tpu.memory_space<vmem>> -> memref<125xi32, #tpu.memory_space<vmem>>
    %dma_start3A_60 = arith.constant 0 : i32
    %dma_start3A_61 = arith.constant 0 : i32
    %dma_start3A_62 = tpu.memref_slice %arg2[%arg0, %dma_start3A_60, %dma_start3A_61] : memref<2x10000x64xf32, #tpu.memory_space<hbm>> -> memref<1x10000x64xf32, #tpu.memory_space<hbm>>
    %dma_start3A_63 = tpu.memref_squeeze %dma_start3A_62 : memref<1x10000x64xf32, #tpu.memory_space<hbm>> -> memref<10000x64xf32, #tpu.memory_space<hbm>>
    %dma_start3A_64 = arith.constant 0 : i32
    %dma_start3A_65 = arith.constant 0 : i32
    %dma_start3A_66 = tpu.memref_slice %dma_start3A_63[%dma_start3A_64, %dma_start3A_65] : memref<10000x64xf32, #tpu.memory_space<hbm>> -> memref<10000x64xf32, #tpu.memory_space<hbm>>
    tpu.enqueue_indirect_dma source(%dma_start3A_66 : memref<10000x64xf32, #tpu.memory_space<hbm>>) target(%arg10 : memref<125x64xf32, #tpu.memory_space<vmem>>) offsets(%dma_start3A_59 : memref<125xi32, #tpu.memory_space<vmem>>) semaphore(%arg15 : memref<!tpu.dma_semaphore, #tpu.memory_space<semaphore_mem>>)
    %scan3A_67 = arith.constant 0 : i32
    %scan3A_68 = arith.constant 0 : i32
    %scan3A_69 = arith.constant 39 : i32
    %scan3A_70 = arith.addi %scan3A_68, %scan3A_69 : i32
    %scan3A_71 = arith.constant 1 : i32
    scf.for %scan3A_223 = %scan3A_68 to %scan3A_70 step %scan3A_71  : i32 {
      %mul3A_224 = arith.constant 4 : i32
      %mul3A_225 = arith.muli %scan3A_223, %mul3A_224 : i32
      %add3A_226 = arith.constant 0 : i32
      %add3A_227 = arith.addi %mul3A_225, %add3A_226 : i32
      %dma_wait3A_228 = arith.constant 0 : i32
      %dma_wait3A_229 = tpu.memref_slice %arg6[%add3A_227, %dma_wait3A_228] : memref<160x125xi32, #tpu.memory_space<vmem>> -> memref<1x125xi32, #tpu.memory_space<vmem>>
      %dma_wait3A_230 = tpu.memref_squeeze %dma_wait3A_229 : memref<1x125xi32, #tpu.memory_space<vmem>> -> memref<125xi32, #tpu.memory_space<vmem>>
      %dma_wait3A_231 = arith.constant 0 : i32
      %dma_wait3A_232 = arith.constant 0 : i32
      %dma_wait3A_233 = tpu.memref_slice %arg2[%arg0, %dma_wait3A_231, %dma_wait3A_232] : memref<2x10000x64xf32, #tpu.memory_space<hbm>> -> memref<1x10000x64xf32, #tpu.memory_space<hbm>>
      %dma_wait3A_234 = tpu.memref_squeeze %dma_wait3A_233 : memref<1x10000x64xf32, #tpu.memory_space<hbm>> -> memref<10000x64xf32, #tpu.memory_space<hbm>>
      %dma_wait3A_235 = arith.constant 0 : i32
      %dma_wait3A_236 = arith.constant 0 : i32
      %dma_wait3A_237 = tpu.memref_slice %dma_wait3A_234[%dma_wait3A_235, %dma_wait3A_236] : memref<10000x64xf32, #tpu.memory_space<hbm>> -> memref<10000x64xf32, #tpu.memory_space<hbm>>
      tpu.wait_indirect_dma semaphore(%arg13 : memref<!tpu.dma_semaphore, #tpu.memory_space<semaphore_mem>>) src(%dma_wait3A_237 : memref<10000x64xf32, #tpu.memory_space<hbm>>) dst(%arg8 : memref<125x64xf32, #tpu.memory_space<vmem>>)
      %ge3A = arith.constant 1 : i32
      %ge3A_238 = arith.cmpi sge, %add3A_227, %ge3A : i32
      %convert_element_type3A = arith.extui %ge3A_238 : i1 to i32
      %cond3A = arith.constant 0 : i32
      %cond3A_239 = arith.cmpi ne, %convert_element_type3A, %cond3A : i32
      scf.if %cond3A_239 {
        %sub3A_385 = arith.constant 1 : i32
        %sub3A_386 = arith.subi %add3A_227, %sub3A_385 : i32
        %dma_wait3A_387 = arith.constant 0 : i32
        %dma_wait3A_388 = tpu.memref_slice %arg7[%sub3A_386, %dma_wait3A_387] : memref<160x125xi32, #tpu.memory_space<vmem>> -> memref<1x125xi32, #tpu.memory_space<vmem>>
        %dma_wait3A_389 = tpu.memref_squeeze %dma_wait3A_388 : memref<1x125xi32, #tpu.memory_space<vmem>> -> memref<125xi32, #tpu.memory_space<vmem>>
        %dma_wait3A_390 = arith.constant 0 : i32
        %dma_wait3A_391 = arith.constant 0 : i32
        %dma_wait3A_392 = tpu.memref_slice %arg12[%dma_wait3A_390, %dma_wait3A_391] : memref<10240x64xf32, #tpu.memory_space<vmem_shared>> -> memref<10240x64xf32, #tpu.memory_space<vmem_shared>>
        tpu.wait_indirect_dma semaphore(%arg20 : memref<!tpu.dma_semaphore, #tpu.memory_space<semaphore_mem>>) src(%arg11 : memref<125x64xf32, #tpu.memory_space<vmem>>) dst(%dma_wait3A_392 : memref<10240x64xf32, #tpu.memory_space<vmem_shared>>)
      } else {
      }
      %add3A_240 = arith.constant 4 : i32
      %add3A_241 = arith.addi %add3A_227, %add3A_240 : i32
      %sub3A = arith.constant 1 : i32
      %sub3A_242 = arith.subi %add3A_241, %sub3A : i32
      %dma_start3A_243 = arith.constant 0 : i32
      %dma_start3A_244 = tpu.memref_slice %arg6[%sub3A_242, %dma_start3A_243] : memref<160x125xi32, #tpu.memory_space<vmem>> -> memref<1x125xi32, #tpu.memory_space<vmem>>
      %dma_start3A_245 = tpu.memref_squeeze %dma_start3A_244 : memref<1x125xi32, #tpu.memory_space<vmem>> -> memref<125xi32, #tpu.memory_space<vmem>>
      %dma_start3A_246 = arith.constant 0 : i32
      %dma_start3A_247 = arith.constant 0 : i32
      %dma_start3A_248 = tpu.memref_slice %arg2[%arg0, %dma_start3A_246, %dma_start3A_247] : memref<2x10000x64xf32, #tpu.memory_space<hbm>> -> memref<1x10000x64xf32, #tpu.memory_space<hbm>>
      %dma_start3A_249 = tpu.memref_squeeze %dma_start3A_248 : memref<1x10000x64xf32, #tpu.memory_space<hbm>> -> memref<10000x64xf32, #tpu.memory_space<hbm>>
      %dma_start3A_250 = arith.constant 0 : i32
      %dma_start3A_251 = arith.constant 0 : i32
      %dma_start3A_252 = tpu.memref_slice %dma_start3A_249[%dma_start3A_250, %dma_start3A_251] : memref<10000x64xf32, #tpu.memory_space<hbm>> -> memref<10000x64xf32, #tpu.memory_space<hbm>>
      tpu.enqueue_indirect_dma source(%dma_start3A_252 : memref<10000x64xf32, #tpu.memory_space<hbm>>) target(%arg11 : memref<125x64xf32, #tpu.memory_space<vmem>>) offsets(%dma_start3A_245 : memref<125xi32, #tpu.memory_space<vmem>>) semaphore(%arg16 : memref<!tpu.dma_semaphore, #tpu.memory_space<semaphore_mem>>)
      %dma_start3A_253 = arith.constant 0 : i32
      %dma_start3A_254 = tpu.memref_slice %arg7[%add3A_227, %dma_start3A_253] : memref<160x125xi32, #tpu.memory_space<vmem>> -> memref<1x125xi32, #tpu.memory_space<vmem>>
      %dma_start3A_255 = tpu.memref_squeeze %dma_start3A_254 : memref<1x125xi32, #tpu.memory_space<vmem>> -> memref<125xi32, #tpu.memory_space<vmem>>
      %dma_start3A_256 = arith.constant 0 : i32
      %dma_start3A_257 = arith.constant 0 : i32
      %dma_start3A_258 = tpu.memref_slice %arg12[%dma_start3A_256, %dma_start3A_257] : memref<10240x64xf32, #tpu.memory_space<vmem_shared>> -> memref<10240x64xf32, #tpu.memory_space<vmem_shared>>
      tpu.enqueue_indirect_dma source(%arg8 : memref<125x64xf32, #tpu.memory_space<vmem>>) target(%dma_start3A_258 : memref<10240x64xf32, #tpu.memory_space<vmem_shared>>) offsets(%dma_start3A_255 : memref<125xi32, #tpu.memory_space<vmem>>) semaphore(%arg17 : memref<!tpu.dma_semaphore, #tpu.memory_space<semaphore_mem>>) {add = true}
      %mul3A_259 = arith.constant 4 : i32
      %mul3A_260 = arith.muli %scan3A_223, %mul3A_259 : i32
      %add3A_261 = arith.constant 1 : i32
      %add3A_262 = arith.addi %mul3A_260, %add3A_261 : i32
      %dma_wait3A_263 = arith.constant 0 : i32
      %dma_wait3A_264 = tpu.memref_slice %arg6[%add3A_262, %dma_wait3A_263] : memref<160x125xi32, #tpu.memory_space<vmem>> -> memref<1x125xi32, #tpu.memory_space<vmem>>
      %dma_wait3A_265 = tpu.memref_squeeze %dma_wait3A_264 : memref<1x125xi32, #tpu.memory_space<vmem>> -> memref<125xi32, #tpu.memory_space<vmem>>
      %dma_wait3A_266 = arith.constant 0 : i32
      %dma_wait3A_267 = arith.constant 0 : i32
      %dma_wait3A_268 = tpu.memref_slice %arg2[%arg0, %dma_wait3A_266, %dma_wait3A_267] : memref<2x10000x64xf32, #tpu.memory_space<hbm>> -> memref<1x10000x64xf32, #tpu.memory_space<hbm>>
      %dma_wait3A_269 = tpu.memref_squeeze %dma_wait3A_268 : memref<1x10000x64xf32, #tpu.memory_space<hbm>> -> memref<10000x64xf32, #tpu.memory_space<hbm>>
      %dma_wait3A_270 = arith.constant 0 : i32
      %dma_wait3A_271 = arith.constant 0 : i32
      %dma_wait3A_272 = tpu.memref_slice %dma_wait3A_269[%dma_wait3A_270, %dma_wait3A_271] : memref<10000x64xf32, #tpu.memory_space<hbm>> -> memref<10000x64xf32, #tpu.memory_space<hbm>>
      tpu.wait_indirect_dma semaphore(%arg14 : memref<!tpu.dma_semaphore, #tpu.memory_space<semaphore_mem>>) src(%dma_wait3A_272 : memref<10000x64xf32, #tpu.memory_space<hbm>>) dst(%arg9 : memref<125x64xf32, #tpu.memory_space<vmem>>)
      %sub3A_273 = arith.constant 1 : i32
      %sub3A_274 = arith.subi %add3A_262, %sub3A_273 : i32
      %dma_wait3A_275 = arith.constant 0 : i32
      %dma_wait3A_276 = tpu.memref_slice %arg7[%sub3A_274, %dma_wait3A_275] : memref<160x125xi32, #tpu.memory_space<vmem>> -> memref<1x125xi32, #tpu.memory_space<vmem>>
      %dma_wait3A_277 = tpu.memref_squeeze %dma_wait3A_276 : memref<1x125xi32, #tpu.memory_space<vmem>> -> memref<125xi32, #tpu.memory_space<vmem>>
      %dma_wait3A_278 = arith.constant 0 : i32
      %dma_wait3A_279 = arith.constant 0 : i32
      %dma_wait3A_280 = tpu.memref_slice %arg12[%dma_wait3A_278, %dma_wait3A_279] : memref<10240x64xf32, #tpu.memory_space<vmem_shared>> -> memref<10240x64xf32, #tpu.memory_space<vmem_shared>>
      tpu.wait_indirect_dma semaphore(%arg17 : memref<!tpu.dma_semaphore, #tpu.memory_space<semaphore_mem>>) src(%arg8 : memref<125x64xf32, #tpu.memory_space<vmem>>) dst(%dma_wait3A_280 : memref<10240x64xf32, #tpu.memory_space<vmem_shared>>)
      %add3A_281 = arith.constant 4 : i32
      %add3A_282 = arith.addi %add3A_262, %add3A_281 : i32
      %sub3A_283 = arith.constant 1 : i32
      %sub3A_284 = arith.subi %add3A_282, %sub3A_283 : i32
      %dma_start3A_285 = arith.constant 0 : i32
      %dma_start3A_286 = tpu.memref_slice %arg6[%sub3A_284, %dma_start3A_285] : memref<160x125xi32, #tpu.memory_space<vmem>> -> memref<1x125xi32, #tpu.memory_space<vmem>>
      %dma_start3A_287 = tpu.memref_squeeze %dma_start3A_286 : memref<1x125xi32, #tpu.memory_space<vmem>> -> memref<125xi32, #tpu.memory_space<vmem>>
      %dma_start3A_288 = arith.constant 0 : i32
      %dma_start3A_289 = arith.constant 0 : i32
      %dma_start3A_290 = tpu.memref_slice %arg2[%arg0, %dma_start3A_288, %dma_start3A_289] : memref<2x10000x64xf32, #tpu.memory_space<hbm>> -> memref<1x10000x64xf32, #tpu.memory_space<hbm>>
      %dma_start3A_291 = tpu.memref_squeeze %dma_start3A_290 : memref<1x10000x64xf32, #tpu.memory_space<hbm>> -> memref<10000x64xf32, #tpu.memory_space<hbm>>
      %dma_start3A_292 = arith.constant 0 : i32
      %dma_start3A_293 = arith.constant 0 : i32
      %dma_start3A_294 = tpu.memref_slice %dma_start3A_291[%dma_start3A_292, %dma_start3A_293] : memref<10000x64xf32, #tpu.memory_space<hbm>> -> memref<10000x64xf32, #tpu.memory_space<hbm>>
      tpu.enqueue_indirect_dma source(%dma_start3A_294 : memref<10000x64xf32, #tpu.memory_space<hbm>>) target(%arg8 : memref<125x64xf32, #tpu.memory_space<vmem>>) offsets(%dma_start3A_287 : memref<125xi32, #tpu.memory_space<vmem>>) semaphore(%arg13 : memref<!tpu.dma_semaphore, #tpu.memory_space<semaphore_mem>>)
      %dma_start3A_295 = arith.constant 0 : i32
      %dma_start3A_296 = tpu.memref_slice %arg7[%add3A_262, %dma_start3A_295] : memref<160x125xi32, #tpu.memory_space<vmem>> -> memref<1x125xi32, #tpu.memory_space<vmem>>
      %dma_start3A_297 = tpu.memref_squeeze %dma_start3A_296 : memref<1x125xi32, #tpu.memory_space<vmem>> -> memref<125xi32, #tpu.memory_space<vmem>>
      %dma_start3A_298 = arith.constant 0 : i32
      %dma_start3A_299 = arith.constant 0 : i32
      %dma_start3A_300 = tpu.memref_slice %arg12[%dma_start3A_298, %dma_start3A_299] : memref<10240x64xf32, #tpu.memory_space<vmem_shared>> -> memref<10240x64xf32, #tpu.memory_space<vmem_shared>>
      tpu.enqueue_indirect_dma source(%arg9 : memref<125x64xf32, #tpu.memory_space<vmem>>) target(%dma_start3A_300 : memref<10240x64xf32, #tpu.memory_space<vmem_shared>>) offsets(%dma_start3A_297 : memref<125xi32, #tpu.memory_space<vmem>>) semaphore(%arg18 : memref<!tpu.dma_semaphore, #tpu.memory_space<semaphore_mem>>) {add = true}
      %mul3A_301 = arith.constant 4 : i32
      %mul3A_302 = arith.muli %scan3A_223, %mul3A_301 : i32
      %add3A_303 = arith.constant 2 : i32
      %add3A_304 = arith.addi %mul3A_302, %add3A_303 : i32
      %dma_wait3A_305 = arith.constant 0 : i32
      %dma_wait3A_306 = tpu.memref_slice %arg6[%add3A_304, %dma_wait3A_305] : memref<160x125xi32, #tpu.memory_space<vmem>> -> memref<1x125xi32, #tpu.memory_space<vmem>>
      %dma_wait3A_307 = tpu.memref_squeeze %dma_wait3A_306 : memref<1x125xi32, #tpu.memory_space<vmem>> -> memref<125xi32, #tpu.memory_space<vmem>>
      %dma_wait3A_308 = arith.constant 0 : i32
      %dma_wait3A_309 = arith.constant 0 : i32
      %dma_wait3A_310 = tpu.memref_slice %arg2[%arg0, %dma_wait3A_308, %dma_wait3A_309] : memref<2x10000x64xf32, #tpu.memory_space<hbm>> -> memref<1x10000x64xf32, #tpu.memory_space<hbm>>
      %dma_wait3A_311 = tpu.memref_squeeze %dma_wait3A_310 : memref<1x10000x64xf32, #tpu.memory_space<hbm>> -> memref<10000x64xf32, #tpu.memory_space<hbm>>
      %dma_wait3A_312 = arith.constant 0 : i32
      %dma_wait3A_313 = arith.constant 0 : i32
      %dma_wait3A_314 = tpu.memref_slice %dma_wait3A_311[%dma_wait3A_312, %dma_wait3A_313] : memref<10000x64xf32, #tpu.memory_space<hbm>> -> memref<10000x64xf32, #tpu.memory_space<hbm>>
      tpu.wait_indirect_dma semaphore(%arg15 : memref<!tpu.dma_semaphore, #tpu.memory_space<semaphore_mem>>) src(%dma_wait3A_314 : memref<10000x64xf32, #tpu.memory_space<hbm>>) dst(%arg10 : memref<125x64xf32, #tpu.memory_space<vmem>>)
      %sub3A_315 = arith.constant 1 : i32
      %sub3A_316 = arith.subi %add3A_304, %sub3A_315 : i32
      %dma_wait3A_317 = arith.constant 0 : i32
      %dma_wait3A_318 = tpu.memref_slice %arg7[%sub3A_316, %dma_wait3A_317] : memref<160x125xi32, #tpu.memory_space<vmem>> -> memref<1x125xi32, #tpu.memory_space<vmem>>
      %dma_wait3A_319 = tpu.memref_squeeze %dma_wait3A_318 : memref<1x125xi32, #tpu.memory_space<vmem>> -> memref<125xi32, #tpu.memory_space<vmem>>
      %dma_wait3A_320 = arith.constant 0 : i32
      %dma_wait3A_321 = arith.constant 0 : i32
      %dma_wait3A_322 = tpu.memref_slice %arg12[%dma_wait3A_320, %dma_wait3A_321] : memref<10240x64xf32, #tpu.memory_space<vmem_shared>> -> memref<10240x64xf32, #tpu.memory_space<vmem_shared>>
      tpu.wait_indirect_dma semaphore(%arg18 : memref<!tpu.dma_semaphore, #tpu.memory_space<semaphore_mem>>) src(%arg9 : memref<125x64xf32, #tpu.memory_space<vmem>>) dst(%dma_wait3A_322 : memref<10240x64xf32, #tpu.memory_space<vmem_shared>>)
      %add3A_323 = arith.constant 4 : i32
      %add3A_324 = arith.addi %add3A_304, %add3A_323 : i32
      %sub3A_325 = arith.constant 1 : i32
      %sub3A_326 = arith.subi %add3A_324, %sub3A_325 : i32
      %dma_start3A_327 = arith.constant 0 : i32
      %dma_start3A_328 = tpu.memref_slice %arg6[%sub3A_326, %dma_start3A_327] : memref<160x125xi32, #tpu.memory_space<vmem>> -> memref<1x125xi32, #tpu.memory_space<vmem>>
      %dma_start3A_329 = tpu.memref_squeeze %dma_start3A_328 : memref<1x125xi32, #tpu.memory_space<vmem>> -> memref<125xi32, #tpu.memory_space<vmem>>
      %dma_start3A_330 = arith.constant 0 : i32
      %dma_start3A_331 = arith.constant 0 : i32
      %dma_start3A_332 = tpu.memref_slice %arg2[%arg0, %dma_start3A_330, %dma_start3A_331] : memref<2x10000x64xf32, #tpu.memory_space<hbm>> -> memref<1x10000x64xf32, #tpu.memory_space<hbm>>
      %dma_start3A_333 = tpu.memref_squeeze %dma_start3A_332 : memref<1x10000x64xf32, #tpu.memory_space<hbm>> -> memref<10000x64xf32, #tpu.memory_space<hbm>>
      %dma_start3A_334 = arith.constant 0 : i32
      %dma_start3A_335 = arith.constant 0 : i32
      %dma_start3A_336 = tpu.memref_slice %dma_start3A_333[%dma_start3A_334, %dma_start3A_335] : memref<10000x64xf32, #tpu.memory_space<hbm>> -> memref<10000x64xf32, #tpu.memory_space<hbm>>
      tpu.enqueue_indirect_dma source(%dma_start3A_336 : memref<10000x64xf32, #tpu.memory_space<hbm>>) target(%arg9 : memref<125x64xf32, #tpu.memory_space<vmem>>) offsets(%dma_start3A_329 : memref<125xi32, #tpu.memory_space<vmem>>) semaphore(%arg14 : memref<!tpu.dma_semaphore, #tpu.memory_space<semaphore_mem>>)
      %dma_start3A_337 = arith.constant 0 : i32
      %dma_start3A_338 = tpu.memref_slice %arg7[%add3A_304, %dma_start3A_337] : memref<160x125xi32, #tpu.memory_space<vmem>> -> memref<1x125xi32, #tpu.memory_space<vmem>>
      %dma_start3A_339 = tpu.memref_squeeze %dma_start3A_338 : memref<1x125xi32, #tpu.memory_space<vmem>> -> memref<125xi32, #tpu.memory_space<vmem>>
      %dma_start3A_340 = arith.constant 0 : i32
      %dma_start3A_341 = arith.constant 0 : i32
      %dma_start3A_342 = tpu.memref_slice %arg12[%dma_start3A_340, %dma_start3A_341] : memref<10240x64xf32, #tpu.memory_space<vmem_shared>> -> memref<10240x64xf32, #tpu.memory_space<vmem_shared>>
      tpu.enqueue_indirect_dma source(%arg10 : memref<125x64xf32, #tpu.memory_space<vmem>>) target(%dma_start3A_342 : memref<10240x64xf32, #tpu.memory_space<vmem_shared>>) offsets(%dma_start3A_339 : memref<125xi32, #tpu.memory_space<vmem>>) semaphore(%arg19 : memref<!tpu.dma_semaphore, #tpu.memory_space<semaphore_mem>>) {add = true}
      %mul3A_343 = arith.constant 4 : i32
      %mul3A_344 = arith.muli %scan3A_223, %mul3A_343 : i32
      %add3A_345 = arith.constant 3 : i32
      %add3A_346 = arith.addi %mul3A_344, %add3A_345 : i32
      %dma_wait3A_347 = arith.constant 0 : i32
      %dma_wait3A_348 = tpu.memref_slice %arg6[%add3A_346, %dma_wait3A_347] : memref<160x125xi32, #tpu.memory_space<vmem>> -> memref<1x125xi32, #tpu.memory_space<vmem>>
      %dma_wait3A_349 = tpu.memref_squeeze %dma_wait3A_348 : memref<1x125xi32, #tpu.memory_space<vmem>> -> memref<125xi32, #tpu.memory_space<vmem>>
      %dma_wait3A_350 = arith.constant 0 : i32
      %dma_wait3A_351 = arith.constant 0 : i32
      %dma_wait3A_352 = tpu.memref_slice %arg2[%arg0, %dma_wait3A_350, %dma_wait3A_351] : memref<2x10000x64xf32, #tpu.memory_space<hbm>> -> memref<1x10000x64xf32, #tpu.memory_space<hbm>>
      %dma_wait3A_353 = tpu.memref_squeeze %dma_wait3A_352 : memref<1x10000x64xf32, #tpu.memory_space<hbm>> -> memref<10000x64xf32, #tpu.memory_space<hbm>>
      %dma_wait3A_354 = arith.constant 0 : i32
      %dma_wait3A_355 = arith.constant 0 : i32
      %dma_wait3A_356 = tpu.memref_slice %dma_wait3A_353[%dma_wait3A_354, %dma_wait3A_355] : memref<10000x64xf32, #tpu.memory_space<hbm>> -> memref<10000x64xf32, #tpu.memory_space<hbm>>
      tpu.wait_indirect_dma semaphore(%arg16 : memref<!tpu.dma_semaphore, #tpu.memory_space<semaphore_mem>>) src(%dma_wait3A_356 : memref<10000x64xf32, #tpu.memory_space<hbm>>) dst(%arg11 : memref<125x64xf32, #tpu.memory_space<vmem>>)
      %sub3A_357 = arith.constant 1 : i32
      %sub3A_358 = arith.subi %add3A_346, %sub3A_357 : i32
      %dma_wait3A_359 = arith.constant 0 : i32
      %dma_wait3A_360 = tpu.memref_slice %arg7[%sub3A_358, %dma_wait3A_359] : memref<160x125xi32, #tpu.memory_space<vmem>> -> memref<1x125xi32, #tpu.memory_space<vmem>>
      %dma_wait3A_361 = tpu.memref_squeeze %dma_wait3A_360 : memref<1x125xi32, #tpu.memory_space<vmem>> -> memref<125xi32, #tpu.memory_space<vmem>>
      %dma_wait3A_362 = arith.constant 0 : i32
      %dma_wait3A_363 = arith.constant 0 : i32
      %dma_wait3A_364 = tpu.memref_slice %arg12[%dma_wait3A_362, %dma_wait3A_363] : memref<10240x64xf32, #tpu.memory_space<vmem_shared>> -> memref<10240x64xf32, #tpu.memory_space<vmem_shared>>
      tpu.wait_indirect_dma semaphore(%arg19 : memref<!tpu.dma_semaphore, #tpu.memory_space<semaphore_mem>>) src(%arg10 : memref<125x64xf32, #tpu.memory_space<vmem>>) dst(%dma_wait3A_364 : memref<10240x64xf32, #tpu.memory_space<vmem_shared>>)
      %add3A_365 = arith.constant 4 : i32
      %add3A_366 = arith.addi %add3A_346, %add3A_365 : i32
      %sub3A_367 = arith.constant 1 : i32
      %sub3A_368 = arith.subi %add3A_366, %sub3A_367 : i32
      %dma_start3A_369 = arith.constant 0 : i32
      %dma_start3A_370 = tpu.memref_slice %arg6[%sub3A_368, %dma_start3A_369] : memref<160x125xi32, #tpu.memory_space<vmem>> -> memref<1x125xi32, #tpu.memory_space<vmem>>
      %dma_start3A_371 = tpu.memref_squeeze %dma_start3A_370 : memref<1x125xi32, #tpu.memory_space<vmem>> -> memref<125xi32, #tpu.memory_space<vmem>>
      %dma_start3A_372 = arith.constant 0 : i32
      %dma_start3A_373 = arith.constant 0 : i32
      %dma_start3A_374 = tpu.memref_slice %arg2[%arg0, %dma_start3A_372, %dma_start3A_373] : memref<2x10000x64xf32, #tpu.memory_space<hbm>> -> memref<1x10000x64xf32, #tpu.memory_space<hbm>>
      %dma_start3A_375 = tpu.memref_squeeze %dma_start3A_374 : memref<1x10000x64xf32, #tpu.memory_space<hbm>> -> memref<10000x64xf32, #tpu.memory_space<hbm>>
      %dma_start3A_376 = arith.constant 0 : i32
      %dma_start3A_377 = arith.constant 0 : i32
      %dma_start3A_378 = tpu.memref_slice %dma_start3A_375[%dma_start3A_376, %dma_start3A_377] : memref<10000x64xf32, #tpu.memory_space<hbm>> -> memref<10000x64xf32, #tpu.memory_space<hbm>>
      tpu.enqueue_indirect_dma source(%dma_start3A_378 : memref<10000x64xf32, #tpu.memory_space<hbm>>) target(%arg10 : memref<125x64xf32, #tpu.memory_space<vmem>>) offsets(%dma_start3A_371 : memref<125xi32, #tpu.memory_space<vmem>>) semaphore(%arg15 : memref<!tpu.dma_semaphore, #tpu.memory_space<semaphore_mem>>)
      %dma_start3A_379 = arith.constant 0 : i32
      %dma_start3A_380 = tpu.memref_slice %arg7[%add3A_346, %dma_start3A_379] : memref<160x125xi32, #tpu.memory_space<vmem>> -> memref<1x125xi32, #tpu.memory_space<vmem>>
      %dma_start3A_381 = tpu.memref_squeeze %dma_start3A_380 : memref<1x125xi32, #tpu.memory_space<vmem>> -> memref<125xi32, #tpu.memory_space<vmem>>
      %dma_start3A_382 = arith.constant 0 : i32
      %dma_start3A_383 = arith.constant 0 : i32
      %dma_start3A_384 = tpu.memref_slice %arg12[%dma_start3A_382, %dma_start3A_383] : memref<10240x64xf32, #tpu.memory_space<vmem_shared>> -> memref<10240x64xf32, #tpu.memory_space<vmem_shared>>
      tpu.enqueue_indirect_dma source(%arg11 : memref<125x64xf32, #tpu.memory_space<vmem>>) target(%dma_start3A_384 : memref<10240x64xf32, #tpu.memory_space<vmem_shared>>) offsets(%dma_start3A_381 : memref<125xi32, #tpu.memory_space<vmem>>) semaphore(%arg20 : memref<!tpu.dma_semaphore, #tpu.memory_space<semaphore_mem>>) {add = true}
    }
    %scan3A_72 = arith.constant 39 : i32
    %dma_wait3A = arith.constant 156 : i32
    %dma_wait3A_73 = arith.constant 0 : i32
    %dma_wait3A_74 = tpu.memref_slice %arg6[%dma_wait3A, %dma_wait3A_73] : memref<160x125xi32, #tpu.memory_space<vmem>> -> memref<1x125xi32, #tpu.memory_space<vmem>>
    %dma_wait3A_75 = tpu.memref_squeeze %dma_wait3A_74 : memref<1x125xi32, #tpu.memory_space<vmem>> -> memref<125xi32, #tpu.memory_space<vmem>>
    %dma_wait3A_76 = arith.constant 0 : i32
    %dma_wait3A_77 = arith.constant 0 : i32
    %dma_wait3A_78 = tpu.memref_slice %arg2[%arg0, %dma_wait3A_76, %dma_wait3A_77] : memref<2x10000x64xf32, #tpu.memory_space<hbm>> -> memref<1x10000x64xf32, #tpu.memory_space<hbm>>
    %dma_wait3A_79 = tpu.memref_squeeze %dma_wait3A_78 : memref<1x10000x64xf32, #tpu.memory_space<hbm>> -> memref<10000x64xf32, #tpu.memory_space<hbm>>
    %dma_wait3A_80 = arith.constant 0 : i32
    %dma_wait3A_81 = arith.constant 0 : i32
    %dma_wait3A_82 = tpu.memref_slice %dma_wait3A_79[%dma_wait3A_80, %dma_wait3A_81] : memref<10000x64xf32, #tpu.memory_space<hbm>> -> memref<10000x64xf32, #tpu.memory_space<hbm>>
    tpu.wait_indirect_dma semaphore(%arg13 : memref<!tpu.dma_semaphore, #tpu.memory_space<semaphore_mem>>) src(%dma_wait3A_82 : memref<10000x64xf32, #tpu.memory_space<hbm>>) dst(%arg8 : memref<125x64xf32, #tpu.memory_space<vmem>>)
    %dma_wait3A_83 = arith.constant 155 : i32
    %dma_wait3A_84 = arith.constant 0 : i32
    %dma_wait3A_85 = tpu.memref_slice %arg7[%dma_wait3A_83, %dma_wait3A_84] : memref<160x125xi32, #tpu.memory_space<vmem>> -> memref<1x125xi32, #tpu.memory_space<vmem>>
    %dma_wait3A_86 = tpu.memref_squeeze %dma_wait3A_85 : memref<1x125xi32, #tpu.memory_space<vmem>> -> memref<125xi32, #tpu.memory_space<vmem>>
    %dma_wait3A_87 = arith.constant 0 : i32
    %dma_wait3A_88 = arith.constant 0 : i32
    %dma_wait3A_89 = tpu.memref_slice %arg12[%dma_wait3A_87, %dma_wait3A_88] : memref<10240x64xf32, #tpu.memory_space<vmem_shared>> -> memref<10240x64xf32, #tpu.memory_space<vmem_shared>>
    tpu.wait_indirect_dma semaphore(%arg20 : memref<!tpu.dma_semaphore, #tpu.memory_space<semaphore_mem>>) src(%arg11 : memref<125x64xf32, #tpu.memory_space<vmem>>) dst(%dma_wait3A_89 : memref<10240x64xf32, #tpu.memory_space<vmem_shared>>)
    %dma_start3A_90 = arith.constant 159 : i32
    %dma_start3A_91 = arith.constant 0 : i32
    %dma_start3A_92 = tpu.memref_slice %arg6[%dma_start3A_90, %dma_start3A_91] : memref<160x125xi32, #tpu.memory_space<vmem>> -> memref<1x125xi32, #tpu.memory_space<vmem>>
    %dma_start3A_93 = tpu.memref_squeeze %dma_start3A_92 : memref<1x125xi32, #tpu.memory_space<vmem>> -> memref<125xi32, #tpu.memory_space<vmem>>
    %dma_start3A_94 = arith.constant 0 : i32
    %dma_start3A_95 = arith.constant 0 : i32
    %dma_start3A_96 = tpu.memref_slice %arg2[%arg0, %dma_start3A_94, %dma_start3A_95] : memref<2x10000x64xf32, #tpu.memory_space<hbm>> -> memref<1x10000x64xf32, #tpu.memory_space<hbm>>
    %dma_start3A_97 = tpu.memref_squeeze %dma_start3A_96 : memref<1x10000x64xf32, #tpu.memory_space<hbm>> -> memref<10000x64xf32, #tpu.memory_space<hbm>>
    %dma_start3A_98 = arith.constant 0 : i32
    %dma_start3A_99 = arith.constant 0 : i32
    %dma_start3A_100 = tpu.memref_slice %dma_start3A_97[%dma_start3A_98, %dma_start3A_99] : memref<10000x64xf32, #tpu.memory_space<hbm>> -> memref<10000x64xf32, #tpu.memory_space<hbm>>
    tpu.enqueue_indirect_dma source(%dma_start3A_100 : memref<10000x64xf32, #tpu.memory_space<hbm>>) target(%arg11 : memref<125x64xf32, #tpu.memory_space<vmem>>) offsets(%dma_start3A_93 : memref<125xi32, #tpu.memory_space<vmem>>) semaphore(%arg16 : memref<!tpu.dma_semaphore, #tpu.memory_space<semaphore_mem>>)
    %dma_start3A_101 = arith.constant 156 : i32
    %dma_start3A_102 = arith.constant 0 : i32
    %dma_start3A_103 = tpu.memref_slice %arg7[%dma_start3A_101, %dma_start3A_102] : memref<160x125xi32, #tpu.memory_space<vmem>> -> memref<1x125xi32, #tpu.memory_space<vmem>>
    %dma_start3A_104 = tpu.memref_squeeze %dma_start3A_103 : memref<1x125xi32, #tpu.memory_space<vmem>> -> memref<125xi32, #tpu.memory_space<vmem>>
    %dma_start3A_105 = arith.constant 0 : i32
    %dma_start3A_106 = arith.constant 0 : i32
    %dma_start3A_107 = tpu.memref_slice %arg12[%dma_start3A_105, %dma_start3A_106] : memref<10240x64xf32, #tpu.memory_space<vmem_shared>> -> memref<10240x64xf32, #tpu.memory_space<vmem_shared>>
    tpu.enqueue_indirect_dma source(%arg8 : memref<125x64xf32, #tpu.memory_space<vmem>>) target(%dma_start3A_107 : memref<10240x64xf32, #tpu.memory_space<vmem_shared>>) offsets(%dma_start3A_104 : memref<125xi32, #tpu.memory_space<vmem>>) semaphore(%arg17 : memref<!tpu.dma_semaphore, #tpu.memory_space<semaphore_mem>>) {add = true}
    %dma_wait3A_108 = arith.constant 157 : i32
    %dma_wait3A_109 = arith.constant 0 : i32
    %dma_wait3A_110 = tpu.memref_slice %arg6[%dma_wait3A_108, %dma_wait3A_109] : memref<160x125xi32, #tpu.memory_space<vmem>> -> memref<1x125xi32, #tpu.memory_space<vmem>>
    %dma_wait3A_111 = tpu.memref_squeeze %dma_wait3A_110 : memref<1x125xi32, #tpu.memory_space<vmem>> -> memref<125xi32, #tpu.memory_space<vmem>>
    %dma_wait3A_112 = arith.constant 0 : i32
    %dma_wait3A_113 = arith.constant 0 : i32
    %dma_wait3A_114 = tpu.memref_slice %arg2[%arg0, %dma_wait3A_112, %dma_wait3A_113] : memref<2x10000x64xf32, #tpu.memory_space<hbm>> -> memref<1x10000x64xf32, #tpu.memory_space<hbm>>
    %dma_wait3A_115 = tpu.memref_squeeze %dma_wait3A_114 : memref<1x10000x64xf32, #tpu.memory_space<hbm>> -> memref<10000x64xf32, #tpu.memory_space<hbm>>
    %dma_wait3A_116 = arith.constant 0 : i32
    %dma_wait3A_117 = arith.constant 0 : i32
    %dma_wait3A_118 = tpu.memref_slice %dma_wait3A_115[%dma_wait3A_116, %dma_wait3A_117] : memref<10000x64xf32, #tpu.memory_space<hbm>> -> memref<10000x64xf32, #tpu.memory_space<hbm>>
    tpu.wait_indirect_dma semaphore(%arg14 : memref<!tpu.dma_semaphore, #tpu.memory_space<semaphore_mem>>) src(%dma_wait3A_118 : memref<10000x64xf32, #tpu.memory_space<hbm>>) dst(%arg9 : memref<125x64xf32, #tpu.memory_space<vmem>>)
    %dma_wait3A_119 = arith.constant 156 : i32
    %dma_wait3A_120 = arith.constant 0 : i32
    %dma_wait3A_121 = tpu.memref_slice %arg7[%dma_wait3A_119, %dma_wait3A_120] : memref<160x125xi32, #tpu.memory_space<vmem>> -> memref<1x125xi32, #tpu.memory_space<vmem>>
    %dma_wait3A_122 = tpu.memref_squeeze %dma_wait3A_121 : memref<1x125xi32, #tpu.memory_space<vmem>> -> memref<125xi32, #tpu.memory_space<vmem>>
    %dma_wait3A_123 = arith.constant 0 : i32
    %dma_wait3A_124 = arith.constant 0 : i32
    %dma_wait3A_125 = tpu.memref_slice %arg12[%dma_wait3A_123, %dma_wait3A_124] : memref<10240x64xf32, #tpu.memory_space<vmem_shared>> -> memref<10240x64xf32, #tpu.memory_space<vmem_shared>>
    tpu.wait_indirect_dma semaphore(%arg17 : memref<!tpu.dma_semaphore, #tpu.memory_space<semaphore_mem>>) src(%arg8 : memref<125x64xf32, #tpu.memory_space<vmem>>) dst(%dma_wait3A_125 : memref<10240x64xf32, #tpu.memory_space<vmem_shared>>)
    %dma_start3A_126 = arith.constant 157 : i32
    %dma_start3A_127 = arith.constant 0 : i32
    %dma_start3A_128 = tpu.memref_slice %arg7[%dma_start3A_126, %dma_start3A_127] : memref<160x125xi32, #tpu.memory_space<vmem>> -> memref<1x125xi32, #tpu.memory_space<vmem>>
    %dma_start3A_129 = tpu.memref_squeeze %dma_start3A_128 : memref<1x125xi32, #tpu.memory_space<vmem>> -> memref<125xi32, #tpu.memory_space<vmem>>
    %dma_start3A_130 = arith.constant 0 : i32
    %dma_start3A_131 = arith.constant 0 : i32
    %dma_start3A_132 = tpu.memref_slice %arg12[%dma_start3A_130, %dma_start3A_131] : memref<10240x64xf32, #tpu.memory_space<vmem_shared>> -> memref<10240x64xf32, #tpu.memory_space<vmem_shared>>
    tpu.enqueue_indirect_dma source(%arg9 : memref<125x64xf32, #tpu.memory_space<vmem>>) target(%dma_start3A_132 : memref<10240x64xf32, #tpu.memory_space<vmem_shared>>) offsets(%dma_start3A_129 : memref<125xi32, #tpu.memory_space<vmem>>) semaphore(%arg18 : memref<!tpu.dma_semaphore, #tpu.memory_space<semaphore_mem>>) {add = true}
    %dma_wait3A_133 = arith.constant 158 : i32
    %dma_wait3A_134 = arith.constant 0 : i32
    %dma_wait3A_135 = tpu.memref_slice %arg6[%dma_wait3A_133, %dma_wait3A_134] : memref<160x125xi32, #tpu.memory_space<vmem>> -> memref<1x125xi32, #tpu.memory_space<vmem>>
    %dma_wait3A_136 = tpu.memref_squeeze %dma_wait3A_135 : memref<1x125xi32, #tpu.memory_space<vmem>> -> memref<125xi32, #tpu.memory_space<vmem>>
    %dma_wait3A_137 = arith.constant 0 : i32
    %dma_wait3A_138 = arith.constant 0 : i32
    %dma_wait3A_139 = tpu.memref_slice %arg2[%arg0, %dma_wait3A_137, %dma_wait3A_138] : memref<2x10000x64xf32, #tpu.memory_space<hbm>> -> memref<1x10000x64xf32, #tpu.memory_space<hbm>>
    %dma_wait3A_140 = tpu.memref_squeeze %dma_wait3A_139 : memref<1x10000x64xf32, #tpu.memory_space<hbm>> -> memref<10000x64xf32, #tpu.memory_space<hbm>>
    %dma_wait3A_141 = arith.constant 0 : i32
    %dma_wait3A_142 = arith.constant 0 : i32
    %dma_wait3A_143 = tpu.memref_slice %dma_wait3A_140[%dma_wait3A_141, %dma_wait3A_142] : memref<10000x64xf32, #tpu.memory_space<hbm>> -> memref<10000x64xf32, #tpu.memory_space<hbm>>
    tpu.wait_indirect_dma semaphore(%arg15 : memref<!tpu.dma_semaphore, #tpu.memory_space<semaphore_mem>>) src(%dma_wait3A_143 : memref<10000x64xf32, #tpu.memory_space<hbm>>) dst(%arg10 : memref<125x64xf32, #tpu.memory_space<vmem>>)
    %dma_wait3A_144 = arith.constant 157 : i32
    %dma_wait3A_145 = arith.constant 0 : i32
    %dma_wait3A_146 = tpu.memref_slice %arg7[%dma_wait3A_144, %dma_wait3A_145] : memref<160x125xi32, #tpu.memory_space<vmem>> -> memref<1x125xi32, #tpu.memory_space<vmem>>
    %dma_wait3A_147 = tpu.memref_squeeze %dma_wait3A_146 : memref<1x125xi32, #tpu.memory_space<vmem>> -> memref<125xi32, #tpu.memory_space<vmem>>
    %dma_wait3A_148 = arith.constant 0 : i32
    %dma_wait3A_149 = arith.constant 0 : i32
    %dma_wait3A_150 = tpu.memref_slice %arg12[%dma_wait3A_148, %dma_wait3A_149] : memref<10240x64xf32, #tpu.memory_space<vmem_shared>> -> memref<10240x64xf32, #tpu.memory_space<vmem_shared>>
    tpu.wait_indirect_dma semaphore(%arg18 : memref<!tpu.dma_semaphore, #tpu.memory_space<semaphore_mem>>) src(%arg9 : memref<125x64xf32, #tpu.memory_space<vmem>>) dst(%dma_wait3A_150 : memref<10240x64xf32, #tpu.memory_space<vmem_shared>>)
    %dma_start3A_151 = arith.constant 158 : i32
    %dma_start3A_152 = arith.constant 0 : i32
    %dma_start3A_153 = tpu.memref_slice %arg7[%dma_start3A_151, %dma_start3A_152] : memref<160x125xi32, #tpu.memory_space<vmem>> -> memref<1x125xi32, #tpu.memory_space<vmem>>
    %dma_start3A_154 = tpu.memref_squeeze %dma_start3A_153 : memref<1x125xi32, #tpu.memory_space<vmem>> -> memref<125xi32, #tpu.memory_space<vmem>>
    %dma_start3A_155 = arith.constant 0 : i32
    %dma_start3A_156 = arith.constant 0 : i32
    %dma_start3A_157 = tpu.memref_slice %arg12[%dma_start3A_155, %dma_start3A_156] : memref<10240x64xf32, #tpu.memory_space<vmem_shared>> -> memref<10240x64xf32, #tpu.memory_space<vmem_shared>>
    tpu.enqueue_indirect_dma source(%arg10 : memref<125x64xf32, #tpu.memory_space<vmem>>) target(%dma_start3A_157 : memref<10240x64xf32, #tpu.memory_space<vmem_shared>>) offsets(%dma_start3A_154 : memref<125xi32, #tpu.memory_space<vmem>>) semaphore(%arg19 : memref<!tpu.dma_semaphore, #tpu.memory_space<semaphore_mem>>) {add = true}
    %dma_wait3A_158 = arith.constant 159 : i32
    %dma_wait3A_159 = arith.constant 0 : i32
    %dma_wait3A_160 = tpu.memref_slice %arg6[%dma_wait3A_158, %dma_wait3A_159] : memref<160x125xi32, #tpu.memory_space<vmem>> -> memref<1x125xi32, #tpu.memory_space<vmem>>
    %dma_wait3A_161 = tpu.memref_squeeze %dma_wait3A_160 : memref<1x125xi32, #tpu.memory_space<vmem>> -> memref<125xi32, #tpu.memory_space<vmem>>
    %dma_wait3A_162 = arith.constant 0 : i32
    %dma_wait3A_163 = arith.constant 0 : i32
    %dma_wait3A_164 = tpu.memref_slice %arg2[%arg0, %dma_wait3A_162, %dma_wait3A_163] : memref<2x10000x64xf32, #tpu.memory_space<hbm>> -> memref<1x10000x64xf32, #tpu.memory_space<hbm>>
    %dma_wait3A_165 = tpu.memref_squeeze %dma_wait3A_164 : memref<1x10000x64xf32, #tpu.memory_space<hbm>> -> memref<10000x64xf32, #tpu.memory_space<hbm>>
    %dma_wait3A_166 = arith.constant 0 : i32
    %dma_wait3A_167 = arith.constant 0 : i32
    %dma_wait3A_168 = tpu.memref_slice %dma_wait3A_165[%dma_wait3A_166, %dma_wait3A_167] : memref<10000x64xf32, #tpu.memory_space<hbm>> -> memref<10000x64xf32, #tpu.memory_space<hbm>>
    tpu.wait_indirect_dma semaphore(%arg16 : memref<!tpu.dma_semaphore, #tpu.memory_space<semaphore_mem>>) src(%dma_wait3A_168 : memref<10000x64xf32, #tpu.memory_space<hbm>>) dst(%arg11 : memref<125x64xf32, #tpu.memory_space<vmem>>)
    %dma_wait3A_169 = arith.constant 158 : i32
    %dma_wait3A_170 = arith.constant 0 : i32
    %dma_wait3A_171 = tpu.memref_slice %arg7[%dma_wait3A_169, %dma_wait3A_170] : memref<160x125xi32, #tpu.memory_space<vmem>> -> memref<1x125xi32, #tpu.memory_space<vmem>>
    %dma_wait3A_172 = tpu.memref_squeeze %dma_wait3A_171 : memref<1x125xi32, #tpu.memory_space<vmem>> -> memref<125xi32, #tpu.memory_space<vmem>>
    %dma_wait3A_173 = arith.constant 0 : i32
    %dma_wait3A_174 = arith.constant 0 : i32
    %dma_wait3A_175 = tpu.memref_slice %arg12[%dma_wait3A_173, %dma_wait3A_174] : memref<10240x64xf32, #tpu.memory_space<vmem_shared>> -> memref<10240x64xf32, #tpu.memory_space<vmem_shared>>
    tpu.wait_indirect_dma semaphore(%arg19 : memref<!tpu.dma_semaphore, #tpu.memory_space<semaphore_mem>>) src(%arg10 : memref<125x64xf32, #tpu.memory_space<vmem>>) dst(%dma_wait3A_175 : memref<10240x64xf32, #tpu.memory_space<vmem_shared>>)
    %dma_start3A_176 = arith.constant 159 : i32
    %dma_start3A_177 = arith.constant 0 : i32
    %dma_start3A_178 = tpu.memref_slice %arg7[%dma_start3A_176, %dma_start3A_177] : memref<160x125xi32, #tpu.memory_space<vmem>> -> memref<1x125xi32, #tpu.memory_space<vmem>>
    %dma_start3A_179 = tpu.memref_squeeze %dma_start3A_178 : memref<1x125xi32, #tpu.memory_space<vmem>> -> memref<125xi32, #tpu.memory_space<vmem>>
    %dma_start3A_180 = arith.constant 0 : i32
    %dma_start3A_181 = arith.constant 0 : i32
    %dma_start3A_182 = tpu.memref_slice %arg12[%dma_start3A_180, %dma_start3A_181] : memref<10240x64xf32, #tpu.memory_space<vmem_shared>> -> memref<10240x64xf32, #tpu.memory_space<vmem_shared>>
    tpu.enqueue_indirect_dma source(%arg11 : memref<125x64xf32, #tpu.memory_space<vmem>>) target(%dma_start3A_182 : memref<10240x64xf32, #tpu.memory_space<vmem_shared>>) offsets(%dma_start3A_179 : memref<125xi32, #tpu.memory_space<vmem>>) semaphore(%arg20 : memref<!tpu.dma_semaphore, #tpu.memory_space<semaphore_mem>>) {add = true}
    %dma_wait3A_183 = arith.constant 159 : i32
    %dma_wait3A_184 = arith.constant 0 : i32
    %dma_wait3A_185 = tpu.memref_slice %arg7[%dma_wait3A_183, %dma_wait3A_184] : memref<160x125xi32, #tpu.memory_space<vmem>> -> memref<1x125xi32, #tpu.memory_space<vmem>>
    %dma_wait3A_186 = tpu.memref_squeeze %dma_wait3A_185 : memref<1x125xi32, #tpu.memory_space<vmem>> -> memref<125xi32, #tpu.memory_space<vmem>>
    %dma_wait3A_187 = arith.constant 0 : i32
    %dma_wait3A_188 = arith.constant 0 : i32
    %dma_wait3A_189 = tpu.memref_slice %arg12[%dma_wait3A_187, %dma_wait3A_188] : memref<10240x64xf32, #tpu.memory_space<vmem_shared>> -> memref<10240x64xf32, #tpu.memory_space<vmem_shared>>
    tpu.wait_indirect_dma semaphore(%arg20 : memref<!tpu.dma_semaphore, #tpu.memory_space<semaphore_mem>>) src(%arg11 : memref<125x64xf32, #tpu.memory_space<vmem>>) dst(%dma_wait3A_189 : memref<10240x64xf32, #tpu.memory_space<vmem_shared>>)
    %barrier3A_190 = arith.constant 0 : index
    tpu.barrier barrier_id(%barrier3A_190)
    %mul3A_191 = arith.constant 640 : i32
    %mul3A_192 = arith.muli %arg1, %mul3A_191 : i32
    %add3A_193 = arith.constant 0 : i32
    %add3A_194 = arith.addi %mul3A_192, %add3A_193 : i32
    "tpu.region"() ({
      %run_scoped3A = tpu.sem_alloc : memref<!tpu.dma_semaphore, #tpu.memory_space<semaphore_mem>>
      %dma_start3A_223 = arith.constant 0 : i32
      %dma_start3A_224 = arith.constant 0 : i32
      %dma_start3A_225 = tpu.memref_slice %arg8[%dma_start3A_223, %dma_start3A_224] : memref<125x64xf32, #tpu.memory_space<vmem>> -> memref<80x64xf32, #tpu.memory_space<vmem>>
      %dma_start3A_226 = arith.constant 0 : i32
      %dma_start3A_227 = tpu.memref_slice %arg12[%add3A_194, %dma_start3A_226] : memref<10240x64xf32, #tpu.memory_space<vmem_shared>> -> memref<80x64xf32, #tpu.memory_space<vmem_shared>>
      %dma_start3A_228 = arith.constant 0 : i32
      %dma_start3A_229 = arith.constant 0 : i32
      %dma_start3A_230 = tpu.memref_slice %arg8[%dma_start3A_228, %dma_start3A_229] : memref<125x64xf32, #tpu.memory_space<vmem>> -> memref<80x64xf32, #tpu.memory_space<vmem>>
      %dma_start3A_231 = arith.constant 0 : i32
      %dma_start3A_232 = tpu.memref_slice %arg12[%add3A_194, %dma_start3A_231] : memref<10240x64xf32, #tpu.memory_space<vmem_shared>> -> memref<80x64xf32, #tpu.memory_space<vmem_shared>>
      tpu.enqueue_dma source(%dma_start3A_232 : memref<80x64xf32, #tpu.memory_space<vmem_shared>>) target(%dma_start3A_230 : memref<80x64xf32, #tpu.memory_space<vmem>>) target_semaphore(%run_scoped3A : memref<!tpu.dma_semaphore, #tpu.memory_space<semaphore_mem>>)
      %dma_wait3A_233 = arith.constant 0 : i32
      %dma_wait3A_234 = arith.constant 0 : i32
      %dma_wait3A_235 = tpu.memref_slice %arg8[%dma_wait3A_233, %dma_wait3A_234] : memref<125x64xf32, #tpu.memory_space<vmem>> -> memref<80x64xf32, #tpu.memory_space<vmem>>
      %dma_wait3A_236 = arith.constant 0 : i32
      %dma_wait3A_237 = tpu.memref_slice %arg12[%add3A_194, %dma_wait3A_236] : memref<10240x64xf32, #tpu.memory_space<vmem_shared>> -> memref<80x64xf32, #tpu.memory_space<vmem_shared>>
      %dma_wait3A_238 = arith.constant 0 : i32
      %dma_wait3A_239 = arith.constant 0 : i32
      %dma_wait3A_240 = tpu.memref_slice %arg8[%dma_wait3A_238, %dma_wait3A_239] : memref<125x64xf32, #tpu.memory_space<vmem>> -> memref<80x64xf32, #tpu.memory_space<vmem>>
      %dma_wait3A_241 = arith.constant 0 : i32
      %dma_wait3A_242 = tpu.memref_slice %arg12[%add3A_194, %dma_wait3A_241] : memref<10240x64xf32, #tpu.memory_space<vmem_shared>> -> memref<80x64xf32, #tpu.memory_space<vmem_shared>>
      tpu.wait_dma2 semaphore(%run_scoped3A : memref<!tpu.dma_semaphore, #tpu.memory_space<semaphore_mem>>) src(%dma_wait3A_242 : memref<80x64xf32, #tpu.memory_space<vmem_shared>>) dst(%dma_wait3A_240 : memref<80x64xf32, #tpu.memory_space<vmem>>)
      tpu.yield
    }) : () -> ()
    "tpu.region"() ({
      %run_scoped3A = tpu.sem_alloc : memref<!tpu.dma_semaphore, #tpu.memory_space<semaphore_mem>>
      %dma_start3A_223 = arith.constant 0 : i32
      %dma_start3A_224 = arith.constant 0 : i32
      %dma_start3A_225 = tpu.memref_slice %arg8[%dma_start3A_223, %dma_start3A_224] : memref<125x64xf32, #tpu.memory_space<vmem>> -> memref<80x64xf32, #tpu.memory_space<vmem>>
      %dma_start3A_226 = arith.constant 0 : i32
      %dma_start3A_227 = tpu.memref_slice %arg5[%arg0, %add3A_194, %dma_start3A_226] : memref<2x10240x64xf32, #tpu.memory_space<hbm>> -> memref<1x80x64xf32, #tpu.memory_space<hbm>>
      %dma_start3A_228 = tpu.memref_squeeze %dma_start3A_227 : memref<1x80x64xf32, #tpu.memory_space<hbm>> -> memref<80x64xf32, #tpu.memory_space<hbm>>
      %dma_start3A_229 = arith.constant 0 : i32
      %dma_start3A_230 = tpu.memref_slice %arg5[%arg0, %add3A_194, %dma_start3A_229] : memref<2x10240x64xf32, #tpu.memory_space<hbm>> -> memref<1x80x64xf32, #tpu.memory_space<hbm>>
      %dma_start3A_231 = tpu.memref_squeeze %dma_start3A_230 : memref<1x80x64xf32, #tpu.memory_space<hbm>> -> memref<80x64xf32, #tpu.memory_space<hbm>>
      %dma_start3A_232 = arith.constant 0 : i32
      %dma_start3A_233 = arith.constant 0 : i32
      %dma_start3A_234 = tpu.memref_slice %arg8[%dma_start3A_232, %dma_start3A_233] : memref<125x64xf32, #tpu.memory_space<vmem>> -> memref<80x64xf32, #tpu.memory_space<vmem>>
      tpu.enqueue_dma source(%dma_start3A_234 : memref<80x64xf32, #tpu.memory_space<vmem>>) target(%dma_start3A_231 : memref<80x64xf32, #tpu.memory_space<hbm>>) target_semaphore(%run_scoped3A : memref<!tpu.dma_semaphore, #tpu.memory_space<semaphore_mem>>)
      %dma_wait3A_235 = arith.constant 0 : i32
      %dma_wait3A_236 = arith.constant 0 : i32
      %dma_wait3A_237 = tpu.memref_slice %arg8[%dma_wait3A_235, %dma_wait3A_236] : memref<125x64xf32, #tpu.memory_space<vmem>> -> memref<80x64xf32, #tpu.memory_space<vmem>>
      %dma_wait3A_238 = arith.constant 0 : i32
      %dma_wait3A_239 = tpu.memref_slice %arg5[%arg0, %add3A_194, %dma_wait3A_238] : memref<2x10240x64xf32, #tpu.memory_space<hbm>> -> memref<1x80x64xf32, #tpu.memory_space<hbm>>
      %dma_wait3A_240 = tpu.memref_squeeze %dma_wait3A_239 : memref<1x80x64xf32, #tpu.memory_space<hbm>> -> memref<80x64xf32, #tpu.memory_space<hbm>>
      %dma_wait3A_241 = arith.constant 0 : i32
      %dma_wait3A_242 = tpu.memref_slice %arg5[%arg0, %add3A_194, %dma_wait3A_241] : memref<2x10240x64xf32, #tpu.memory_space<hbm>> -> memref<1x80x64xf32, #tpu.memory_space<hbm>>
      %dma_wait3A_243 = tpu.memref_squeeze %dma_wait3A_242 : memref<1x80x64xf32, #tpu.memory_space<hbm>> -> memref<80x64xf32, #tpu.memory_space<hbm>>
      %dma_wait3A_244 = arith.constant 0 : i32
      %dma_wait3A_245 = arith.constant 0 : i32
      %dma_wait3A_246 = tpu.memref_slice %arg8[%dma_wait3A_244, %dma_wait3A_245] : memref<125x64xf32, #tpu.memory_space<vmem>> -> memref<80x64xf32, #tpu.memory_space<vmem>>
      tpu.wait_dma2 semaphore(%run_scoped3A : memref<!tpu.dma_semaphore, #tpu.memory_space<semaphore_mem>>) src(%dma_wait3A_246 : memref<80x64xf32, #tpu.memory_space<vmem>>) dst(%dma_wait3A_243 : memref<80x64xf32, #tpu.memory_space<hbm>>)
      tpu.yield
    }) : () -> ()
    %mul3A_195 = arith.constant 640 : i32
    %mul3A_196 = arith.muli %arg1, %mul3A_195 : i32
    %add3A_197 = arith.constant 80 : i32
    %add3A_198 = arith.addi %mul3A_196, %add3A_197 : i32
    "tpu.region"() ({
      %run_scoped3A = tpu.sem_alloc : memref<!tpu.dma_semaphore, #tpu.memory_space<semaphore_mem>>
      %dma_start3A_223 = arith.constant 0 : i32
      %dma_start3A_224 = arith.constant 0 : i32
      %dma_start3A_225 = tpu.memref_slice %arg8[%dma_start3A_223, %dma_start3A_224] : memref<125x64xf32, #tpu.memory_space<vmem>> -> memref<80x64xf32, #tpu.memory_space<vmem>>
      %dma_start3A_226 = arith.constant 0 : i32
      %dma_start3A_227 = tpu.memref_slice %arg12[%add3A_198, %dma_start3A_226] : memref<10240x64xf32, #tpu.memory_space<vmem_shared>> -> memref<80x64xf32, #tpu.memory_space<vmem_shared>>
      %dma_start3A_228 = arith.constant 0 : i32
      %dma_start3A_229 = arith.constant 0 : i32
      %dma_start3A_230 = tpu.memref_slice %arg8[%dma_start3A_228, %dma_start3A_229] : memref<125x64xf32, #tpu.memory_space<vmem>> -> memref<80x64xf32, #tpu.memory_space<vmem>>
      %dma_start3A_231 = arith.constant 0 : i32
      %dma_start3A_232 = tpu.memref_slice %arg12[%add3A_198, %dma_start3A_231] : memref<10240x64xf32, #tpu.memory_space<vmem_shared>> -> memref<80x64xf32, #tpu.memory_space<vmem_shared>>
      tpu.enqueue_dma source(%dma_start3A_232 : memref<80x64xf32, #tpu.memory_space<vmem_shared>>) target(%dma_start3A_230 : memref<80x64xf32, #tpu.memory_space<vmem>>) target_semaphore(%run_scoped3A : memref<!tpu.dma_semaphore, #tpu.memory_space<semaphore_mem>>)
      %dma_wait3A_233 = arith.constant 0 : i32
      %dma_wait3A_234 = arith.constant 0 : i32
      %dma_wait3A_235 = tpu.memref_slice %arg8[%dma_wait3A_233, %dma_wait3A_234] : memref<125x64xf32, #tpu.memory_space<vmem>> -> memref<80x64xf32, #tpu.memory_space<vmem>>
      %dma_wait3A_236 = arith.constant 0 : i32
      %dma_wait3A_237 = tpu.memref_slice %arg12[%add3A_198, %dma_wait3A_236] : memref<10240x64xf32, #tpu.memory_space<vmem_shared>> -> memref<80x64xf32, #tpu.memory_space<vmem_shared>>
      %dma_wait3A_238 = arith.constant 0 : i32
      %dma_wait3A_239 = arith.constant 0 : i32
      %dma_wait3A_240 = tpu.memref_slice %arg8[%dma_wait3A_238, %dma_wait3A_239] : memref<125x64xf32, #tpu.memory_space<vmem>> -> memref<80x64xf32, #tpu.memory_space<vmem>>
      %dma_wait3A_241 = arith.constant 0 : i32
      %dma_wait3A_242 = tpu.memref_slice %arg12[%add3A_198, %dma_wait3A_241] : memref<10240x64xf32, #tpu.memory_space<vmem_shared>> -> memref<80x64xf32, #tpu.memory_space<vmem_shared>>
      tpu.wait_dma2 semaphore(%run_scoped3A : memref<!tpu.dma_semaphore, #tpu.memory_space<semaphore_mem>>) src(%dma_wait3A_242 : memref<80x64xf32, #tpu.memory_space<vmem_shared>>) dst(%dma_wait3A_240 : memref<80x64xf32, #tpu.memory_space<vmem>>)
      tpu.yield
    }) : () -> ()
    "tpu.region"() ({
      %run_scoped3A = tpu.sem_alloc : memref<!tpu.dma_semaphore, #tpu.memory_space<semaphore_mem>>
      %dma_start3A_223 = arith.constant 0 : i32
      %dma_start3A_224 = arith.constant 0 : i32
      %dma_start3A_225 = tpu.memref_slice %arg8[%dma_start3A_223, %dma_start3A_224] : memref<125x64xf32, #tpu.memory_space<vmem>> -> memref<80x64xf32, #tpu.memory_space<vmem>>
      %dma_start3A_226 = arith.constant 0 : i32
      %dma_start3A_227 = tpu.memref_slice %arg5[%arg0, %add3A_198, %dma_start3A_226] : memref<2x10240x64xf32, #tpu.memory_space<hbm>> -> memref<1x80x64xf32, #tpu.memory_space<hbm>>
      %dma_start3A_228 = tpu.memref_squeeze %dma_start3A_227 : memref<1x80x64xf32, #tpu.memory_space<hbm>> -> memref<80x64xf32, #tpu.memory_space<hbm>>
      %dma_start3A_229 = arith.constant 0 : i32
      %dma_start3A_230 = tpu.memref_slice %arg5[%arg0, %add3A_198, %dma_start3A_229] : memref<2x10240x64xf32, #tpu.memory_space<hbm>> -> memref<1x80x64xf32, #tpu.memory_space<hbm>>
      %dma_start3A_231 = tpu.memref_squeeze %dma_start3A_230 : memref<1x80x64xf32, #tpu.memory_space<hbm>> -> memref<80x64xf32, #tpu.memory_space<hbm>>
      %dma_start3A_232 = arith.constant 0 : i32
      %dma_start3A_233 = arith.constant 0 : i32
      %dma_start3A_234 = tpu.memref_slice %arg8[%dma_start3A_232, %dma_start3A_233] : memref<125x64xf32, #tpu.memory_space<vmem>> -> memref<80x64xf32, #tpu.memory_space<vmem>>
      tpu.enqueue_dma source(%dma_start3A_234 : memref<80x64xf32, #tpu.memory_space<vmem>>) target(%dma_start3A_231 : memref<80x64xf32, #tpu.memory_space<hbm>>) target_semaphore(%run_scoped3A : memref<!tpu.dma_semaphore, #tpu.memory_space<semaphore_mem>>)
      %dma_wait3A_235 = arith.constant 0 : i32
      %dma_wait3A_236 = arith.constant 0 : i32
      %dma_wait3A_237 = tpu.memref_slice %arg8[%dma_wait3A_235, %dma_wait3A_236] : memref<125x64xf32, #tpu.memory_space<vmem>> -> memref<80x64xf32, #tpu.memory_space<vmem>>
      %dma_wait3A_238 = arith.constant 0 : i32
      %dma_wait3A_239 = tpu.memref_slice %arg5[%arg0, %add3A_198, %dma_wait3A_238] : memref<2x10240x64xf32, #tpu.memory_space<hbm>> -> memref<1x80x64xf32, #tpu.memory_space<hbm>>
      %dma_wait3A_240 = tpu.memref_squeeze %dma_wait3A_239 : memref<1x80x64xf32, #tpu.memory_space<hbm>> -> memref<80x64xf32, #tpu.memory_space<hbm>>
      %dma_wait3A_241 = arith.constant 0 : i32
      %dma_wait3A_242 = tpu.memref_slice %arg5[%arg0, %add3A_198, %dma_wait3A_241] : memref<2x10240x64xf32, #tpu.memory_space<hbm>> -> memref<1x80x64xf32, #tpu.memory_space<hbm>>
      %dma_wait3A_243 = tpu.memref_squeeze %dma_wait3A_242 : memref<1x80x64xf32, #tpu.memory_space<hbm>> -> memref<80x64xf32, #tpu.memory_space<hbm>>
      %dma_wait3A_244 = arith.constant 0 : i32
      %dma_wait3A_245 = arith.constant 0 : i32
      %dma_wait3A_246 = tpu.memref_slice %arg8[%dma_wait3A_244, %dma_wait3A_245] : memref<125x64xf32, #tpu.memory_space<vmem>> -> memref<80x64xf32, #tpu.memory_space<vmem>>
      tpu.wait_dma2 semaphore(%run_scoped3A : memref<!tpu.dma_semaphore, #tpu.memory_space<semaphore_mem>>) src(%dma_wait3A_246 : memref<80x64xf32, #tpu.memory_space<vmem>>) dst(%dma_wait3A_243 : memref<80x64xf32, #tpu.memory_space<hbm>>)
      tpu.yield
    }) : () -> ()
    %mul3A_199 = arith.constant 640 : i32
    %mul3A_200 = arith.muli %arg1, %mul3A_199 : i32
    %add3A_201 = arith.constant 160 : i32
    %add3A_202 = arith.addi %mul3A_200, %add3A_201 : i32
    "tpu.region"() ({
      %run_scoped3A = tpu.sem_alloc : memref<!tpu.dma_semaphore, #tpu.memory_space<semaphore_mem>>
      %dma_start3A_223 = arith.constant 0 : i32
      %dma_start3A_224 = arith.constant 0 : i32
      %dma_start3A_225 = tpu.memref_slice %arg8[%dma_start3A_223, %dma_start3A_224] : memref<125x64xf32, #tpu.memory_space<vmem>> -> memref<80x64xf32, #tpu.memory_space<vmem>>
      %dma_start3A_226 = arith.constant 0 : i32
      %dma_start3A_227 = tpu.memref_slice %arg12[%add3A_202, %dma_start3A_226] : memref<10240x64xf32, #tpu.memory_space<vmem_shared>> -> memref<80x64xf32, #tpu.memory_space<vmem_shared>>
      %dma_start3A_228 = arith.constant 0 : i32
      %dma_start3A_229 = arith.constant 0 : i32
      %dma_start3A_230 = tpu.memref_slice %arg8[%dma_start3A_228, %dma_start3A_229] : memref<125x64xf32, #tpu.memory_space<vmem>> -> memref<80x64xf32, #tpu.memory_space<vmem>>
      %dma_start3A_231 = arith.constant 0 : i32
      %dma_start3A_232 = tpu.memref_slice %arg12[%add3A_202, %dma_start3A_231] : memref<10240x64xf32, #tpu.memory_space<vmem_shared>> -> memref<80x64xf32, #tpu.memory_space<vmem_shared>>
      tpu.enqueue_dma source(%dma_start3A_232 : memref<80x64xf32, #tpu.memory_space<vmem_shared>>) target(%dma_start3A_230 : memref<80x64xf32, #tpu.memory_space<vmem>>) target_semaphore(%run_scoped3A : memref<!tpu.dma_semaphore, #tpu.memory_space<semaphore_mem>>)
      %dma_wait3A_233 = arith.constant 0 : i32
      %dma_wait3A_234 = arith.constant 0 : i32
      %dma_wait3A_235 = tpu.memref_slice %arg8[%dma_wait3A_233, %dma_wait3A_234] : memref<125x64xf32, #tpu.memory_space<vmem>> -> memref<80x64xf32, #tpu.memory_space<vmem>>
      %dma_wait3A_236 = arith.constant 0 : i32
      %dma_wait3A_237 = tpu.memref_slice %arg12[%add3A_202, %dma_wait3A_236] : memref<10240x64xf32, #tpu.memory_space<vmem_shared>> -> memref<80x64xf32, #tpu.memory_space<vmem_shared>>
      %dma_wait3A_238 = arith.constant 0 : i32
      %dma_wait3A_239 = arith.constant 0 : i32
      %dma_wait3A_240 = tpu.memref_slice %arg8[%dma_wait3A_238, %dma_wait3A_239] : memref<125x64xf32, #tpu.memory_space<vmem>> -> memref<80x64xf32, #tpu.memory_space<vmem>>
      %dma_wait3A_241 = arith.constant 0 : i32
      %dma_wait3A_242 = tpu.memref_slice %arg12[%add3A_202, %dma_wait3A_241] : memref<10240x64xf32, #tpu.memory_space<vmem_shared>> -> memref<80x64xf32, #tpu.memory_space<vmem_shared>>
      tpu.wait_dma2 semaphore(%run_scoped3A : memref<!tpu.dma_semaphore, #tpu.memory_space<semaphore_mem>>) src(%dma_wait3A_242 : memref<80x64xf32, #tpu.memory_space<vmem_shared>>) dst(%dma_wait3A_240 : memref<80x64xf32, #tpu.memory_space<vmem>>)
      tpu.yield
    }) : () -> ()
    "tpu.region"() ({
      %run_scoped3A = tpu.sem_alloc : memref<!tpu.dma_semaphore, #tpu.memory_space<semaphore_mem>>
      %dma_start3A_223 = arith.constant 0 : i32
      %dma_start3A_224 = arith.constant 0 : i32
      %dma_start3A_225 = tpu.memref_slice %arg8[%dma_start3A_223, %dma_start3A_224] : memref<125x64xf32, #tpu.memory_space<vmem>> -> memref<80x64xf32, #tpu.memory_space<vmem>>
      %dma_start3A_226 = arith.constant 0 : i32
      %dma_start3A_227 = tpu.memref_slice %arg5[%arg0, %add3A_202, %dma_start3A_226] : memref<2x10240x64xf32, #tpu.memory_space<hbm>> -> memref<1x80x64xf32, #tpu.memory_space<hbm>>
      %dma_start3A_228 = tpu.memref_squeeze %dma_start3A_227 : memref<1x80x64xf32, #tpu.memory_space<hbm>> -> memref<80x64xf32, #tpu.memory_space<hbm>>
      %dma_start3A_229 = arith.constant 0 : i32
      %dma_start3A_230 = tpu.memref_slice %arg5[%arg0, %add3A_202, %dma_start3A_229] : memref<2x10240x64xf32, #tpu.memory_space<hbm>> -> memref<1x80x64xf32, #tpu.memory_space<hbm>>
      %dma_start3A_231 = tpu.memref_squeeze %dma_start3A_230 : memref<1x80x64xf32, #tpu.memory_space<hbm>> -> memref<80x64xf32, #tpu.memory_space<hbm>>
      %dma_start3A_232 = arith.constant 0 : i32
      %dma_start3A_233 = arith.constant 0 : i32
      %dma_start3A_234 = tpu.memref_slice %arg8[%dma_start3A_232, %dma_start3A_233] : memref<125x64xf32, #tpu.memory_space<vmem>> -> memref<80x64xf32, #tpu.memory_space<vmem>>
      tpu.enqueue_dma source(%dma_start3A_234 : memref<80x64xf32, #tpu.memory_space<vmem>>) target(%dma_start3A_231 : memref<80x64xf32, #tpu.memory_space<hbm>>) target_semaphore(%run_scoped3A : memref<!tpu.dma_semaphore, #tpu.memory_space<semaphore_mem>>)
      %dma_wait3A_235 = arith.constant 0 : i32
      %dma_wait3A_236 = arith.constant 0 : i32
      %dma_wait3A_237 = tpu.memref_slice %arg8[%dma_wait3A_235, %dma_wait3A_236] : memref<125x64xf32, #tpu.memory_space<vmem>> -> memref<80x64xf32, #tpu.memory_space<vmem>>
      %dma_wait3A_238 = arith.constant 0 : i32
      %dma_wait3A_239 = tpu.memref_slice %arg5[%arg0, %add3A_202, %dma_wait3A_238] : memref<2x10240x64xf32, #tpu.memory_space<hbm>> -> memref<1x80x64xf32, #tpu.memory_space<hbm>>
      %dma_wait3A_240 = tpu.memref_squeeze %dma_wait3A_239 : memref<1x80x64xf32, #tpu.memory_space<hbm>> -> memref<80x64xf32, #tpu.memory_space<hbm>>
      %dma_wait3A_241 = arith.constant 0 : i32
      %dma_wait3A_242 = tpu.memref_slice %arg5[%arg0, %add3A_202, %dma_wait3A_241] : memref<2x10240x64xf32, #tpu.memory_space<hbm>> -> memref<1x80x64xf32, #tpu.memory_space<hbm>>
      %dma_wait3A_243 = tpu.memref_squeeze %dma_wait3A_242 : memref<1x80x64xf32, #tpu.memory_space<hbm>> -> memref<80x64xf32, #tpu.memory_space<hbm>>
      %dma_wait3A_244 = arith.constant 0 : i32
      %dma_wait3A_245 = arith.constant 0 : i32
      %dma_wait3A_246 = tpu.memref_slice %arg8[%dma_wait3A_244, %dma_wait3A_245] : memref<125x64xf32, #tpu.memory_space<vmem>> -> memref<80x64xf32, #tpu.memory_space<vmem>>
      tpu.wait_dma2 semaphore(%run_scoped3A : memref<!tpu.dma_semaphore, #tpu.memory_space<semaphore_mem>>) src(%dma_wait3A_246 : memref<80x64xf32, #tpu.memory_space<vmem>>) dst(%dma_wait3A_243 : memref<80x64xf32, #tpu.memory_space<hbm>>)
      tpu.yield
    }) : () -> ()
    %mul3A_203 = arith.constant 640 : i32
    %mul3A_204 = arith.muli %arg1, %mul3A_203 : i32
    %add3A_205 = arith.constant 240 : i32
    %add3A_206 = arith.addi %mul3A_204, %add3A_205 : i32
    "tpu.region"() ({
      %run_scoped3A = tpu.sem_alloc : memref<!tpu.dma_semaphore, #tpu.memory_space<semaphore_mem>>
      %dma_start3A_223 = arith.constant 0 : i32
      %dma_start3A_224 = arith.constant 0 : i32
      %dma_start3A_225 = tpu.memref_slice %arg8[%dma_start3A_223, %dma_start3A_224] : memref<125x64xf32, #tpu.memory_space<vmem>> -> memref<80x64xf32, #tpu.memory_space<vmem>>
      %dma_start3A_226 = arith.constant 0 : i32
      %dma_start3A_227 = tpu.memref_slice %arg12[%add3A_206, %dma_start3A_226] : memref<10240x64xf32, #tpu.memory_space<vmem_shared>> -> memref<80x64xf32, #tpu.memory_space<vmem_shared>>
      %dma_start3A_228 = arith.constant 0 : i32
      %dma_start3A_229 = arith.constant 0 : i32
      %dma_start3A_230 = tpu.memref_slice %arg8[%dma_start3A_228, %dma_start3A_229] : memref<125x64xf32, #tpu.memory_space<vmem>> -> memref<80x64xf32, #tpu.memory_space<vmem>>
      %dma_start3A_231 = arith.constant 0 : i32
      %dma_start3A_232 = tpu.memref_slice %arg12[%add3A_206, %dma_start3A_231] : memref<10240x64xf32, #tpu.memory_space<vmem_shared>> -> memref<80x64xf32, #tpu.memory_space<vmem_shared>>
      tpu.enqueue_dma source(%dma_start3A_232 : memref<80x64xf32, #tpu.memory_space<vmem_shared>>) target(%dma_start3A_230 : memref<80x64xf32, #tpu.memory_space<vmem>>) target_semaphore(%run_scoped3A : memref<!tpu.dma_semaphore, #tpu.memory_space<semaphore_mem>>)
      %dma_wait3A_233 = arith.constant 0 : i32
      %dma_wait3A_234 = arith.constant 0 : i32
      %dma_wait3A_235 = tpu.memref_slice %arg8[%dma_wait3A_233, %dma_wait3A_234] : memref<125x64xf32, #tpu.memory_space<vmem>> -> memref<80x64xf32, #tpu.memory_space<vmem>>
      %dma_wait3A_236 = arith.constant 0 : i32
      %dma_wait3A_237 = tpu.memref_slice %arg12[%add3A_206, %dma_wait3A_236] : memref<10240x64xf32, #tpu.memory_space<vmem_shared>> -> memref<80x64xf32, #tpu.memory_space<vmem_shared>>
      %dma_wait3A_238 = arith.constant 0 : i32
      %dma_wait3A_239 = arith.constant 0 : i32
      %dma_wait3A_240 = tpu.memref_slice %arg8[%dma_wait3A_238, %dma_wait3A_239] : memref<125x64xf32, #tpu.memory_space<vmem>> -> memref<80x64xf32, #tpu.memory_space<vmem>>
      %dma_wait3A_241 = arith.constant 0 : i32
      %dma_wait3A_242 = tpu.memref_slice %arg12[%add3A_206, %dma_wait3A_241] : memref<10240x64xf32, #tpu.memory_space<vmem_shared>> -> memref<80x64xf32, #tpu.memory_space<vmem_shared>>
      tpu.wait_dma2 semaphore(%run_scoped3A : memref<!tpu.dma_semaphore, #tpu.memory_space<semaphore_mem>>) src(%dma_wait3A_242 : memref<80x64xf32, #tpu.memory_space<vmem_shared>>) dst(%dma_wait3A_240 : memref<80x64xf32, #tpu.memory_space<vmem>>)
      tpu.yield
    }) : () -> ()
    "tpu.region"() ({
      %run_scoped3A = tpu.sem_alloc : memref<!tpu.dma_semaphore, #tpu.memory_space<semaphore_mem>>
      %dma_start3A_223 = arith.constant 0 : i32
      %dma_start3A_224 = arith.constant 0 : i32
      %dma_start3A_225 = tpu.memref_slice %arg8[%dma_start3A_223, %dma_start3A_224] : memref<125x64xf32, #tpu.memory_space<vmem>> -> memref<80x64xf32, #tpu.memory_space<vmem>>
      %dma_start3A_226 = arith.constant 0 : i32
      %dma_start3A_227 = tpu.memref_slice %arg5[%arg0, %add3A_206, %dma_start3A_226] : memref<2x10240x64xf32, #tpu.memory_space<hbm>> -> memref<1x80x64xf32, #tpu.memory_space<hbm>>
      %dma_start3A_228 = tpu.memref_squeeze %dma_start3A_227 : memref<1x80x64xf32, #tpu.memory_space<hbm>> -> memref<80x64xf32, #tpu.memory_space<hbm>>
      %dma_start3A_229 = arith.constant 0 : i32
      %dma_start3A_230 = tpu.memref_slice %arg5[%arg0, %add3A_206, %dma_start3A_229] : memref<2x10240x64xf32, #tpu.memory_space<hbm>> -> memref<1x80x64xf32, #tpu.memory_space<hbm>>
      %dma_start3A_231 = tpu.memref_squeeze %dma_start3A_230 : memref<1x80x64xf32, #tpu.memory_space<hbm>> -> memref<80x64xf32, #tpu.memory_space<hbm>>
      %dma_start3A_232 = arith.constant 0 : i32
      %dma_start3A_233 = arith.constant 0 : i32
      %dma_start3A_234 = tpu.memref_slice %arg8[%dma_start3A_232, %dma_start3A_233] : memref<125x64xf32, #tpu.memory_space<vmem>> -> memref<80x64xf32, #tpu.memory_space<vmem>>
      tpu.enqueue_dma source(%dma_start3A_234 : memref<80x64xf32, #tpu.memory_space<vmem>>) target(%dma_start3A_231 : memref<80x64xf32, #tpu.memory_space<hbm>>) target_semaphore(%run_scoped3A : memref<!tpu.dma_semaphore, #tpu.memory_space<semaphore_mem>>)
      %dma_wait3A_235 = arith.constant 0 : i32
      %dma_wait3A_236 = arith.constant 0 : i32
      %dma_wait3A_237 = tpu.memref_slice %arg8[%dma_wait3A_235, %dma_wait3A_236] : memref<125x64xf32, #tpu.memory_space<vmem>> -> memref<80x64xf32, #tpu.memory_space<vmem>>
      %dma_wait3A_238 = arith.constant 0 : i32
      %dma_wait3A_239 = tpu.memref_slice %arg5[%arg0, %add3A_206, %dma_wait3A_238] : memref<2x10240x64xf32, #tpu.memory_space<hbm>> -> memref<1x80x64xf32, #tpu.memory_space<hbm>>
      %dma_wait3A_240 = tpu.memref_squeeze %dma_wait3A_239 : memref<1x80x64xf32, #tpu.memory_space<hbm>> -> memref<80x64xf32, #tpu.memory_space<hbm>>
      %dma_wait3A_241 = arith.constant 0 : i32
      %dma_wait3A_242 = tpu.memref_slice %arg5[%arg0, %add3A_206, %dma_wait3A_241] : memref<2x10240x64xf32, #tpu.memory_space<hbm>> -> memref<1x80x64xf32, #tpu.memory_space<hbm>>
      %dma_wait3A_243 = tpu.memref_squeeze %dma_wait3A_242 : memref<1x80x64xf32, #tpu.memory_space<hbm>> -> memref<80x64xf32, #tpu.memory_space<hbm>>
      %dma_wait3A_244 = arith.constant 0 : i32
      %dma_wait3A_245 = arith.constant 0 : i32
      %dma_wait3A_246 = tpu.memref_slice %arg8[%dma_wait3A_244, %dma_wait3A_245] : memref<125x64xf32, #tpu.memory_space<vmem>> -> memref<80x64xf32, #tpu.memory_space<vmem>>
      tpu.wait_dma2 semaphore(%run_scoped3A : memref<!tpu.dma_semaphore, #tpu.memory_space<semaphore_mem>>) src(%dma_wait3A_246 : memref<80x64xf32, #tpu.memory_space<vmem>>) dst(%dma_wait3A_243 : memref<80x64xf32, #tpu.memory_space<hbm>>)
      tpu.yield
    }) : () -> ()
    %mul3A_207 = arith.constant 640 : i32
    %mul3A_208 = arith.muli %arg1, %mul3A_207 : i32
    %add3A_209 = arith.constant 320 : i32
    %add3A_210 = arith.addi %mul3A_208, %add3A_209 : i32
    "tpu.region"() ({
      %run_scoped3A = tpu.sem_alloc : memref<!tpu.dma_semaphore, #tpu.memory_space<semaphore_mem>>
      %dma_start3A_223 = arith.constant 0 : i32
      %dma_start3A_224 = arith.constant 0 : i32
      %dma_start3A_225 = tpu.memref_slice %arg8[%dma_start3A_223, %dma_start3A_224] : memref<125x64xf32, #tpu.memory_space<vmem>> -> memref<80x64xf32, #tpu.memory_space<vmem>>
      %dma_start3A_226 = arith.constant 0 : i32
      %dma_start3A_227 = tpu.memref_slice %arg12[%add3A_210, %dma_start3A_226] : memref<10240x64xf32, #tpu.memory_space<vmem_shared>> -> memref<80x64xf32, #tpu.memory_space<vmem_shared>>
      %dma_start3A_228 = arith.constant 0 : i32
      %dma_start3A_229 = arith.constant 0 : i32
      %dma_start3A_230 = tpu.memref_slice %arg8[%dma_start3A_228, %dma_start3A_229] : memref<125x64xf32, #tpu.memory_space<vmem>> -> memref<80x64xf32, #tpu.memory_space<vmem>>
      %dma_start3A_231 = arith.constant 0 : i32
      %dma_start3A_232 = tpu.memref_slice %arg12[%add3A_210, %dma_start3A_231] : memref<10240x64xf32, #tpu.memory_space<vmem_shared>> -> memref<80x64xf32, #tpu.memory_space<vmem_shared>>
      tpu.enqueue_dma source(%dma_start3A_232 : memref<80x64xf32, #tpu.memory_space<vmem_shared>>) target(%dma_start3A_230 : memref<80x64xf32, #tpu.memory_space<vmem>>) target_semaphore(%run_scoped3A : memref<!tpu.dma_semaphore, #tpu.memory_space<semaphore_mem>>)
      %dma_wait3A_233 = arith.constant 0 : i32
      %dma_wait3A_234 = arith.constant 0 : i32
      %dma_wait3A_235 = tpu.memref_slice %arg8[%dma_wait3A_233, %dma_wait3A_234] : memref<125x64xf32, #tpu.memory_space<vmem>> -> memref<80x64xf32, #tpu.memory_space<vmem>>
      %dma_wait3A_236 = arith.constant 0 : i32
      %dma_wait3A_237 = tpu.memref_slice %arg12[%add3A_210, %dma_wait3A_236] : memref<10240x64xf32, #tpu.memory_space<vmem_shared>> -> memref<80x64xf32, #tpu.memory_space<vmem_shared>>
      %dma_wait3A_238 = arith.constant 0 : i32
      %dma_wait3A_239 = arith.constant 0 : i32
      %dma_wait3A_240 = tpu.memref_slice %arg8[%dma_wait3A_238, %dma_wait3A_239] : memref<125x64xf32, #tpu.memory_space<vmem>> -> memref<80x64xf32, #tpu.memory_space<vmem>>
      %dma_wait3A_241 = arith.constant 0 : i32
      %dma_wait3A_242 = tpu.memref_slice %arg12[%add3A_210, %dma_wait3A_241] : memref<10240x64xf32, #tpu.memory_space<vmem_shared>> -> memref<80x64xf32, #tpu.memory_space<vmem_shared>>
      tpu.wait_dma2 semaphore(%run_scoped3A : memref<!tpu.dma_semaphore, #tpu.memory_space<semaphore_mem>>) src(%dma_wait3A_242 : memref<80x64xf32, #tpu.memory_space<vmem_shared>>) dst(%dma_wait3A_240 : memref<80x64xf32, #tpu.memory_space<vmem>>)
      tpu.yield
    }) : () -> ()
    "tpu.region"() ({
      %run_scoped3A = tpu.sem_alloc : memref<!tpu.dma_semaphore, #tpu.memory_space<semaphore_mem>>
      %dma_start3A_223 = arith.constant 0 : i32
      %dma_start3A_224 = arith.constant 0 : i32
      %dma_start3A_225 = tpu.memref_slice %arg8[%dma_start3A_223, %dma_start3A_224] : memref<125x64xf32, #tpu.memory_space<vmem>> -> memref<80x64xf32, #tpu.memory_space<vmem>>
      %dma_start3A_226 = arith.constant 0 : i32
      %dma_start3A_227 = tpu.memref_slice %arg5[%arg0, %add3A_210, %dma_start3A_226] : memref<2x10240x64xf32, #tpu.memory_space<hbm>> -> memref<1x80x64xf32, #tpu.memory_space<hbm>>
      %dma_start3A_228 = tpu.memref_squeeze %dma_start3A_227 : memref<1x80x64xf32, #tpu.memory_space<hbm>> -> memref<80x64xf32, #tpu.memory_space<hbm>>
      %dma_start3A_229 = arith.constant 0 : i32
      %dma_start3A_230 = tpu.memref_slice %arg5[%arg0, %add3A_210, %dma_start3A_229] : memref<2x10240x64xf32, #tpu.memory_space<hbm>> -> memref<1x80x64xf32, #tpu.memory_space<hbm>>
      %dma_start3A_231 = tpu.memref_squeeze %dma_start3A_230 : memref<1x80x64xf32, #tpu.memory_space<hbm>> -> memref<80x64xf32, #tpu.memory_space<hbm>>
      %dma_start3A_232 = arith.constant 0 : i32
      %dma_start3A_233 = arith.constant 0 : i32
      %dma_start3A_234 = tpu.memref_slice %arg8[%dma_start3A_232, %dma_start3A_233] : memref<125x64xf32, #tpu.memory_space<vmem>> -> memref<80x64xf32, #tpu.memory_space<vmem>>
      tpu.enqueue_dma source(%dma_start3A_234 : memref<80x64xf32, #tpu.memory_space<vmem>>) target(%dma_start3A_231 : memref<80x64xf32, #tpu.memory_space<hbm>>) target_semaphore(%run_scoped3A : memref<!tpu.dma_semaphore, #tpu.memory_space<semaphore_mem>>)
      %dma_wait3A_235 = arith.constant 0 : i32
      %dma_wait3A_236 = arith.constant 0 : i32
      %dma_wait3A_237 = tpu.memref_slice %arg8[%dma_wait3A_235, %dma_wait3A_236] : memref<125x64xf32, #tpu.memory_space<vmem>> -> memref<80x64xf32, #tpu.memory_space<vmem>>
      %dma_wait3A_238 = arith.constant 0 : i32
      %dma_wait3A_239 = tpu.memref_slice %arg5[%arg0, %add3A_210, %dma_wait3A_238] : memref<2x10240x64xf32, #tpu.memory_space<hbm>> -> memref<1x80x64xf32, #tpu.memory_space<hbm>>
      %dma_wait3A_240 = tpu.memref_squeeze %dma_wait3A_239 : memref<1x80x64xf32, #tpu.memory_space<hbm>> -> memref<80x64xf32, #tpu.memory_space<hbm>>
      %dma_wait3A_241 = arith.constant 0 : i32
      %dma_wait3A_242 = tpu.memref_slice %arg5[%arg0, %add3A_210, %dma_wait3A_241] : memref<2x10240x64xf32, #tpu.memory_space<hbm>> -> memref<1x80x64xf32, #tpu.memory_space<hbm>>
      %dma_wait3A_243 = tpu.memref_squeeze %dma_wait3A_242 : memref<1x80x64xf32, #tpu.memory_space<hbm>> -> memref<80x64xf32, #tpu.memory_space<hbm>>
      %dma_wait3A_244 = arith.constant 0 : i32
      %dma_wait3A_245 = arith.constant 0 : i32
      %dma_wait3A_246 = tpu.memref_slice %arg8[%dma_wait3A_244, %dma_wait3A_245] : memref<125x64xf32, #tpu.memory_space<vmem>> -> memref<80x64xf32, #tpu.memory_space<vmem>>
      tpu.wait_dma2 semaphore(%run_scoped3A : memref<!tpu.dma_semaphore, #tpu.memory_space<semaphore_mem>>) src(%dma_wait3A_246 : memref<80x64xf32, #tpu.memory_space<vmem>>) dst(%dma_wait3A_243 : memref<80x64xf32, #tpu.memory_space<hbm>>)
      tpu.yield
    }) : () -> ()
    %mul3A_211 = arith.constant 640 : i32
    %mul3A_212 = arith.muli %arg1, %mul3A_211 : i32
    %add3A_213 = arith.constant 400 : i32
    %add3A_214 = arith.addi %mul3A_212, %add3A_213 : i32
    "tpu.region"() ({
      %run_scoped3A = tpu.sem_alloc : memref<!tpu.dma_semaphore, #tpu.memory_space<semaphore_mem>>
      %dma_start3A_223 = arith.constant 0 : i32
      %dma_start3A_224 = arith.constant 0 : i32
      %dma_start3A_225 = tpu.memref_slice %arg8[%dma_start3A_223, %dma_start3A_224] : memref<125x64xf32, #tpu.memory_space<vmem>> -> memref<80x64xf32, #tpu.memory_space<vmem>>
      %dma_start3A_226 = arith.constant 0 : i32
      %dma_start3A_227 = tpu.memref_slice %arg12[%add3A_214, %dma_start3A_226] : memref<10240x64xf32, #tpu.memory_space<vmem_shared>> -> memref<80x64xf32, #tpu.memory_space<vmem_shared>>
      %dma_start3A_228 = arith.constant 0 : i32
      %dma_start3A_229 = arith.constant 0 : i32
      %dma_start3A_230 = tpu.memref_slice %arg8[%dma_start3A_228, %dma_start3A_229] : memref<125x64xf32, #tpu.memory_space<vmem>> -> memref<80x64xf32, #tpu.memory_space<vmem>>
      %dma_start3A_231 = arith.constant 0 : i32
      %dma_start3A_232 = tpu.memref_slice %arg12[%add3A_214, %dma_start3A_231] : memref<10240x64xf32, #tpu.memory_space<vmem_shared>> -> memref<80x64xf32, #tpu.memory_space<vmem_shared>>
      tpu.enqueue_dma source(%dma_start3A_232 : memref<80x64xf32, #tpu.memory_space<vmem_shared>>) target(%dma_start3A_230 : memref<80x64xf32, #tpu.memory_space<vmem>>) target_semaphore(%run_scoped3A : memref<!tpu.dma_semaphore, #tpu.memory_space<semaphore_mem>>)
      %dma_wait3A_233 = arith.constant 0 : i32
      %dma_wait3A_234 = arith.constant 0 : i32
      %dma_wait3A_235 = tpu.memref_slice %arg8[%dma_wait3A_233, %dma_wait3A_234] : memref<125x64xf32, #tpu.memory_space<vmem>> -> memref<80x64xf32, #tpu.memory_space<vmem>>
      %dma_wait3A_236 = arith.constant 0 : i32
      %dma_wait3A_237 = tpu.memref_slice %arg12[%add3A_214, %dma_wait3A_236] : memref<10240x64xf32, #tpu.memory_space<vmem_shared>> -> memref<80x64xf32, #tpu.memory_space<vmem_shared>>
      %dma_wait3A_238 = arith.constant 0 : i32
      %dma_wait3A_239 = arith.constant 0 : i32
      %dma_wait3A_240 = tpu.memref_slice %arg8[%dma_wait3A_238, %dma_wait3A_239] : memref<125x64xf32, #tpu.memory_space<vmem>> -> memref<80x64xf32, #tpu.memory_space<vmem>>
      %dma_wait3A_241 = arith.constant 0 : i32
      %dma_wait3A_242 = tpu.memref_slice %arg12[%add3A_214, %dma_wait3A_241] : memref<10240x64xf32, #tpu.memory_space<vmem_shared>> -> memref<80x64xf32, #tpu.memory_space<vmem_shared>>
      tpu.wait_dma2 semaphore(%run_scoped3A : memref<!tpu.dma_semaphore, #tpu.memory_space<semaphore_mem>>) src(%dma_wait3A_242 : memref<80x64xf32, #tpu.memory_space<vmem_shared>>) dst(%dma_wait3A_240 : memref<80x64xf32, #tpu.memory_space<vmem>>)
      tpu.yield
    }) : () -> ()
    "tpu.region"() ({
      %run_scoped3A = tpu.sem_alloc : memref<!tpu.dma_semaphore, #tpu.memory_space<semaphore_mem>>
      %dma_start3A_223 = arith.constant 0 : i32
      %dma_start3A_224 = arith.constant 0 : i32
      %dma_start3A_225 = tpu.memref_slice %arg8[%dma_start3A_223, %dma_start3A_224] : memref<125x64xf32, #tpu.memory_space<vmem>> -> memref<80x64xf32, #tpu.memory_space<vmem>>
      %dma_start3A_226 = arith.constant 0 : i32
      %dma_start3A_227 = tpu.memref_slice %arg5[%arg0, %add3A_214, %dma_start3A_226] : memref<2x10240x64xf32, #tpu.memory_space<hbm>> -> memref<1x80x64xf32, #tpu.memory_space<hbm>>
      %dma_start3A_228 = tpu.memref_squeeze %dma_start3A_227 : memref<1x80x64xf32, #tpu.memory_space<hbm>> -> memref<80x64xf32, #tpu.memory_space<hbm>>
      %dma_start3A_229 = arith.constant 0 : i32
      %dma_start3A_230 = tpu.memref_slice %arg5[%arg0, %add3A_214, %dma_start3A_229] : memref<2x10240x64xf32, #tpu.memory_space<hbm>> -> memref<1x80x64xf32, #tpu.memory_space<hbm>>
      %dma_start3A_231 = tpu.memref_squeeze %dma_start3A_230 : memref<1x80x64xf32, #tpu.memory_space<hbm>> -> memref<80x64xf32, #tpu.memory_space<hbm>>
      %dma_start3A_232 = arith.constant 0 : i32
      %dma_start3A_233 = arith.constant 0 : i32
      %dma_start3A_234 = tpu.memref_slice %arg8[%dma_start3A_232, %dma_start3A_233] : memref<125x64xf32, #tpu.memory_space<vmem>> -> memref<80x64xf32, #tpu.memory_space<vmem>>
      tpu.enqueue_dma source(%dma_start3A_234 : memref<80x64xf32, #tpu.memory_space<vmem>>) target(%dma_start3A_231 : memref<80x64xf32, #tpu.memory_space<hbm>>) target_semaphore(%run_scoped3A : memref<!tpu.dma_semaphore, #tpu.memory_space<semaphore_mem>>)
      %dma_wait3A_235 = arith.constant 0 : i32
      %dma_wait3A_236 = arith.constant 0 : i32
      %dma_wait3A_237 = tpu.memref_slice %arg8[%dma_wait3A_235, %dma_wait3A_236] : memref<125x64xf32, #tpu.memory_space<vmem>> -> memref<80x64xf32, #tpu.memory_space<vmem>>
      %dma_wait3A_238 = arith.constant 0 : i32
      %dma_wait3A_239 = tpu.memref_slice %arg5[%arg0, %add3A_214, %dma_wait3A_238] : memref<2x10240x64xf32, #tpu.memory_space<hbm>> -> memref<1x80x64xf32, #tpu.memory_space<hbm>>
      %dma_wait3A_240 = tpu.memref_squeeze %dma_wait3A_239 : memref<1x80x64xf32, #tpu.memory_space<hbm>> -> memref<80x64xf32, #tpu.memory_space<hbm>>
      %dma_wait3A_241 = arith.constant 0 : i32
      %dma_wait3A_242 = tpu.memref_slice %arg5[%arg0, %add3A_214, %dma_wait3A_241] : memref<2x10240x64xf32, #tpu.memory_space<hbm>> -> memref<1x80x64xf32, #tpu.memory_space<hbm>>
      %dma_wait3A_243 = tpu.memref_squeeze %dma_wait3A_242 : memref<1x80x64xf32, #tpu.memory_space<hbm>> -> memref<80x64xf32, #tpu.memory_space<hbm>>
      %dma_wait3A_244 = arith.constant 0 : i32
      %dma_wait3A_245 = arith.constant 0 : i32
      %dma_wait3A_246 = tpu.memref_slice %arg8[%dma_wait3A_244, %dma_wait3A_245] : memref<125x64xf32, #tpu.memory_space<vmem>> -> memref<80x64xf32, #tpu.memory_space<vmem>>
      tpu.wait_dma2 semaphore(%run_scoped3A : memref<!tpu.dma_semaphore, #tpu.memory_space<semaphore_mem>>) src(%dma_wait3A_246 : memref<80x64xf32, #tpu.memory_space<vmem>>) dst(%dma_wait3A_243 : memref<80x64xf32, #tpu.memory_space<hbm>>)
      tpu.yield
    }) : () -> ()
    %mul3A_215 = arith.constant 640 : i32
    %mul3A_216 = arith.muli %arg1, %mul3A_215 : i32
    %add3A_217 = arith.constant 480 : i32
    %add3A_218 = arith.addi %mul3A_216, %add3A_217 : i32
    "tpu.region"() ({
      %run_scoped3A = tpu.sem_alloc : memref<!tpu.dma_semaphore, #tpu.memory_space<semaphore_mem>>
      %dma_start3A_223 = arith.constant 0 : i32
      %dma_start3A_224 = arith.constant 0 : i32
      %dma_start3A_225 = tpu.memref_slice %arg8[%dma_start3A_223, %dma_start3A_224] : memref<125x64xf32, #tpu.memory_space<vmem>> -> memref<80x64xf32, #tpu.memory_space<vmem>>
      %dma_start3A_226 = arith.constant 0 : i32
      %dma_start3A_227 = tpu.memref_slice %arg12[%add3A_218, %dma_start3A_226] : memref<10240x64xf32, #tpu.memory_space<vmem_shared>> -> memref<80x64xf32, #tpu.memory_space<vmem_shared>>
      %dma_start3A_228 = arith.constant 0 : i32
      %dma_start3A_229 = arith.constant 0 : i32
      %dma_start3A_230 = tpu.memref_slice %arg8[%dma_start3A_228, %dma_start3A_229] : memref<125x64xf32, #tpu.memory_space<vmem>> -> memref<80x64xf32, #tpu.memory_space<vmem>>
      %dma_start3A_231 = arith.constant 0 : i32
      %dma_start3A_232 = tpu.memref_slice %arg12[%add3A_218, %dma_start3A_231] : memref<10240x64xf32, #tpu.memory_space<vmem_shared>> -> memref<80x64xf32, #tpu.memory_space<vmem_shared>>
      tpu.enqueue_dma source(%dma_start3A_232 : memref<80x64xf32, #tpu.memory_space<vmem_shared>>) target(%dma_start3A_230 : memref<80x64xf32, #tpu.memory_space<vmem>>) target_semaphore(%run_scoped3A : memref<!tpu.dma_semaphore, #tpu.memory_space<semaphore_mem>>)
      %dma_wait3A_233 = arith.constant 0 : i32
      %dma_wait3A_234 = arith.constant 0 : i32
      %dma_wait3A_235 = tpu.memref_slice %arg8[%dma_wait3A_233, %dma_wait3A_234] : memref<125x64xf32, #tpu.memory_space<vmem>> -> memref<80x64xf32, #tpu.memory_space<vmem>>
      %dma_wait3A_236 = arith.constant 0 : i32
      %dma_wait3A_237 = tpu.memref_slice %arg12[%add3A_218, %dma_wait3A_236] : memref<10240x64xf32, #tpu.memory_space<vmem_shared>> -> memref<80x64xf32, #tpu.memory_space<vmem_shared>>
      %dma_wait3A_238 = arith.constant 0 : i32
      %dma_wait3A_239 = arith.constant 0 : i32
      %dma_wait3A_240 = tpu.memref_slice %arg8[%dma_wait3A_238, %dma_wait3A_239] : memref<125x64xf32, #tpu.memory_space<vmem>> -> memref<80x64xf32, #tpu.memory_space<vmem>>
      %dma_wait3A_241 = arith.constant 0 : i32
      %dma_wait3A_242 = tpu.memref_slice %arg12[%add3A_218, %dma_wait3A_241] : memref<10240x64xf32, #tpu.memory_space<vmem_shared>> -> memref<80x64xf32, #tpu.memory_space<vmem_shared>>
      tpu.wait_dma2 semaphore(%run_scoped3A : memref<!tpu.dma_semaphore, #tpu.memory_space<semaphore_mem>>) src(%dma_wait3A_242 : memref<80x64xf32, #tpu.memory_space<vmem_shared>>) dst(%dma_wait3A_240 : memref<80x64xf32, #tpu.memory_space<vmem>>)
      tpu.yield
    }) : () -> ()
    "tpu.region"() ({
      %run_scoped3A = tpu.sem_alloc : memref<!tpu.dma_semaphore, #tpu.memory_space<semaphore_mem>>
      %dma_start3A_223 = arith.constant 0 : i32
      %dma_start3A_224 = arith.constant 0 : i32
      %dma_start3A_225 = tpu.memref_slice %arg8[%dma_start3A_223, %dma_start3A_224] : memref<125x64xf32, #tpu.memory_space<vmem>> -> memref<80x64xf32, #tpu.memory_space<vmem>>
      %dma_start3A_226 = arith.constant 0 : i32
      %dma_start3A_227 = tpu.memref_slice %arg5[%arg0, %add3A_218, %dma_start3A_226] : memref<2x10240x64xf32, #tpu.memory_space<hbm>> -> memref<1x80x64xf32, #tpu.memory_space<hbm>>
      %dma_start3A_228 = tpu.memref_squeeze %dma_start3A_227 : memref<1x80x64xf32, #tpu.memory_space<hbm>> -> memref<80x64xf32, #tpu.memory_space<hbm>>
      %dma_start3A_229 = arith.constant 0 : i32
      %dma_start3A_230 = tpu.memref_slice %arg5[%arg0, %add3A_218, %dma_start3A_229] : memref<2x10240x64xf32, #tpu.memory_space<hbm>> -> memref<1x80x64xf32, #tpu.memory_space<hbm>>
      %dma_start3A_231 = tpu.memref_squeeze %dma_start3A_230 : memref<1x80x64xf32, #tpu.memory_space<hbm>> -> memref<80x64xf32, #tpu.memory_space<hbm>>
      %dma_start3A_232 = arith.constant 0 : i32
      %dma_start3A_233 = arith.constant 0 : i32
      %dma_start3A_234 = tpu.memref_slice %arg8[%dma_start3A_232, %dma_start3A_233] : memref<125x64xf32, #tpu.memory_space<vmem>> -> memref<80x64xf32, #tpu.memory_space<vmem>>
      tpu.enqueue_dma source(%dma_start3A_234 : memref<80x64xf32, #tpu.memory_space<vmem>>) target(%dma_start3A_231 : memref<80x64xf32, #tpu.memory_space<hbm>>) target_semaphore(%run_scoped3A : memref<!tpu.dma_semaphore, #tpu.memory_space<semaphore_mem>>)
      %dma_wait3A_235 = arith.constant 0 : i32
      %dma_wait3A_236 = arith.constant 0 : i32
      %dma_wait3A_237 = tpu.memref_slice %arg8[%dma_wait3A_235, %dma_wait3A_236] : memref<125x64xf32, #tpu.memory_space<vmem>> -> memref<80x64xf32, #tpu.memory_space<vmem>>
      %dma_wait3A_238 = arith.constant 0 : i32
      %dma_wait3A_239 = tpu.memref_slice %arg5[%arg0, %add3A_218, %dma_wait3A_238] : memref<2x10240x64xf32, #tpu.memory_space<hbm>> -> memref<1x80x64xf32, #tpu.memory_space<hbm>>
      %dma_wait3A_240 = tpu.memref_squeeze %dma_wait3A_239 : memref<1x80x64xf32, #tpu.memory_space<hbm>> -> memref<80x64xf32, #tpu.memory_space<hbm>>
      %dma_wait3A_241 = arith.constant 0 : i32
      %dma_wait3A_242 = tpu.memref_slice %arg5[%arg0, %add3A_218, %dma_wait3A_241] : memref<2x10240x64xf32, #tpu.memory_space<hbm>> -> memref<1x80x64xf32, #tpu.memory_space<hbm>>
      %dma_wait3A_243 = tpu.memref_squeeze %dma_wait3A_242 : memref<1x80x64xf32, #tpu.memory_space<hbm>> -> memref<80x64xf32, #tpu.memory_space<hbm>>
      %dma_wait3A_244 = arith.constant 0 : i32
      %dma_wait3A_245 = arith.constant 0 : i32
      %dma_wait3A_246 = tpu.memref_slice %arg8[%dma_wait3A_244, %dma_wait3A_245] : memref<125x64xf32, #tpu.memory_space<vmem>> -> memref<80x64xf32, #tpu.memory_space<vmem>>
      tpu.wait_dma2 semaphore(%run_scoped3A : memref<!tpu.dma_semaphore, #tpu.memory_space<semaphore_mem>>) src(%dma_wait3A_246 : memref<80x64xf32, #tpu.memory_space<vmem>>) dst(%dma_wait3A_243 : memref<80x64xf32, #tpu.memory_space<hbm>>)
      tpu.yield
    }) : () -> ()
    %mul3A_219 = arith.constant 640 : i32
    %mul3A_220 = arith.muli %arg1, %mul3A_219 : i32
    %add3A_221 = arith.constant 560 : i32
    %add3A_222 = arith.addi %mul3A_220, %add3A_221 : i32
    "tpu.region"() ({
      %run_scoped3A = tpu.sem_alloc : memref<!tpu.dma_semaphore, #tpu.memory_space<semaphore_mem>>
      %dma_start3A_223 = arith.constant 0 : i32
      %dma_start3A_224 = arith.constant 0 : i32
      %dma_start3A_225 = tpu.memref_slice %arg8[%dma_start3A_223, %dma_start3A_224] : memref<125x64xf32, #tpu.memory_space<vmem>> -> memref<80x64xf32, #tpu.memory_space<vmem>>
      %dma_start3A_226 = arith.constant 0 : i32
      %dma_start3A_227 = tpu.memref_slice %arg12[%add3A_222, %dma_start3A_226] : memref<10240x64xf32, #tpu.memory_space<vmem_shared>> -> memref<80x64xf32, #tpu.memory_space<vmem_shared>>
      %dma_start3A_228 = arith.constant 0 : i32
      %dma_start3A_229 = arith.constant 0 : i32
      %dma_start3A_230 = tpu.memref_slice %arg8[%dma_start3A_228, %dma_start3A_229] : memref<125x64xf32, #tpu.memory_space<vmem>> -> memref<80x64xf32, #tpu.memory_space<vmem>>
      %dma_start3A_231 = arith.constant 0 : i32
      %dma_start3A_232 = tpu.memref_slice %arg12[%add3A_222, %dma_start3A_231] : memref<10240x64xf32, #tpu.memory_space<vmem_shared>> -> memref<80x64xf32, #tpu.memory_space<vmem_shared>>
      tpu.enqueue_dma source(%dma_start3A_232 : memref<80x64xf32, #tpu.memory_space<vmem_shared>>) target(%dma_start3A_230 : memref<80x64xf32, #tpu.memory_space<vmem>>) target_semaphore(%run_scoped3A : memref<!tpu.dma_semaphore, #tpu.memory_space<semaphore_mem>>)
      %dma_wait3A_233 = arith.constant 0 : i32
      %dma_wait3A_234 = arith.constant 0 : i32
      %dma_wait3A_235 = tpu.memref_slice %arg8[%dma_wait3A_233, %dma_wait3A_234] : memref<125x64xf32, #tpu.memory_space<vmem>> -> memref<80x64xf32, #tpu.memory_space<vmem>>
      %dma_wait3A_236 = arith.constant 0 : i32
      %dma_wait3A_237 = tpu.memref_slice %arg12[%add3A_222, %dma_wait3A_236] : memref<10240x64xf32, #tpu.memory_space<vmem_shared>> -> memref<80x64xf32, #tpu.memory_space<vmem_shared>>
      %dma_wait3A_238 = arith.constant 0 : i32
      %dma_wait3A_239 = arith.constant 0 : i32
      %dma_wait3A_240 = tpu.memref_slice %arg8[%dma_wait3A_238, %dma_wait3A_239] : memref<125x64xf32, #tpu.memory_space<vmem>> -> memref<80x64xf32, #tpu.memory_space<vmem>>
      %dma_wait3A_241 = arith.constant 0 : i32
      %dma_wait3A_242 = tpu.memref_slice %arg12[%add3A_222, %dma_wait3A_241] : memref<10240x64xf32, #tpu.memory_space<vmem_shared>> -> memref<80x64xf32, #tpu.memory_space<vmem_shared>>
      tpu.wait_dma2 semaphore(%run_scoped3A : memref<!tpu.dma_semaphore, #tpu.memory_space<semaphore_mem>>) src(%dma_wait3A_242 : memref<80x64xf32, #tpu.memory_space<vmem_shared>>) dst(%dma_wait3A_240 : memref<80x64xf32, #tpu.memory_space<vmem>>)
      tpu.yield
    }) : () -> ()
    "tpu.region"() ({
      %run_scoped3A = tpu.sem_alloc : memref<!tpu.dma_semaphore, #tpu.memory_space<semaphore_mem>>
      %dma_start3A_223 = arith.constant 0 : i32
      %dma_start3A_224 = arith.constant 0 : i32
      %dma_start3A_225 = tpu.memref_slice %arg8[%dma_start3A_223, %dma_start3A_224] : memref<125x64xf32, #tpu.memory_space<vmem>> -> memref<80x64xf32, #tpu.memory_space<vmem>>
      %dma_start3A_226 = arith.constant 0 : i32
      %dma_start3A_227 = tpu.memref_slice %arg5[%arg0, %add3A_222, %dma_start3A_226] : memref<2x10240x64xf32, #tpu.memory_space<hbm>> -> memref<1x80x64xf32, #tpu.memory_space<hbm>>
      %dma_start3A_228 = tpu.memref_squeeze %dma_start3A_227 : memref<1x80x64xf32, #tpu.memory_space<hbm>> -> memref<80x64xf32, #tpu.memory_space<hbm>>
      %dma_start3A_229 = arith.constant 0 : i32
      %dma_start3A_230 = tpu.memref_slice %arg5[%arg0, %add3A_222, %dma_start3A_229] : memref<2x10240x64xf32, #tpu.memory_space<hbm>> -> memref<1x80x64xf32, #tpu.memory_space<hbm>>
      %dma_start3A_231 = tpu.memref_squeeze %dma_start3A_230 : memref<1x80x64xf32, #tpu.memory_space<hbm>> -> memref<80x64xf32, #tpu.memory_space<hbm>>
      %dma_start3A_232 = arith.constant 0 : i32
      %dma_start3A_233 = arith.constant 0 : i32
      %dma_start3A_234 = tpu.memref_slice %arg8[%dma_start3A_232, %dma_start3A_233] : memref<125x64xf32, #tpu.memory_space<vmem>> -> memref<80x64xf32, #tpu.memory_space<vmem>>
      tpu.enqueue_dma source(%dma_start3A_234 : memref<80x64xf32, #tpu.memory_space<vmem>>) target(%dma_start3A_231 : memref<80x64xf32, #tpu.memory_space<hbm>>) target_semaphore(%run_scoped3A : memref<!tpu.dma_semaphore, #tpu.memory_space<semaphore_mem>>)
      %dma_wait3A_235 = arith.constant 0 : i32
      %dma_wait3A_236 = arith.constant 0 : i32
      %dma_wait3A_237 = tpu.memref_slice %arg8[%dma_wait3A_235, %dma_wait3A_236] : memref<125x64xf32, #tpu.memory_space<vmem>> -> memref<80x64xf32, #tpu.memory_space<vmem>>
      %dma_wait3A_238 = arith.constant 0 : i32
      %dma_wait3A_239 = tpu.memref_slice %arg5[%arg0, %add3A_222, %dma_wait3A_238] : memref<2x10240x64xf32, #tpu.memory_space<hbm>> -> memref<1x80x64xf32, #tpu.memory_space<hbm>>
      %dma_wait3A_240 = tpu.memref_squeeze %dma_wait3A_239 : memref<1x80x64xf32, #tpu.memory_space<hbm>> -> memref<80x64xf32, #tpu.memory_space<hbm>>
      %dma_wait3A_241 = arith.constant 0 : i32
      %dma_wait3A_242 = tpu.memref_slice %arg5[%arg0, %add3A_222, %dma_wait3A_241] : memref<2x10240x64xf32, #tpu.memory_space<hbm>> -> memref<1x80x64xf32, #tpu.memory_space<hbm>>
      %dma_wait3A_243 = tpu.memref_squeeze %dma_wait3A_242 : memref<1x80x64xf32, #tpu.memory_space<hbm>> -> memref<80x64xf32, #tpu.memory_space<hbm>>
      %dma_wait3A_244 = arith.constant 0 : i32
      %dma_wait3A_245 = arith.constant 0 : i32
      %dma_wait3A_246 = tpu.memref_slice %arg8[%dma_wait3A_244, %dma_wait3A_245] : memref<125x64xf32, #tpu.memory_space<vmem>> -> memref<80x64xf32, #tpu.memory_space<vmem>>
      tpu.wait_dma2 semaphore(%run_scoped3A : memref<!tpu.dma_semaphore, #tpu.memory_space<semaphore_mem>>) src(%dma_wait3A_246 : memref<80x64xf32, #tpu.memory_space<vmem>>) dst(%dma_wait3A_243 : memref<80x64xf32, #tpu.memory_space<hbm>>)
      tpu.yield
    }) : () -> ()
    return
  }
}

module attributes {stable_mosaic.version = 14 : i64} {
  func.func @_tc_pre_body(%arg0: memref<10000x128xf32, #tpu.memory_space<vmem>>, %arg1: memref<128x128xf32, #tpu.memory_space<vmem>>, %arg2: memref<10000x2xf32, #tpu.memory_space<vmem>>, %arg3: memref<2x10000x64xf32, #tpu.memory_space<vmem>>) attributes {dimension_semantics = [], scalar_prefetch = 0 : i64, scratch_operands = 0 : i64, tpu.core_type = #tpu.core_type<tc>} {
    %get3A = arith.constant 0 : index
    %get3A_0 = arith.constant 0 : index
    %get3A_1 = vector.load %arg0[%get3A, %get3A_0] : memref<10000x128xf32, #tpu.memory_space<vmem>>, vector<10000x128xf32>
    %get3A_2 = arith.constant 0 : index
    %get3A_3 = arith.constant 0 : index
    %get3A_4 = vector.load %arg1[%get3A_2, %get3A_3] : memref<128x128xf32, #tpu.memory_space<vmem>>, vector<128x128xf32>
    %dot_general3A = arith.constant dense<0.000000e+00> : vector<10000x128xf32>
    %dot_general3A_5 = tpu.matmul %get3A_1, %get3A_4, %dot_general3A {dimension_numbers = #tpu.dot_dimension_numbers<[1], [0], [0], [1], [0, 0, 1, 1], [], []>, transpose_lhs_hint = false} : vector<10000x128xf32>, vector<128x128xf32>, vector<10000x128xf32> -> vector<10000x128xf32>
    %get3A_6 = arith.constant 0 : index
    %get3A_7 = arith.constant 0 : index
    %get3A_8 = vector.load %arg2[%get3A_6, %get3A_7] : memref<10000x2xf32, #tpu.memory_space<vmem>>, vector<10000x1xf32>
    %get3A_9 = arith.constant 0 : index
    %get3A_10 = arith.constant 1 : index
    %get3A_11 = vector.load %arg2[%get3A_9, %get3A_10] : memref<10000x2xf32, #tpu.memory_space<vmem>>, vector<10000x1xf32>
    %add3A = arith.addf %get3A_8, %get3A_11 : vector<10000x1xf32>
    %add3A_12 = arith.constant 1.000000e+00 : f32
    %add3A_13 = vector.broadcast %add3A_12 : f32 to vector<10000x1xf32>
    %add3A_14 = arith.addf %add3A, %add3A_13 : vector<10000x1xf32>
    %rsqrt3A = math.rsqrt %add3A_14 : vector<10000x1xf32>
    %mul3A = vector.broadcast %rsqrt3A : vector<10000x1xf32> to vector<10000x128xf32>
    %mul3A_15 = arith.mulf %dot_general3A_5, %mul3A : vector<10000x128xf32>
    %slice3A = vector.extract_strided_slice %mul3A_15 {offsets = [0, 0], sizes = [10000, 64], strides = [1, 1]} : vector<10000x128xf32> to vector<10000x64xf32>
    %swap3A = arith.constant 0 : index
    %swap3A_16 = arith.constant 0 : index
    %swap3A_17 = arith.constant 0 : index
    %swap3A_18 = vector.load %arg3[%swap3A, %swap3A_16, %swap3A_17] : memref<2x10000x64xf32, #tpu.memory_space<vmem>>, vector<1x10000x64xf32>
    %swap3A_19 = vector.shape_cast %swap3A_18 : vector<1x10000x64xf32> to vector<10000x64xf32>
    %swap3A_20 = vector.shape_cast %slice3A : vector<10000x64xf32> to vector<1x10000x64xf32>
    tpu.vector_store %arg3[%swap3A, %swap3A_16, %swap3A_17], %swap3A_20 {strides = array<i32>} : memref<2x10000x64xf32, #tpu.memory_space<vmem>>, vector<1x10000x64xf32>,
    %slice3A_21 = vector.extract_strided_slice %mul3A_15 {offsets = [0, 64], sizes = [10000, 64], strides = [1, 1]} : vector<10000x128xf32> to vector<10000x64xf32>
    %swap3A_22 = arith.constant 1 : index
    %swap3A_23 = arith.constant 0 : index
    %swap3A_24 = arith.constant 0 : index
    %swap3A_25 = vector.load %arg3[%swap3A_22, %swap3A_23, %swap3A_24] : memref<2x10000x64xf32, #tpu.memory_space<vmem>>, vector<1x10000x64xf32>
    %swap3A_26 = vector.shape_cast %swap3A_25 : vector<1x10000x64xf32> to vector<10000x64xf32>
    %swap3A_27 = vector.shape_cast %slice3A_21 : vector<10000x64xf32> to vector<1x10000x64xf32>
    tpu.vector_store %arg3[%swap3A_22, %swap3A_23, %swap3A_24], %swap3A_27 {strides = array<i32>} : memref<2x10000x64xf32, #tpu.memory_space<vmem>>, vector<1x10000x64xf32>,
    return
  }
}

module attributes {stable_mosaic.version = 14 : i64} {
  func.func @_tc_mid_body(%arg0: memref<2x10240x64xf32, #tpu.memory_space<vmem>>, %arg1: memref<2x10000x64xf32, #tpu.memory_space<vmem>>, %arg2: memref<10000x2xf32, #tpu.memory_space<vmem>>, %arg3: memref<128x128xf32, #tpu.memory_space<vmem>>, %arg4: memref<1x128xf32, #tpu.memory_space<vmem>>, %arg5: memref<2x10000x64xf32, #tpu.memory_space<vmem>>) attributes {dimension_semantics = [], scalar_prefetch = 0 : i64, scratch_operands = 0 : i64, tpu.core_type = #tpu.core_type<tc>} {
    %get3A = arith.constant 0 : index
    %get3A_0 = arith.constant 0 : index
    %get3A_1 = vector.load %arg2[%get3A, %get3A_0] : memref<10000x2xf32, #tpu.memory_space<vmem>>, vector<10000x1xf32>
    %get3A_2 = arith.constant 0 : index
    %get3A_3 = arith.constant 1 : index
    %get3A_4 = vector.load %arg2[%get3A_2, %get3A_3] : memref<10000x2xf32, #tpu.memory_space<vmem>>, vector<10000x1xf32>
    %add3A = arith.addf %get3A_1, %get3A_4 : vector<10000x1xf32>
    %add3A_5 = arith.constant 1.000000e+00 : f32
    %add3A_6 = vector.broadcast %add3A_5 : f32 to vector<10000x1xf32>
    %add3A_7 = arith.addf %add3A, %add3A_6 : vector<10000x1xf32>
    %rsqrt3A = math.rsqrt %add3A_7 : vector<10000x1xf32>
    %get3A_8 = arith.constant 0 : index
    %get3A_9 = arith.constant 0 : index
    %get3A_10 = arith.constant 0 : index
    %get3A_11 = vector.load %arg0[%get3A_8, %get3A_9, %get3A_10] : memref<2x10240x64xf32, #tpu.memory_space<vmem>>, vector<1x10000x64xf32>
    %get3A_12 = vector.shape_cast %get3A_11 : vector<1x10000x64xf32> to vector<10000x64xf32>
    %get3A_13 = arith.constant 0 : index
    %get3A_14 = arith.constant 0 : index
    %get3A_15 = arith.constant 0 : index
    %get3A_16 = vector.load %arg1[%get3A_13, %get3A_14, %get3A_15] : memref<2x10000x64xf32, #tpu.memory_space<vmem>>, vector<1x10000x64xf32>
    %get3A_17 = vector.shape_cast %get3A_16 : vector<1x10000x64xf32> to vector<10000x64xf32>
    %add3A_18 = arith.addf %get3A_12, %get3A_17 : vector<10000x64xf32>
    %get3A_19 = arith.constant 1 : index
    %get3A_20 = arith.constant 0 : index
    %get3A_21 = arith.constant 0 : index
    %get3A_22 = vector.load %arg0[%get3A_19, %get3A_20, %get3A_21] : memref<2x10240x64xf32, #tpu.memory_space<vmem>>, vector<1x10000x64xf32>
    %get3A_23 = vector.shape_cast %get3A_22 : vector<1x10000x64xf32> to vector<10000x64xf32>
    %get3A_24 = arith.constant 1 : index
    %get3A_25 = arith.constant 0 : index
    %get3A_26 = arith.constant 0 : index
    %get3A_27 = vector.load %arg1[%get3A_24, %get3A_25, %get3A_26] : memref<2x10000x64xf32, #tpu.memory_space<vmem>>, vector<1x10000x64xf32>
    %get3A_28 = vector.shape_cast %get3A_27 : vector<1x10000x64xf32> to vector<10000x64xf32>
    %add3A_29 = arith.addf %get3A_23, %get3A_28 : vector<10000x64xf32>
    %concatenate3A = tpu.concatenate %add3A_18, %add3A_29 in 1 : vector<10000x64xf32>, vector<10000x64xf32> -> vector<10000x128xf32>
    %mul3A = vector.broadcast %rsqrt3A : vector<10000x1xf32> to vector<10000x128xf32>
    %mul3A_30 = arith.mulf %concatenate3A, %mul3A : vector<10000x128xf32>
    %get3A_31 = arith.constant 0 : index
    %get3A_32 = arith.constant 0 : index
    %get3A_33 = vector.load %arg4[%get3A_31, %get3A_32] : memref<1x128xf32, #tpu.memory_space<vmem>>, vector<1x128xf32>
    %add3A_34 = vector.broadcast %get3A_33 : vector<1x128xf32> to vector<10000x128xf32>
    %add3A_35 = arith.addf %mul3A_30, %add3A_34 : vector<10000x128xf32>
    %ge3A = arith.constant 0.000000e+00 : f32
    %ge3A_36 = vector.broadcast %ge3A : f32 to vector<10000x128xf32>
    %ge3A_37 = arith.cmpf oge, %add3A_35, %ge3A_36 : vector<10000x128xf32>
    %mul3A_38 = arith.constant 2.000000e-01 : f32
    %mul3A_39 = vector.broadcast %mul3A_38 : f32 to vector<10000x128xf32>
    %mul3A_40 = arith.mulf %mul3A_39, %add3A_35 : vector<10000x128xf32>
    %select_n3A = arith.select %ge3A_37, %add3A_35, %mul3A_40 : vector<10000x128xi1>, vector<10000x128xf32>
    %get3A_41 = arith.constant 0 : index
    %get3A_42 = arith.constant 0 : index
    %get3A_43 = vector.load %arg3[%get3A_41, %get3A_42] : memref<128x128xf32, #tpu.memory_space<vmem>>, vector<128x128xf32>
    %dot_general3A = arith.constant dense<0.000000e+00> : vector<10000x128xf32>
    %dot_general3A_44 = tpu.matmul %select_n3A, %get3A_43, %dot_general3A {dimension_numbers = #tpu.dot_dimension_numbers<[1], [0], [0], [1], [0, 0, 1, 1], [], []>, transpose_lhs_hint = false} : vector<10000x128xf32>, vector<128x128xf32>, vector<10000x128xf32> -> vector<10000x128xf32>
    %mul3A_45 = vector.broadcast %rsqrt3A : vector<10000x1xf32> to vector<10000x128xf32>
    %mul3A_46 = arith.mulf %dot_general3A_44, %mul3A_45 : vector<10000x128xf32>
    %slice3A = vector.extract_strided_slice %mul3A_46 {offsets = [0, 0], sizes = [10000, 64], strides = [1, 1]} : vector<10000x128xf32> to vector<10000x64xf32>
    %swap3A = arith.constant 0 : index
    %swap3A_47 = arith.constant 0 : index
    %swap3A_48 = arith.constant 0 : index
    %swap3A_49 = vector.load %arg5[%swap3A, %swap3A_47, %swap3A_48] : memref<2x10000x64xf32, #tpu.memory_space<vmem>>, vector<1x10000x64xf32>
    %swap3A_50 = vector.shape_cast %swap3A_49 : vector<1x10000x64xf32> to vector<10000x64xf32>
    %swap3A_51 = vector.shape_cast %slice3A : vector<10000x64xf32> to vector<1x10000x64xf32>
    tpu.vector_store %arg5[%swap3A, %swap3A_47, %swap3A_48], %swap3A_51 {strides = array<i32>} : memref<2x10000x64xf32, #tpu.memory_space<vmem>>, vector<1x10000x64xf32>,
    %slice3A_52 = vector.extract_strided_slice %mul3A_46 {offsets = [0, 64], sizes = [10000, 64], strides = [1, 1]} : vector<10000x128xf32> to vector<10000x64xf32>
    %swap3A_53 = arith.constant 1 : index
    %swap3A_54 = arith.constant 0 : index
    %swap3A_55 = arith.constant 0 : index
    %swap3A_56 = vector.load %arg5[%swap3A_53, %swap3A_54, %swap3A_55] : memref<2x10000x64xf32, #tpu.memory_space<vmem>>, vector<1x10000x64xf32>
    %swap3A_57 = vector.shape_cast %swap3A_56 : vector<1x10000x64xf32> to vector<10000x64xf32>
    %swap3A_58 = vector.shape_cast %slice3A_52 : vector<10000x64xf32> to vector<1x10000x64xf32>
    tpu.vector_store %arg5[%swap3A_53, %swap3A_54, %swap3A_55], %swap3A_58 {strides = array<i32>} : memref<2x10000x64xf32, #tpu.memory_space<vmem>>, vector<1x10000x64xf32>,
    return
  }
}

module attributes {stable_mosaic.version = 14 : i64} {
  func.func @_tc_post_body(%arg0: memref<2x10240x64xf32, #tpu.memory_space<vmem>>, %arg1: memref<2x10000x64xf32, #tpu.memory_space<vmem>>, %arg2: memref<10000x2xf32, #tpu.memory_space<vmem>>, %arg3: memref<1x128xf32, #tpu.memory_space<vmem>>, %arg4: memref<10000x128xf32, #tpu.memory_space<vmem>>) attributes {dimension_semantics = [], scalar_prefetch = 0 : i64, scratch_operands = 0 : i64, tpu.core_type = #tpu.core_type<tc>} {
    %get3A = arith.constant 0 : index
    %get3A_0 = arith.constant 0 : index
    %get3A_1 = arith.constant 0 : index
    %get3A_2 = vector.load %arg0[%get3A, %get3A_0, %get3A_1] : memref<2x10240x64xf32, #tpu.memory_space<vmem>>, vector<1x10000x64xf32>
    %get3A_3 = vector.shape_cast %get3A_2 : vector<1x10000x64xf32> to vector<10000x64xf32>
    %get3A_4 = arith.constant 0 : index
    %get3A_5 = arith.constant 0 : index
    %get3A_6 = arith.constant 0 : index
    %get3A_7 = vector.load %arg1[%get3A_4, %get3A_5, %get3A_6] : memref<2x10000x64xf32, #tpu.memory_space<vmem>>, vector<1x10000x64xf32>
    %get3A_8 = vector.shape_cast %get3A_7 : vector<1x10000x64xf32> to vector<10000x64xf32>
    %add3A = arith.addf %get3A_3, %get3A_8 : vector<10000x64xf32>
    %get3A_9 = arith.constant 1 : index
    %get3A_10 = arith.constant 0 : index
    %get3A_11 = arith.constant 0 : index
    %get3A_12 = vector.load %arg0[%get3A_9, %get3A_10, %get3A_11] : memref<2x10240x64xf32, #tpu.memory_space<vmem>>, vector<1x10000x64xf32>
    %get3A_13 = vector.shape_cast %get3A_12 : vector<1x10000x64xf32> to vector<10000x64xf32>
    %get3A_14 = arith.constant 1 : index
    %get3A_15 = arith.constant 0 : index
    %get3A_16 = arith.constant 0 : index
    %get3A_17 = vector.load %arg1[%get3A_14, %get3A_15, %get3A_16] : memref<2x10000x64xf32, #tpu.memory_space<vmem>>, vector<1x10000x64xf32>
    %get3A_18 = vector.shape_cast %get3A_17 : vector<1x10000x64xf32> to vector<10000x64xf32>
    %add3A_19 = arith.addf %get3A_13, %get3A_18 : vector<10000x64xf32>
    %concatenate3A = tpu.concatenate %add3A, %add3A_19 in 1 : vector<10000x64xf32>, vector<10000x64xf32> -> vector<10000x128xf32>
    %get3A_20 = arith.constant 0 : index
    %get3A_21 = arith.constant 0 : index
    %get3A_22 = vector.load %arg2[%get3A_20, %get3A_21] : memref<10000x2xf32, #tpu.memory_space<vmem>>, vector<10000x1xf32>
    %get3A_23 = arith.constant 0 : index
    %get3A_24 = arith.constant 1 : index
    %get3A_25 = vector.load %arg2[%get3A_23, %get3A_24] : memref<10000x2xf32, #tpu.memory_space<vmem>>, vector<10000x1xf32>
    %add3A_26 = arith.addf %get3A_22, %get3A_25 : vector<10000x1xf32>
    %add3A_27 = arith.constant 1.000000e+00 : f32
    %add3A_28 = vector.broadcast %add3A_27 : f32 to vector<10000x1xf32>
    %add3A_29 = arith.addf %add3A_26, %add3A_28 : vector<10000x1xf32>
    %rsqrt3A = math.rsqrt %add3A_29 : vector<10000x1xf32>
    %mul3A = vector.broadcast %rsqrt3A : vector<10000x1xf32> to vector<10000x128xf32>
    %mul3A_30 = arith.mulf %concatenate3A, %mul3A : vector<10000x128xf32>
    %get3A_31 = arith.constant 0 : index
    %get3A_32 = arith.constant 0 : index
    %get3A_33 = vector.load %arg3[%get3A_31, %get3A_32] : memref<1x128xf32, #tpu.memory_space<vmem>>, vector<1x128xf32>
    %add3A_34 = vector.broadcast %get3A_33 : vector<1x128xf32> to vector<10000x128xf32>
    %add3A_35 = arith.addf %mul3A_30, %add3A_34 : vector<10000x128xf32>
    %ge3A = arith.constant 0.000000e+00 : f32
    %ge3A_36 = vector.broadcast %ge3A : f32 to vector<10000x128xf32>
    %ge3A_37 = arith.cmpf oge, %add3A_35, %ge3A_36 : vector<10000x128xf32>
    %mul3A_38 = arith.constant 2.000000e-01 : f32
    %mul3A_39 = vector.broadcast %mul3A_38 : f32 to vector<10000x128xf32>
    %mul3A_40 = arith.mulf %mul3A_39, %add3A_35 : vector<10000x128xf32>
    %select_n3A = arith.select %ge3A_37, %add3A_35, %mul3A_40 : vector<10000x128xi1>, vector<10000x128xf32>
    %swap3A = arith.constant 0 : index
    %swap3A_41 = arith.constant 0 : index
    %swap3A_42 = vector.load %arg4[%swap3A, %swap3A_41] : memref<10000x128xf32, #tpu.memory_space<vmem>>, vector<10000x128xf32>
    tpu.vector_store %arg4[%swap3A, %swap3A_41], %select_n3A {strides = array<i32>} : memref<10000x128xf32, #tpu.memory_space<vmem>>, vector<10000x128xf32>,
    return
  }
}

</mosaic_0001>

<sc_bundles>
// kernel: kernel.11.cloned.1.call-start
scs
__scs_entry_jumppad:
0x0: {  	(pc) =	sbr.rel $0x88, $3  }
0x1: {  	(tag) =	ssettag $0x0;
	lr =	simm.s32 $0x1  }
0x2: {  	[smem:$0x3F9B] =	sst lr;
	_ =	strace $0xD0000000  }
0x3: {  	_ = 	snop  }
0x4: {  	_ = 	snop  }
0x5: {  	_ = 	snop  }
0x6: {  	_ = 	snop  }
0x7: {  	_ = 	snop  }
__scs_overlays_trampoline_lowered:
0x8: {  	[smem:$0x3FAA] =	sst s0  }
0x9: {  	[smem:$0x3FAB] =	sst s1  }
0xa: {  	[smem:$0x3FAC] =	sst s2  }
0xb: {  	[smem:$0x3FAD] =	sst s3  }
0xc: {  	[smem:$0x3FAE] =	sst s4  }
0xd: {  	[smem:$0x3FAF] =	sst s5  }
0xe: {  	[smem:$0x3FB0] =	sst s6  }
0xf: {  	[smem:$0x3FB1] =	sst s7  }
0x10: {  	[smem:$0x3FB2] =	sst s8  }
0x11: {  	[smem:$0x3FB3] =	sst s9;
	s0 =	simm.s32 @!p0 $0x0  }
0x12: {  	s1 =	sld [smem:$0x3F99];
	s0 =	simm.s32 @p0 $0x1  }
0x13: {  	[smem:$0x3FB4] =	sst s0;
	s0 =	simm.s32 @!p1 $0x0  }
0x14: {  	s2 =	sld [smem:$0x3F98];
	s0 =	simm.s32 @p1 $0x1  }
0x15: {  	[smem:$0x3FB5] =	sst s0;
	s0 =	simm.s32 @!p2 $0x0  }
0x16: {  	s3 =	sld [smem:$0x3FDB];
	s0 =	simm.s32 @p2 $0x1  }
0x17: {  	s4 =	simm.s32 $0x1BF5;
	[smem:$0x3FB7] =	sst s0  }
0x18: {  	s0 =	sld [smem:$0x3F9A];
	_ =	swait.ge [sflag:s4], $0x0  }
0x19: {  	s7 =	sld [smem:$0x3F9B]  }
0x1a: {  	s8 =	sadd.s32 $0xFFFFE003, lr  }
0x1b: {  	s9 =	sadd.s32 $0xFFFFFEF7, lr;
	s5 =	simm.s32 $0xFFFFFFFF;
	p2 =	slt.u32 s8, $0xFFFFF086  }
0x1c: {  	p1 =	slt.u32 s9, $0xF7A;
	s5 =	simm.s32 @!p2 $0x0  }
0x1d: {  	s5 =	simm.s32 @p1 $0x1;
	p0 =	seq.s32 s7, s2  }
0x1e: {  	s7 =	smul.u32 @!p0 $0xF7A, s2;
	p2 =	seq.s32 @!p0 s5, $0x0  }
0x1f: {  	s9 =	smul.u32 $0xF7A, s1;
	s8 =	simm.s32 @!p0 $0x1BF5;
	p2 =	por !p2, p0  }
0x20: {  	[sflag:s8] =	ssyncset.s32 @!p0 $0xFFFFF086;
	s6 =	sadd.s32 @!p0 s3, s7;
	s7 =	simm.s32 @!p0 $0x108  }
0x21: {  	s3 =	sadd.s32 s3, s9;
	s6 =	sadd.s32 @!p0 $0x88, s6;
	s7 =	simm.s32 @p2 $0x1082  }
0x22: {  	[simem:s7], [sflag:s8] =	dma.local @!p0 [hbm:s6], $0xF7A  }
0x23: {  	s9 =	sor.u32 $0xD0000000, s2;
	s6 =	simm.s32 $0x108;
	_ =	swait.ge @!p0 [sflag:s8], $0x0  }
0x24: {  	s3 =	sadd.s32 $0x88, s3;
	s6 =	simm.s32 @!p1 $0x1082;
	[sflag:s4] =	ssyncset.s32 $0xFFFFF086  }
0x25: {  	[simem:s6], [sflag:s4] =	dma.local [hbm:s3], $0xF7A  }
0x26: {  	[smem:$0x3F9B] =	sst s1;
	(tag) =	ssettag s2;
	_ =	strace s9  }
0x27: {  	s1 =	sld [smem:$0x3FAB]  }
0x28: {  	s2 =	sld [smem:$0x3FAC]  }
0x29: {  	s4 =	sld [smem:$0x3FAE]  }
0x2a: {  	p0 =	seq.s32 s5, $0x0;
	s5 =	sld [smem:$0x3FAF]  }
0x2b: {  	s6 =	sld [smem:$0x3FB0]  }
0x2c: {  	s7 =	sld [smem:$0x3FB1]  }
0x2d: {  	s3 =	simm.s32 $0x108;
	s8 =	sld [smem:$0x3FB2]  }
0x2e: {  	s3 =	simm.s32 @!p0 $0x1082;
	s9 =	sld [smem:$0x3FB3]  }
0x2f: {  	lr =	sadd.s32 s0, s3;
	s0 =	sld [smem:$0x3FAA]  }
0x30: {  	s3 =	sld [smem:$0x3FAD]  }
0x31: {  	[smem:$0x3FB6] =	sst s10  }
0x32: {  	s10 =	sld [smem:$0x3FB4];
	_ =	sdelay $0x3  }
0x33: {  	p0 =	seq.s32 s10, $0x1;
	s10 =	sld [smem:$0x3FB6];
	_ =	sdelay $0x3  }
0x34: {  	[smem:$0x3FB6] =	sst s10  }
0x35: {  	s10 =	sld [smem:$0x3FB5];
	_ =	sdelay $0x3  }
0x36: {  	p1 =	seq.s32 s10, $0x1;
	s10 =	sld [smem:$0x3FB6];
	_ =	sdelay $0x3  }
0x37: {  	[smem:$0x3FB6] =	sst s10  }
0x38: {  	s10 =	sld [smem:$0x3FB7]  }
0x39: {  	_ = 	snop;
	(pc) =	sbr.ind lr, $3  }
0x3a: {  	_ = 	snop  }
0x3b: {  	_ = 	snop  }
0x3c: {  	p2 =	seq.s32 s10, $0x1;
	s10 =	sld [smem:$0x3FB6]  }
0x3d: {  	_ =	shalt  }
0x3e: {  	_ =	shalt  }
0x3f: {  	_ =	shalt  }
0x40: {  	_ =	shalt  }
0x41: {  	_ =	shalt  }
0x42: {  	_ =	shalt  }
0x43: {  	_ =	shalt  }
0x44: {  	_ =	shalt  }
0x45: {  	_ =	shalt  }
0x46: {  	_ =	shalt  }
0x47: {  	_ =	shalt  }
0x48: {  	_ =	shalt  }
0x49: {  	_ =	shalt  }
0x4a: {  	_ =	shalt  }
0x4b: {  	_ =	shalt  }
0x4c: {  	_ =	shalt  }
0x4d: {  	_ =	shalt  }
0x4e: {  	_ =	shalt  }
0x4f: {  	_ =	shalt  }
0x50: {  	_ =	shalt  }
0x51: {  	_ =	shalt  }
0x52: {  	_ =	shalt  }
0x53: {  	_ =	shalt  }
0x54: {  	_ =	shalt  }
0x55: {  	_ =	shalt  }
0x56: {  	_ =	shalt  }
0x57: {  	_ =	shalt  }
0x58: {  	_ =	shalt  }
0x59: {  	_ =	shalt  }
0x5a: {  	_ =	shalt  }
0x5b: {  	_ =	shalt  }
0x5c: {  	_ =	shalt  }
0x5d: {  	_ =	shalt  }
0x5e: {  	_ =	shalt  }
0x5f: {  	_ =	shalt  }
0x60: {  	_ =	shalt  }
0x61: {  	_ =	shalt  }
0x62: {  	_ =	shalt  }
0x63: {  	_ =	shalt  }
0x64: {  	_ =	shalt  }
0x65: {  	_ =	shalt  }
0x66: {  	_ =	shalt  }
0x67: {  	_ =	shalt  }
0x68: {  	_ =	shalt  }
0x69: {  	_ =	shalt  }
0x6a: {  	_ =	shalt  }
0x6b: {  	_ =	shalt  }
0x6c: {  	_ =	shalt  }
0x6d: {  	_ =	shalt  }
0x6e: {  	_ =	shalt  }
0x6f: {  	_ =	shalt  }
0x70: {  	_ =	shalt  }
0x71: {  	_ =	shalt  }
0x72: {  	_ =	shalt  }
0x73: {  	_ =	shalt  }
0x74: {  	_ =	shalt  }
0x75: {  	_ =	shalt  }
0x76: {  	_ =	shalt  }
0x77: {  	_ =	shalt  }
0x78: {  	_ =	shalt  }
0x79: {  	_ =	shalt  }
0x7a: {  	_ =	shalt  }
0x7b: {  	_ =	shalt  }
0x7c: {  	_ =	shalt  }
0x7d: {  	_ =	shalt  }
0x7e: {  	_ =	shalt  }
0x7f: {  	_ =	shalt  }
0x80: {  	_ =	shalt  }
0x81: {  	_ =	shalt  }
0x82: {  	_ =	shalt  }
0x83: {  	_ =	shalt  }
0x84: {  	_ =	shalt  }
0x85: {  	_ =	shalt  }
0x86: {  	_ =	shalt  }
0x87: {  	_ =	shalt  }
.Lfunc_end0:
.L_simem_size_0:
called_computation.1_lowered:
.L_overlay_start_0:
0x88: {  	s2 =	sld [smem:$0x3FD9]  }
0x89: {  	s3 =	sld [smem:$0x3FFE];
	_ =	sdelay $0x1  }
0x8a: {  	s1 =	srdreg.scid  }
0x8b: {  	s0 =	sand.u32 $0x1, s1  }
0x8c: {  	s17 =	sshll.u32 s0, $0xA;
	s2 =	sadd.s32 s3, s2  }
0x8d: {  	s2 =	sadd.s32 s2, s17  }
0x8e: {  	[smem:$0x3FC2] =	sst s2  }
0x8f: {  	_ = 	snop  }
0x90: {  	s2 =	sld [smem:$0x3FD0];
	(tm) =	ssettm $0x1  }
0x91: {  	s18 =	sld [smem:$0x3FFB];
	_ =	sdelay $0x3  }
0x92: {  	_ =	strace s18  }
0x93: {  	s3 =	sld [smem:$0x3FFC];
	_ =	sdelay $0x3  }
0x94: {  	_ =	strace s3  }
0x95: {  	s3 =	sld [smem:$0x3FFD];
	_ =	sdelay $0x3  }
0x96: {  	_ =	strace s3  }
0x97: {  	_ =	strace $0x8FFFFFFF  }
0x98: {  	s19 =	sld [smem:$0x3FDB];
	_ =	sdelay $0x1  }
0x99: {  	s4 =	simm.s32 $_scs_section_size  }
0x9a: {  	s5 =	simm.s32 $_size__tile_overlayer_lowered;
	s6 =	simm.s32 $_tile_overlayer_lowered  }
0x9b: {  	s22 =	simm.s32 $0x1BFF;
	s21 =	sshll.u32 s6, $0x1;
	s3 =	sadd.s32 s4, s19  }
0x9c: {  	s7 =	simm.s32 $0x0;
	s20 =	sshll.u32 s5, $0x1;
	s5 =	sadd.s32 s21, s3  }
0x9d: {  	[timem:s7], [sflag:s22] =	dma.local [hbm:s5], s20  }
0x9e: {  	_ =	swait.ge [sflag:s22], s20  }
0x9f: {  	s4 =	ssub.s32 $0x0, s20;
	[sflag:s22] =	ssyncset.done $0x0  }
0xa0: {  	[sflag:s22] =	ssyncadd.s32 s4;
	_ =	sdelay $0x1  }
0xa1: {  	s23 =	simm.s32 $0x1B8B  }
0xa2: {  	_ =	swait.ge [sflag:s23], $0x1  }
0xa3: {  	[sflag:s23] =	ssyncset.done $0x0  }
0xa4: {  	s25 =	simm.s32 $0x1B8E;
	s24 =	sld [smem:$0x3FFE];
	[sflag:s23] =	ssyncadd.s32 $0xFFFFFFFF  }
0xa5: {  	s26 =	simm.s32 $execute0_lowered;
	[smem:$0x3FD2] =	sst s25  }
0xa6: {  	s5 =	sshll.u32 s26, $0x1;
	_ =	strace $0x80000049;
	[dreg:$0x1] =	wrdreg $0xFFFFFFFF  }
0xa7: {  	s28 =	simm.s32 $_size_execute0_lowered;
	s3 =	sadd.s32 s3, s5;
	[dreg:$0x0] =	wrdreg $0x0  }
0xa8: {  	s5 =	sshll.u32 s28, $0x1;
	[dreg:$0x2] =	wrdreg s3  }
0xa9: {  	[dreg:$0x3] =	wrdreg s5  }
0xaa: {  	[dreg:$0x4] =	wrdreg $0xC0  }
0xab: {  	_ =	task [dreg:s7], $0x5FFFF  }
0xac: {  	[dreg:$0x1] =	wrdreg $0xFFFFFFFF  }
0xad: {  	[dreg:$0x0] =	wrdreg $0x60  }
0xae: {  	[dreg:$0x2] =	wrdreg s2  }
0xaf: {  	[dreg:$0x3] =	wrdreg s24  }
0xb0: {  	[dreg:$0x4] =	wrdreg $0x11D000  }
0xb1: {  	[dreg:$0x5] =	wrdreg $0x9  }
0xb2: {  	_ =	task.clear_ibuf [dreg:s7], $0x6FFFF;
	_ =	strace $0x90000049  }
0xb3: {  	s29 =	simm.s32 $0x9;
	_ =	strace $0x8000004B  }
0xb4: {  	_ =	swait.ge [sflag:s29], $0x1  }
0xb5: {  	[sflag:s29] =	ssyncadd.s32 $0xFFFFFFFF  }
0xb6: {  	_ =	strace $0x9000004B  }
0xb7: {  	_ =	sfence  }
0xb8: {  	s30 =	sld [smem:$0x0];
	_ =	sdelay $0x2  }
0xb9: {  	s31 =	sshll.u32 s1, $0xD;
	s1 =	sshrl.u32 s1, $0x2  }
0xba: {  	s3 =	sand.u32 $0x4000, s31;
	s1 =	sadd.s32 s1, s30  }
0xbb: {  	s0 =	sor.u32 s3, s0;
	s1 =	sshll.u32 s1, $0x11  }
0xbc: {  	s0 =	sor.u32 s1, s0  }
0xbd: {  	s0 =	sadd.s32 $0x8F2B, s0  }
0xbe: {  	[sflag:s0] =	ssyncadd.remote.s32 $0x1  }
0xbf: {  	_ =	sfence.sel $0xFFFF  }
0xc0: {  	[dreg:$0x0] =	wrdreg $0xFFFFFFFF;
	(pc) =	sbr.abs _section_cstart, $3  }
0xc1: {  	[dreg:$0x1] =	wrdreg $0xFFFFFFFF  }
0xc2: {  	_ =	task.clear_ibuf [dreg:s7], $0x2FFFF;
	_ =	strace $0x9FFFFFFF  }
0xc3: {  	(tm) =	ssettm $0x7FFFFFFF  }
tec
execute0_lowered:
.L_overlay_start_1:
0x0: {  	(tag) =	ssettag $0x1  }
0x1: {  	s0 =	rddreg [dreg:$0x0]  }
0x2: {  	s1 =	rddreg [dreg:$0x1]  }
0x3: {  	s2 =	rddreg [dreg:$0x2];
	s4 =	srdreg.scid  }
0x4: {  	s3 =	simm.s32 $0x0;
	s8 =	stileid.u32;
	s28 =	simm.s32 $0x7D  }
0x5: {  	s30 =	simm.s32 $0xBF40;
	s31 =	simm.s32 $0xFDC0;
	s5 =	smul.u32 $0xA00, s8  }
0x6: {  	s29 =	simm.s32 $0x2;
	s4 =	sand.u32 $0x1, s4;
	s14 =	smul.u32 $0xA000, s8  }
0x7: {  	[smem:$0x7FF] =	sst s3;
	s6 =	ssub.s32 $0x2, s4;
	s13 =	smul.u32 $0x13880, s4  }
0x8: {  	_ =	strace $0x8000004A;
	s4 =	smul.u32 $0xA0000, s4;
	s7 =	sshrl.u32 s6, $0x1  }
0x9: {  	s5 =	sadd.s32 s5, s1;
	s1 =	sadd.s32 $0x64200, s1;
	s24 =	sor.u32 $0x1400, s14  }
0xa: {  	s16 =	sadd.s32 $0x2800, s14;
	s17 =	sadd.s32 $0x3C00, s14;
	s18 =	sadd.s32 $0x5000, s14  }
0xb: {  	s19 =	sadd.s32 $0x6400, s14;
	s20 =	sadd.s32 $0x7800, s14;
	s21 =	sadd.s32 $0x8C00, s14  }
0xc: {  	s15 =	ssub.s32 s6, s7;
	s23 =	sadd.s32 $0x2000, s5;
	s5 =	sadd.s32 $0xC000, s5  }
0xd: {  	s6 =	sadd.s32 s14, s2;
	s7 =	sadd.s32 s24, s2;
	s8 =	sadd.s32 s16, s2  }
0xe: {  	s9 =	sadd.s32 s17, s2;
	s10 =	sadd.s32 s18, s2;
	s11 =	sadd.s32 s19, s2  }
0xf: {  	s12 =	sadd.s32 s20, s2;
	s13 =	sadd.s32 s0, s13;
	[dreg:$0x4] =	wrdreg s23  }
0x10: {  	s25 =	sadd.s32 s14, s4;
	s14 =	sadd.s32 s21, s2;
	[dreg:$0x5] =	wrdreg s5  }
0x11: {  	s5 =	sadd.s32 s4, s24;
	s0 =	sshrl.u32 s25, $0x3;
	s24 =	sadd.s32 s4, s19  }
0x12: {  	s25 =	sadd.s32 s4, s20;
	s5 =	sshrl.u32 s5, $0x3;
	s0 =	sadd.s32 s1, s0  }
0x13: {  	s19 =	simm.s32 $0x0;
	[dreg:$0x6] =	wrdreg s0;
	s26 =	sadd.s32 s1, s5  }
0x14: {  	s5 =	sadd.s32 s4, s16;
	s16 =	sadd.s32 s4, s17;
	s17 =	sadd.s32 s4, s18  }
0x15: {  	s4 =	sadd.s32 s4, s21;
	[dreg:$0x7] =	wrdreg s26;
	s0 =	sshrl.u32 s5, $0x3  }
0x16: {  	s18 =	sshrl.u32 s16, $0x3;
	s22 =	sshrl.u32 s17, $0x3;
	s26 =	sshrl.u32 s25, $0x3  }
0x17: {  	s4 =	sshrl.u32 s4, $0x3;
	s5 =	simm.s32 $0x3;
	s16 =	simm.s32 $0x4  }
0x18: {  	s17 =	simm.s32 $0x7;
	s0 =	sadd.s32 s1, s0;
	s23 =	sadd.s32 s1, s22  }
0x19: {  	s22 =	sadd.s32 s1, s4;
	s4 =	simm.s32 $0x5;
	[dreg:$0x8] =	wrdreg s0  }
0x1a: {  	s0 =	sadd.s32 s1, s18;
	[dreg:$0xa] =	wrdreg s23;
	s23 =	smax.u32 s15, $0x1  }
0x1b: {  	s15 =	simm.s32 $0x6;
	[dreg:$0x9] =	wrdreg s0;
	s0 =	sshrl.u32 s24, $0x3  }
0x1c: {  	s18 =	simm.s32 $0x8;
	s24 =	simm.s32 $0x9;
	s0 =	sadd.s32 s1, s0  }
0x1d: {  	[dreg:$0xb] =	wrdreg s0;
	s0 =	sadd.s32 s1, s26;
	s26 =	simm.s32 $0xA000  }
0x1e: {  	v0 =	vimm.f32 $0.0e+00;
	s1 =	simm.s32 $0x1;
	[dreg:$0xc] =	wrdreg s0;
	s0 =	simm.s32 $0xDE80  }
.LBB2_1:
0x1f: {  	s20 =	rddreg [dreg:$0x4]  }
0x20: {  	[tilespmem:s3], [sflag:$0x9] =	stream.linear.gather [hbm4b:s20+s3], $0x5000, $0x38;
	[tilespmem:$0x1BD00] =	vst v63  }
0x21: {  	_ =	swait.ge [sflag:s24], $0x5000  }
0x22: {  	[sflag:s24] =	ssyncset.done $0x0  }
0x23: {  	s21 =	simm.s32 $0x5000;
	s25 =	rddreg [dreg:$0x5];
	[sflag:s24] =	ssyncadd.s32 $0xFFFFB000  }
0x24: {  	[tilespmem:s21], [sflag:$0x9] =	stream.linear.gather [hbm4b:s25+s3], $0x5000, $0x38;
	[tilespmem:$0x1BD00] =	vst v63  }
0x25: {  	_ =	swait.ge [sflag:s24], $0x5000  }
0x26: {  	[sflag:s24] =	ssyncset.done $0x0  }
0x27: {  	s20 =	simm.s32 $0x0;
	s25 =	simm.s32 $0x100;
	[sflag:s24] =	ssyncadd.s32 $0xFFFFB000  }
.LBB2_2:
0x28: {  	p0 =	sne.s32 s25, $0x4F00;
	[tilespmem:s20+$0xA030] =	vst v0;
	s21 =	smov.u32 s25;
	s25 =	sadd.s32 $0x100, s25  }
.Ltmp0:
0x29: {  	[tilespmem:s20+$0xA020] =	vst v0;
	(pc) =	sbr.rel @p0 .LBB2_2-.Ltmp0, $3  }
0x2a: {  	[tilespmem:s20+$0xA000] =	vst v0  }
0x2b: {  	[tilespmem:s20+$0xA010] =	vst v0;
	_ =	sdelay $0x1  }
0x2c: {  	s20 =	sshra.s32 s21, $0x2  }
0x2d: {  	[tilespmem:s20+$0xA030] =	vst v0  }
0x2e: {  	[tilespmem:s20+$0xA020] =	vst v0  }
0x2f: {  	[tilespmem:s20+$0xA000] =	vst v0  }
0x30: {  	[tilespmem:s20+$0xA010] =	vst v0  }
0x31: {  	[spmem:s6] =	stream.linear.scatter [tilespmem:s26], [sflag:$0x9], $0x1400, $0x38;
	[tilespmem:$0x1BD00] =	vst v63  }
0x32: {  	_ =	swait.ge [sflag:s24], $0x1400  }
0x33: {  	[sflag:s24] =	ssyncset.done $0x0  }
0x34: {  	[sflag:s24] =	ssyncadd.s32 $0xFFFFEC00  }
0x35: {  	[spmem:s7] =	stream.linear.scatter [tilespmem:s26], [sflag:$0x9], $0x1400, $0x38;
	[tilespmem:$0x1BD00] =	vst v63  }
0x36: {  	_ =	swait.ge [sflag:s24], $0x1400  }
0x37: {  	[sflag:s24] =	ssyncset.done $0x0  }
0x38: {  	[sflag:s24] =	ssyncadd.s32 $0xFFFFEC00  }
0x39: {  	[spmem:s8] =	stream.linear.scatter [tilespmem:s26], [sflag:$0x9], $0x1400, $0x38;
	[tilespmem:$0x1BD00] =	vst v63  }
0x3a: {  	_ =	swait.ge [sflag:s24], $0x1400  }
0x3b: {  	[sflag:s24] =	ssyncset.done $0x0  }
0x3c: {  	[sflag:s24] =	ssyncadd.s32 $0xFFFFEC00  }
0x3d: {  	[spmem:s9] =	stream.linear.scatter [tilespmem:s26], [sflag:$0x9], $0x1400, $0x38;
	[tilespmem:$0x1BD00] =	vst v63  }
0x3e: {  	_ =	swait.ge [sflag:s24], $0x1400  }
0x3f: {  	[sflag:s24] =	ssyncset.done $0x0  }
0x40: {  	[sflag:s24] =	ssyncadd.s32 $0xFFFFEC00  }
0x41: {  	[spmem:s10] =	stream.linear.scatter [tilespmem:s26], [sflag:$0x9], $0x1400, $0x38;
	[tilespmem:$0x1BD00] =	vst v63  }
0x42: {  	_ =	swait.ge [sflag:s24], $0x1400  }
0x43: {  	[sflag:s24] =	ssyncset.done $0x0  }
0x44: {  	[sflag:s24] =	ssyncadd.s32 $0xFFFFEC00  }
0x45: {  	[spmem:s11] =	stream.linear.scatter [tilespmem:s26], [sflag:$0x9], $0x1400, $0x38;
	[tilespmem:$0x1BD00] =	vst v63  }
0x46: {  	_ =	swait.ge [sflag:s24], $0x1400  }
0x47: {  	[sflag:s24] =	ssyncset.done $0x0  }
0x48: {  	[sflag:s24] =	ssyncadd.s32 $0xFFFFEC00  }
0x49: {  	[spmem:s12] =	stream.linear.scatter [tilespmem:s26], [sflag:$0x9], $0x1400, $0x38;
	[tilespmem:$0x1BD00] =	vst v63  }
0x4a: {  	_ =	swait.ge [sflag:s24], $0x1400  }
0x4b: {  	[sflag:s24] =	ssyncset.done $0x0  }
0x4c: {  	[sflag:s24] =	ssyncadd.s32 $0xFFFFEC00  }
0x4d: {  	[spmem:s14] =	stream.linear.scatter [tilespmem:s26], [sflag:$0x9], $0x1400, $0x38;
	[tilespmem:$0x1BD00] =	vst v63  }
0x4e: {  	_ =	swait.ge [sflag:s24], $0x1400  }
0x4f: {  	[sflag:s24] =	ssyncset.done $0x0  }
0x50: {  	[sflag:s24] =	ssyncadd.s32 $0xFFFFEC00  }
0x51: {  	s21 =	simm.s32 $0x0;
	[bflag:$0x0] =	sbarrier.arrive $0xFFFF  }
0x52: {  	[tilespmem:s26], [sflag:$0x1] =	stream.indirect.gather [hbm4b:s13+s28], $0x40, s21, s28, $0xb8;
	[tilespmem:$0x1BD00] =	vst v63  }
0x53: {  	s25 =	simm.s32 $0x80  }
0x54: {  	[tilespmem:s30], [sflag:$0x2] =	stream.indirect.gather [hbm4b:s13+s28], $0x40, s25, s28, $0xb8;
	[tilespmem:$0x1BD00] =	vst v63  }
0x55: {  	s21 =	simm.s32 $0x100  }
0x56: {  	[tilespmem:s0], [sflag:$0x3] =	stream.indirect.gather [hbm4b:s13+s28], $0x40, s21, s28, $0xb8;
	[tilespmem:$0x1BD00] =	vst v63  }
0x57: {  	_ =	swait.ge [sflag:s1], $0x1F40  }
0x58: {  	[sflag:s1] =	ssyncset.done $0x0  }
0x59: {  	s25 =	simm.s32 $0x180;
	[sflag:s1] =	ssyncadd.s32 $0xFFFFE0C0  }
0x5a: {  	[tilespmem:s31], [sflag:$0x4] =	stream.indirect.gather [hbm4b:s13+s28], $0x40, s25, s28, $0xb8;
	[tilespmem:$0x1BD00] =	vst v63  }
0x5b: {  	s21 =	simm.s32 $0x5000  }
0x5c: {  	[spmem:s2] =	stream.indirect.scatter.add.f32 [tilespmem:s26], [sflag:$0x5], $0x40, s21, s28, $0xb8;
	[tilespmem:$0x1BD00] =	vst v63  }
0x5d: {  	_ =	swait.ge [sflag:s29], $0x1F40  }
0x5e: {  	[sflag:s29] =	ssyncset.done $0x0  }
0x5f: {  	[sflag:s29] =	ssyncadd.s32 $0xFFFFE0C0  }
0x60: {  	_ =	swait.ge [sflag:s4], $0x1F40  }
0x61: {  	[sflag:s4] =	ssyncset.done $0x0  }
0x62: {  	s25 =	simm.s32 $0x200;
	[sflag:s4] =	ssyncadd.s32 $0xFFFFE0C0  }
0x63: {  	[tilespmem:s26], [sflag:$0x1] =	stream.indirect.gather [hbm4b:s13+s28], $0x40, s25, s28, $0xb8;
	[tilespmem:$0x1BD00] =	vst v63  }
0x64: {  	s21 =	simm.s32 $0x5080  }
0x65: {  	[spmem:s2] =	stream.indirect.scatter.add.f32 [tilespmem:s30], [sflag:$0x6], $0x40, s21, s28, $0xb8;
	[tilespmem:$0x1BD00] =	vst v63  }
0x66: {  	_ =	swait.ge [sflag:s5], $0x1F40  }
0x67: {  	[sflag:s5] =	ssyncset.done $0x0  }
0x68: {  	[sflag:s5] =	ssyncadd.s32 $0xFFFFE0C0  }
0x69: {  	_ =	swait.ge [sflag:s15], $0x1F40  }
0x6a: {  	[sflag:s15] =	ssyncset.done $0x0  }
0x6b: {  	s25 =	simm.s32 $0x280;
	[sflag:s15] =	ssyncadd.s32 $0xFFFFE0C0  }
0x6c: {  	[tilespmem:s30], [sflag:$0x2] =	stream.indirect.gather [hbm4b:s13+s28], $0x40, s25, s28, $0xb8;
	[tilespmem:$0x1BD00] =	vst v63  }
0x6d: {  	s21 =	simm.s32 $0x5100  }
0x6e: {  	[spmem:s2] =	stream.indirect.scatter.add.f32 [tilespmem:s0], [sflag:$0x7], $0x40, s21, s28, $0xb8;
	[tilespmem:$0x1BD00] =	vst v63  }
0x6f: {  	_ =	swait.ge [sflag:s16], $0x1F40  }
0x70: {  	[sflag:s16] =	ssyncset.done $0x0  }
0x71: {  	[sflag:s16] =	ssyncadd.s32 $0xFFFFE0C0  }
0x72: {  	_ =	swait.ge [sflag:s17], $0x1F40  }
0x73: {  	[sflag:s17] =	ssyncset.done $0x0  }
0x74: {  	s25 =	simm.s32 $0x300;
	[sflag:s17] =	ssyncadd.s32 $0xFFFFE0C0  }
0x75: {  	[tilespmem:s0], [sflag:$0x3] =	stream.indirect.gather [hbm4b:s13+s28], $0x40, s25, s28, $0xb8;
	[tilespmem:$0x1BD00] =	vst v63  }
0x76: {  	s21 =	simm.s32 $0x5180  }
0x77: {  	[spmem:s2] =	stream.indirect.scatter.add.f32 [tilespmem:s31], [sflag:$0x8], $0x40, s21, s28, $0xb8;
	[tilespmem:$0x1BD00] =	vst v63  }
0x78: {  	_ =	swait.ge [sflag:s1], $0x1F40  }
0x79: {  	[sflag:s1] =	ssyncset.done $0x0  }
0x7a: {  	[sflag:s1] =	ssyncadd.s32 $0xFFFFE0C0  }
0x7b: {  	_ =	swait.ge [sflag:s18], $0x1F40  }
0x7c: {  	[sflag:s18] =	ssyncset.done $0x0  }
0x7d: {  	s25 =	simm.s32 $0x380;
	[sflag:s18] =	ssyncadd.s32 $0xFFFFE0C0  }
0x7e: {  	[tilespmem:s31], [sflag:$0x4] =	stream.indirect.gather [hbm4b:s13+s28], $0x40, s25, s28, $0xb8;
	[tilespmem:$0x1BD00] =	vst v63  }
0x7f: {  	s21 =	simm.s32 $0x5200  }
0x80: {  	[spmem:s2] =	stream.indirect.scatter.add.f32 [tilespmem:s26], [sflag:$0x5], $0x40, s21, s28, $0xb8;
	[tilespmem:$0x1BD00] =	vst v63  }
0x81: {  	_ =	swait.ge [sflag:s29], $0x1F40  }
0x82: {  	[sflag:s29] =	ssyncset.done $0x0  }
0x83: {  	[sflag:s29] =	ssyncadd.s32 $0xFFFFE0C0  }
0x84: {  	_ =	swait.ge [sflag:s4], $0x1F40  }
0x85: {  	[sflag:s4] =	ssyncset.done $0x0  }
0x86: {  	s25 =	simm.s32 $0x400;
	[sflag:s4] =	ssyncadd.s32 $0xFFFFE0C0  }
0x87: {  	[tilespmem:s26], [sflag:$0x1] =	stream.indirect.gather [hbm4b:s13+s28], $0x40, s25, s28, $0xb8;
	[tilespmem:$0x1BD00] =	vst v63  }
0x88: {  	s21 =	simm.s32 $0x5280  }
0x89: {  	[spmem:s2] =	stream.indirect.scatter.add.f32 [tilespmem:s30], [sflag:$0x6], $0x40, s21, s28, $0xb8;
	[tilespmem:$0x1BD00] =	vst v63  }
0x8a: {  	_ =	swait.ge [sflag:s5], $0x1F40  }
0x8b: {  	[sflag:s5] =	ssyncset.done $0x0  }
0x8c: {  	[sflag:s5] =	ssyncadd.s32 $0xFFFFE0C0  }
0x8d: {  	_ =	swait.ge [sflag:s15], $0x1F40  }
0x8e: {  	[sflag:s15] =	ssyncset.done $0x0  }
0x8f: {  	s25 =	simm.s32 $0x480;
	[sflag:s15] =	ssyncadd.s32 $0xFFFFE0C0  }
0x90: {  	[tilespmem:s30], [sflag:$0x2] =	stream.indirect.gather [hbm4b:s13+s28], $0x40, s25, s28, $0xb8;
	[tilespmem:$0x1BD00] =	vst v63  }
0x91: {  	s21 =	simm.s32 $0x5300  }
0x92: {  	[spmem:s2] =	stream.indirect.scatter.add.f32 [tilespmem:s0], [sflag:$0x7], $0x40, s21, s28, $0xb8;
	[tilespmem:$0x1BD00] =	vst v63  }
0x93: {  	_ =	swait.ge [sflag:s16], $0x1F40  }
0x94: {  	[sflag:s16] =	ssyncset.done $0x0  }
0x95: {  	[sflag:s16] =	ssyncadd.s32 $0xFFFFE0C0  }
0x96: {  	_ =	swait.ge [sflag:s17], $0x1F40  }
0x97: {  	[sflag:s17] =	ssyncset.done $0x0  }
0x98: {  	s25 =	simm.s32 $0x500;
	[sflag:s17] =	ssyncadd.s32 $0xFFFFE0C0  }
0x99: {  	[tilespmem:s0], [sflag:$0x3] =	stream.indirect.gather [hbm4b:s13+s28], $0x40, s25, s28, $0xb8;
	[tilespmem:$0x1BD00] =	vst v63  }
0x9a: {  	s20 =	simm.s32 $0x800;
	s25 =	simm.s32 $0x5380  }
.LBB2_4:
0x9b: {  	[spmem:s2] =	stream.indirect.scatter.add.f32 [tilespmem:s31], [sflag:$0x8], $0x40, s25, s28, $0xb8;
	[tilespmem:$0x1BD00] =	vst v63  }
0x9c: {  	s21 =	smov.u32 s20  }
0x9d: {  	p0 =	sne.s32 s20, $0x12800;
	s20 =	sadd.s32 $0x800, s20;
	_ =	swait.ge [sflag:s1], $0x1F40  }
0x9e: {  	[sflag:s1] =	ssyncset.done $0x0  }
0x9f: {  	[sflag:s1] =	ssyncadd.s32 $0xFFFFE0C0  }
0xa0: {  	_ =	swait.ge [sflag:s18], $0x1F40  }
0xa1: {  	s25 =	sshra.s32 s21, $0x2;
	[sflag:s18] =	ssyncset.done $0x0  }
0xa2: {  	s21 =	sadd.s32 $0x380, s25;
	[sflag:s18] =	ssyncadd.s32 $0xFFFFE0C0  }
0xa3: {  	[tilespmem:s31], [sflag:$0x4] =	stream.indirect.gather [hbm4b:s13+s28], $0x40, s21, s28, $0xb8;
	[tilespmem:$0x1BD00] =	vst v63  }
0xa4: {  	s21 =	sadd.s32 $0x5200, s25  }
0xa5: {  	[spmem:s2] =	stream.indirect.scatter.add.f32 [tilespmem:s26], [sflag:$0x5], $0x40, s21, s28, $0xb8;
	[tilespmem:$0x1BD00] =	vst v63  }
0xa6: {  	_ =	swait.ge [sflag:s29], $0x1F40  }
0xa7: {  	[sflag:s29] =	ssyncset.done $0x0  }
0xa8: {  	[sflag:s29] =	ssyncadd.s32 $0xFFFFE0C0  }
0xa9: {  	_ =	swait.ge [sflag:s4], $0x1F40  }
0xaa: {  	[sflag:s4] =	ssyncset.done $0x0  }
0xab: {  	s21 =	sadd.s32 $0x400, s25;
	[sflag:s4] =	ssyncadd.s32 $0xFFFFE0C0  }
0xac: {  	[tilespmem:s26], [sflag:$0x1] =	stream.indirect.gather [hbm4b:s13+s28], $0x40, s21, s28, $0xb8;
	[tilespmem:$0x1BD00] =	vst v63  }
0xad: {  	s21 =	sadd.s32 $0x5280, s25  }
0xae: {  	[spmem:s2] =	stream.indirect.scatter.add.f32 [tilespmem:s30], [sflag:$0x6], $0x40, s21, s28, $0xb8;
	[tilespmem:$0x1BD00] =	vst v63  }
0xaf: {  	_ =	swait.ge [sflag:s5], $0x1F40  }
0xb0: {  	[sflag:s5] =	ssyncset.done $0x0  }
0xb1: {  	[sflag:s5] =	ssyncadd.s32 $0xFFFFE0C0  }
0xb2: {  	_ =	swait.ge [sflag:s15], $0x1F40  }
0xb3: {  	[sflag:s15] =	ssyncset.done $0x0  }
0xb4: {  	s21 =	sadd.s32 $0x480, s25;
	[sflag:s15] =	ssyncadd.s32 $0xFFFFE0C0  }
0xb5: {  	[tilespmem:s30], [sflag:$0x2] =	stream.indirect.gather [hbm4b:s13+s28], $0x40, s21, s28, $0xb8;
	[tilespmem:$0x1BD00] =	vst v63  }
0xb6: {  	s21 =	sadd.s32 $0x5300, s25  }
0xb7: {  	[spmem:s2] =	stream.indirect.scatter.add.f32 [tilespmem:s0], [sflag:$0x7], $0x40, s21, s28, $0xb8;
	[tilespmem:$0x1BD00] =	vst v63  }
0xb8: {  	_ =	swait.ge [sflag:s16], $0x1F40  }
0xb9: {  	[sflag:s16] =	ssyncset.done $0x0  }
0xba: {  	[sflag:s16] =	ssyncadd.s32 $0xFFFFE0C0  }
.Ltmp1:
0xbb: {  	_ =	swait.ge [sflag:s17], $0x1F40;
	(pc) =	sbr.rel @p0 .LBB2_4-.Ltmp1, $4  }
0xbc: {  	[sflag:s17] =	ssyncset.done $0x0  }
0xbd: {  	s21 =	sadd.s32 $0x500, s25;
	[sflag:s17] =	ssyncadd.s32 $0xFFFFE0C0  }
0xbe: {  	[tilespmem:s0], [sflag:$0x3] =	stream.indirect.gather [hbm4b:s13+s28], $0x40, s21, s28, $0xb8;
	[tilespmem:$0x1BD00] =	vst v63  }
0xbf: {  	s25 =	sadd.s32 $0x5380, s25  }
0xc0: {  	[spmem:s2] =	stream.indirect.scatter.add.f32 [tilespmem:s31], [sflag:$0x8], $0x40, s25, s28, $0xb8;
	[tilespmem:$0x1BD00] =	vst v63  }
0xc1: {  	_ =	swait.ge [sflag:s1], $0x1F40  }
0xc2: {  	[sflag:s1] =	ssyncset.done $0x0  }
0xc3: {  	[sflag:s1] =	ssyncadd.s32 $0xFFFFE0C0  }
0xc4: {  	_ =	swait.ge [sflag:s18], $0x1F40  }
0xc5: {  	[sflag:s18] =	ssyncset.done $0x0  }
0xc6: {  	s20 =	simm.s32 $0x4F80;
	[sflag:s18] =	ssyncadd.s32 $0xFFFFE0C0  }
0xc7: {  	[tilespmem:s31], [sflag:$0x4] =	stream.indirect.gather [hbm4b:s13+s28], $0x40, s20, s28, $0xb8;
	[tilespmem:$0x1BD00] =	vst v63  }
0xc8: {  	s25 =	simm.s32 $0x9E00  }
0xc9: {  	[spmem:s2] =	stream.indirect.scatter.add.f32 [tilespmem:s26], [sflag:$0x5], $0x40, s25, s28, $0xb8;
	[tilespmem:$0x1BD00] =	vst v63  }
0xca: {  	_ =	swait.ge [sflag:s29], $0x1F40  }
0xcb: {  	[sflag:s29] =	ssyncset.done $0x0  }
0xcc: {  	[sflag:s29] =	ssyncadd.s32 $0xFFFFE0C0  }
0xcd: {  	_ =	swait.ge [sflag:s4], $0x1F40  }
0xce: {  	[sflag:s4] =	ssyncset.done $0x0  }
0xcf: {  	s21 =	simm.s32 $0x9E80;
	[sflag:s4] =	ssyncadd.s32 $0xFFFFE0C0  }
0xd0: {  	[spmem:s2] =	stream.indirect.scatter.add.f32 [tilespmem:s30], [sflag:$0x6], $0x40, s21, s28, $0xb8;
	[tilespmem:$0x1BD00] =	vst v63  }
0xd1: {  	_ =	swait.ge [sflag:s5], $0x1F40  }
0xd2: {  	[sflag:s5] =	ssyncset.done $0x0  }
0xd3: {  	[sflag:s5] =	ssyncadd.s32 $0xFFFFE0C0  }
0xd4: {  	_ =	swait.ge [sflag:s15], $0x1F40  }
0xd5: {  	[sflag:s15] =	ssyncset.done $0x0  }
0xd6: {  	s25 =	simm.s32 $0x9F00;
	[sflag:s15] =	ssyncadd.s32 $0xFFFFE0C0  }
0xd7: {  	[spmem:s2] =	stream.indirect.scatter.add.f32 [tilespmem:s0], [sflag:$0x7], $0x40, s25, s28, $0xb8;
	[tilespmem:$0x1BD00] =	vst v63  }
0xd8: {  	_ =	swait.ge [sflag:s16], $0x1F40  }
0xd9: {  	[sflag:s16] =	ssyncset.done $0x0  }
0xda: {  	[sflag:s16] =	ssyncadd.s32 $0xFFFFE0C0  }
0xdb: {  	_ =	swait.ge [sflag:s17], $0x1F40  }
0xdc: {  	[sflag:s17] =	ssyncset.done $0x0  }
0xdd: {  	s21 =	simm.s32 $0x9F80;
	[sflag:s17] =	ssyncadd.s32 $0xFFFFE0C0  }
0xde: {  	[spmem:s2] =	stream.indirect.scatter.add.f32 [tilespmem:s31], [sflag:$0x8], $0x40, s21, s28, $0xb8;
	[tilespmem:$0x1BD00] =	vst v63  }
0xdf: {  	_ =	swait.ge [sflag:s18], $0x1F40  }
0xe0: {  	[sflag:s18] =	ssyncset.done $0x0  }
0xe1: {  	[sflag:s18] =	ssyncadd.s32 $0xFFFFE0C0  }
0xe2: {  	[bflag:$0x0] =	sbarrier.arrive $0xFFFF  }
0xe3: {  	[tilespmem:s26], [sflag:$0x9] =	stream.linear.gather [spmem:s6], $0x1400, $0x38;
	[tilespmem:$0x1BD00] =	vst v63  }
0xe4: {  	_ =	swait.ge [sflag:s24], $0x1400  }
0xe5: {  	[sflag:s24] =	ssyncset.done $0x0  }
0xe6: {  	s25 =	rddreg [dreg:$0x6];
	[sflag:s24] =	ssyncadd.s32 $0xFFFFEC00  }
0xe7: {  	[hbm4b:s25+s3] =	stream.linear.scatter [tilespmem:s26], [sflag:$0x9], $0x1400, $0x38;
	[tilespmem:$0x1BD00] =	vst v63  }
0xe8: {  	_ =	swait.ge [sflag:s24], $0x1400  }
0xe9: {  	[sflag:s24] =	ssyncset.done $0x0  }
0xea: {  	[sflag:s24] =	ssyncadd.s32 $0xFFFFEC00  }
0xeb: {  	[tilespmem:s26], [sflag:$0x9] =	stream.linear.gather [spmem:s7], $0x1400, $0x38;
	[tilespmem:$0x1BD00] =	vst v63  }
0xec: {  	_ =	swait.ge [sflag:s24], $0x1400  }
0xed: {  	[sflag:s24] =	ssyncset.done $0x0  }
0xee: {  	s21 =	rddreg [dreg:$0x7];
	[sflag:s24] =	ssyncadd.s32 $0xFFFFEC00  }
0xef: {  	[hbm4b:s21+s3] =	stream.linear.scatter [tilespmem:s26], [sflag:$0x9], $0x1400, $0x38;
	[tilespmem:$0x1BD00] =	vst v63  }
0xf0: {  	_ =	swait.ge [sflag:s24], $0x1400  }
0xf1: {  	[sflag:s24] =	ssyncset.done $0x0  }
0xf2: {  	[sflag:s24] =	ssyncadd.s32 $0xFFFFEC00  }
0xf3: {  	[tilespmem:s26], [sflag:$0x9] =	stream.linear.gather [spmem:s8], $0x1400, $0x38;
	[tilespmem:$0x1BD00] =	vst v63  }
0xf4: {  	_ =	swait.ge [sflag:s24], $0x1400  }
0xf5: {  	[sflag:s24] =	ssyncset.done $0x0  }
0xf6: {  	s25 =	rddreg [dreg:$0x8];
	[sflag:s24] =	ssyncadd.s32 $0xFFFFEC00  }
0xf7: {  	[hbm4b:s25+s3] =	stream.linear.scatter [tilespmem:s26], [sflag:$0x9], $0x1400, $0x38;
	[tilespmem:$0x1BD00] =	vst v63  }
0xf8: {  	_ =	swait.ge [sflag:s24], $0x1400  }
0xf9: {  	[sflag:s24] =	ssyncset.done $0x0  }
0xfa: {  	[sflag:s24] =	ssyncadd.s32 $0xFFFFEC00  }
0xfb: {  	[tilespmem:s26], [sflag:$0x9] =	stream.linear.gather [spmem:s9], $0x1400, $0x38;
	[tilespmem:$0x1BD00] =	vst v63  }
0xfc: {  	_ =	swait.ge [sflag:s24], $0x1400  }
0xfd: {  	[sflag:s24] =	ssyncset.done $0x0  }
0xfe: {  	s21 =	rddreg [dreg:$0x9];
	[sflag:s24] =	ssyncadd.s32 $0xFFFFEC00  }
0xff: {  	[hbm4b:s21+s3] =	stream.linear.scatter [tilespmem:s26], [sflag:$0x9], $0x1400, $0x38;
	[tilespmem:$0x1BD00] =	vst v63  }
0x100: {  	_ =	swait.ge [sflag:s24], $0x1400  }
0x101: {  	[sflag:s24] =	ssyncset.done $0x0  }
0x102: {  	[sflag:s24] =	ssyncadd.s32 $0xFFFFEC00  }
0x103: {  	[tilespmem:s26], [sflag:$0x9] =	stream.linear.gather [spmem:s10], $0x1400, $0x38;
	[tilespmem:$0x1BD00] =	vst v63  }
0x104: {  	_ =	swait.ge [sflag:s24], $0x1400  }
0x105: {  	[sflag:s24] =	ssyncset.done $0x0  }
0x106: {  	s25 =	rddreg [dreg:$0xa];
	[sflag:s24] =	ssyncadd.s32 $0xFFFFEC00  }
0x107: {  	[hbm4b:s25+s3] =	stream.linear.scatter [tilespmem:s26], [sflag:$0x9], $0x1400, $0x38;
	[tilespmem:$0x1BD00] =	vst v63  }
0x108: {  	_ =	swait.ge [sflag:s24], $0x1400  }
0x109: {  	[sflag:s24] =	ssyncset.done $0x0  }
0x10a: {  	[sflag:s24] =	ssyncadd.s32 $0xFFFFEC00  }
0x10b: {  	[tilespmem:s26], [sflag:$0x9] =	stream.linear.gather [spmem:s11], $0x1400, $0x38;
	[tilespmem:$0x1BD00] =	vst v63  }
0x10c: {  	_ =	swait.ge [sflag:s24], $0x1400  }
0x10d: {  	[sflag:s24] =	ssyncset.done $0x0  }
0x10e: {  	s21 =	rddreg [dreg:$0xb];
	[sflag:s24] =	ssyncadd.s32 $0xFFFFEC00  }
0x10f: {  	[hbm4b:s21+s3] =	stream.linear.scatter [tilespmem:s26], [sflag:$0x9], $0x1400, $0x38;
	[tilespmem:$0x1BD00] =	vst v63  }
0x110: {  	_ =	swait.ge [sflag:s24], $0x1400  }
0x111: {  	[sflag:s24] =	ssyncset.done $0x0  }
0x112: {  	[sflag:s24] =	ssyncadd.s32 $0xFFFFEC00  }
0x113: {  	[tilespmem:s26], [sflag:$0x9] =	stream.linear.gather [spmem:s12], $0x1400, $0x38;
	[tilespmem:$0x1BD00] =	vst v63  }
0x114: {  	_ =	swait.ge [sflag:s24], $0x1400  }
0x115: {  	[sflag:s24] =	ssyncset.done $0x0  }
0x116: {  	s25 =	rddreg [dreg:$0xc];
	[sflag:s24] =	ssyncadd.s32 $0xFFFFEC00  }
0x117: {  	[hbm4b:s25+s3] =	stream.linear.scatter [tilespmem:s26], [sflag:$0x9], $0x1400, $0x38;
	[tilespmem:$0x1BD00] =	vst v63  }
0x118: {  	_ =	swait.ge [sflag:s24], $0x1400  }
0x119: {  	[sflag:s24] =	ssyncset.done $0x0  }
0x11a: {  	[sflag:s24] =	ssyncadd.s32 $0xFFFFEC00  }
0x11b: {  	[tilespmem:s26], [sflag:$0x9] =	stream.linear.gather [spmem:s14], $0x1400, $0x38;
	[tilespmem:$0x1BD00] =	vst v63  }
0x11c: {  	s19 =	sadd.s32 $0x1, s19;
	_ =	swait.ge [sflag:s24], $0x1400  }
0x11d: {  	p0 =	sne.s32 s19, s23;
	[sflag:s24] =	ssyncset.done $0x0  }
.Ltmp2:
0x11e: {  	[sflag:s24] =	ssyncadd.s32 $0xFFFFEC00;
	(pc) =	sbr.rel @p0 .LBB2_1-.Ltmp2, $4  }
0x11f: {  	[hbm4b:s22+s3] =	stream.linear.scatter [tilespmem:s26], [sflag:$0x9], $0x1400, $0x38;
	[tilespmem:$0x1BD00] =	vst v63  }
0x120: {  	_ =	swait.ge [sflag:s24], $0x1400  }
0x121: {  	[sflag:s24] =	ssyncset.done $0x0  }
0x122: {  	[sflag:s24] =	ssyncadd.s32 $0xFFFFEC00  }
0x123: {  	_ =	sfence.sel $0x180000  }
0x124: {  	[bflag:$0x0] =	sbarrier.arrive $0xFFFF  }
0x125: {  	_ =	strace $0x9000004A  }
0x126: {  	s0 =	stileid.u32;
	[bflag:$0x2] =	sbarrier.arrive $0xFFFF  }
0x127: {  	p0 =	sne.s32 s0, $0x0;
	s0 =	rddreg [dreg:$0x3]  }
0x128: {  	s0 =	sadd.s32 @!p0 $0x100000, s0  }
0x129: {  	[sflag:s0] =	ssyncadd.tile.s32 @!p0 $0x1;
	_ =	shalt  }
.Lfunc_end2:
_tile_overlayer_lowered:
.L_overlay_start_2:
0x12a: {  	(tag) =	ssettag $0x2  }
0x12b: {  	s0 =	rddreg [dreg:$0x0];
	s2 =	stileid.u32  }
0x12c: {  	s1 =	rddreg [dreg:$0x1];
	p0 =	sne.s32 s2, $0x0  }
0x12d: {  	s3 =	rddreg [dreg:$0x2];
	[bflag:$0x3] =	sbarrier.arrive $0xFFFF;
	s2 =	simm.s32 @!p0 $0x1C09  }
0x12e: {  	[timem:s3], [sflag:s2] =	dma.local @!p0 [hbm:s0], s1  }
0x12f: {  	s0 =	simm.s32 @!p0 $0x9  }
0x130: {  	_ =	swait.ge @!p0 [sflag:s0], s1  }
0x131: {  	s1 =	ssub.s32 @!p0 $0x0, s1;
	[sflag:s0] =	ssyncset.done @!p0 $0x0  }
0x132: {  	[sflag:s0] =	ssyncadd.s32 @!p0 s1  }
0x133: {  	[bflag:$0x3] =	sbarrier.arrive $0xFFFF  }
0x134: {  	_ =	shalt  }

// kernel: kernel.14.cloned.1.call-start
scs
__scs_entry_jumppad:
0x0: {  	(pc) =	sbr.rel $0x88, $3  }
0x1: {  	(tag) =	ssettag $0x0;
	lr =	simm.s32 $0x1  }
0x2: {  	[smem:$0x3F9B] =	sst lr;
	_ =	strace $0xD0000000  }
0x3: {  	_ = 	snop  }
0x4: {  	_ = 	snop  }
0x5: {  	_ = 	snop  }
0x6: {  	_ = 	snop  }
0x7: {  	_ = 	snop  }
__scs_overlays_trampoline_lowered:
0x8: {  	[smem:$0x3FAA] =	sst s0  }
0x9: {  	[smem:$0x3FAB] =	sst s1  }
0xa: {  	[smem:$0x3FAC] =	sst s2  }
0xb: {  	[smem:$0x3FAD] =	sst s3  }
0xc: {  	[smem:$0x3FAE] =	sst s4  }
0xd: {  	[smem:$0x3FAF] =	sst s5  }
0xe: {  	[smem:$0x3FB0] =	sst s6  }
0xf: {  	[smem:$0x3FB1] =	sst s7  }
0x10: {  	[smem:$0x3FB2] =	sst s8  }
0x11: {  	[smem:$0x3FB3] =	sst s9;
	s0 =	simm.s32 @!p0 $0x0  }
0x12: {  	s1 =	sld [smem:$0x3F99];
	s0 =	simm.s32 @p0 $0x1  }
0x13: {  	[smem:$0x3FB4] =	sst s0;
	s0 =	simm.s32 @!p1 $0x0  }
0x14: {  	s2 =	sld [smem:$0x3F98];
	s0 =	simm.s32 @p1 $0x1  }
0x15: {  	[smem:$0x3FB5] =	sst s0;
	s0 =	simm.s32 @!p2 $0x0  }
0x16: {  	s3 =	sld [smem:$0x3FDB];
	s0 =	simm.s32 @p2 $0x1  }
0x17: {  	s4 =	simm.s32 $0x1BF5;
	[smem:$0x3FB7] =	sst s0  }
0x18: {  	s0 =	sld [smem:$0x3F9A];
	_ =	swait.ge [sflag:s4], $0x0  }
0x19: {  	s7 =	sld [smem:$0x3F9B]  }
0x1a: {  	s8 =	sadd.s32 $0xFFFFE003, lr  }
0x1b: {  	s9 =	sadd.s32 $0xFFFFFEF7, lr;
	s5 =	simm.s32 $0xFFFFFFFF;
	p2 =	slt.u32 s8, $0xFFFFF086  }
0x1c: {  	p1 =	slt.u32 s9, $0xF7A;
	s5 =	simm.s32 @!p2 $0x0  }
0x1d: {  	s5 =	simm.s32 @p1 $0x1;
	p0 =	seq.s32 s7, s2  }
0x1e: {  	s7 =	smul.u32 @!p0 $0xF7A, s2;
	p2 =	seq.s32 @!p0 s5, $0x0  }
0x1f: {  	s9 =	smul.u32 $0xF7A, s1;
	s8 =	simm.s32 @!p0 $0x1BF5;
	p2 =	por !p2, p0  }
0x20: {  	[sflag:s8] =	ssyncset.s32 @!p0 $0xFFFFF086;
	s6 =	sadd.s32 @!p0 s3, s7;
	s7 =	simm.s32 @!p0 $0x108  }
0x21: {  	s3 =	sadd.s32 s3, s9;
	s6 =	sadd.s32 @!p0 $0x88, s6;
	s7 =	simm.s32 @p2 $0x1082  }
0x22: {  	[simem:s7], [sflag:s8] =	dma.local @!p0 [hbm:s6], $0xF7A  }
0x23: {  	s9 =	sor.u32 $0xD0000000, s2;
	s6 =	simm.s32 $0x108;
	_ =	swait.ge @!p0 [sflag:s8], $0x0  }
0x24: {  	s3 =	sadd.s32 $0x88, s3;
	s6 =	simm.s32 @!p1 $0x1082;
	[sflag:s4] =	ssyncset.s32 $0xFFFFF086  }
0x25: {  	[simem:s6], [sflag:s4] =	dma.local [hbm:s3], $0xF7A  }
0x26: {  	[smem:$0x3F9B] =	sst s1;
	(tag) =	ssettag s2;
	_ =	strace s9  }
0x27: {  	s1 =	sld [smem:$0x3FAB]  }
0x28: {  	s2 =	sld [smem:$0x3FAC]  }
0x29: {  	s4 =	sld [smem:$0x3FAE]  }
0x2a: {  	p0 =	seq.s32 s5, $0x0;
	s5 =	sld [smem:$0x3FAF]  }
0x2b: {  	s6 =	sld [smem:$0x3FB0]  }
0x2c: {  	s7 =	sld [smem:$0x3FB1]  }
0x2d: {  	s3 =	simm.s32 $0x108;
	s8 =	sld [smem:$0x3FB2]  }
0x2e: {  	s3 =	simm.s32 @!p0 $0x1082;
	s9 =	sld [smem:$0x3FB3]  }
0x2f: {  	lr =	sadd.s32 s0, s3;
	s0 =	sld [smem:$0x3FAA]  }
0x30: {  	s3 =	sld [smem:$0x3FAD]  }
0x31: {  	[smem:$0x3FB6] =	sst s10  }
0x32: {  	s10 =	sld [smem:$0x3FB4];
	_ =	sdelay $0x3  }
0x33: {  	p0 =	seq.s32 s10, $0x1;
	s10 =	sld [smem:$0x3FB6];
	_ =	sdelay $0x3  }
0x34: {  	[smem:$0x3FB6] =	sst s10  }
0x35: {  	s10 =	sld [smem:$0x3FB5];
	_ =	sdelay $0x3  }
0x36: {  	p1 =	seq.s32 s10, $0x1;
	s10 =	sld [smem:$0x3FB6];
	_ =	sdelay $0x3  }
0x37: {  	[smem:$0x3FB6] =	sst s10  }
0x38: {  	s10 =	sld [smem:$0x3FB7]  }
0x39: {  	_ = 	snop;
	(pc) =	sbr.ind lr, $3  }
0x3a: {  	_ = 	snop  }
0x3b: {  	_ = 	snop  }
0x3c: {  	p2 =	seq.s32 s10, $0x1;
	s10 =	sld [smem:$0x3FB6]  }
0x3d: {  	_ =	shalt  }
0x3e: {  	_ =	shalt  }
0x3f: {  	_ =	shalt  }
0x40: {  	_ =	shalt  }
0x41: {  	_ =	shalt  }
0x42: {  	_ =	shalt  }
0x43: {  	_ =	shalt  }
0x44: {  	_ =	shalt  }
0x45: {  	_ =	shalt  }
0x46: {  	_ =	shalt  }
0x47: {  	_ =	shalt  }
0x48: {  	_ =	shalt  }
0x49: {  	_ =	shalt  }
0x4a: {  	_ =	shalt  }
0x4b: {  	_ =	shalt  }
0x4c: {  	_ =	shalt  }
0x4d: {  	_ =	shalt  }
0x4e: {  	_ =	shalt  }
0x4f: {  	_ =	shalt  }
0x50: {  	_ =	shalt  }
0x51: {  	_ =	shalt  }
0x52: {  	_ =	shalt  }
0x53: {  	_ =	shalt  }
0x54: {  	_ =	shalt  }
0x55: {  	_ =	shalt  }
0x56: {  	_ =	shalt  }
0x57: {  	_ =	shalt  }
0x58: {  	_ =	shalt  }
0x59: {  	_ =	shalt  }
0x5a: {  	_ =	shalt  }
0x5b: {  	_ =	shalt  }
0x5c: {  	_ =	shalt  }
0x5d: {  	_ =	shalt  }
0x5e: {  	_ =	shalt  }
0x5f: {  	_ =	shalt  }
0x60: {  	_ =	shalt  }
0x61: {  	_ =	shalt  }
0x62: {  	_ =	shalt  }
0x63: {  	_ =	shalt  }
0x64: {  	_ =	shalt  }
0x65: {  	_ =	shalt  }
0x66: {  	_ =	shalt  }
0x67: {  	_ =	shalt  }
0x68: {  	_ =	shalt  }
0x69: {  	_ =	shalt  }
0x6a: {  	_ =	shalt  }
0x6b: {  	_ =	shalt  }
0x6c: {  	_ =	shalt  }
0x6d: {  	_ =	shalt  }
0x6e: {  	_ =	shalt  }
0x6f: {  	_ =	shalt  }
0x70: {  	_ =	shalt  }
0x71: {  	_ =	shalt  }
0x72: {  	_ =	shalt  }
0x73: {  	_ =	shalt  }
0x74: {  	_ =	shalt  }
0x75: {  	_ =	shalt  }
0x76: {  	_ =	shalt  }
0x77: {  	_ =	shalt  }
0x78: {  	_ =	shalt  }
0x79: {  	_ =	shalt  }
0x7a: {  	_ =	shalt  }
0x7b: {  	_ =	shalt  }
0x7c: {  	_ =	shalt  }
0x7d: {  	_ =	shalt  }
0x7e: {  	_ =	shalt  }
0x7f: {  	_ =	shalt  }
0x80: {  	_ =	shalt  }
0x81: {  	_ =	shalt  }
0x82: {  	_ =	shalt  }
0x83: {  	_ =	shalt  }
0x84: {  	_ =	shalt  }
0x85: {  	_ =	shalt  }
0x86: {  	_ =	shalt  }
0x87: {  	_ =	shalt  }
.Lfunc_end0:
.L_simem_size_0:
called_computation.2_lowered:
.L_overlay_start_0:
0x88: {  	s2 =	sld [smem:$0x3FD9]  }
0x89: {  	s3 =	sld [smem:$0x3FFE];
	_ =	sdelay $0x1  }
0x8a: {  	s1 =	srdreg.scid  }
0x8b: {  	s0 =	sand.u32 $0x1, s1  }
0x8c: {  	s17 =	sshll.u32 s0, $0xA;
	s2 =	sadd.s32 s3, s2  }
0x8d: {  	s2 =	sadd.s32 s2, s17  }
0x8e: {  	[smem:$0x3FC2] =	sst s2  }
0x8f: {  	_ = 	snop  }
0x90: {  	s2 =	sld [smem:$0x3FD0];
	(tm) =	ssettm $0x1  }
0x91: {  	s18 =	sld [smem:$0x3FFB];
	_ =	sdelay $0x3  }
0x92: {  	_ =	strace s18  }
0x93: {  	s3 =	sld [smem:$0x3FFC];
	_ =	sdelay $0x3  }
0x94: {  	_ =	strace s3  }
0x95: {  	s3 =	sld [smem:$0x3FFD];
	_ =	sdelay $0x3  }
0x96: {  	_ =	strace s3  }
0x97: {  	_ =	strace $0x8FFFFFFF  }
0x98: {  	s19 =	sld [smem:$0x3FDB];
	_ =	sdelay $0x1  }
0x99: {  	s4 =	simm.s32 $_scs_section_size  }
0x9a: {  	s5 =	simm.s32 $_size__tile_overlayer_lowered;
	s6 =	simm.s32 $_tile_overlayer_lowered  }
0x9b: {  	s22 =	simm.s32 $0x1BFF;
	s21 =	sshll.u32 s6, $0x1;
	s3 =	sadd.s32 s4, s19  }
0x9c: {  	s7 =	simm.s32 $0x0;
	s20 =	sshll.u32 s5, $0x1;
	s5 =	sadd.s32 s21, s3  }
0x9d: {  	[timem:s7], [sflag:s22] =	dma.local [hbm:s5], s20  }
0x9e: {  	_ =	swait.ge [sflag:s22], s20  }
0x9f: {  	s4 =	ssub.s32 $0x0, s20;
	[sflag:s22] =	ssyncset.done $0x0  }
0xa0: {  	[sflag:s22] =	ssyncadd.s32 s4;
	_ =	sdelay $0x1  }
0xa1: {  	s23 =	simm.s32 $0x1B8B  }
0xa2: {  	_ =	swait.ge [sflag:s23], $0x1  }
0xa3: {  	[sflag:s23] =	ssyncset.done $0x0  }
0xa4: {  	s25 =	simm.s32 $0x1B8E;
	s24 =	sld [smem:$0x3FFE];
	[sflag:s23] =	ssyncadd.s32 $0xFFFFFFFF  }
0xa5: {  	s26 =	simm.s32 $execute0_lowered;
	[smem:$0x3FD2] =	sst s25  }
0xa6: {  	s5 =	sshll.u32 s26, $0x1;
	_ =	strace $0x8000004C;
	[dreg:$0x1] =	wrdreg $0xFFFFFFFF  }
0xa7: {  	s28 =	simm.s32 $_size_execute0_lowered;
	s3 =	sadd.s32 s3, s5;
	[dreg:$0x0] =	wrdreg $0x0  }
0xa8: {  	s5 =	sshll.u32 s28, $0x1;
	[dreg:$0x2] =	wrdreg s3  }
0xa9: {  	[dreg:$0x3] =	wrdreg s5  }
0xaa: {  	[dreg:$0x4] =	wrdreg $0xC0  }
0xab: {  	_ =	task [dreg:s7], $0x5FFFF  }
0xac: {  	[dreg:$0x1] =	wrdreg $0xFFFFFFFF  }
0xad: {  	[dreg:$0x0] =	wrdreg $0x60  }
0xae: {  	[dreg:$0x2] =	wrdreg s2  }
0xaf: {  	[dreg:$0x3] =	wrdreg s24  }
0xb0: {  	[dreg:$0x4] =	wrdreg $0x11D000  }
0xb1: {  	[dreg:$0x5] =	wrdreg $0x9  }
0xb2: {  	_ =	task.clear_ibuf [dreg:s7], $0x6FFFF;
	_ =	strace $0x9000004C  }
0xb3: {  	s29 =	simm.s32 $0x9;
	_ =	strace $0x8000004E  }
0xb4: {  	_ =	swait.ge [sflag:s29], $0x1  }
0xb5: {  	[sflag:s29] =	ssyncadd.s32 $0xFFFFFFFF  }
0xb6: {  	_ =	strace $0x9000004E  }
0xb7: {  	_ =	sfence  }
0xb8: {  	s30 =	sld [smem:$0x0];
	_ =	sdelay $0x2  }
0xb9: {  	s31 =	sshll.u32 s1, $0xD;
	s1 =	sshrl.u32 s1, $0x2  }
0xba: {  	s3 =	sand.u32 $0x4000, s31;
	s1 =	sadd.s32 s1, s30  }
0xbb: {  	s0 =	sor.u32 s3, s0;
	s1 =	sshll.u32 s1, $0x11  }
0xbc: {  	s0 =	sor.u32 s1, s0  }
0xbd: {  	s0 =	sadd.s32 $0x8F2B, s0  }
0xbe: {  	[sflag:s0] =	ssyncadd.remote.s32 $0x1  }
0xbf: {  	_ =	sfence.sel $0xFFFF  }
0xc0: {  	[dreg:$0x0] =	wrdreg $0xFFFFFFFF;
	(pc) =	sbr.abs _section_cstart, $3  }
0xc1: {  	[dreg:$0x1] =	wrdreg $0xFFFFFFFF  }
0xc2: {  	_ =	task.clear_ibuf [dreg:s7], $0x2FFFF;
	_ =	strace $0x9FFFFFFF  }
0xc3: {  	(tm) =	ssettm $0x7FFFFFFF  }
tec
execute0_lowered:
.L_overlay_start_1:
0x0: {  	(tag) =	ssettag $0x1  }
0x1: {  	s0 =	rddreg [dreg:$0x0]  }
0x2: {  	s1 =	rddreg [dreg:$0x1]  }
0x3: {  	s2 =	rddreg [dreg:$0x2];
	s4 =	srdreg.scid  }
0x4: {  	s3 =	simm.s32 $0x0;
	s8 =	stileid.u32;
	s28 =	simm.s32 $0x7D  }
0x5: {  	s30 =	simm.s32 $0xBF40;
	s31 =	simm.s32 $0xFDC0;
	s5 =	smul.u32 $0xA00, s8  }
0x6: {  	s29 =	simm.s32 $0x2;
	s4 =	sand.u32 $0x1, s4;
	s14 =	smul.u32 $0xA000, s8  }
0x7: {  	[smem:$0x7FF] =	sst s3;
	s6 =	ssub.s32 $0x2, s4;
	s13 =	smul.u32 $0x13880, s4  }
0x8: {  	_ =	strace $0x8000004D;
	s4 =	smul.u32 $0xA0000, s4;
	s7 =	sshrl.u32 s6, $0x1  }
0x9: {  	s5 =	sadd.s32 s5, s1;
	s1 =	sadd.s32 $0x16000, s1;
	s24 =	sor.u32 $0x1400, s14  }
0xa: {  	s16 =	sadd.s32 $0x2800, s14;
	s17 =	sadd.s32 $0x3C00, s14;
	s18 =	sadd.s32 $0x5000, s14  }
0xb: {  	s19 =	sadd.s32 $0x6400, s14;
	s20 =	sadd.s32 $0x7800, s14;
	s21 =	sadd.s32 $0x8C00, s14  }
0xc: {  	s15 =	ssub.s32 s6, s7;
	s23 =	sadd.s32 $0x2000, s5;
	s5 =	sadd.s32 $0xC000, s5  }
0xd: {  	s6 =	sadd.s32 s14, s2;
	s7 =	sadd.s32 s24, s2;
	s8 =	sadd.s32 s16, s2  }
0xe: {  	s9 =	sadd.s32 s17, s2;
	s10 =	sadd.s32 s18, s2;
	s11 =	sadd.s32 s19, s2  }
0xf: {  	s12 =	sadd.s32 s20, s2;
	s13 =	sadd.s32 s0, s13;
	[dreg:$0x4] =	wrdreg s23  }
0x10: {  	s25 =	sadd.s32 s14, s4;
	s14 =	sadd.s32 s21, s2;
	[dreg:$0x5] =	wrdreg s5  }
0x11: {  	s5 =	sadd.s32 s4, s24;
	s0 =	sshrl.u32 s25, $0x3;
	s24 =	sadd.s32 s4, s19  }
0x12: {  	s25 =	sadd.s32 s4, s20;
	s5 =	sshrl.u32 s5, $0x3;
	s0 =	sadd.s32 s1, s0  }
0x13: {  	s19 =	simm.s32 $0x0;
	[dreg:$0x6] =	wrdreg s0;
	s26 =	sadd.s32 s1, s5  }
0x14: {  	s5 =	sadd.s32 s4, s16;
	s16 =	sadd.s32 s4, s17;
	s17 =	sadd.s32 s4, s18  }
0x15: {  	s4 =	sadd.s32 s4, s21;
	[dreg:$0x7] =	wrdreg s26;
	s0 =	sshrl.u32 s5, $0x3  }
0x16: {  	s18 =	sshrl.u32 s16, $0x3;
	s22 =	sshrl.u32 s17, $0x3;
	s26 =	sshrl.u32 s25, $0x3  }
0x17: {  	s4 =	sshrl.u32 s4, $0x3;
	s5 =	simm.s32 $0x3;
	s16 =	simm.s32 $0x4  }
0x18: {  	s17 =	simm.s32 $0x7;
	s0 =	sadd.s32 s1, s0;
	s23 =	sadd.s32 s1, s22  }
0x19: {  	s22 =	sadd.s32 s1, s4;
	s4 =	simm.s32 $0x5;
	[dreg:$0x8] =	wrdreg s0  }
0x1a: {  	s0 =	sadd.s32 s1, s18;
	[dreg:$0xa] =	wrdreg s23;
	s23 =	smax.u32 s15, $0x1  }
0x1b: {  	s15 =	simm.s32 $0x6;
	[dreg:$0x9] =	wrdreg s0;
	s0 =	sshrl.u32 s24, $0x3  }
0x1c: {  	s18 =	simm.s32 $0x8;
	s24 =	simm.s32 $0x9;
	s0 =	sadd.s32 s1, s0  }
0x1d: {  	[dreg:$0xb] =	wrdreg s0;
	s0 =	sadd.s32 s1, s26;
	s26 =	simm.s32 $0xA000  }
0x1e: {  	v0 =	vimm.f32 $0.0e+00;
	s1 =	simm.s32 $0x1;
	[dreg:$0xc] =	wrdreg s0;
	s0 =	simm.s32 $0xDE80  }
.LBB2_1:
0x1f: {  	s20 =	rddreg [dreg:$0x4]  }
0x20: {  	[tilespmem:s3], [sflag:$0x9] =	stream.linear.gather [hbm4b:s20+s3], $0x5000, $0x38;
	[tilespmem:$0x1BD00] =	vst v63  }
0x21: {  	_ =	swait.ge [sflag:s24], $0x5000  }
0x22: {  	[sflag:s24] =	ssyncset.done $0x0  }
0x23: {  	s21 =	simm.s32 $0x5000;
	s25 =	rddreg [dreg:$0x5];
	[sflag:s24] =	ssyncadd.s32 $0xFFFFB000  }
0x24: {  	[tilespmem:s21], [sflag:$0x9] =	stream.linear.gather [hbm4b:s25+s3], $0x5000, $0x38;
	[tilespmem:$0x1BD00] =	vst v63  }
0x25: {  	_ =	swait.ge [sflag:s24], $0x5000  }
0x26: {  	[sflag:s24] =	ssyncset.done $0x0  }
0x27: {  	s20 =	simm.s32 $0x0;
	s25 =	simm.s32 $0x100;
	[sflag:s24] =	ssyncadd.s32 $0xFFFFB000  }
.LBB2_2:
0x28: {  	p0 =	sne.s32 s25, $0x4F00;
	[tilespmem:s20+$0xA030] =	vst v0;
	s21 =	smov.u32 s25;
	s25 =	sadd.s32 $0x100, s25  }
.Ltmp0:
0x29: {  	[tilespmem:s20+$0xA020] =	vst v0;
	(pc) =	sbr.rel @p0 .LBB2_2-.Ltmp0, $3  }
0x2a: {  	[tilespmem:s20+$0xA000] =	vst v0  }
0x2b: {  	[tilespmem:s20+$0xA010] =	vst v0;
	_ =	sdelay $0x1  }
0x2c: {  	s20 =	sshra.s32 s21, $0x2  }
0x2d: {  	[tilespmem:s20+$0xA030] =	vst v0  }
0x2e: {  	[tilespmem:s20+$0xA020] =	vst v0  }
0x2f: {  	[tilespmem:s20+$0xA000] =	vst v0  }
0x30: {  	[tilespmem:s20+$0xA010] =	vst v0  }
0x31: {  	[spmem:s6] =	stream.linear.scatter [tilespmem:s26], [sflag:$0x9], $0x1400, $0x38;
	[tilespmem:$0x1BD00] =	vst v63  }
0x32: {  	_ =	swait.ge [sflag:s24], $0x1400  }
0x33: {  	[sflag:s24] =	ssyncset.done $0x0  }
0x34: {  	[sflag:s24] =	ssyncadd.s32 $0xFFFFEC00  }
0x35: {  	[spmem:s7] =	stream.linear.scatter [tilespmem:s26], [sflag:$0x9], $0x1400, $0x38;
	[tilespmem:$0x1BD00] =	vst v63  }
0x36: {  	_ =	swait.ge [sflag:s24], $0x1400  }
0x37: {  	[sflag:s24] =	ssyncset.done $0x0  }
0x38: {  	[sflag:s24] =	ssyncadd.s32 $0xFFFFEC00  }
0x39: {  	[spmem:s8] =	stream.linear.scatter [tilespmem:s26], [sflag:$0x9], $0x1400, $0x38;
	[tilespmem:$0x1BD00] =	vst v63  }
0x3a: {  	_ =	swait.ge [sflag:s24], $0x1400  }
0x3b: {  	[sflag:s24] =	ssyncset.done $0x0  }
0x3c: {  	[sflag:s24] =	ssyncadd.s32 $0xFFFFEC00  }
0x3d: {  	[spmem:s9] =	stream.linear.scatter [tilespmem:s26], [sflag:$0x9], $0x1400, $0x38;
	[tilespmem:$0x1BD00] =	vst v63  }
0x3e: {  	_ =	swait.ge [sflag:s24], $0x1400  }
0x3f: {  	[sflag:s24] =	ssyncset.done $0x0  }
0x40: {  	[sflag:s24] =	ssyncadd.s32 $0xFFFFEC00  }
0x41: {  	[spmem:s10] =	stream.linear.scatter [tilespmem:s26], [sflag:$0x9], $0x1400, $0x38;
	[tilespmem:$0x1BD00] =	vst v63  }
0x42: {  	_ =	swait.ge [sflag:s24], $0x1400  }
0x43: {  	[sflag:s24] =	ssyncset.done $0x0  }
0x44: {  	[sflag:s24] =	ssyncadd.s32 $0xFFFFEC00  }
0x45: {  	[spmem:s11] =	stream.linear.scatter [tilespmem:s26], [sflag:$0x9], $0x1400, $0x38;
	[tilespmem:$0x1BD00] =	vst v63  }
0x46: {  	_ =	swait.ge [sflag:s24], $0x1400  }
0x47: {  	[sflag:s24] =	ssyncset.done $0x0  }
0x48: {  	[sflag:s24] =	ssyncadd.s32 $0xFFFFEC00  }
0x49: {  	[spmem:s12] =	stream.linear.scatter [tilespmem:s26], [sflag:$0x9], $0x1400, $0x38;
	[tilespmem:$0x1BD00] =	vst v63  }
0x4a: {  	_ =	swait.ge [sflag:s24], $0x1400  }
0x4b: {  	[sflag:s24] =	ssyncset.done $0x0  }
0x4c: {  	[sflag:s24] =	ssyncadd.s32 $0xFFFFEC00  }
0x4d: {  	[spmem:s14] =	stream.linear.scatter [tilespmem:s26], [sflag:$0x9], $0x1400, $0x38;
	[tilespmem:$0x1BD00] =	vst v63  }
0x4e: {  	_ =	swait.ge [sflag:s24], $0x1400  }
0x4f: {  	[sflag:s24] =	ssyncset.done $0x0  }
0x50: {  	[sflag:s24] =	ssyncadd.s32 $0xFFFFEC00  }
0x51: {  	s21 =	simm.s32 $0x0;
	[bflag:$0x0] =	sbarrier.arrive $0xFFFF  }
0x52: {  	[tilespmem:s26], [sflag:$0x1] =	stream.indirect.gather [hbm4b:s13+s28], $0x40, s21, s28, $0xb8;
	[tilespmem:$0x1BD00] =	vst v63  }
0x53: {  	s25 =	simm.s32 $0x80  }
0x54: {  	[tilespmem:s30], [sflag:$0x2] =	stream.indirect.gather [hbm4b:s13+s28], $0x40, s25, s28, $0xb8;
	[tilespmem:$0x1BD00] =	vst v63  }
0x55: {  	s21 =	simm.s32 $0x100  }
0x56: {  	[tilespmem:s0], [sflag:$0x3] =	stream.indirect.gather [hbm4b:s13+s28], $0x40, s21, s28, $0xb8;
	[tilespmem:$0x1BD00] =	vst v63  }
0x57: {  	_ =	swait.ge [sflag:s1], $0x1F40  }
0x58: {  	[sflag:s1] =	ssyncset.done $0x0  }
0x59: {  	s25 =	simm.s32 $0x180;
	[sflag:s1] =	ssyncadd.s32 $0xFFFFE0C0  }
0x5a: {  	[tilespmem:s31], [sflag:$0x4] =	stream.indirect.gather [hbm4b:s13+s28], $0x40, s25, s28, $0xb8;
	[tilespmem:$0x1BD00] =	vst v63  }
0x5b: {  	s21 =	simm.s32 $0x5000  }
0x5c: {  	[spmem:s2] =	stream.indirect.scatter.add.f32 [tilespmem:s26], [sflag:$0x5], $0x40, s21, s28, $0xb8;
	[tilespmem:$0x1BD00] =	vst v63  }
0x5d: {  	_ =	swait.ge [sflag:s29], $0x1F40  }
0x5e: {  	[sflag:s29] =	ssyncset.done $0x0  }
0x5f: {  	[sflag:s29] =	ssyncadd.s32 $0xFFFFE0C0  }
0x60: {  	_ =	swait.ge [sflag:s4], $0x1F40  }
0x61: {  	[sflag:s4] =	ssyncset.done $0x0  }
0x62: {  	s25 =	simm.s32 $0x200;
	[sflag:s4] =	ssyncadd.s32 $0xFFFFE0C0  }
0x63: {  	[tilespmem:s26], [sflag:$0x1] =	stream.indirect.gather [hbm4b:s13+s28], $0x40, s25, s28, $0xb8;
	[tilespmem:$0x1BD00] =	vst v63  }
0x64: {  	s21 =	simm.s32 $0x5080  }
0x65: {  	[spmem:s2] =	stream.indirect.scatter.add.f32 [tilespmem:s30], [sflag:$0x6], $0x40, s21, s28, $0xb8;
	[tilespmem:$0x1BD00] =	vst v63  }
0x66: {  	_ =	swait.ge [sflag:s5], $0x1F40  }
0x67: {  	[sflag:s5] =	ssyncset.done $0x0  }
0x68: {  	[sflag:s5] =	ssyncadd.s32 $0xFFFFE0C0  }
0x69: {  	_ =	swait.ge [sflag:s15], $0x1F40  }
0x6a: {  	[sflag:s15] =	ssyncset.done $0x0  }
0x6b: {  	s25 =	simm.s32 $0x280;
	[sflag:s15] =	ssyncadd.s32 $0xFFFFE0C0  }
0x6c: {  	[tilespmem:s30], [sflag:$0x2] =	stream.indirect.gather [hbm4b:s13+s28], $0x40, s25, s28, $0xb8;
	[tilespmem:$0x1BD00] =	vst v63  }
0x6d: {  	s21 =	simm.s32 $0x5100  }
0x6e: {  	[spmem:s2] =	stream.indirect.scatter.add.f32 [tilespmem:s0], [sflag:$0x7], $0x40, s21, s28, $0xb8;
	[tilespmem:$0x1BD00] =	vst v63  }
0x6f: {  	_ =	swait.ge [sflag:s16], $0x1F40  }
0x70: {  	[sflag:s16] =	ssyncset.done $0x0  }
0x71: {  	[sflag:s16] =	ssyncadd.s32 $0xFFFFE0C0  }
0x72: {  	_ =	swait.ge [sflag:s17], $0x1F40  }
0x73: {  	[sflag:s17] =	ssyncset.done $0x0  }
0x74: {  	s25 =	simm.s32 $0x300;
	[sflag:s17] =	ssyncadd.s32 $0xFFFFE0C0  }
0x75: {  	[tilespmem:s0], [sflag:$0x3] =	stream.indirect.gather [hbm4b:s13+s28], $0x40, s25, s28, $0xb8;
	[tilespmem:$0x1BD00] =	vst v63  }
0x76: {  	s21 =	simm.s32 $0x5180  }
0x77: {  	[spmem:s2] =	stream.indirect.scatter.add.f32 [tilespmem:s31], [sflag:$0x8], $0x40, s21, s28, $0xb8;
	[tilespmem:$0x1BD00] =	vst v63  }
0x78: {  	_ =	swait.ge [sflag:s1], $0x1F40  }
0x79: {  	[sflag:s1] =	ssyncset.done $0x0  }
0x7a: {  	[sflag:s1] =	ssyncadd.s32 $0xFFFFE0C0  }
0x7b: {  	_ =	swait.ge [sflag:s18], $0x1F40  }
0x7c: {  	[sflag:s18] =	ssyncset.done $0x0  }
0x7d: {  	s25 =	simm.s32 $0x380;
	[sflag:s18] =	ssyncadd.s32 $0xFFFFE0C0  }
0x7e: {  	[tilespmem:s31], [sflag:$0x4] =	stream.indirect.gather [hbm4b:s13+s28], $0x40, s25, s28, $0xb8;
	[tilespmem:$0x1BD00] =	vst v63  }
0x7f: {  	s21 =	simm.s32 $0x5200  }
0x80: {  	[spmem:s2] =	stream.indirect.scatter.add.f32 [tilespmem:s26], [sflag:$0x5], $0x40, s21, s28, $0xb8;
	[tilespmem:$0x1BD00] =	vst v63  }
0x81: {  	_ =	swait.ge [sflag:s29], $0x1F40  }
0x82: {  	[sflag:s29] =	ssyncset.done $0x0  }
0x83: {  	[sflag:s29] =	ssyncadd.s32 $0xFFFFE0C0  }
0x84: {  	_ =	swait.ge [sflag:s4], $0x1F40  }
0x85: {  	[sflag:s4] =	ssyncset.done $0x0  }
0x86: {  	s25 =	simm.s32 $0x400;
	[sflag:s4] =	ssyncadd.s32 $0xFFFFE0C0  }
0x87: {  	[tilespmem:s26], [sflag:$0x1] =	stream.indirect.gather [hbm4b:s13+s28], $0x40, s25, s28, $0xb8;
	[tilespmem:$0x1BD00] =	vst v63  }
0x88: {  	s21 =	simm.s32 $0x5280  }
0x89: {  	[spmem:s2] =	stream.indirect.scatter.add.f32 [tilespmem:s30], [sflag:$0x6], $0x40, s21, s28, $0xb8;
	[tilespmem:$0x1BD00] =	vst v63  }
0x8a: {  	_ =	swait.ge [sflag:s5], $0x1F40  }
0x8b: {  	[sflag:s5] =	ssyncset.done $0x0  }
0x8c: {  	[sflag:s5] =	ssyncadd.s32 $0xFFFFE0C0  }
0x8d: {  	_ =	swait.ge [sflag:s15], $0x1F40  }
0x8e: {  	[sflag:s15] =	ssyncset.done $0x0  }
0x8f: {  	s25 =	simm.s32 $0x480;
	[sflag:s15] =	ssyncadd.s32 $0xFFFFE0C0  }
0x90: {  	[tilespmem:s30], [sflag:$0x2] =	stream.indirect.gather [hbm4b:s13+s28], $0x40, s25, s28, $0xb8;
	[tilespmem:$0x1BD00] =	vst v63  }
0x91: {  	s21 =	simm.s32 $0x5300  }
0x92: {  	[spmem:s2] =	stream.indirect.scatter.add.f32 [tilespmem:s0], [sflag:$0x7], $0x40, s21, s28, $0xb8;
	[tilespmem:$0x1BD00] =	vst v63  }
0x93: {  	_ =	swait.ge [sflag:s16], $0x1F40  }
0x94: {  	[sflag:s16] =	ssyncset.done $0x0  }
0x95: {  	[sflag:s16] =	ssyncadd.s32 $0xFFFFE0C0  }
0x96: {  	_ =	swait.ge [sflag:s17], $0x1F40  }
0x97: {  	[sflag:s17] =	ssyncset.done $0x0  }
0x98: {  	s25 =	simm.s32 $0x500;
	[sflag:s17] =	ssyncadd.s32 $0xFFFFE0C0  }
0x99: {  	[tilespmem:s0], [sflag:$0x3] =	stream.indirect.gather [hbm4b:s13+s28], $0x40, s25, s28, $0xb8;
	[tilespmem:$0x1BD00] =	vst v63  }
0x9a: {  	s20 =	simm.s32 $0x800;
	s25 =	simm.s32 $0x5380  }
.LBB2_4:
0x9b: {  	[spmem:s2] =	stream.indirect.scatter.add.f32 [tilespmem:s31], [sflag:$0x8], $0x40, s25, s28, $0xb8;
	[tilespmem:$0x1BD00] =	vst v63  }
0x9c: {  	s21 =	smov.u32 s20  }
0x9d: {  	p0 =	sne.s32 s20, $0x12800;
	s20 =	sadd.s32 $0x800, s20;
	_ =	swait.ge [sflag:s1], $0x1F40  }
0x9e: {  	[sflag:s1] =	ssyncset.done $0x0  }
0x9f: {  	[sflag:s1] =	ssyncadd.s32 $0xFFFFE0C0  }
0xa0: {  	_ =	swait.ge [sflag:s18], $0x1F40  }
0xa1: {  	s25 =	sshra.s32 s21, $0x2;
	[sflag:s18] =	ssyncset.done $0x0  }
0xa2: {  	s21 =	sadd.s32 $0x380, s25;
	[sflag:s18] =	ssyncadd.s32 $0xFFFFE0C0  }
0xa3: {  	[tilespmem:s31], [sflag:$0x4] =	stream.indirect.gather [hbm4b:s13+s28], $0x40, s21, s28, $0xb8;
	[tilespmem:$0x1BD00] =	vst v63  }
0xa4: {  	s21 =	sadd.s32 $0x5200, s25  }
0xa5: {  	[spmem:s2] =	stream.indirect.scatter.add.f32 [tilespmem:s26], [sflag:$0x5], $0x40, s21, s28, $0xb8;
	[tilespmem:$0x1BD00] =	vst v63  }
0xa6: {  	_ =	swait.ge [sflag:s29], $0x1F40  }
0xa7: {  	[sflag:s29] =	ssyncset.done $0x0  }
0xa8: {  	[sflag:s29] =	ssyncadd.s32 $0xFFFFE0C0  }
0xa9: {  	_ =	swait.ge [sflag:s4], $0x1F40  }
0xaa: {  	[sflag:s4] =	ssyncset.done $0x0  }
0xab: {  	s21 =	sadd.s32 $0x400, s25;
	[sflag:s4] =	ssyncadd.s32 $0xFFFFE0C0  }
0xac: {  	[tilespmem:s26], [sflag:$0x1] =	stream.indirect.gather [hbm4b:s13+s28], $0x40, s21, s28, $0xb8;
	[tilespmem:$0x1BD00] =	vst v63  }
0xad: {  	s21 =	sadd.s32 $0x5280, s25  }
0xae: {  	[spmem:s2] =	stream.indirect.scatter.add.f32 [tilespmem:s30], [sflag:$0x6], $0x40, s21, s28, $0xb8;
	[tilespmem:$0x1BD00] =	vst v63  }
0xaf: {  	_ =	swait.ge [sflag:s5], $0x1F40  }
0xb0: {  	[sflag:s5] =	ssyncset.done $0x0  }
0xb1: {  	[sflag:s5] =	ssyncadd.s32 $0xFFFFE0C0  }
0xb2: {  	_ =	swait.ge [sflag:s15], $0x1F40  }
0xb3: {  	[sflag:s15] =	ssyncset.done $0x0  }
0xb4: {  	s21 =	sadd.s32 $0x480, s25;
	[sflag:s15] =	ssyncadd.s32 $0xFFFFE0C0  }
0xb5: {  	[tilespmem:s30], [sflag:$0x2] =	stream.indirect.gather [hbm4b:s13+s28], $0x40, s21, s28, $0xb8;
	[tilespmem:$0x1BD00] =	vst v63  }
0xb6: {  	s21 =	sadd.s32 $0x5300, s25  }
0xb7: {  	[spmem:s2] =	stream.indirect.scatter.add.f32 [tilespmem:s0], [sflag:$0x7], $0x40, s21, s28, $0xb8;
	[tilespmem:$0x1BD00] =	vst v63  }
0xb8: {  	_ =	swait.ge [sflag:s16], $0x1F40  }
0xb9: {  	[sflag:s16] =	ssyncset.done $0x0  }
0xba: {  	[sflag:s16] =	ssyncadd.s32 $0xFFFFE0C0  }
.Ltmp1:
0xbb: {  	_ =	swait.ge [sflag:s17], $0x1F40;
	(pc) =	sbr.rel @p0 .LBB2_4-.Ltmp1, $4  }
0xbc: {  	[sflag:s17] =	ssyncset.done $0x0  }
0xbd: {  	s21 =	sadd.s32 $0x500, s25;
	[sflag:s17] =	ssyncadd.s32 $0xFFFFE0C0  }
0xbe: {  	[tilespmem:s0], [sflag:$0x3] =	stream.indirect.gather [hbm4b:s13+s28], $0x40, s21, s28, $0xb8;
	[tilespmem:$0x1BD00] =	vst v63  }
0xbf: {  	s25 =	sadd.s32 $0x5380, s25  }
0xc0: {  	[spmem:s2] =	stream.indirect.scatter.add.f32 [tilespmem:s31], [sflag:$0x8], $0x40, s25, s28, $0xb8;
	[tilespmem:$0x1BD00] =	vst v63  }
0xc1: {  	_ =	swait.ge [sflag:s1], $0x1F40  }
0xc2: {  	[sflag:s1] =	ssyncset.done $0x0  }
0xc3: {  	[sflag:s1] =	ssyncadd.s32 $0xFFFFE0C0  }
0xc4: {  	_ =	swait.ge [sflag:s18], $0x1F40  }
0xc5: {  	[sflag:s18] =	ssyncset.done $0x0  }
0xc6: {  	s20 =	simm.s32 $0x4F80;
	[sflag:s18] =	ssyncadd.s32 $0xFFFFE0C0  }
0xc7: {  	[tilespmem:s31], [sflag:$0x4] =	stream.indirect.gather [hbm4b:s13+s28], $0x40, s20, s28, $0xb8;
	[tilespmem:$0x1BD00] =	vst v63  }
0xc8: {  	s25 =	simm.s32 $0x9E00  }
0xc9: {  	[spmem:s2] =	stream.indirect.scatter.add.f32 [tilespmem:s26], [sflag:$0x5], $0x40, s25, s28, $0xb8;
	[tilespmem:$0x1BD00] =	vst v63  }
0xca: {  	_ =	swait.ge [sflag:s29], $0x1F40  }
0xcb: {  	[sflag:s29] =	ssyncset.done $0x0  }
0xcc: {  	[sflag:s29] =	ssyncadd.s32 $0xFFFFE0C0  }
0xcd: {  	_ =	swait.ge [sflag:s4], $0x1F40  }
0xce: {  	[sflag:s4] =	ssyncset.done $0x0  }
0xcf: {  	s21 =	simm.s32 $0x9E80;
	[sflag:s4] =	ssyncadd.s32 $0xFFFFE0C0  }
0xd0: {  	[spmem:s2] =	stream.indirect.scatter.add.f32 [tilespmem:s30], [sflag:$0x6], $0x40, s21, s28, $0xb8;
	[tilespmem:$0x1BD00] =	vst v63  }
0xd1: {  	_ =	swait.ge [sflag:s5], $0x1F40  }
0xd2: {  	[sflag:s5] =	ssyncset.done $0x0  }
0xd3: {  	[sflag:s5] =	ssyncadd.s32 $0xFFFFE0C0  }
0xd4: {  	_ =	swait.ge [sflag:s15], $0x1F40  }
0xd5: {  	[sflag:s15] =	ssyncset.done $0x0  }
0xd6: {  	s25 =	simm.s32 $0x9F00;
	[sflag:s15] =	ssyncadd.s32 $0xFFFFE0C0  }
0xd7: {  	[spmem:s2] =	stream.indirect.scatter.add.f32 [tilespmem:s0], [sflag:$0x7], $0x40, s25, s28, $0xb8;
	[tilespmem:$0x1BD00] =	vst v63  }
0xd8: {  	_ =	swait.ge [sflag:s16], $0x1F40  }
0xd9: {  	[sflag:s16] =	ssyncset.done $0x0  }
0xda: {  	[sflag:s16] =	ssyncadd.s32 $0xFFFFE0C0  }
0xdb: {  	_ =	swait.ge [sflag:s17], $0x1F40  }
0xdc: {  	[sflag:s17] =	ssyncset.done $0x0  }
0xdd: {  	s21 =	simm.s32 $0x9F80;
	[sflag:s17] =	ssyncadd.s32 $0xFFFFE0C0  }
0xde: {  	[spmem:s2] =	stream.indirect.scatter.add.f32 [tilespmem:s31], [sflag:$0x8], $0x40, s21, s28, $0xb8;
	[tilespmem:$0x1BD00] =	vst v63  }
0xdf: {  	_ =	swait.ge [sflag:s18], $0x1F40  }
0xe0: {  	[sflag:s18] =	ssyncset.done $0x0  }
0xe1: {  	[sflag:s18] =	ssyncadd.s32 $0xFFFFE0C0  }
0xe2: {  	[bflag:$0x0] =	sbarrier.arrive $0xFFFF  }
0xe3: {  	[tilespmem:s26], [sflag:$0x9] =	stream.linear.gather [spmem:s6], $0x1400, $0x38;
	[tilespmem:$0x1BD00] =	vst v63  }
0xe4: {  	_ =	swait.ge [sflag:s24], $0x1400  }
0xe5: {  	[sflag:s24] =	ssyncset.done $0x0  }
0xe6: {  	s25 =	rddreg [dreg:$0x6];
	[sflag:s24] =	ssyncadd.s32 $0xFFFFEC00  }
0xe7: {  	[hbm4b:s25+s3] =	stream.linear.scatter [tilespmem:s26], [sflag:$0x9], $0x1400, $0x38;
	[tilespmem:$0x1BD00] =	vst v63  }
0xe8: {  	_ =	swait.ge [sflag:s24], $0x1400  }
0xe9: {  	[sflag:s24] =	ssyncset.done $0x0  }
0xea: {  	[sflag:s24] =	ssyncadd.s32 $0xFFFFEC00  }
0xeb: {  	[tilespmem:s26], [sflag:$0x9] =	stream.linear.gather [spmem:s7], $0x1400, $0x38;
	[tilespmem:$0x1BD00] =	vst v63  }
0xec: {  	_ =	swait.ge [sflag:s24], $0x1400  }
0xed: {  	[sflag:s24] =	ssyncset.done $0x0  }
0xee: {  	s21 =	rddreg [dreg:$0x7];
	[sflag:s24] =	ssyncadd.s32 $0xFFFFEC00  }
0xef: {  	[hbm4b:s21+s3] =	stream.linear.scatter [tilespmem:s26], [sflag:$0x9], $0x1400, $0x38;
	[tilespmem:$0x1BD00] =	vst v63  }
0xf0: {  	_ =	swait.ge [sflag:s24], $0x1400  }
0xf1: {  	[sflag:s24] =	ssyncset.done $0x0  }
0xf2: {  	[sflag:s24] =	ssyncadd.s32 $0xFFFFEC00  }
0xf3: {  	[tilespmem:s26], [sflag:$0x9] =	stream.linear.gather [spmem:s8], $0x1400, $0x38;
	[tilespmem:$0x1BD00] =	vst v63  }
0xf4: {  	_ =	swait.ge [sflag:s24], $0x1400  }
0xf5: {  	[sflag:s24] =	ssyncset.done $0x0  }
0xf6: {  	s25 =	rddreg [dreg:$0x8];
	[sflag:s24] =	ssyncadd.s32 $0xFFFFEC00  }
0xf7: {  	[hbm4b:s25+s3] =	stream.linear.scatter [tilespmem:s26], [sflag:$0x9], $0x1400, $0x38;
	[tilespmem:$0x1BD00] =	vst v63  }
0xf8: {  	_ =	swait.ge [sflag:s24], $0x1400  }
0xf9: {  	[sflag:s24] =	ssyncset.done $0x0  }
0xfa: {  	[sflag:s24] =	ssyncadd.s32 $0xFFFFEC00  }
0xfb: {  	[tilespmem:s26], [sflag:$0x9] =	stream.linear.gather [spmem:s9], $0x1400, $0x38;
	[tilespmem:$0x1BD00] =	vst v63  }
0xfc: {  	_ =	swait.ge [sflag:s24], $0x1400  }
0xfd: {  	[sflag:s24] =	ssyncset.done $0x0  }
0xfe: {  	s21 =	rddreg [dreg:$0x9];
	[sflag:s24] =	ssyncadd.s32 $0xFFFFEC00  }
0xff: {  	[hbm4b:s21+s3] =	stream.linear.scatter [tilespmem:s26], [sflag:$0x9], $0x1400, $0x38;
	[tilespmem:$0x1BD00] =	vst v63  }
0x100: {  	_ =	swait.ge [sflag:s24], $0x1400  }
0x101: {  	[sflag:s24] =	ssyncset.done $0x0  }
0x102: {  	[sflag:s24] =	ssyncadd.s32 $0xFFFFEC00  }
0x103: {  	[tilespmem:s26], [sflag:$0x9] =	stream.linear.gather [spmem:s10], $0x1400, $0x38;
	[tilespmem:$0x1BD00] =	vst v63  }
0x104: {  	_ =	swait.ge [sflag:s24], $0x1400  }
0x105: {  	[sflag:s24] =	ssyncset.done $0x0  }
0x106: {  	s25 =	rddreg [dreg:$0xa];
	[sflag:s24] =	ssyncadd.s32 $0xFFFFEC00  }
0x107: {  	[hbm4b:s25+s3] =	stream.linear.scatter [tilespmem:s26], [sflag:$0x9], $0x1400, $0x38;
	[tilespmem:$0x1BD00] =	vst v63  }
0x108: {  	_ =	swait.ge [sflag:s24], $0x1400  }
0x109: {  	[sflag:s24] =	ssyncset.done $0x0  }
0x10a: {  	[sflag:s24] =	ssyncadd.s32 $0xFFFFEC00  }
0x10b: {  	[tilespmem:s26], [sflag:$0x9] =	stream.linear.gather [spmem:s11], $0x1400, $0x38;
	[tilespmem:$0x1BD00] =	vst v63  }
0x10c: {  	_ =	swait.ge [sflag:s24], $0x1400  }
0x10d: {  	[sflag:s24] =	ssyncset.done $0x0  }
0x10e: {  	s21 =	rddreg [dreg:$0xb];
	[sflag:s24] =	ssyncadd.s32 $0xFFFFEC00  }
0x10f: {  	[hbm4b:s21+s3] =	stream.linear.scatter [tilespmem:s26], [sflag:$0x9], $0x1400, $0x38;
	[tilespmem:$0x1BD00] =	vst v63  }
0x110: {  	_ =	swait.ge [sflag:s24], $0x1400  }
0x111: {  	[sflag:s24] =	ssyncset.done $0x0  }
0x112: {  	[sflag:s24] =	ssyncadd.s32 $0xFFFFEC00  }
0x113: {  	[tilespmem:s26], [sflag:$0x9] =	stream.linear.gather [spmem:s12], $0x1400, $0x38;
	[tilespmem:$0x1BD00] =	vst v63  }
0x114: {  	_ =	swait.ge [sflag:s24], $0x1400  }
0x115: {  	[sflag:s24] =	ssyncset.done $0x0  }
0x116: {  	s25 =	rddreg [dreg:$0xc];
	[sflag:s24] =	ssyncadd.s32 $0xFFFFEC00  }
0x117: {  	[hbm4b:s25+s3] =	stream.linear.scatter [tilespmem:s26], [sflag:$0x9], $0x1400, $0x38;
	[tilespmem:$0x1BD00] =	vst v63  }
0x118: {  	_ =	swait.ge [sflag:s24], $0x1400  }
0x119: {  	[sflag:s24] =	ssyncset.done $0x0  }
0x11a: {  	[sflag:s24] =	ssyncadd.s32 $0xFFFFEC00  }
0x11b: {  	[tilespmem:s26], [sflag:$0x9] =	stream.linear.gather [spmem:s14], $0x1400, $0x38;
	[tilespmem:$0x1BD00] =	vst v63  }
0x11c: {  	s19 =	sadd.s32 $0x1, s19;
	_ =	swait.ge [sflag:s24], $0x1400  }
0x11d: {  	p0 =	sne.s32 s19, s23;
	[sflag:s24] =	ssyncset.done $0x0  }
.Ltmp2:
0x11e: {  	[sflag:s24] =	ssyncadd.s32 $0xFFFFEC00;
	(pc) =	sbr.rel @p0 .LBB2_1-.Ltmp2, $4  }
0x11f: {  	[hbm4b:s22+s3] =	stream.linear.scatter [tilespmem:s26], [sflag:$0x9], $0x1400, $0x38;
	[tilespmem:$0x1BD00] =	vst v63  }
0x120: {  	_ =	swait.ge [sflag:s24], $0x1400  }
0x121: {  	[sflag:s24] =	ssyncset.done $0x0  }
0x122: {  	[sflag:s24] =	ssyncadd.s32 $0xFFFFEC00  }
0x123: {  	_ =	sfence.sel $0x180000  }
0x124: {  	[bflag:$0x0] =	sbarrier.arrive $0xFFFF  }
0x125: {  	_ =	strace $0x9000004D  }
0x126: {  	s0 =	stileid.u32;
	[bflag:$0x2] =	sbarrier.arrive $0xFFFF  }
0x127: {  	p0 =	sne.s32 s0, $0x0;
	s0 =	rddreg [dreg:$0x3]  }
0x128: {  	s0 =	sadd.s32 @!p0 $0x100000, s0  }
0x129: {  	[sflag:s0] =	ssyncadd.tile.s32 @!p0 $0x1;
	_ =	shalt  }
.Lfunc_end2:
_tile_overlayer_lowered:
.L_overlay_start_2:
0x12a: {  	(tag) =	ssettag $0x2  }
0x12b: {  	s0 =	rddreg [dreg:$0x0];
	s2 =	stileid.u32  }
0x12c: {  	s1 =	rddreg [dreg:$0x1];
	p0 =	sne.s32 s2, $0x0  }
0x12d: {  	s3 =	rddreg [dreg:$0x2];
	[bflag:$0x3] =	sbarrier.arrive $0xFFFF;
	s2 =	simm.s32 @!p0 $0x1C09  }
0x12e: {  	[timem:s3], [sflag:s2] =	dma.local @!p0 [hbm:s0], s1  }
0x12f: {  	s0 =	simm.s32 @!p0 $0x9  }
0x130: {  	_ =	swait.ge @!p0 [sflag:s0], s1  }
0x131: {  	s1 =	ssub.s32 @!p0 $0x0, s1;
	[sflag:s0] =	ssyncset.done @!p0 $0x0  }
0x132: {  	[sflag:s0] =	ssyncadd.s32 @!p0 s1  }
0x133: {  	[bflag:$0x3] =	sbarrier.arrive $0xFFFF  }
0x134: {  	_ =	shalt  }

// kernel: kernel.8.cloned.1.call-start
scs
__scs_entry_jumppad:
0x0: {  	(pc) =	sbr.rel $0x88, $3  }
0x1: {  	(tag) =	ssettag $0x0;
	lr =	simm.s32 $0x1  }
0x2: {  	[smem:$0x3F9B] =	sst lr;
	_ =	strace $0xD0000000  }
0x3: {  	_ = 	snop  }
0x4: {  	_ = 	snop  }
0x5: {  	_ = 	snop  }
0x6: {  	_ = 	snop  }
0x7: {  	_ = 	snop  }
__scs_overlays_trampoline_lowered:
0x8: {  	[smem:$0x3FAA] =	sst s0  }
0x9: {  	[smem:$0x3FAB] =	sst s1  }
0xa: {  	[smem:$0x3FAC] =	sst s2  }
0xb: {  	[smem:$0x3FAD] =	sst s3  }
0xc: {  	[smem:$0x3FAE] =	sst s4  }
0xd: {  	[smem:$0x3FAF] =	sst s5  }
0xe: {  	[smem:$0x3FB0] =	sst s6  }
0xf: {  	[smem:$0x3FB1] =	sst s7  }
0x10: {  	[smem:$0x3FB2] =	sst s8  }
0x11: {  	[smem:$0x3FB3] =	sst s9;
	s0 =	simm.s32 @!p0 $0x0  }
0x12: {  	s1 =	sld [smem:$0x3F99];
	s0 =	simm.s32 @p0 $0x1  }
0x13: {  	[smem:$0x3FB4] =	sst s0;
	s0 =	simm.s32 @!p1 $0x0  }
0x14: {  	s2 =	sld [smem:$0x3F98];
	s0 =	simm.s32 @p1 $0x1  }
0x15: {  	[smem:$0x3FB5] =	sst s0;
	s0 =	simm.s32 @!p2 $0x0  }
0x16: {  	s3 =	sld [smem:$0x3FDB];
	s0 =	simm.s32 @p2 $0x1  }
0x17: {  	s4 =	simm.s32 $0x1BF5;
	[smem:$0x3FB7] =	sst s0  }
0x18: {  	s0 =	sld [smem:$0x3F9A];
	_ =	swait.ge [sflag:s4], $0x0  }
0x19: {  	s7 =	sld [smem:$0x3F9B]  }
0x1a: {  	s8 =	sadd.s32 $0xFFFFE003, lr  }
0x1b: {  	s9 =	sadd.s32 $0xFFFFFEF7, lr;
	s5 =	simm.s32 $0xFFFFFFFF;
	p2 =	slt.u32 s8, $0xFFFFF086  }
0x1c: {  	p1 =	slt.u32 s9, $0xF7A;
	s5 =	simm.s32 @!p2 $0x0  }
0x1d: {  	s5 =	simm.s32 @p1 $0x1;
	p0 =	seq.s32 s7, s2  }
0x1e: {  	s7 =	smul.u32 @!p0 $0xF7A, s2;
	p2 =	seq.s32 @!p0 s5, $0x0  }
0x1f: {  	s9 =	smul.u32 $0xF7A, s1;
	s8 =	simm.s32 @!p0 $0x1BF5;
	p2 =	por !p2, p0  }
0x20: {  	[sflag:s8] =	ssyncset.s32 @!p0 $0xFFFFF086;
	s6 =	sadd.s32 @!p0 s3, s7;
	s7 =	simm.s32 @!p0 $0x108  }
0x21: {  	s3 =	sadd.s32 s3, s9;
	s6 =	sadd.s32 @!p0 $0x88, s6;
	s7 =	simm.s32 @p2 $0x1082  }
0x22: {  	[simem:s7], [sflag:s8] =	dma.local @!p0 [hbm:s6], $0xF7A  }
0x23: {  	s9 =	sor.u32 $0xD0000000, s2;
	s6 =	simm.s32 $0x108;
	_ =	swait.ge @!p0 [sflag:s8], $0x0  }
0x24: {  	s3 =	sadd.s32 $0x88, s3;
	s6 =	simm.s32 @!p1 $0x1082;
	[sflag:s4] =	ssyncset.s32 $0xFFFFF086  }
0x25: {  	[simem:s6], [sflag:s4] =	dma.local [hbm:s3], $0xF7A  }
0x26: {  	[smem:$0x3F9B] =	sst s1;
	(tag) =	ssettag s2;
	_ =	strace s9  }
0x27: {  	s1 =	sld [smem:$0x3FAB]  }
0x28: {  	s2 =	sld [smem:$0x3FAC]  }
0x29: {  	s4 =	sld [smem:$0x3FAE]  }
0x2a: {  	p0 =	seq.s32 s5, $0x0;
	s5 =	sld [smem:$0x3FAF]  }
0x2b: {  	s6 =	sld [smem:$0x3FB0]  }
0x2c: {  	s7 =	sld [smem:$0x3FB1]  }
0x2d: {  	s3 =	simm.s32 $0x108;
	s8 =	sld [smem:$0x3FB2]  }
0x2e: {  	s3 =	simm.s32 @!p0 $0x1082;
	s9 =	sld [smem:$0x3FB3]  }
0x2f: {  	lr =	sadd.s32 s0, s3;
	s0 =	sld [smem:$0x3FAA]  }
0x30: {  	s3 =	sld [smem:$0x3FAD]  }
0x31: {  	[smem:$0x3FB6] =	sst s10  }
0x32: {  	s10 =	sld [smem:$0x3FB4];
	_ =	sdelay $0x3  }
0x33: {  	p0 =	seq.s32 s10, $0x1;
	s10 =	sld [smem:$0x3FB6];
	_ =	sdelay $0x3  }
0x34: {  	[smem:$0x3FB6] =	sst s10  }
0x35: {  	s10 =	sld [smem:$0x3FB5];
	_ =	sdelay $0x3  }
0x36: {  	p1 =	seq.s32 s10, $0x1;
	s10 =	sld [smem:$0x3FB6];
	_ =	sdelay $0x3  }
0x37: {  	[smem:$0x3FB6] =	sst s10  }
0x38: {  	s10 =	sld [smem:$0x3FB7]  }
0x39: {  	_ = 	snop;
	(pc) =	sbr.ind lr, $3  }
0x3a: {  	_ = 	snop  }
0x3b: {  	_ = 	snop  }
0x3c: {  	p2 =	seq.s32 s10, $0x1;
	s10 =	sld [smem:$0x3FB6]  }
0x3d: {  	_ =	shalt  }
0x3e: {  	_ =	shalt  }
0x3f: {  	_ =	shalt  }
0x40: {  	_ =	shalt  }
0x41: {  	_ =	shalt  }
0x42: {  	_ =	shalt  }
0x43: {  	_ =	shalt  }
0x44: {  	_ =	shalt  }
0x45: {  	_ =	shalt  }
0x46: {  	_ =	shalt  }
0x47: {  	_ =	shalt  }
0x48: {  	_ =	shalt  }
0x49: {  	_ =	shalt  }
0x4a: {  	_ =	shalt  }
0x4b: {  	_ =	shalt  }
0x4c: {  	_ =	shalt  }
0x4d: {  	_ =	shalt  }
0x4e: {  	_ =	shalt  }
0x4f: {  	_ =	shalt  }
0x50: {  	_ =	shalt  }
0x51: {  	_ =	shalt  }
0x52: {  	_ =	shalt  }
0x53: {  	_ =	shalt  }
0x54: {  	_ =	shalt  }
0x55: {  	_ =	shalt  }
0x56: {  	_ =	shalt  }
0x57: {  	_ =	shalt  }
0x58: {  	_ =	shalt  }
0x59: {  	_ =	shalt  }
0x5a: {  	_ =	shalt  }
0x5b: {  	_ =	shalt  }
0x5c: {  	_ =	shalt  }
0x5d: {  	_ =	shalt  }
0x5e: {  	_ =	shalt  }
0x5f: {  	_ =	shalt  }
0x60: {  	_ =	shalt  }
0x61: {  	_ =	shalt  }
0x62: {  	_ =	shalt  }
0x63: {  	_ =	shalt  }
0x64: {  	_ =	shalt  }
0x65: {  	_ =	shalt  }
0x66: {  	_ =	shalt  }
0x67: {  	_ =	shalt  }
0x68: {  	_ =	shalt  }
0x69: {  	_ =	shalt  }
0x6a: {  	_ =	shalt  }
0x6b: {  	_ =	shalt  }
0x6c: {  	_ =	shalt  }
0x6d: {  	_ =	shalt  }
0x6e: {  	_ =	shalt  }
0x6f: {  	_ =	shalt  }
0x70: {  	_ =	shalt  }
0x71: {  	_ =	shalt  }
0x72: {  	_ =	shalt  }
0x73: {  	_ =	shalt  }
0x74: {  	_ =	shalt  }
0x75: {  	_ =	shalt  }
0x76: {  	_ =	shalt  }
0x77: {  	_ =	shalt  }
0x78: {  	_ =	shalt  }
0x79: {  	_ =	shalt  }
0x7a: {  	_ =	shalt  }
0x7b: {  	_ =	shalt  }
0x7c: {  	_ =	shalt  }
0x7d: {  	_ =	shalt  }
0x7e: {  	_ =	shalt  }
0x7f: {  	_ =	shalt  }
0x80: {  	_ =	shalt  }
0x81: {  	_ =	shalt  }
0x82: {  	_ =	shalt  }
0x83: {  	_ =	shalt  }
0x84: {  	_ =	shalt  }
0x85: {  	_ =	shalt  }
0x86: {  	_ =	shalt  }
0x87: {  	_ =	shalt  }
.Lfunc_end0:
.L_simem_size_0:
called_computation_lowered:
.L_overlay_start_0:
0x88: {  	s2 =	sld [smem:$0x3FD9]  }
0x89: {  	s3 =	sld [smem:$0x3FFE];
	_ =	sdelay $0x1  }
0x8a: {  	s1 =	srdreg.scid  }
0x8b: {  	s0 =	sand.u32 $0x1, s1  }
0x8c: {  	s17 =	sshll.u32 s0, $0xA;
	s2 =	sadd.s32 s3, s2  }
0x8d: {  	s2 =	sadd.s32 s2, s17  }
0x8e: {  	[smem:$0x3FC2] =	sst s2  }
0x8f: {  	_ = 	snop  }
0x90: {  	s2 =	sld [smem:$0x3FD0];
	(tm) =	ssettm $0x1  }
0x91: {  	s18 =	sld [smem:$0x3FFB];
	_ =	sdelay $0x3  }
0x92: {  	_ =	strace s18  }
0x93: {  	s3 =	sld [smem:$0x3FFC];
	_ =	sdelay $0x3  }
0x94: {  	_ =	strace s3  }
0x95: {  	s3 =	sld [smem:$0x3FFD];
	_ =	sdelay $0x3  }
0x96: {  	_ =	strace s3  }
0x97: {  	_ =	strace $0x8FFFFFFF  }
0x98: {  	s19 =	sld [smem:$0x3FDB];
	_ =	sdelay $0x1  }
0x99: {  	s4 =	simm.s32 $_scs_section_size  }
0x9a: {  	s5 =	simm.s32 $_size__tile_overlayer_lowered;
	s6 =	simm.s32 $_tile_overlayer_lowered  }
0x9b: {  	s22 =	simm.s32 $0x1BFF;
	s21 =	sshll.u32 s6, $0x1;
	s3 =	sadd.s32 s4, s19  }
0x9c: {  	s7 =	simm.s32 $0x0;
	s20 =	sshll.u32 s5, $0x1;
	s5 =	sadd.s32 s21, s3  }
0x9d: {  	[timem:s7], [sflag:s22] =	dma.local [hbm:s5], s20  }
0x9e: {  	_ =	swait.ge [sflag:s22], s20  }
0x9f: {  	s4 =	ssub.s32 $0x0, s20;
	[sflag:s22] =	ssyncset.done $0x0  }
0xa0: {  	[sflag:s22] =	ssyncadd.s32 s4;
	_ =	sdelay $0x1  }
0xa1: {  	s23 =	simm.s32 $0x1B8B  }
0xa2: {  	_ =	swait.ge [sflag:s23], $0x1  }
0xa3: {  	[sflag:s23] =	ssyncset.done $0x0  }
0xa4: {  	s25 =	simm.s32 $0x1B8E;
	s24 =	sld [smem:$0x3FFE];
	[sflag:s23] =	ssyncadd.s32 $0xFFFFFFFF  }
0xa5: {  	s26 =	simm.s32 $execute0_lowered;
	[smem:$0x3FD2] =	sst s25  }
0xa6: {  	s5 =	sshll.u32 s26, $0x1;
	_ =	strace $0x80000046;
	[dreg:$0x1] =	wrdreg $0xFFFFFFFF  }
0xa7: {  	s28 =	simm.s32 $_size_execute0_lowered;
	s3 =	sadd.s32 s3, s5;
	[dreg:$0x0] =	wrdreg $0x0  }
0xa8: {  	s5 =	sshll.u32 s28, $0x1;
	[dreg:$0x2] =	wrdreg s3  }
0xa9: {  	[dreg:$0x3] =	wrdreg s5  }
0xaa: {  	[dreg:$0x4] =	wrdreg $0xC0  }
0xab: {  	_ =	task [dreg:s7], $0x5FFFF  }
0xac: {  	[dreg:$0x1] =	wrdreg $0xFFFFFFFF  }
0xad: {  	[dreg:$0x0] =	wrdreg $0x60  }
0xae: {  	[dreg:$0x2] =	wrdreg s2  }
0xaf: {  	[dreg:$0x3] =	wrdreg s24  }
0xb0: {  	[dreg:$0x4] =	wrdreg $0x2B000  }
0xb1: {  	[dreg:$0x5] =	wrdreg $0x9  }
0xb2: {  	_ =	task.clear_ibuf [dreg:s7], $0x6FFFF;
	_ =	strace $0x90000046  }
0xb3: {  	s29 =	simm.s32 $0x9;
	_ =	strace $0x80000048  }
0xb4: {  	_ =	swait.ge [sflag:s29], $0x1  }
0xb5: {  	[sflag:s29] =	ssyncadd.s32 $0xFFFFFFFF  }
0xb6: {  	_ =	strace $0x90000048  }
0xb7: {  	_ =	sfence  }
0xb8: {  	s30 =	sld [smem:$0x0];
	_ =	sdelay $0x2  }
0xb9: {  	s31 =	sshll.u32 s1, $0xD;
	s1 =	sshrl.u32 s1, $0x2  }
0xba: {  	s3 =	sand.u32 $0x4000, s31;
	s1 =	sadd.s32 s1, s30  }
0xbb: {  	s0 =	sor.u32 s3, s0;
	s1 =	sshll.u32 s1, $0x11  }
0xbc: {  	s0 =	sor.u32 s1, s0  }
0xbd: {  	s0 =	sadd.s32 $0x8F2B, s0  }
0xbe: {  	[sflag:s0] =	ssyncadd.remote.s32 $0x1  }
0xbf: {  	_ =	sfence.sel $0xFFFF  }
0xc0: {  	[dreg:$0x0] =	wrdreg $0xFFFFFFFF;
	(pc) =	sbr.abs _section_cstart, $3  }
0xc1: {  	[dreg:$0x1] =	wrdreg $0xFFFFFFFF  }
0xc2: {  	_ =	task.clear_ibuf [dreg:s7], $0x2FFFF;
	_ =	strace $0x9FFFFFFF  }
0xc3: {  	(tm) =	ssettm $0x7FFFFFFF  }
tec
execute0_lowered:
.L_overlay_start_1:
0x0: {  	(tag) =	ssettag $0x1  }
0x1: {  	s4 =	rddreg [dreg:$0x0]  }
0x2: {  	s5 =	rddreg [dreg:$0x1];
	s1 =	srdreg.scid  }
0x3: {  	s0 =	stileid.u32;
	s2 =	rddreg [dreg:$0x2];
	s3 =	simm.s32 $0x0  }
0x4: {  	s11 =	simm.s32 $0x2800;
	s12 =	simm.s32 $0x0;
	s6 =	sand.u32 $0x1, s1  }
0x5: {  	s7 =	smul.u32 $0x280, s0;
	s1 =	rddreg [dreg:$0x3];
	s9 =	sshll.u32 s0, $0x1  }
0x6: {  	s8 =	smul.u32 $0x2800, s6;
	s10 =	ssub.s32 $0x2, s6;
	s6 =	sor.u32 s6, s9  }
0x7: {  	[smem:$0x7FF] =	sst s3;
	s31 =	sshrl.u32 s10, $0x1;
	s6 =	smul.u32 $0x500, s6  }
0x8: {  	_ =	strace $0x80000047;
	s8 =	sadd.s32 s7, s8;
	s9 =	ssub.s32 s10, s31  }
0x9: {  	s10 =	simm.s32 $0x7D;
	s8 =	sshrl.u32 s8, $0x3;
	s4 =	sadd.s32 s4, s6  }
0xa: {  	s8 =	sadd.s32 s8, s5;
	s5 =	sadd.s32 s7, s2;
	s7 =	smax.u32 s9, $0x1  }
0xb: {  	v0 =	vimm.f32 $1.000000000e+00;
	v1 =	vimm.f32 $0.0e+00;
	s9 =	simm.s32 $0x2880;
	s6 =	sadd.s32 $0x1600, s8;
	s8 =	simm.s32 $0x1  }
.LBB2_1:
0xc: {  	[tilespmem:s3], [sflag:$0x1] =	stream.linear.gather [hbm4b:s4+s3], $0x2800, $0x38;
	[tilespmem:$0x2D80] =	vst v63  }
0xd: {  	_ =	swait.ge [sflag:s8], $0x2800  }
0xe: {  	[sflag:s8] =	ssyncset.done $0x0  }
0xf: {  	[sflag:s8] =	ssyncadd.s32 $0xFFFFD800  }
0x10: {  	[tilespmem:$0x2800] =	vst v0  }
0x11: {  	[tilespmem:$0x2810] =	vst v0  }
0x12: {  	[tilespmem:$0x2820] =	vst v0  }
0x13: {  	[tilespmem:$0x2830] =	vst v0  }
0x14: {  	[tilespmem:$0x2840] =	vst v0  }
0x15: {  	[tilespmem:$0x2850] =	vst v0  }
0x16: {  	[tilespmem:$0x2860] =	vst v0  }
0x17: {  	[tilespmem:$0x2870] =	vst v0  }
0x18: {  	[tilespmem:$0x2880] =	vst v1  }
0x19: {  	[tilespmem:$0x2890] =	vst v1  }
0x1a: {  	[tilespmem:$0x28A0] =	vst v1  }
0x1b: {  	[tilespmem:$0x28B0] =	vst v1  }
0x1c: {  	[tilespmem:$0x28C0] =	vst v1  }
0x1d: {  	[tilespmem:$0x28D0] =	vst v1  }
0x1e: {  	[tilespmem:$0x28E0] =	vst v1  }
0x1f: {  	[tilespmem:$0x28F0] =	vst v1  }
0x20: {  	[tilespmem:$0x2900] =	vst v1  }
0x21: {  	[tilespmem:$0x2910] =	vst v1  }
0x22: {  	[tilespmem:$0x2920] =	vst v1  }
0x23: {  	[tilespmem:$0x2930] =	vst v1  }
0x24: {  	[tilespmem:$0x2940] =	vst v1  }
0x25: {  	[tilespmem:$0x2950] =	vst v1  }
0x26: {  	[tilespmem:$0x2960] =	vst v1  }
0x27: {  	[tilespmem:$0x2970] =	vst v1  }
0x28: {  	[tilespmem:$0x2980] =	vst v1  }
0x29: {  	[tilespmem:$0x2990] =	vst v1  }
0x2a: {  	[tilespmem:$0x29A0] =	vst v1  }
0x2b: {  	[tilespmem:$0x29B0] =	vst v1  }
0x2c: {  	[tilespmem:$0x29C0] =	vst v1  }
0x2d: {  	[tilespmem:$0x29D0] =	vst v1  }
0x2e: {  	[tilespmem:$0x29E0] =	vst v1  }
0x2f: {  	[tilespmem:$0x29F0] =	vst v1  }
0x30: {  	[tilespmem:$0x2A00] =	vst v1  }
0x31: {  	[tilespmem:$0x2A10] =	vst v1  }
0x32: {  	[tilespmem:$0x2A20] =	vst v1  }
0x33: {  	[tilespmem:$0x2A30] =	vst v1  }
0x34: {  	[tilespmem:$0x2A40] =	vst v1  }
0x35: {  	[tilespmem:$0x2A50] =	vst v1  }
0x36: {  	[tilespmem:$0x2A60] =	vst v1  }
0x37: {  	[tilespmem:$0x2A70] =	vst v1  }
0x38: {  	[tilespmem:$0x2A80] =	vst v1  }
0x39: {  	[tilespmem:$0x2A90] =	vst v1  }
0x3a: {  	[tilespmem:$0x2AA0] =	vst v1  }
0x3b: {  	[tilespmem:$0x2AB0] =	vst v1  }
0x3c: {  	[tilespmem:$0x2AC0] =	vst v1  }
0x3d: {  	[tilespmem:$0x2AD0] =	vst v1  }
0x3e: {  	[tilespmem:$0x2AE0] =	vst v1  }
0x3f: {  	[tilespmem:$0x2AF0] =	vst v1  }
0x40: {  	[spmem:s5] =	stream.linear.scatter [tilespmem:s9], [sflag:$0x1], $0x280, $0x38;
	[tilespmem:$0x2D80] =	vst v63  }
0x41: {  	_ =	swait.ge [sflag:s8], $0x280  }
0x42: {  	[sflag:s8] =	ssyncset.done $0x0  }
0x43: {  	[sflag:s8] =	ssyncadd.s32 $0xFFFFFD80  }
0x44: {  	s13 =	simm.s32 $0x0;
	[bflag:$0x0] =	sbarrier.arrive $0xFFFF  }
0x45: {  	[spmem:s2] =	stream.indirect.scatter.add.f32 [tilespmem:s11], [sflag:$0x1], $0x1, s13, s10, $0xb8;
	[tilespmem:$0x2D80] =	vst v63  }
0x46: {  	_ =	swait.ge [sflag:s8], $0x7D  }
0x47: {  	s13 =	simm.s32 $0x200;
	[sflag:s8] =	ssyncset.done $0x0  }
.LBB2_2:
0x48: {  	s14 =	sshra.s32 s13, $0x2;
	[sflag:s8] =	ssyncadd.s32 $0xFFFFFF83;
	p0 =	sne.s32 s13, $0x9E00  }
0x49: {  	[spmem:s2] =	stream.indirect.scatter.add.f32 [tilespmem:s11], [sflag:$0x1], $0x1, s14, s10, $0xb8;
	[tilespmem:$0x2D80] =	vst v63  }
.Ltmp0:
0x4a: {  	_ = 	snop;
	(pc) =	sbr.rel @p0 .LBB2_2-.Ltmp0, $4  }
0x4b: {  	_ = 	snop  }
0x4c: {  	s13 =	sadd.s32 $0x200, s13  }
0x4d: {  	_ =	swait.ge [sflag:s8], $0x7D  }
0x4e: {  	[sflag:s8] =	ssyncset.done $0x0  }
0x4f: {  	[sflag:s8] =	ssyncadd.s32 $0xFFFFFF83  }
0x50: {  	[bflag:$0x0] =	sbarrier.arrive $0xFFFF  }
0x51: {  	[tilespmem:s9], [sflag:$0x1] =	stream.linear.gather [spmem:s5], $0x280, $0x38;
	[tilespmem:$0x2D80] =	vst v63  }
0x52: {  	s12 =	sadd.s32 $0x1, s12;
	_ =	swait.ge [sflag:s8], $0x280  }
0x53: {  	p0 =	sne.s32 s12, s7;
	[sflag:s8] =	ssyncset.done $0x0  }
.Ltmp1:
0x54: {  	[sflag:s8] =	ssyncadd.s32 $0xFFFFFD80;
	(pc) =	sbr.rel @p0 .LBB2_1-.Ltmp1, $4  }
0x55: {  	[hbm4b:s6+s3] =	stream.linear.scatter [tilespmem:s9], [sflag:$0x1], $0x280, $0x38;
	[tilespmem:$0x2D80] =	vst v63  }
0x56: {  	_ =	swait.ge [sflag:s8], $0x280  }
0x57: {  	[sflag:s8] =	ssyncset.done $0x0  }
0x58: {  	[sflag:s8] =	ssyncadd.s32 $0xFFFFFD80  }
0x59: {  	_ =	sfence.sel $0x180000  }
0x5a: {  	[bflag:$0x0] =	sbarrier.arrive $0xFFFF  }
0x5b: {  	p0 =	sne.s32 s0, $0x0;
	_ =	strace $0x90000047  }
0x5c: {  	s0 =	sadd.s32 @!p0 $0x100000, s1;
	[bflag:$0x2] =	sbarrier.arrive $0xFFFF  }
0x5d: {  	[sflag:s0] =	ssyncadd.tile.s32 @!p0 $0x1;
	_ =	shalt  }
.Lfunc_end2:
_tile_overlayer_lowered:
.L_overlay_start_2:
0x5e: {  	(tag) =	ssettag $0x2  }
0x5f: {  	s0 =	rddreg [dreg:$0x0];
	s2 =	stileid.u32  }
0x60: {  	s1 =	rddreg [dreg:$0x1];
	p0 =	sne.s32 s2, $0x0  }
0x61: {  	s3 =	rddreg [dreg:$0x2];
	[bflag:$0x3] =	sbarrier.arrive $0xFFFF;
	s2 =	simm.s32 @!p0 $0x1C01  }
0x62: {  	[timem:s3], [sflag:s2] =	dma.local @!p0 [hbm:s0], s1  }
0x63: {  	s0 =	simm.s32 @!p0 $0x1  }
0x64: {  	_ =	swait.ge @!p0 [sflag:s0], s1  }
0x65: {  	s1 =	ssub.s32 @!p0 $0x0, s1;
	[sflag:s0] =	ssyncset.done @!p0 $0x0  }
0x66: {  	[sflag:s0] =	ssyncadd.s32 @!p0 s1  }
0x67: {  	[bflag:$0x3] =	sbarrier.arrive $0xFFFF  }
0x68: {  	_ =	shalt  }

</sc_bundles>
